<compile_context>
chip_gen: v7x
topology: tpu7x:2x2x1
jax: 0.10.2.dev20260603
libtpu: 0.0.44.dev20260713+nightly
codegen_flags: <defaults>
</compile_context>

<pallas_src>
import functools

import jax
import jax.numpy as jnp
from jax import lax
from jax.experimental import pallas as pl
from jax.experimental.pallas import tpu as pltpu
from jax.experimental.pallas import tpu_sc as plsc

N = 10000
NP = 10240
E = 320000
D = 128
B = 128
ER = E // B
SR = 16
SLOTS = ER // SR
TAILR = ER - SLOTS * SR
CSR = 16
CSLOTS = ER // CSR
CTAILR = ER - CSLOTS * CSR
NC = 2
NS = 16
NW = NC * NS
RPT = NP // NS
ZR = 128

_mesh = plsc.VectorSubcoreMesh(core_axis_name="c", subcore_axis_name="s")


def _zero_fill(buf, nrows):
    def fill(i, _):
        for c8 in range(D // 16):
            buf[i, pl.ds(c8 * 16, 16)] = jnp.zeros((16,), jnp.float32)
        return 0

    lax.fori_loop(0, nrows, fill, 0)


@functools.partial(
    pl.kernel,
    out_type=jax.ShapeDtypeStruct((NC, NP, D), jnp.float32),
    mesh=_mesh,
    scratch_types=[
        pltpu.VMEM((CSR, B), jnp.int32),
        pltpu.VMEM((B, D), jnp.float32),
        pltpu.VMEM_SHARED((NP, D), jnp.float32),
        pltpu.SemaphoreType.DMA,
    ],
)
def _sc_count2(src2_hbm, dst2_hbm, out_hbm, idxv, ones, acc, sem):
    cid = lax.axis_index("c")
    sid = lax.axis_index("s")

    _zero_fill(ones, B)
    for t in range(RPT // ZR):
        pltpu.sync_copy(ones, acc.at[pl.ds(sid * RPT + t * ZR, ZR)])

    def fill1(i, _):
        for c8 in range(D // 16):
            ones[i, pl.ds(c8 * 16, 16)] = jnp.ones((16,), jnp.float32)
        return 0

    lax.fori_loop(0, B, fill1, 0)
    plsc.subcore_barrier()

    gcnt = (CSLOTS + NS - 1 - sid) // NS

    def make_body(edges2):
        def body(s, _):
            @pl.when(s < gcnt)
            def _():
                brow = (sid + NS * s) * CSR
                pltpu.sync_copy(edges2.at[pl.ds(brow, CSR)], idxv)
                hs = []
                for r in range(CSR):
                    hs.append(pltpu.async_copy(ones, acc.at[idxv.at[r]], sem, add=True))
                for h in hs:
                    h.wait()
            return 0

        return body

    def tail(edges2):
        pltpu.sync_copy(edges2.at[pl.ds(CSLOTS * CSR, CTAILR)], idxv.at[pl.ds(0, CTAILR)])
        for r in range(CTAILR):
            pltpu.sync_copy(ones, acc.at[idxv.at[r]], add=True)

    @pl.when(cid == 0)
    def _():
        lax.fori_loop(0, (CSLOTS + NS - 1) // NS, make_body(src2_hbm), 0)

        @pl.when(sid == NS - 1)
        def _():
            tail(src2_hbm)

    @pl.when(cid == 1)
    def _():
        lax.fori_loop(0, (CSLOTS + NS - 1) // NS, make_body(dst2_hbm), 0)

        @pl.when(sid == NS - 1)
        def _():
            tail(dst2_hbm)

    plsc.subcore_barrier()
    for t in range(RPT // ZR):
        r0 = sid * RPT + t * ZR
        pltpu.sync_copy(acc.at[pl.ds(r0, ZR)], out_hbm.at[cid, pl.ds(r0, ZR)])


@functools.partial(
    pl.kernel,
    out_type=jax.ShapeDtypeStruct((NC, NP, D), jnp.float32),
    mesh=_mesh,
    scratch_types=[
        pltpu.VMEM((SR, B), jnp.int32),
        pltpu.VMEM((SR, B), jnp.int32),
        pltpu.VMEM((B, D), jnp.float32),
        pltpu.VMEM((B, D), jnp.float32),
        pltpu.VMEM_SHARED((NP, D), jnp.float32),
        pltpu.SemaphoreType.DMA,
        pltpu.SemaphoreType.DMA,
        pltpu.SemaphoreType.DMA,
        pltpu.SemaphoreType.DMA,
    ],
)
def _sc_aggregate(z_hbm, src2_hbm, dst2_hbm, out_hbm,
                  sidxv, didxv, rows0, rows1, acc, gsem0, gsem1, ssem0, ssem1):
    cid = lax.axis_index("c")
    sid = lax.axis_index("s")
    wid = sid * NC + cid

    _zero_fill(rows0, B)
    for t in range(RPT // ZR):
        pltpu.sync_copy(rows0, acc.at[pl.ds(sid * RPT + t * ZR, ZR)])
    plsc.subcore_barrier()

    rows = (rows0, rows1)
    gsems = (gsem0, gsem1)
    ssems = (ssem0, ssem1)
    gcnt = (SLOTS + NW - 1 - wid) // NW

    def body(s, _):
        @pl.when(s < gcnt)
        def _():
            brow = (wid + NW * s) * SR
            pltpu.sync_copy(src2_hbm.at[pl.ds(brow, SR)], sidxv)
            pltpu.sync_copy(dst2_hbm.at[pl.ds(brow, SR)], didxv)
            hg = [None, None]
            hs = [None, None]
            hg[0] = pltpu.async_copy(z_hbm.at[sidxv.at[0]], rows[0], gsems[0])
            for r in range(SR):
                p = r % 2
                hg[p].wait()
                hs[p] = pltpu.async_copy(rows[p], acc.at[didxv.at[r]], ssems[p], add=True)
                if r + 1 < SR:
                    if hs[1 - p] is not None:
                        hs[1 - p].wait()
                    hg[1 - p] = pltpu.async_copy(
                        z_hbm.at[sidxv.at[r + 1]], rows[1 - p], gsems[1 - p])
            hs[0].wait()
            hs[1].wait()
        return 0

    lax.fori_loop(0, (SLOTS + NW - 1) // NW, body, 0)

    @pl.when(wid == NW - 1)
    def _():
        pltpu.sync_copy(src2_hbm.at[pl.ds(SLOTS * SR, TAILR)], sidxv.at[pl.ds(0, TAILR)])
        pltpu.sync_copy(dst2_hbm.at[pl.ds(SLOTS * SR, TAILR)], didxv.at[pl.ds(0, TAILR)])
        for r in range(TAILR):
            pltpu.async_copy(z_hbm.at[sidxv.at[r]], rows0, gsem0).wait()
            pltpu.sync_copy(rows0, acc.at[didxv.at[r]], add=True)

    plsc.subcore_barrier()
    for t in range(RPT // ZR):
        r0 = sid * RPT + t * ZR
        pltpu.sync_copy(acc.at[pl.ds(r0, ZR)], out_hbm.at[cid, pl.ds(r0, ZR)])


R = 10000


def _deg_col(p_ref):
    return lax.rsqrt(jnp.maximum(p_ref[0, :, 0:1], 1.0))


def _tc_scale_body(x_ref, odp_ref, o_ref):
    o_ref[...] = x_ref[...] * _deg_col(odp_ref)


_tc_scale = pl.pallas_call(
    _tc_scale_body,
    grid=(N // R,),
    in_specs=[
        pl.BlockSpec((R, D), lambda i: (i, 0)),
        pl.BlockSpec((1, R, D), lambda i: (0, i, 0)),
    ],
    out_specs=pl.BlockSpec((R, D), lambda i: (i, 0)),
    out_shape=jax.ShapeDtypeStruct((N, D), jnp.float32),
)


def _tc_layer1_body(a_ref, idp_ref, odp_ref, w1_ref, b1_ref, w2_ref, o_ref):
    a = (a_ref[0] + a_ref[1]) * _deg_col(idp_ref)
    h = jnp.dot(a, w1_ref[...], preferred_element_type=jnp.float32) + b1_ref[...]
    h = jnp.maximum(h, 0.0) * _deg_col(odp_ref)
    o_ref[...] = jnp.dot(h, w2_ref[...], preferred_element_type=jnp.float32)


_tc_layer1 = pl.pallas_call(
    _tc_layer1_body,
    grid=(N // R,),
    in_specs=[
        pl.BlockSpec((NC, R, D), lambda i: (0, i, 0)),
        pl.BlockSpec((1, R, D), lambda i: (1, i, 0)),
        pl.BlockSpec((1, R, D), lambda i: (0, i, 0)),
        pl.BlockSpec((128, 256), lambda i: (0, 0)),
        pl.BlockSpec((1, 256), lambda i: (0, 0)),
        pl.BlockSpec((256, 128), lambda i: (0, 0)),
    ],
    out_specs=pl.BlockSpec((R, D), lambda i: (i, 0)),
    out_shape=jax.ShapeDtypeStruct((N, D), jnp.float32),
)


def _tc_out_body(a_ref, idp_ref, b2_ref, wl_ref, bl_ref, o_ref):
    h = (a_ref[0] + a_ref[1]) * _deg_col(idp_ref) + b2_ref[...]
    h = jnp.maximum(h, 0.0)
    logits = jnp.dot(h, wl_ref[...], preferred_element_type=jnp.float32) + bl_ref[...]
    m = jnp.max(logits, axis=-1, keepdims=True)
    e = jnp.exp(logits - m)
    o_ref[...] = e / jnp.sum(e, axis=-1, keepdims=True)


_tc_out = pl.pallas_call(
    _tc_out_body,
    grid=(N // R,),
    in_specs=[
        pl.BlockSpec((NC, R, D), lambda i: (0, i, 0)),
        pl.BlockSpec((1, R, D), lambda i: (1, i, 0)),
        pl.BlockSpec((1, 128), lambda i: (0, 0)),
        pl.BlockSpec((128, 40), lambda i: (0, 0)),
        pl.BlockSpec((1, 40), lambda i: (0, 0)),
    ],
    out_specs=pl.BlockSpec((R, 40), lambda i: (i, 0)),
    out_shape=jax.ShapeDtypeStruct((N, 40), jnp.float32),
)


def kernel(x, edge_index, W1, b1, W2, b2, Wl, bl):
    src2 = edge_index[0].reshape(ER, B)
    dst2 = edge_index[1].reshape(ER, B)
    deg = _sc_count2(src2, dst2)
    x1 = _tc_scale(x, deg)
    a1p = _sc_aggregate(x1, src2, dst2)
    t2 = _tc_layer1(a1p, deg, deg, W1, b1.reshape(1, -1), W2)
    a2p = _sc_aggregate(t2, src2, dst2)
    return _tc_out(a2p, deg, b2.reshape(1, -1), Wl, bl.reshape(1, -1))

# --- scband reference (transcript-rebuilt; emitter-appended) ---
"""Pipeline reference for scband-two-layers-gcn-50543175139992 (READ-ONLY COPY).

The authoritative reference and input builder live on the scoring server;
editing this copy changes nothing except your own understanding.
"""

import jax, jax.numpy as jnp
import numpy as np

N_NODES = 10000

def _gcn_layer(x, W, b, src, dst, n):
    # DGL GraphConv with norm='both': D_out^{-1/2} A D_in^{-1/2} X W + b
    out_deg = jnp.clip(jnp.bincount(src, length=n).astype(x.dtype), 1.0)
    in_deg = jnp.clip(jnp.bincount(dst, length=n).astype(x.dtype), 1.0)
    h = x * (out_deg ** -0.5)[:, None]
    h = h @ W
    agg = jax.ops.segment_sum(h[src], dst, num_segments=n)
    agg = agg * (in_deg ** -0.5)[:, None]
    return agg + b


def setup_inputs(seed: int = 0) -> dict:
    key = jax.random.key(seed)
    ks = jax.random.split(key, 9)
    x = jax.random.normal(ks[0], (N_NODES, 128), dtype=jnp.float32)
    edge_index = jax.random.randint(ks[1], (2, 320000), 0, N_NODES, dtype=jnp.int64 if jax.config.jax_enable_x64 else jnp.int32).astype(jnp.int32)
    W1 = jax.random.normal(ks[2], (128, 256), dtype=jnp.float32) * (1.0 / np.sqrt(128))
    b1 = jnp.zeros((256,), dtype=jnp.float32)
    W2 = jax.random.normal(ks[3], (256, 128), dtype=jnp.float32) * (1.0 / np.sqrt(256))
    b2 = jnp.zeros((128,), dtype=jnp.float32)
    Wl = jax.random.normal(ks[4], (128, 40), dtype=jnp.float32) * (1.0 / np.sqrt(128))
    bl = jnp.zeros((40,), dtype=jnp.float32)
    return {"x": x, "edge_index": edge_index, "W1": W1, "b1": b1, "W2": W2, "b2": b2, "Wl": Wl, "bl": bl}


def reference(x, edge_index, W1, b1, W2, b2, Wl, bl):
    src = edge_index[0]
    dst = edge_index[1]
    n = x.shape[0]
    h = _gcn_layer(x, W1, b1, src, dst, n)
    h = jax.nn.relu(h)
    h = _gcn_layer(h, W2, b2, src, dst, n)
    h = jax.nn.relu(h)
    logits = h @ Wl + bl
    y = jax.nn.softmax(logits, axis=-1)
    return y

if __name__ == "__main__":
    import jax
    _d = setup_inputs()
    print(jax.jit(kernel)(*tuple(_d.values())))

</pallas_src>

<mosaic_0001>
#map = affine_map<(d0, d1) -> (0, 0)>
#map1 = affine_map<(d0, d1) -> (0, 0, 0)>
module attributes {stable_mosaic.version = 14 : i64} {
  func.func @_sc_count2(%arg0: i32, %arg1: i32, %arg2: memref<2500x128xi32, #tpu.memory_space<hbm>>, %arg3: memref<2500x128xi32, #tpu.memory_space<hbm>>, %arg4: memref<2x10240x128xf32, #tpu.memory_space<hbm>>, %arg5: memref<16x128xi32, #tpu.memory_space<vmem>>, %arg6: memref<128x128xf32, #tpu.memory_space<vmem>>, %arg7: memref<10240x128xf32, #tpu.memory_space<vmem_shared>>, %arg8: memref<!tpu.dma_semaphore, #tpu.memory_space<semaphore_mem>>) attributes {dimension_semantics = [#tpu.dimension_semantics<core_parallel>, #tpu.dimension_semantics<subcore_parallel>], iteration_bounds = array<i64: 2, 16>, scalar_prefetch = 0 : i64, scratch_operands = 4 : i64, tpu.core_type = #tpu.core_type<sc_vector_subcore>, window_params = [{transform_indices = #map}, {transform_indices = #map}, {transform_indices = #map1}]} {
    %scan3A = arith.constant 0 : i32
    %scan3A_0 = arith.constant 0 : i32
    %scan3A_1 = arith.constant 128 : i32
    %scan3A_2 = arith.addi %scan3A_0, %scan3A_1 : i32
    %scan3A_3 = arith.constant 1 : i32
    %scan3A_4 = scf.for %scan3A_77 = %scan3A_0 to %scan3A_2 step %scan3A_3 iter_args(%scan3A_78 = %scan3A) -> (i32)  : i32 {
      %broadcast_in_dim3A = arith.constant 0.000000e+00 : f32
      %broadcast_in_dim3A_79 = vector.broadcast %broadcast_in_dim3A : f32 to vector<16xf32>
      %swap3A = arith.index_cast %scan3A_77 : i32 to index
      %swap3A_80 = arith.constant 0 : index
      %swap3A_81 = tpu.vector_load %arg6[%swap3A, %swap3A_80] {strides = array<i32>} : memref<128x128xf32, #tpu.memory_space<vmem>>, vector<1x16xf32>,
      %swap3A_82 = vector.shape_cast %swap3A_81 : vector<1x16xf32> to vector<16xf32>
      %swap3A_83 = vector.shape_cast %broadcast_in_dim3A_79 : vector<16xf32> to vector<1x16xf32>
      tpu.vector_store %arg6[%swap3A, %swap3A_80], %swap3A_83 {strides = array<i32>} : memref<128x128xf32, #tpu.memory_space<vmem>>, vector<1x16xf32>,
      %broadcast_in_dim3A_84 = arith.constant 0.000000e+00 : f32
      %broadcast_in_dim3A_85 = vector.broadcast %broadcast_in_dim3A_84 : f32 to vector<16xf32>
      %swap3A_86 = arith.index_cast %scan3A_77 : i32 to index
      %swap3A_87 = arith.constant 16 : index
      %swap3A_88 = tpu.vector_load %arg6[%swap3A_86, %swap3A_87] {strides = array<i32>} : memref<128x128xf32, #tpu.memory_space<vmem>>, vector<1x16xf32>,
      %swap3A_89 = vector.shape_cast %swap3A_88 : vector<1x16xf32> to vector<16xf32>
      %swap3A_90 = vector.shape_cast %broadcast_in_dim3A_85 : vector<16xf32> to vector<1x16xf32>
      tpu.vector_store %arg6[%swap3A_86, %swap3A_87], %swap3A_90 {strides = array<i32>} : memref<128x128xf32, #tpu.memory_space<vmem>>, vector<1x16xf32>,
      %broadcast_in_dim3A_91 = arith.constant 0.000000e+00 : f32
      %broadcast_in_dim3A_92 = vector.broadcast %broadcast_in_dim3A_91 : f32 to vector<16xf32>
      %swap3A_93 = arith.index_cast %scan3A_77 : i32 to index
      %swap3A_94 = arith.constant 32 : index
      %swap3A_95 = tpu.vector_load %arg6[%swap3A_93, %swap3A_94] {strides = array<i32>} : memref<128x128xf32, #tpu.memory_space<vmem>>, vector<1x16xf32>,
      %swap3A_96 = vector.shape_cast %swap3A_95 : vector<1x16xf32> to vector<16xf32>
      %swap3A_97 = vector.shape_cast %broadcast_in_dim3A_92 : vector<16xf32> to vector<1x16xf32>
      tpu.vector_store %arg6[%swap3A_93, %swap3A_94], %swap3A_97 {strides = array<i32>} : memref<128x128xf32, #tpu.memory_space<vmem>>, vector<1x16xf32>,
      %broadcast_in_dim3A_98 = arith.constant 0.000000e+00 : f32
      %broadcast_in_dim3A_99 = vector.broadcast %broadcast_in_dim3A_98 : f32 to vector<16xf32>
      %swap3A_100 = arith.index_cast %scan3A_77 : i32 to index
      %swap3A_101 = arith.constant 48 : index
      %swap3A_102 = tpu.vector_load %arg6[%swap3A_100, %swap3A_101] {strides = array<i32>} : memref<128x128xf32, #tpu.memory_space<vmem>>, vector<1x16xf32>,
      %swap3A_103 = vector.shape_cast %swap3A_102 : vector<1x16xf32> to vector<16xf32>
      %swap3A_104 = vector.shape_cast %broadcast_in_dim3A_99 : vector<16xf32> to vector<1x16xf32>
      tpu.vector_store %arg6[%swap3A_100, %swap3A_101], %swap3A_104 {strides = array<i32>} : memref<128x128xf32, #tpu.memory_space<vmem>>, vector<1x16xf32>,
      %broadcast_in_dim3A_105 = arith.constant 0.000000e+00 : f32
      %broadcast_in_dim3A_106 = vector.broadcast %broadcast_in_dim3A_105 : f32 to vector<16xf32>
      %swap3A_107 = arith.index_cast %scan3A_77 : i32 to index
      %swap3A_108 = arith.constant 64 : index
      %swap3A_109 = tpu.vector_load %arg6[%swap3A_107, %swap3A_108] {strides = array<i32>} : memref<128x128xf32, #tpu.memory_space<vmem>>, vector<1x16xf32>,
      %swap3A_110 = vector.shape_cast %swap3A_109 : vector<1x16xf32> to vector<16xf32>
      %swap3A_111 = vector.shape_cast %broadcast_in_dim3A_106 : vector<16xf32> to vector<1x16xf32>
      tpu.vector_store %arg6[%swap3A_107, %swap3A_108], %swap3A_111 {strides = array<i32>} : memref<128x128xf32, #tpu.memory_space<vmem>>, vector<1x16xf32>,
      %broadcast_in_dim3A_112 = arith.constant 0.000000e+00 : f32
      %broadcast_in_dim3A_113 = vector.broadcast %broadcast_in_dim3A_112 : f32 to vector<16xf32>
      %swap3A_114 = arith.index_cast %scan3A_77 : i32 to index
      %swap3A_115 = arith.constant 80 : index
      %swap3A_116 = tpu.vector_load %arg6[%swap3A_114, %swap3A_115] {strides = array<i32>} : memref<128x128xf32, #tpu.memory_space<vmem>>, vector<1x16xf32>,
      %swap3A_117 = vector.shape_cast %swap3A_116 : vector<1x16xf32> to vector<16xf32>
      %swap3A_118 = vector.shape_cast %broadcast_in_dim3A_113 : vector<16xf32> to vector<1x16xf32>
      tpu.vector_store %arg6[%swap3A_114, %swap3A_115], %swap3A_118 {strides = array<i32>} : memref<128x128xf32, #tpu.memory_space<vmem>>, vector<1x16xf32>,
      %broadcast_in_dim3A_119 = arith.constant 0.000000e+00 : f32
      %broadcast_in_dim3A_120 = vector.broadcast %broadcast_in_dim3A_119 : f32 to vector<16xf32>
      %swap3A_121 = arith.index_cast %scan3A_77 : i32 to index
      %swap3A_122 = arith.constant 96 : index
      %swap3A_123 = tpu.vector_load %arg6[%swap3A_121, %swap3A_122] {strides = array<i32>} : memref<128x128xf32, #tpu.memory_space<vmem>>, vector<1x16xf32>,
      %swap3A_124 = vector.shape_cast %swap3A_123 : vector<1x16xf32> to vector<16xf32>
      %swap3A_125 = vector.shape_cast %broadcast_in_dim3A_120 : vector<16xf32> to vector<1x16xf32>
      tpu.vector_store %arg6[%swap3A_121, %swap3A_122], %swap3A_125 {strides = array<i32>} : memref<128x128xf32, #tpu.memory_space<vmem>>, vector<1x16xf32>,
      %broadcast_in_dim3A_126 = arith.constant 0.000000e+00 : f32
      %broadcast_in_dim3A_127 = vector.broadcast %broadcast_in_dim3A_126 : f32 to vector<16xf32>
      %swap3A_128 = arith.index_cast %scan3A_77 : i32 to index
      %swap3A_129 = arith.constant 112 : index
      %swap3A_130 = tpu.vector_load %arg6[%swap3A_128, %swap3A_129] {strides = array<i32>} : memref<128x128xf32, #tpu.memory_space<vmem>>, vector<1x16xf32>,
      %swap3A_131 = vector.shape_cast %swap3A_130 : vector<1x16xf32> to vector<16xf32>
      %swap3A_132 = vector.shape_cast %broadcast_in_dim3A_127 : vector<16xf32> to vector<1x16xf32>
      tpu.vector_store %arg6[%swap3A_128, %swap3A_129], %swap3A_132 {strides = array<i32>} : memref<128x128xf32, #tpu.memory_space<vmem>>, vector<1x16xf32>,
      %scan3A_133 = arith.constant 0 : i32
      scf.yield %scan3A_133 : i32
    }
    %scan3A_5 = arith.constant 128 : i32
    %mul3A = arith.constant 640 : i32
    %mul3A_6 = arith.muli %arg1, %mul3A : i32
    %add3A = arith.constant 0 : i32
    %add3A_7 = arith.addi %mul3A_6, %add3A : i32
    "tpu.region"() ({
      %run_scoped3A = tpu.sem_alloc : memref<!tpu.dma_semaphore, #tpu.memory_space<semaphore_mem>>
      %dma_start3A = arith.constant 0 : i32
      %dma_start3A_77 = tpu.memref_slice %arg7[%add3A_7, %dma_start3A] : memref<10240x128xf32, #tpu.memory_space<vmem_shared>> -> memref<128x128xf32, #tpu.memory_space<vmem_shared>>
      %dma_start3A_78 = arith.constant 0 : i32
      %dma_start3A_79 = tpu.memref_slice %arg7[%add3A_7, %dma_start3A_78] : memref<10240x128xf32, #tpu.memory_space<vmem_shared>> -> memref<128x128xf32, #tpu.memory_space<vmem_shared>>
      tpu.enqueue_dma source(%arg6 : memref<128x128xf32, #tpu.memory_space<vmem>>) target(%dma_start3A_79 : memref<128x128xf32, #tpu.memory_space<vmem_shared>>) target_semaphore(%run_scoped3A : memref<!tpu.dma_semaphore, #tpu.memory_space<semaphore_mem>>)
      %dma_wait3A = arith.constant 0 : i32
      %dma_wait3A_80 = tpu.memref_slice %arg7[%add3A_7, %dma_wait3A] : memref<10240x128xf32, #tpu.memory_space<vmem_shared>> -> memref<128x128xf32, #tpu.memory_space<vmem_shared>>
      %dma_wait3A_81 = arith.constant 0 : i32
      %dma_wait3A_82 = tpu.memref_slice %arg7[%add3A_7, %dma_wait3A_81] : memref<10240x128xf32, #tpu.memory_space<vmem_shared>> -> memref<128x128xf32, #tpu.memory_space<vmem_shared>>
      tpu.wait_dma2 semaphore(%run_scoped3A : memref<!tpu.dma_semaphore, #tpu.memory_space<semaphore_mem>>) src(%arg6 : memref<128x128xf32, #tpu.memory_space<vmem>>) dst(%dma_wait3A_82 : memref<128x128xf32, #tpu.memory_space<vmem_shared>>)
      tpu.yield
    }) : () -> ()
    %mul3A_8 = arith.constant 640 : i32
    %mul3A_9 = arith.muli %arg1, %mul3A_8 : i32
    %add3A_10 = arith.constant 128 : i32
    %add3A_11 = arith.addi %mul3A_9, %add3A_10 : i32
    "tpu.region"() ({
      %run_scoped3A = tpu.sem_alloc : memref<!tpu.dma_semaphore, #tpu.memory_space<semaphore_mem>>
      %dma_start3A = arith.constant 0 : i32
      %dma_start3A_77 = tpu.memref_slice %arg7[%add3A_11, %dma_start3A] : memref<10240x128xf32, #tpu.memory_space<vmem_shared>> -> memref<128x128xf32, #tpu.memory_space<vmem_shared>>
      %dma_start3A_78 = arith.constant 0 : i32
      %dma_start3A_79 = tpu.memref_slice %arg7[%add3A_11, %dma_start3A_78] : memref<10240x128xf32, #tpu.memory_space<vmem_shared>> -> memref<128x128xf32, #tpu.memory_space<vmem_shared>>
      tpu.enqueue_dma source(%arg6 : memref<128x128xf32, #tpu.memory_space<vmem>>) target(%dma_start3A_79 : memref<128x128xf32, #tpu.memory_space<vmem_shared>>) target_semaphore(%run_scoped3A : memref<!tpu.dma_semaphore, #tpu.memory_space<semaphore_mem>>)
      %dma_wait3A = arith.constant 0 : i32
      %dma_wait3A_80 = tpu.memref_slice %arg7[%add3A_11, %dma_wait3A] : memref<10240x128xf32, #tpu.memory_space<vmem_shared>> -> memref<128x128xf32, #tpu.memory_space<vmem_shared>>
      %dma_wait3A_81 = arith.constant 0 : i32
      %dma_wait3A_82 = tpu.memref_slice %arg7[%add3A_11, %dma_wait3A_81] : memref<10240x128xf32, #tpu.memory_space<vmem_shared>> -> memref<128x128xf32, #tpu.memory_space<vmem_shared>>
      tpu.wait_dma2 semaphore(%run_scoped3A : memref<!tpu.dma_semaphore, #tpu.memory_space<semaphore_mem>>) src(%arg6 : memref<128x128xf32, #tpu.memory_space<vmem>>) dst(%dma_wait3A_82 : memref<128x128xf32, #tpu.memory_space<vmem_shared>>)
      tpu.yield
    }) : () -> ()
    %mul3A_12 = arith.constant 640 : i32
    %mul3A_13 = arith.muli %arg1, %mul3A_12 : i32
    %add3A_14 = arith.constant 256 : i32
    %add3A_15 = arith.addi %mul3A_13, %add3A_14 : i32
    "tpu.region"() ({
      %run_scoped3A = tpu.sem_alloc : memref<!tpu.dma_semaphore, #tpu.memory_space<semaphore_mem>>
      %dma_start3A = arith.constant 0 : i32
      %dma_start3A_77 = tpu.memref_slice %arg7[%add3A_15, %dma_start3A] : memref<10240x128xf32, #tpu.memory_space<vmem_shared>> -> memref<128x128xf32, #tpu.memory_space<vmem_shared>>
      %dma_start3A_78 = arith.constant 0 : i32
      %dma_start3A_79 = tpu.memref_slice %arg7[%add3A_15, %dma_start3A_78] : memref<10240x128xf32, #tpu.memory_space<vmem_shared>> -> memref<128x128xf32, #tpu.memory_space<vmem_shared>>
      tpu.enqueue_dma source(%arg6 : memref<128x128xf32, #tpu.memory_space<vmem>>) target(%dma_start3A_79 : memref<128x128xf32, #tpu.memory_space<vmem_shared>>) target_semaphore(%run_scoped3A : memref<!tpu.dma_semaphore, #tpu.memory_space<semaphore_mem>>)
      %dma_wait3A = arith.constant 0 : i32
      %dma_wait3A_80 = tpu.memref_slice %arg7[%add3A_15, %dma_wait3A] : memref<10240x128xf32, #tpu.memory_space<vmem_shared>> -> memref<128x128xf32, #tpu.memory_space<vmem_shared>>
      %dma_wait3A_81 = arith.constant 0 : i32
      %dma_wait3A_82 = tpu.memref_slice %arg7[%add3A_15, %dma_wait3A_81] : memref<10240x128xf32, #tpu.memory_space<vmem_shared>> -> memref<128x128xf32, #tpu.memory_space<vmem_shared>>
      tpu.wait_dma2 semaphore(%run_scoped3A : memref<!tpu.dma_semaphore, #tpu.memory_space<semaphore_mem>>) src(%arg6 : memref<128x128xf32, #tpu.memory_space<vmem>>) dst(%dma_wait3A_82 : memref<128x128xf32, #tpu.memory_space<vmem_shared>>)
      tpu.yield
    }) : () -> ()
    %mul3A_16 = arith.constant 640 : i32
    %mul3A_17 = arith.muli %arg1, %mul3A_16 : i32
    %add3A_18 = arith.constant 384 : i32
    %add3A_19 = arith.addi %mul3A_17, %add3A_18 : i32
    "tpu.region"() ({
      %run_scoped3A = tpu.sem_alloc : memref<!tpu.dma_semaphore, #tpu.memory_space<semaphore_mem>>
      %dma_start3A = arith.constant 0 : i32
      %dma_start3A_77 = tpu.memref_slice %arg7[%add3A_19, %dma_start3A] : memref<10240x128xf32, #tpu.memory_space<vmem_shared>> -> memref<128x128xf32, #tpu.memory_space<vmem_shared>>
      %dma_start3A_78 = arith.constant 0 : i32
      %dma_start3A_79 = tpu.memref_slice %arg7[%add3A_19, %dma_start3A_78] : memref<10240x128xf32, #tpu.memory_space<vmem_shared>> -> memref<128x128xf32, #tpu.memory_space<vmem_shared>>
      tpu.enqueue_dma source(%arg6 : memref<128x128xf32, #tpu.memory_space<vmem>>) target(%dma_start3A_79 : memref<128x128xf32, #tpu.memory_space<vmem_shared>>) target_semaphore(%run_scoped3A : memref<!tpu.dma_semaphore, #tpu.memory_space<semaphore_mem>>)
      %dma_wait3A = arith.constant 0 : i32
      %dma_wait3A_80 = tpu.memref_slice %arg7[%add3A_19, %dma_wait3A] : memref<10240x128xf32, #tpu.memory_space<vmem_shared>> -> memref<128x128xf32, #tpu.memory_space<vmem_shared>>
      %dma_wait3A_81 = arith.constant 0 : i32
      %dma_wait3A_82 = tpu.memref_slice %arg7[%add3A_19, %dma_wait3A_81] : memref<10240x128xf32, #tpu.memory_space<vmem_shared>> -> memref<128x128xf32, #tpu.memory_space<vmem_shared>>
      tpu.wait_dma2 semaphore(%run_scoped3A : memref<!tpu.dma_semaphore, #tpu.memory_space<semaphore_mem>>) src(%arg6 : memref<128x128xf32, #tpu.memory_space<vmem>>) dst(%dma_wait3A_82 : memref<128x128xf32, #tpu.memory_space<vmem_shared>>)
      tpu.yield
    }) : () -> ()
    %mul3A_20 = arith.constant 640 : i32
    %mul3A_21 = arith.muli %arg1, %mul3A_20 : i32
    %add3A_22 = arith.constant 512 : i32
    %add3A_23 = arith.addi %mul3A_21, %add3A_22 : i32
    "tpu.region"() ({
      %run_scoped3A = tpu.sem_alloc : memref<!tpu.dma_semaphore, #tpu.memory_space<semaphore_mem>>
      %dma_start3A = arith.constant 0 : i32
      %dma_start3A_77 = tpu.memref_slice %arg7[%add3A_23, %dma_start3A] : memref<10240x128xf32, #tpu.memory_space<vmem_shared>> -> memref<128x128xf32, #tpu.memory_space<vmem_shared>>
      %dma_start3A_78 = arith.constant 0 : i32
      %dma_start3A_79 = tpu.memref_slice %arg7[%add3A_23, %dma_start3A_78] : memref<10240x128xf32, #tpu.memory_space<vmem_shared>> -> memref<128x128xf32, #tpu.memory_space<vmem_shared>>
      tpu.enqueue_dma source(%arg6 : memref<128x128xf32, #tpu.memory_space<vmem>>) target(%dma_start3A_79 : memref<128x128xf32, #tpu.memory_space<vmem_shared>>) target_semaphore(%run_scoped3A : memref<!tpu.dma_semaphore, #tpu.memory_space<semaphore_mem>>)
      %dma_wait3A = arith.constant 0 : i32
      %dma_wait3A_80 = tpu.memref_slice %arg7[%add3A_23, %dma_wait3A] : memref<10240x128xf32, #tpu.memory_space<vmem_shared>> -> memref<128x128xf32, #tpu.memory_space<vmem_shared>>
      %dma_wait3A_81 = arith.constant 0 : i32
      %dma_wait3A_82 = tpu.memref_slice %arg7[%add3A_23, %dma_wait3A_81] : memref<10240x128xf32, #tpu.memory_space<vmem_shared>> -> memref<128x128xf32, #tpu.memory_space<vmem_shared>>
      tpu.wait_dma2 semaphore(%run_scoped3A : memref<!tpu.dma_semaphore, #tpu.memory_space<semaphore_mem>>) src(%arg6 : memref<128x128xf32, #tpu.memory_space<vmem>>) dst(%dma_wait3A_82 : memref<128x128xf32, #tpu.memory_space<vmem_shared>>)
      tpu.yield
    }) : () -> ()
    %scan3A_24 = arith.constant 0 : i32
    %scan3A_25 = arith.constant 0 : i32
    %scan3A_26 = arith.constant 128 : i32
    %scan3A_27 = arith.addi %scan3A_25, %scan3A_26 : i32
    %scan3A_28 = arith.constant 1 : i32
    %scan3A_29 = scf.for %scan3A_77 = %scan3A_25 to %scan3A_27 step %scan3A_28 iter_args(%scan3A_78 = %scan3A_24) -> (i32)  : i32 {
      %broadcast_in_dim3A = arith.constant 1.000000e+00 : f32
      %broadcast_in_dim3A_79 = vector.broadcast %broadcast_in_dim3A : f32 to vector<16xf32>
      %swap3A = arith.index_cast %scan3A_77 : i32 to index
      %swap3A_80 = arith.constant 0 : index
      %swap3A_81 = tpu.vector_load %arg6[%swap3A, %swap3A_80] {strides = array<i32>} : memref<128x128xf32, #tpu.memory_space<vmem>>, vector<1x16xf32>,
      %swap3A_82 = vector.shape_cast %swap3A_81 : vector<1x16xf32> to vector<16xf32>
      %swap3A_83 = vector.shape_cast %broadcast_in_dim3A_79 : vector<16xf32> to vector<1x16xf32>
      tpu.vector_store %arg6[%swap3A, %swap3A_80], %swap3A_83 {strides = array<i32>} : memref<128x128xf32, #tpu.memory_space<vmem>>, vector<1x16xf32>,
      %broadcast_in_dim3A_84 = arith.constant 1.000000e+00 : f32
      %broadcast_in_dim3A_85 = vector.broadcast %broadcast_in_dim3A_84 : f32 to vector<16xf32>
      %swap3A_86 = arith.index_cast %scan3A_77 : i32 to index
      %swap3A_87 = arith.constant 16 : index
      %swap3A_88 = tpu.vector_load %arg6[%swap3A_86, %swap3A_87] {strides = array<i32>} : memref<128x128xf32, #tpu.memory_space<vmem>>, vector<1x16xf32>,
      %swap3A_89 = vector.shape_cast %swap3A_88 : vector<1x16xf32> to vector<16xf32>
      %swap3A_90 = vector.shape_cast %broadcast_in_dim3A_85 : vector<16xf32> to vector<1x16xf32>
      tpu.vector_store %arg6[%swap3A_86, %swap3A_87], %swap3A_90 {strides = array<i32>} : memref<128x128xf32, #tpu.memory_space<vmem>>, vector<1x16xf32>,
      %broadcast_in_dim3A_91 = arith.constant 1.000000e+00 : f32
      %broadcast_in_dim3A_92 = vector.broadcast %broadcast_in_dim3A_91 : f32 to vector<16xf32>
      %swap3A_93 = arith.index_cast %scan3A_77 : i32 to index
      %swap3A_94 = arith.constant 32 : index
      %swap3A_95 = tpu.vector_load %arg6[%swap3A_93, %swap3A_94] {strides = array<i32>} : memref<128x128xf32, #tpu.memory_space<vmem>>, vector<1x16xf32>,
      %swap3A_96 = vector.shape_cast %swap3A_95 : vector<1x16xf32> to vector<16xf32>
      %swap3A_97 = vector.shape_cast %broadcast_in_dim3A_92 : vector<16xf32> to vector<1x16xf32>
      tpu.vector_store %arg6[%swap3A_93, %swap3A_94], %swap3A_97 {strides = array<i32>} : memref<128x128xf32, #tpu.memory_space<vmem>>, vector<1x16xf32>,
      %broadcast_in_dim3A_98 = arith.constant 1.000000e+00 : f32
      %broadcast_in_dim3A_99 = vector.broadcast %broadcast_in_dim3A_98 : f32 to vector<16xf32>
      %swap3A_100 = arith.index_cast %scan3A_77 : i32 to index
      %swap3A_101 = arith.constant 48 : index
      %swap3A_102 = tpu.vector_load %arg6[%swap3A_100, %swap3A_101] {strides = array<i32>} : memref<128x128xf32, #tpu.memory_space<vmem>>, vector<1x16xf32>,
      %swap3A_103 = vector.shape_cast %swap3A_102 : vector<1x16xf32> to vector<16xf32>
      %swap3A_104 = vector.shape_cast %broadcast_in_dim3A_99 : vector<16xf32> to vector<1x16xf32>
      tpu.vector_store %arg6[%swap3A_100, %swap3A_101], %swap3A_104 {strides = array<i32>} : memref<128x128xf32, #tpu.memory_space<vmem>>, vector<1x16xf32>,
      %broadcast_in_dim3A_105 = arith.constant 1.000000e+00 : f32
      %broadcast_in_dim3A_106 = vector.broadcast %broadcast_in_dim3A_105 : f32 to vector<16xf32>
      %swap3A_107 = arith.index_cast %scan3A_77 : i32 to index
      %swap3A_108 = arith.constant 64 : index
      %swap3A_109 = tpu.vector_load %arg6[%swap3A_107, %swap3A_108] {strides = array<i32>} : memref<128x128xf32, #tpu.memory_space<vmem>>, vector<1x16xf32>,
      %swap3A_110 = vector.shape_cast %swap3A_109 : vector<1x16xf32> to vector<16xf32>
      %swap3A_111 = vector.shape_cast %broadcast_in_dim3A_106 : vector<16xf32> to vector<1x16xf32>
      tpu.vector_store %arg6[%swap3A_107, %swap3A_108], %swap3A_111 {strides = array<i32>} : memref<128x128xf32, #tpu.memory_space<vmem>>, vector<1x16xf32>,
      %broadcast_in_dim3A_112 = arith.constant 1.000000e+00 : f32
      %broadcast_in_dim3A_113 = vector.broadcast %broadcast_in_dim3A_112 : f32 to vector<16xf32>
      %swap3A_114 = arith.index_cast %scan3A_77 : i32 to index
      %swap3A_115 = arith.constant 80 : index
      %swap3A_116 = tpu.vector_load %arg6[%swap3A_114, %swap3A_115] {strides = array<i32>} : memref<128x128xf32, #tpu.memory_space<vmem>>, vector<1x16xf32>,
      %swap3A_117 = vector.shape_cast %swap3A_116 : vector<1x16xf32> to vector<16xf32>
      %swap3A_118 = vector.shape_cast %broadcast_in_dim3A_113 : vector<16xf32> to vector<1x16xf32>
      tpu.vector_store %arg6[%swap3A_114, %swap3A_115], %swap3A_118 {strides = array<i32>} : memref<128x128xf32, #tpu.memory_space<vmem>>, vector<1x16xf32>,
      %broadcast_in_dim3A_119 = arith.constant 1.000000e+00 : f32
      %broadcast_in_dim3A_120 = vector.broadcast %broadcast_in_dim3A_119 : f32 to vector<16xf32>
      %swap3A_121 = arith.index_cast %scan3A_77 : i32 to index
      %swap3A_122 = arith.constant 96 : index
      %swap3A_123 = tpu.vector_load %arg6[%swap3A_121, %swap3A_122] {strides = array<i32>} : memref<128x128xf32, #tpu.memory_space<vmem>>, vector<1x16xf32>,
      %swap3A_124 = vector.shape_cast %swap3A_123 : vector<1x16xf32> to vector<16xf32>
      %swap3A_125 = vector.shape_cast %broadcast_in_dim3A_120 : vector<16xf32> to vector<1x16xf32>
      tpu.vector_store %arg6[%swap3A_121, %swap3A_122], %swap3A_125 {strides = array<i32>} : memref<128x128xf32, #tpu.memory_space<vmem>>, vector<1x16xf32>,
      %broadcast_in_dim3A_126 = arith.constant 1.000000e+00 : f32
      %broadcast_in_dim3A_127 = vector.broadcast %broadcast_in_dim3A_126 : f32 to vector<16xf32>
      %swap3A_128 = arith.index_cast %scan3A_77 : i32 to index
      %swap3A_129 = arith.constant 112 : index
      %swap3A_130 = tpu.vector_load %arg6[%swap3A_128, %swap3A_129] {strides = array<i32>} : memref<128x128xf32, #tpu.memory_space<vmem>>, vector<1x16xf32>,
      %swap3A_131 = vector.shape_cast %swap3A_130 : vector<1x16xf32> to vector<16xf32>
      %swap3A_132 = vector.shape_cast %broadcast_in_dim3A_127 : vector<16xf32> to vector<1x16xf32>
      tpu.vector_store %arg6[%swap3A_128, %swap3A_129], %swap3A_132 {strides = array<i32>} : memref<128x128xf32, #tpu.memory_space<vmem>>, vector<1x16xf32>,
      %scan3A_133 = arith.constant 0 : i32
      scf.yield %scan3A_133 : i32
    }
    %scan3A_30 = arith.constant 128 : i32
    %barrier3A = arith.constant 0 : index
    tpu.barrier barrier_id(%barrier3A)
    %sub3A = arith.constant 171 : i32
    %sub3A_31 = arith.subi %sub3A, %arg1 : i32
    %jit3A = arith.constant 16 : i32
    %div3A = arith.divsi %sub3A_31, %jit3A : i32
    %sign3A = arith.constant 0 : i32
    %sign3A_32 = arith.cmpi sgt, %sub3A_31, %sign3A : i32
    %sign3A_33 = arith.extui %sign3A_32 : i1 to i32
    %sign3A_34 = arith.constant 0 : i32
    %sign3A_35 = arith.cmpi slt, %sub3A_31, %sign3A_34 : i32
    %sign3A_36 = arith.extui %sign3A_35 : i1 to i32
    %sign3A_37 = arith.subi %sign3A_33, %sign3A_36 : i32
    %sign3A_38 = arith.constant 0 : i32
    %sign3A_39 = arith.cmpi sgt, %jit3A, %sign3A_38 : i32
    %sign3A_40 = arith.extui %sign3A_39 : i1 to i32
    %sign3A_41 = arith.constant 0 : i32
    %sign3A_42 = arith.cmpi slt, %jit3A, %sign3A_41 : i32
    %sign3A_43 = arith.extui %sign3A_42 : i1 to i32
    %sign3A_44 = arith.subi %sign3A_40, %sign3A_43 : i32
    %ne3A = arith.cmpi ne, %sign3A_37, %sign3A_44 : i32
    %rem3A = arith.remsi %sub3A_31, %jit3A : i32
    %ne3A_45 = arith.constant 0 : i32
    %ne3A_46 = arith.cmpi ne, %rem3A, %ne3A_45 : i32
    %and3A = arith.andi %ne3A, %ne3A_46 : i1
    %sub3A_47 = arith.constant 1 : i32
    %sub3A_48 = arith.subi %div3A, %sub3A_47 : i32
    %select_n3A = arith.select %and3A, %sub3A_48, %div3A : i32
    %eq3A = arith.constant 0 : i32
    %eq3A_49 = arith.cmpi eq, %arg0, %eq3A : i32
    %convert_element_type3A = arith.extui %eq3A_49 : i1 to i32
    %cond3A = arith.constant 0 : i32
    %cond3A_50 = arith.cmpi ne, %convert_element_type3A, %cond3A : i32
    scf.if %cond3A_50 {
      %scan3A_77 = arith.constant 0 : i32
      %scan3A_78 = arith.constant 0 : i32
      %scan3A_79 = arith.constant 10 : i32
      %scan3A_80 = arith.addi %scan3A_78, %scan3A_79 : i32
      %scan3A_81 = arith.constant 1 : i32
      %scan3A_82 = scf.for %scan3A_89 = %scan3A_78 to %scan3A_80 step %scan3A_81 iter_args(%scan3A_90 = %scan3A_77) -> (i32)  : i32 {
        %lt3A = arith.cmpi slt, %scan3A_89, %select_n3A : i32
        %convert_element_type3A_91 = arith.extui %lt3A : i1 to i32
        %cond3A_92 = arith.constant 0 : i32
        %cond3A_93 = arith.cmpi ne, %convert_element_type3A_91, %cond3A_92 : i32
        scf.if %cond3A_93 {
          %mul3A_95 = arith.constant 16 : i32
          %mul3A_96 = arith.muli %mul3A_95, %scan3A_89 : i32
          %add3A_97 = arith.addi %arg1, %mul3A_96 : i32
          %mul3A_98 = arith.constant 16 : i32
          %mul3A_99 = arith.muli %add3A_97, %mul3A_98 : i32
          "tpu.region"() ({
            %run_scoped3A = tpu.sem_alloc : memref<!tpu.dma_semaphore, #tpu.memory_space<semaphore_mem>>
            %dma_start3A_322 = arith.constant 0 : i32
            %dma_start3A_323 = tpu.memref_slice %arg2[%mul3A_99, %dma_start3A_322] : memref<2500x128xi32, #tpu.memory_space<hbm>> -> memref<16x128xi32, #tpu.memory_space<hbm>>
            %dma_start3A_324 = arith.constant 0 : i32
            %dma_start3A_325 = tpu.memref_slice %arg2[%mul3A_99, %dma_start3A_324] : memref<2500x128xi32, #tpu.memory_space<hbm>> -> memref<16x128xi32, #tpu.memory_space<hbm>>
            tpu.enqueue_dma source(%dma_start3A_325 : memref<16x128xi32, #tpu.memory_space<hbm>>) target(%arg5 : memref<16x128xi32, #tpu.memory_space<vmem>>) target_semaphore(%run_scoped3A : memref<!tpu.dma_semaphore, #tpu.memory_space<semaphore_mem>>)
            %dma_wait3A_326 = arith.constant 0 : i32
            %dma_wait3A_327 = tpu.memref_slice %arg2[%mul3A_99, %dma_wait3A_326] : memref<2500x128xi32, #tpu.memory_space<hbm>> -> memref<16x128xi32, #tpu.memory_space<hbm>>
            %dma_wait3A_328 = arith.constant 0 : i32
            %dma_wait3A_329 = tpu.memref_slice %arg2[%mul3A_99, %dma_wait3A_328] : memref<2500x128xi32, #tpu.memory_space<hbm>> -> memref<16x128xi32, #tpu.memory_space<hbm>>
            tpu.wait_dma2 semaphore(%run_scoped3A : memref<!tpu.dma_semaphore, #tpu.memory_space<semaphore_mem>>) src(%dma_wait3A_329 : memref<16x128xi32, #tpu.memory_space<hbm>>) dst(%arg5 : memref<16x128xi32, #tpu.memory_space<vmem>>)
            tpu.yield
          }) : () -> ()
          %dma_start3A = arith.constant 0 : i32
          %dma_start3A_100 = arith.constant 0 : i32
          %dma_start3A_101 = tpu.memref_slice %arg5[%dma_start3A, %dma_start3A_100] : memref<16x128xi32, #tpu.memory_space<vmem>> -> memref<1x128xi32, #tpu.memory_space<vmem>>
          %dma_start3A_102 = tpu.memref_squeeze %dma_start3A_101 : memref<1x128xi32, #tpu.memory_space<vmem>> -> memref<128xi32, #tpu.memory_space<vmem>>
          %dma_start3A_103 = arith.constant 0 : i32
          %dma_start3A_104 = arith.constant 0 : i32
          %dma_start3A_105 = tpu.memref_slice %arg7[%dma_start3A_103, %dma_start3A_104] : memref<10240x128xf32, #tpu.memory_space<vmem_shared>> -> memref<10240x128xf32, #tpu.memory_space<vmem_shared>>
          tpu.enqueue_indirect_dma source(%arg6 : memref<128x128xf32, #tpu.memory_space<vmem>>) target(%dma_start3A_105 : memref<10240x128xf32, #tpu.memory_space<vmem_shared>>) offsets(%dma_start3A_102 : memref<128xi32, #tpu.memory_space<vmem>>) semaphore(%arg8 : memref<!tpu.dma_semaphore, #tpu.memory_space<semaphore_mem>>) {add = true}
          %dma_start3A_106 = arith.constant 1 : i32
          %dma_start3A_107 = arith.constant 0 : i32
          %dma_start3A_108 = tpu.memref_slice %arg5[%dma_start3A_106, %dma_start3A_107] : memref<16x128xi32, #tpu.memory_space<vmem>> -> memref<1x128xi32, #tpu.memory_space<vmem>>
          %dma_start3A_109 = tpu.memref_squeeze %dma_start3A_108 : memref<1x128xi32, #tpu.memory_space<vmem>> -> memref<128xi32, #tpu.memory_space<vmem>>
          %dma_start3A_110 = arith.constant 0 : i32
          %dma_start3A_111 = arith.constant 0 : i32
          %dma_start3A_112 = tpu.memref_slice %arg7[%dma_start3A_110, %dma_start3A_111] : memref<10240x128xf32, #tpu.memory_space<vmem_shared>> -> memref<10240x128xf32, #tpu.memory_space<vmem_shared>>
          tpu.enqueue_indirect_dma source(%arg6 : memref<128x128xf32, #tpu.memory_space<vmem>>) target(%dma_start3A_112 : memref<10240x128xf32, #tpu.memory_space<vmem_shared>>) offsets(%dma_start3A_109 : memref<128xi32, #tpu.memory_space<vmem>>) semaphore(%arg8 : memref<!tpu.dma_semaphore, #tpu.memory_space<semaphore_mem>>) {add = true}
          %dma_start3A_113 = arith.constant 2 : i32
          %dma_start3A_114 = arith.constant 0 : i32
          %dma_start3A_115 = tpu.memref_slice %arg5[%dma_start3A_113, %dma_start3A_114] : memref<16x128xi32, #tpu.memory_space<vmem>> -> memref<1x128xi32, #tpu.memory_space<vmem>>
          %dma_start3A_116 = tpu.memref_squeeze %dma_start3A_115 : memref<1x128xi32, #tpu.memory_space<vmem>> -> memref<128xi32, #tpu.memory_space<vmem>>
          %dma_start3A_117 = arith.constant 0 : i32
          %dma_start3A_118 = arith.constant 0 : i32
          %dma_start3A_119 = tpu.memref_slice %arg7[%dma_start3A_117, %dma_start3A_118] : memref<10240x128xf32, #tpu.memory_space<vmem_shared>> -> memref<10240x128xf32, #tpu.memory_space<vmem_shared>>
          tpu.enqueue_indirect_dma source(%arg6 : memref<128x128xf32, #tpu.memory_space<vmem>>) target(%dma_start3A_119 : memref<10240x128xf32, #tpu.memory_space<vmem_shared>>) offsets(%dma_start3A_116 : memref<128xi32, #tpu.memory_space<vmem>>) semaphore(%arg8 : memref<!tpu.dma_semaphore, #tpu.memory_space<semaphore_mem>>) {add = true}
          %dma_start3A_120 = arith.constant 3 : i32
          %dma_start3A_121 = arith.constant 0 : i32
          %dma_start3A_122 = tpu.memref_slice %arg5[%dma_start3A_120, %dma_start3A_121] : memref<16x128xi32, #tpu.memory_space<vmem>> -> memref<1x128xi32, #tpu.memory_space<vmem>>
          %dma_start3A_123 = tpu.memref_squeeze %dma_start3A_122 : memref<1x128xi32, #tpu.memory_space<vmem>> -> memref<128xi32, #tpu.memory_space<vmem>>
          %dma_start3A_124 = arith.constant 0 : i32
          %dma_start3A_125 = arith.constant 0 : i32
          %dma_start3A_126 = tpu.memref_slice %arg7[%dma_start3A_124, %dma_start3A_125] : memref<10240x128xf32, #tpu.memory_space<vmem_shared>> -> memref<10240x128xf32, #tpu.memory_space<vmem_shared>>
          tpu.enqueue_indirect_dma source(%arg6 : memref<128x128xf32, #tpu.memory_space<vmem>>) target(%dma_start3A_126 : memref<10240x128xf32, #tpu.memory_space<vmem_shared>>) offsets(%dma_start3A_123 : memref<128xi32, #tpu.memory_space<vmem>>) semaphore(%arg8 : memref<!tpu.dma_semaphore, #tpu.memory_space<semaphore_mem>>) {add = true}
          %dma_start3A_127 = arith.constant 4 : i32
          %dma_start3A_128 = arith.constant 0 : i32
          %dma_start3A_129 = tpu.memref_slice %arg5[%dma_start3A_127, %dma_start3A_128] : memref<16x128xi32, #tpu.memory_space<vmem>> -> memref<1x128xi32, #tpu.memory_space<vmem>>
          %dma_start3A_130 = tpu.memref_squeeze %dma_start3A_129 : memref<1x128xi32, #tpu.memory_space<vmem>> -> memref<128xi32, #tpu.memory_space<vmem>>
          %dma_start3A_131 = arith.constant 0 : i32
          %dma_start3A_132 = arith.constant 0 : i32
          %dma_start3A_133 = tpu.memref_slice %arg7[%dma_start3A_131, %dma_start3A_132] : memref<10240x128xf32, #tpu.memory_space<vmem_shared>> -> memref<10240x128xf32, #tpu.memory_space<vmem_shared>>
          tpu.enqueue_indirect_dma source(%arg6 : memref<128x128xf32, #tpu.memory_space<vmem>>) target(%dma_start3A_133 : memref<10240x128xf32, #tpu.memory_space<vmem_shared>>) offsets(%dma_start3A_130 : memref<128xi32, #tpu.memory_space<vmem>>) semaphore(%arg8 : memref<!tpu.dma_semaphore, #tpu.memory_space<semaphore_mem>>) {add = true}
          %dma_start3A_134 = arith.constant 5 : i32
          %dma_start3A_135 = arith.constant 0 : i32
          %dma_start3A_136 = tpu.memref_slice %arg5[%dma_start3A_134, %dma_start3A_135] : memref<16x128xi32, #tpu.memory_space<vmem>> -> memref<1x128xi32, #tpu.memory_space<vmem>>
          %dma_start3A_137 = tpu.memref_squeeze %dma_start3A_136 : memref<1x128xi32, #tpu.memory_space<vmem>> -> memref<128xi32, #tpu.memory_space<vmem>>
          %dma_start3A_138 = arith.constant 0 : i32
          %dma_start3A_139 = arith.constant 0 : i32
          %dma_start3A_140 = tpu.memref_slice %arg7[%dma_start3A_138, %dma_start3A_139] : memref<10240x128xf32, #tpu.memory_space<vmem_shared>> -> memref<10240x128xf32, #tpu.memory_space<vmem_shared>>
          tpu.enqueue_indirect_dma source(%arg6 : memref<128x128xf32, #tpu.memory_space<vmem>>) target(%dma_start3A_140 : memref<10240x128xf32, #tpu.memory_space<vmem_shared>>) offsets(%dma_start3A_137 : memref<128xi32, #tpu.memory_space<vmem>>) semaphore(%arg8 : memref<!tpu.dma_semaphore, #tpu.memory_space<semaphore_mem>>) {add = true}
          %dma_start3A_141 = arith.constant 6 : i32
          %dma_start3A_142 = arith.constant 0 : i32
          %dma_start3A_143 = tpu.memref_slice %arg5[%dma_start3A_141, %dma_start3A_142] : memref<16x128xi32, #tpu.memory_space<vmem>> -> memref<1x128xi32, #tpu.memory_space<vmem>>
          %dma_start3A_144 = tpu.memref_squeeze %dma_start3A_143 : memref<1x128xi32, #tpu.memory_space<vmem>> -> memref<128xi32, #tpu.memory_space<vmem>>
          %dma_start3A_145 = arith.constant 0 : i32
          %dma_start3A_146 = arith.constant 0 : i32
          %dma_start3A_147 = tpu.memref_slice %arg7[%dma_start3A_145, %dma_start3A_146] : memref<10240x128xf32, #tpu.memory_space<vmem_shared>> -> memref<10240x128xf32, #tpu.memory_space<vmem_shared>>
          tpu.enqueue_indirect_dma source(%arg6 : memref<128x128xf32, #tpu.memory_space<vmem>>) target(%dma_start3A_147 : memref<10240x128xf32, #tpu.memory_space<vmem_shared>>) offsets(%dma_start3A_144 : memref<128xi32, #tpu.memory_space<vmem>>) semaphore(%arg8 : memref<!tpu.dma_semaphore, #tpu.memory_space<semaphore_mem>>) {add = true}
          %dma_start3A_148 = arith.constant 7 : i32
          %dma_start3A_149 = arith.constant 0 : i32
          %dma_start3A_150 = tpu.memref_slice %arg5[%dma_start3A_148, %dma_start3A_149] : memref<16x128xi32, #tpu.memory_space<vmem>> -> memref<1x128xi32, #tpu.memory_space<vmem>>
          %dma_start3A_151 = tpu.memref_squeeze %dma_start3A_150 : memref<1x128xi32, #tpu.memory_space<vmem>> -> memref<128xi32, #tpu.memory_space<vmem>>
          %dma_start3A_152 = arith.constant 0 : i32
          %dma_start3A_153 = arith.constant 0 : i32
          %dma_start3A_154 = tpu.memref_slice %arg7[%dma_start3A_152, %dma_start3A_153] : memref<10240x128xf32, #tpu.memory_space<vmem_shared>> -> memref<10240x128xf32, #tpu.memory_space<vmem_shared>>
          tpu.enqueue_indirect_dma source(%arg6 : memref<128x128xf32, #tpu.memory_space<vmem>>) target(%dma_start3A_154 : memref<10240x128xf32, #tpu.memory_space<vmem_shared>>) offsets(%dma_start3A_151 : memref<128xi32, #tpu.memory_space<vmem>>) semaphore(%arg8 : memref<!tpu.dma_semaphore, #tpu.memory_space<semaphore_mem>>) {add = true}
          %dma_start3A_155 = arith.constant 8 : i32
          %dma_start3A_156 = arith.constant 0 : i32
          %dma_start3A_157 = tpu.memref_slice %arg5[%dma_start3A_155, %dma_start3A_156] : memref<16x128xi32, #tpu.memory_space<vmem>> -> memref<1x128xi32, #tpu.memory_space<vmem>>
          %dma_start3A_158 = tpu.memref_squeeze %dma_start3A_157 : memref<1x128xi32, #tpu.memory_space<vmem>> -> memref<128xi32, #tpu.memory_space<vmem>>
          %dma_start3A_159 = arith.constant 0 : i32
          %dma_start3A_160 = arith.constant 0 : i32
          %dma_start3A_161 = tpu.memref_slice %arg7[%dma_start3A_159, %dma_start3A_160] : memref<10240x128xf32, #tpu.memory_space<vmem_shared>> -> memref<10240x128xf32, #tpu.memory_space<vmem_shared>>
          tpu.enqueue_indirect_dma source(%arg6 : memref<128x128xf32, #tpu.memory_space<vmem>>) target(%dma_start3A_161 : memref<10240x128xf32, #tpu.memory_space<vmem_shared>>) offsets(%dma_start3A_158 : memref<128xi32, #tpu.memory_space<vmem>>) semaphore(%arg8 : memref<!tpu.dma_semaphore, #tpu.memory_space<semaphore_mem>>) {add = true}
          %dma_start3A_162 = arith.constant 9 : i32
          %dma_start3A_163 = arith.constant 0 : i32
          %dma_start3A_164 = tpu.memref_slice %arg5[%dma_start3A_162, %dma_start3A_163] : memref<16x128xi32, #tpu.memory_space<vmem>> -> memref<1x128xi32, #tpu.memory_space<vmem>>
          %dma_start3A_165 = tpu.memref_squeeze %dma_start3A_164 : memref<1x128xi32, #tpu.memory_space<vmem>> -> memref<128xi32, #tpu.memory_space<vmem>>
          %dma_start3A_166 = arith.constant 0 : i32
          %dma_start3A_167 = arith.constant 0 : i32
          %dma_start3A_168 = tpu.memref_slice %arg7[%dma_start3A_166, %dma_start3A_167] : memref<10240x128xf32, #tpu.memory_space<vmem_shared>> -> memref<10240x128xf32, #tpu.memory_space<vmem_shared>>
          tpu.enqueue_indirect_dma source(%arg6 : memref<128x128xf32, #tpu.memory_space<vmem>>) target(%dma_start3A_168 : memref<10240x128xf32, #tpu.memory_space<vmem_shared>>) offsets(%dma_start3A_165 : memref<128xi32, #tpu.memory_space<vmem>>) semaphore(%arg8 : memref<!tpu.dma_semaphore, #tpu.memory_space<semaphore_mem>>) {add = true}
          %dma_start3A_169 = arith.constant 10 : i32
          %dma_start3A_170 = arith.constant 0 : i32
          %dma_start3A_171 = tpu.memref_slice %arg5[%dma_start3A_169, %dma_start3A_170] : memref<16x128xi32, #tpu.memory_space<vmem>> -> memref<1x128xi32, #tpu.memory_space<vmem>>
          %dma_start3A_172 = tpu.memref_squeeze %dma_start3A_171 : memref<1x128xi32, #tpu.memory_space<vmem>> -> memref<128xi32, #tpu.memory_space<vmem>>
          %dma_start3A_173 = arith.constant 0 : i32
          %dma_start3A_174 = arith.constant 0 : i32
          %dma_start3A_175 = tpu.memref_slice %arg7[%dma_start3A_173, %dma_start3A_174] : memref<10240x128xf32, #tpu.memory_space<vmem_shared>> -> memref<10240x128xf32, #tpu.memory_space<vmem_shared>>
          tpu.enqueue_indirect_dma source(%arg6 : memref<128x128xf32, #tpu.memory_space<vmem>>) target(%dma_start3A_175 : memref<10240x128xf32, #tpu.memory_space<vmem_shared>>) offsets(%dma_start3A_172 : memref<128xi32, #tpu.memory_space<vmem>>) semaphore(%arg8 : memref<!tpu.dma_semaphore, #tpu.memory_space<semaphore_mem>>) {add = true}
          %dma_start3A_176 = arith.constant 11 : i32
          %dma_start3A_177 = arith.constant 0 : i32
          %dma_start3A_178 = tpu.memref_slice %arg5[%dma_start3A_176, %dma_start3A_177] : memref<16x128xi32, #tpu.memory_space<vmem>> -> memref<1x128xi32, #tpu.memory_space<vmem>>
          %dma_start3A_179 = tpu.memref_squeeze %dma_start3A_178 : memref<1x128xi32, #tpu.memory_space<vmem>> -> memref<128xi32, #tpu.memory_space<vmem>>
          %dma_start3A_180 = arith.constant 0 : i32
          %dma_start3A_181 = arith.constant 0 : i32
          %dma_start3A_182 = tpu.memref_slice %arg7[%dma_start3A_180, %dma_start3A_181] : memref<10240x128xf32, #tpu.memory_space<vmem_shared>> -> memref<10240x128xf32, #tpu.memory_space<vmem_shared>>
          tpu.enqueue_indirect_dma source(%arg6 : memref<128x128xf32, #tpu.memory_space<vmem>>) target(%dma_start3A_182 : memref<10240x128xf32, #tpu.memory_space<vmem_shared>>) offsets(%dma_start3A_179 : memref<128xi32, #tpu.memory_space<vmem>>) semaphore(%arg8 : memref<!tpu.dma_semaphore, #tpu.memory_space<semaphore_mem>>) {add = true}
          %dma_start3A_183 = arith.constant 12 : i32
          %dma_start3A_184 = arith.constant 0 : i32
          %dma_start3A_185 = tpu.memref_slice %arg5[%dma_start3A_183, %dma_start3A_184] : memref<16x128xi32, #tpu.memory_space<vmem>> -> memref<1x128xi32, #tpu.memory_space<vmem>>
          %dma_start3A_186 = tpu.memref_squeeze %dma_start3A_185 : memref<1x128xi32, #tpu.memory_space<vmem>> -> memref<128xi32, #tpu.memory_space<vmem>>
          %dma_start3A_187 = arith.constant 0 : i32
          %dma_start3A_188 = arith.constant 0 : i32
          %dma_start3A_189 = tpu.memref_slice %arg7[%dma_start3A_187, %dma_start3A_188] : memref<10240x128xf32, #tpu.memory_space<vmem_shared>> -> memref<10240x128xf32, #tpu.memory_space<vmem_shared>>
          tpu.enqueue_indirect_dma source(%arg6 : memref<128x128xf32, #tpu.memory_space<vmem>>) target(%dma_start3A_189 : memref<10240x128xf32, #tpu.memory_space<vmem_shared>>) offsets(%dma_start3A_186 : memref<128xi32, #tpu.memory_space<vmem>>) semaphore(%arg8 : memref<!tpu.dma_semaphore, #tpu.memory_space<semaphore_mem>>) {add = true}
          %dma_start3A_190 = arith.constant 13 : i32
          %dma_start3A_191 = arith.constant 0 : i32
          %dma_start3A_192 = tpu.memref_slice %arg5[%dma_start3A_190, %dma_start3A_191] : memref<16x128xi32, #tpu.memory_space<vmem>> -> memref<1x128xi32, #tpu.memory_space<vmem>>
          %dma_start3A_193 = tpu.memref_squeeze %dma_start3A_192 : memref<1x128xi32, #tpu.memory_space<vmem>> -> memref<128xi32, #tpu.memory_space<vmem>>
          %dma_start3A_194 = arith.constant 0 : i32
          %dma_start3A_195 = arith.constant 0 : i32
          %dma_start3A_196 = tpu.memref_slice %arg7[%dma_start3A_194, %dma_start3A_195] : memref<10240x128xf32, #tpu.memory_space<vmem_shared>> -> memref<10240x128xf32, #tpu.memory_space<vmem_shared>>
          tpu.enqueue_indirect_dma source(%arg6 : memref<128x128xf32, #tpu.memory_space<vmem>>) target(%dma_start3A_196 : memref<10240x128xf32, #tpu.memory_space<vmem_shared>>) offsets(%dma_start3A_193 : memref<128xi32, #tpu.memory_space<vmem>>) semaphore(%arg8 : memref<!tpu.dma_semaphore, #tpu.memory_space<semaphore_mem>>) {add = true}
          %dma_start3A_197 = arith.constant 14 : i32
          %dma_start3A_198 = arith.constant 0 : i32
          %dma_start3A_199 = tpu.memref_slice %arg5[%dma_start3A_197, %dma_start3A_198] : memref<16x128xi32, #tpu.memory_space<vmem>> -> memref<1x128xi32, #tpu.memory_space<vmem>>
          %dma_start3A_200 = tpu.memref_squeeze %dma_start3A_199 : memref<1x128xi32, #tpu.memory_space<vmem>> -> memref<128xi32, #tpu.memory_space<vmem>>
          %dma_start3A_201 = arith.constant 0 : i32
          %dma_start3A_202 = arith.constant 0 : i32
          %dma_start3A_203 = tpu.memref_slice %arg7[%dma_start3A_201, %dma_start3A_202] : memref<10240x128xf32, #tpu.memory_space<vmem_shared>> -> memref<10240x128xf32, #tpu.memory_space<vmem_shared>>
          tpu.enqueue_indirect_dma source(%arg6 : memref<128x128xf32, #tpu.memory_space<vmem>>) target(%dma_start3A_203 : memref<10240x128xf32, #tpu.memory_space<vmem_shared>>) offsets(%dma_start3A_200 : memref<128xi32, #tpu.memory_space<vmem>>) semaphore(%arg8 : memref<!tpu.dma_semaphore, #tpu.memory_space<semaphore_mem>>) {add = true}
          %dma_start3A_204 = arith.constant 15 : i32
          %dma_start3A_205 = arith.constant 0 : i32
          %dma_start3A_206 = tpu.memref_slice %arg5[%dma_start3A_204, %dma_start3A_205] : memref<16x128xi32, #tpu.memory_space<vmem>> -> memref<1x128xi32, #tpu.memory_space<vmem>>
          %dma_start3A_207 = tpu.memref_squeeze %dma_start3A_206 : memref<1x128xi32, #tpu.memory_space<vmem>> -> memref<128xi32, #tpu.memory_space<vmem>>
          %dma_start3A_208 = arith.constant 0 : i32
          %dma_start3A_209 = arith.constant 0 : i32
          %dma_start3A_210 = tpu.memref_slice %arg7[%dma_start3A_208, %dma_start3A_209] : memref<10240x128xf32, #tpu.memory_space<vmem_shared>> -> memref<10240x128xf32, #tpu.memory_space<vmem_shared>>
          tpu.enqueue_indirect_dma source(%arg6 : memref<128x128xf32, #tpu.memory_space<vmem>>) target(%dma_start3A_210 : memref<10240x128xf32, #tpu.memory_space<vmem_shared>>) offsets(%dma_start3A_207 : memref<128xi32, #tpu.memory_space<vmem>>) semaphore(%arg8 : memref<!tpu.dma_semaphore, #tpu.memory_space<semaphore_mem>>) {add = true}
          %dma_wait3A = arith.constant 0 : i32
          %dma_wait3A_211 = arith.constant 0 : i32
          %dma_wait3A_212 = tpu.memref_slice %arg5[%dma_wait3A, %dma_wait3A_211] : memref<16x128xi32, #tpu.memory_space<vmem>> -> memref<1x128xi32, #tpu.memory_space<vmem>>
          %dma_wait3A_213 = tpu.memref_squeeze %dma_wait3A_212 : memref<1x128xi32, #tpu.memory_space<vmem>> -> memref<128xi32, #tpu.memory_space<vmem>>
          %dma_wait3A_214 = arith.constant 0 : i32
          %dma_wait3A_215 = arith.constant 0 : i32
          %dma_wait3A_216 = tpu.memref_slice %arg7[%dma_wait3A_214, %dma_wait3A_215] : memref<10240x128xf32, #tpu.memory_space<vmem_shared>> -> memref<10240x128xf32, #tpu.memory_space<vmem_shared>>
          tpu.wait_indirect_dma semaphore(%arg8 : memref<!tpu.dma_semaphore, #tpu.memory_space<semaphore_mem>>) src(%arg6 : memref<128x128xf32, #tpu.memory_space<vmem>>) dst(%dma_wait3A_216 : memref<10240x128xf32, #tpu.memory_space<vmem_shared>>)
          %dma_wait3A_217 = arith.constant 1 : i32
          %dma_wait3A_218 = arith.constant 0 : i32
          %dma_wait3A_219 = tpu.memref_slice %arg5[%dma_wait3A_217, %dma_wait3A_218] : memref<16x128xi32, #tpu.memory_space<vmem>> -> memref<1x128xi32, #tpu.memory_space<vmem>>
          %dma_wait3A_220 = tpu.memref_squeeze %dma_wait3A_219 : memref<1x128xi32, #tpu.memory_space<vmem>> -> memref<128xi32, #tpu.memory_space<vmem>>
          %dma_wait3A_221 = arith.constant 0 : i32
          %dma_wait3A_222 = arith.constant 0 : i32
          %dma_wait3A_223 = tpu.memref_slice %arg7[%dma_wait3A_221, %dma_wait3A_222] : memref<10240x128xf32, #tpu.memory_space<vmem_shared>> -> memref<10240x128xf32, #tpu.memory_space<vmem_shared>>
          tpu.wait_indirect_dma semaphore(%arg8 : memref<!tpu.dma_semaphore, #tpu.memory_space<semaphore_mem>>) src(%arg6 : memref<128x128xf32, #tpu.memory_space<vmem>>) dst(%dma_wait3A_223 : memref<10240x128xf32, #tpu.memory_space<vmem_shared>>)
          %dma_wait3A_224 = arith.constant 2 : i32
          %dma_wait3A_225 = arith.constant 0 : i32
          %dma_wait3A_226 = tpu.memref_slice %arg5[%dma_wait3A_224, %dma_wait3A_225] : memref<16x128xi32, #tpu.memory_space<vmem>> -> memref<1x128xi32, #tpu.memory_space<vmem>>
          %dma_wait3A_227 = tpu.memref_squeeze %dma_wait3A_226 : memref<1x128xi32, #tpu.memory_space<vmem>> -> memref<128xi32, #tpu.memory_space<vmem>>
          %dma_wait3A_228 = arith.constant 0 : i32
          %dma_wait3A_229 = arith.constant 0 : i32
          %dma_wait3A_230 = tpu.memref_slice %arg7[%dma_wait3A_228, %dma_wait3A_229] : memref<10240x128xf32, #tpu.memory_space<vmem_shared>> -> memref<10240x128xf32, #tpu.memory_space<vmem_shared>>
          tpu.wait_indirect_dma semaphore(%arg8 : memref<!tpu.dma_semaphore, #tpu.memory_space<semaphore_mem>>) src(%arg6 : memref<128x128xf32, #tpu.memory_space<vmem>>) dst(%dma_wait3A_230 : memref<10240x128xf32, #tpu.memory_space<vmem_shared>>)
          %dma_wait3A_231 = arith.constant 3 : i32
          %dma_wait3A_232 = arith.constant 0 : i32
          %dma_wait3A_233 = tpu.memref_slice %arg5[%dma_wait3A_231, %dma_wait3A_232] : memref<16x128xi32, #tpu.memory_space<vmem>> -> memref<1x128xi32, #tpu.memory_space<vmem>>
          %dma_wait3A_234 = tpu.memref_squeeze %dma_wait3A_233 : memref<1x128xi32, #tpu.memory_space<vmem>> -> memref<128xi32, #tpu.memory_space<vmem>>
          %dma_wait3A_235 = arith.constant 0 : i32
          %dma_wait3A_236 = arith.constant 0 : i32
          %dma_wait3A_237 = tpu.memref_slice %arg7[%dma_wait3A_235, %dma_wait3A_236] : memref<10240x128xf32, #tpu.memory_space<vmem_shared>> -> memref<10240x128xf32, #tpu.memory_space<vmem_shared>>
          tpu.wait_indirect_dma semaphore(%arg8 : memref<!tpu.dma_semaphore, #tpu.memory_space<semaphore_mem>>) src(%arg6 : memref<128x128xf32, #tpu.memory_space<vmem>>) dst(%dma_wait3A_237 : memref<10240x128xf32, #tpu.memory_space<vmem_shared>>)
          %dma_wait3A_238 = arith.constant 4 : i32
          %dma_wait3A_239 = arith.constant 0 : i32
          %dma_wait3A_240 = tpu.memref_slice %arg5[%dma_wait3A_238, %dma_wait3A_239] : memref<16x128xi32, #tpu.memory_space<vmem>> -> memref<1x128xi32, #tpu.memory_space<vmem>>
          %dma_wait3A_241 = tpu.memref_squeeze %dma_wait3A_240 : memref<1x128xi32, #tpu.memory_space<vmem>> -> memref<128xi32, #tpu.memory_space<vmem>>
          %dma_wait3A_242 = arith.constant 0 : i32
          %dma_wait3A_243 = arith.constant 0 : i32
          %dma_wait3A_244 = tpu.memref_slice %arg7[%dma_wait3A_242, %dma_wait3A_243] : memref<10240x128xf32, #tpu.memory_space<vmem_shared>> -> memref<10240x128xf32, #tpu.memory_space<vmem_shared>>
          tpu.wait_indirect_dma semaphore(%arg8 : memref<!tpu.dma_semaphore, #tpu.memory_space<semaphore_mem>>) src(%arg6 : memref<128x128xf32, #tpu.memory_space<vmem>>) dst(%dma_wait3A_244 : memref<10240x128xf32, #tpu.memory_space<vmem_shared>>)
          %dma_wait3A_245 = arith.constant 5 : i32
          %dma_wait3A_246 = arith.constant 0 : i32
          %dma_wait3A_247 = tpu.memref_slice %arg5[%dma_wait3A_245, %dma_wait3A_246] : memref<16x128xi32, #tpu.memory_space<vmem>> -> memref<1x128xi32, #tpu.memory_space<vmem>>
          %dma_wait3A_248 = tpu.memref_squeeze %dma_wait3A_247 : memref<1x128xi32, #tpu.memory_space<vmem>> -> memref<128xi32, #tpu.memory_space<vmem>>
          %dma_wait3A_249 = arith.constant 0 : i32
          %dma_wait3A_250 = arith.constant 0 : i32
          %dma_wait3A_251 = tpu.memref_slice %arg7[%dma_wait3A_249, %dma_wait3A_250] : memref<10240x128xf32, #tpu.memory_space<vmem_shared>> -> memref<10240x128xf32, #tpu.memory_space<vmem_shared>>
          tpu.wait_indirect_dma semaphore(%arg8 : memref<!tpu.dma_semaphore, #tpu.memory_space<semaphore_mem>>) src(%arg6 : memref<128x128xf32, #tpu.memory_space<vmem>>) dst(%dma_wait3A_251 : memref<10240x128xf32, #tpu.memory_space<vmem_shared>>)
          %dma_wait3A_252 = arith.constant 6 : i32
          %dma_wait3A_253 = arith.constant 0 : i32
          %dma_wait3A_254 = tpu.memref_slice %arg5[%dma_wait3A_252, %dma_wait3A_253] : memref<16x128xi32, #tpu.memory_space<vmem>> -> memref<1x128xi32, #tpu.memory_space<vmem>>
          %dma_wait3A_255 = tpu.memref_squeeze %dma_wait3A_254 : memref<1x128xi32, #tpu.memory_space<vmem>> -> memref<128xi32, #tpu.memory_space<vmem>>
          %dma_wait3A_256 = arith.constant 0 : i32
          %dma_wait3A_257 = arith.constant 0 : i32
          %dma_wait3A_258 = tpu.memref_slice %arg7[%dma_wait3A_256, %dma_wait3A_257] : memref<10240x128xf32, #tpu.memory_space<vmem_shared>> -> memref<10240x128xf32, #tpu.memory_space<vmem_shared>>
          tpu.wait_indirect_dma semaphore(%arg8 : memref<!tpu.dma_semaphore, #tpu.memory_space<semaphore_mem>>) src(%arg6 : memref<128x128xf32, #tpu.memory_space<vmem>>) dst(%dma_wait3A_258 : memref<10240x128xf32, #tpu.memory_space<vmem_shared>>)
          %dma_wait3A_259 = arith.constant 7 : i32
          %dma_wait3A_260 = arith.constant 0 : i32
          %dma_wait3A_261 = tpu.memref_slice %arg5[%dma_wait3A_259, %dma_wait3A_260] : memref<16x128xi32, #tpu.memory_space<vmem>> -> memref<1x128xi32, #tpu.memory_space<vmem>>
          %dma_wait3A_262 = tpu.memref_squeeze %dma_wait3A_261 : memref<1x128xi32, #tpu.memory_space<vmem>> -> memref<128xi32, #tpu.memory_space<vmem>>
          %dma_wait3A_263 = arith.constant 0 : i32
          %dma_wait3A_264 = arith.constant 0 : i32
          %dma_wait3A_265 = tpu.memref_slice %arg7[%dma_wait3A_263, %dma_wait3A_264] : memref<10240x128xf32, #tpu.memory_space<vmem_shared>> -> memref<10240x128xf32, #tpu.memory_space<vmem_shared>>
          tpu.wait_indirect_dma semaphore(%arg8 : memref<!tpu.dma_semaphore, #tpu.memory_space<semaphore_mem>>) src(%arg6 : memref<128x128xf32, #tpu.memory_space<vmem>>) dst(%dma_wait3A_265 : memref<10240x128xf32, #tpu.memory_space<vmem_shared>>)
          %dma_wait3A_266 = arith.constant 8 : i32
          %dma_wait3A_267 = arith.constant 0 : i32
          %dma_wait3A_268 = tpu.memref_slice %arg5[%dma_wait3A_266, %dma_wait3A_267] : memref<16x128xi32, #tpu.memory_space<vmem>> -> memref<1x128xi32, #tpu.memory_space<vmem>>
          %dma_wait3A_269 = tpu.memref_squeeze %dma_wait3A_268 : memref<1x128xi32, #tpu.memory_space<vmem>> -> memref<128xi32, #tpu.memory_space<vmem>>
          %dma_wait3A_270 = arith.constant 0 : i32
          %dma_wait3A_271 = arith.constant 0 : i32
          %dma_wait3A_272 = tpu.memref_slice %arg7[%dma_wait3A_270, %dma_wait3A_271] : memref<10240x128xf32, #tpu.memory_space<vmem_shared>> -> memref<10240x128xf32, #tpu.memory_space<vmem_shared>>
          tpu.wait_indirect_dma semaphore(%arg8 : memref<!tpu.dma_semaphore, #tpu.memory_space<semaphore_mem>>) src(%arg6 : memref<128x128xf32, #tpu.memory_space<vmem>>) dst(%dma_wait3A_272 : memref<10240x128xf32, #tpu.memory_space<vmem_shared>>)
          %dma_wait3A_273 = arith.constant 9 : i32
          %dma_wait3A_274 = arith.constant 0 : i32
          %dma_wait3A_275 = tpu.memref_slice %arg5[%dma_wait3A_273, %dma_wait3A_274] : memref<16x128xi32, #tpu.memory_space<vmem>> -> memref<1x128xi32, #tpu.memory_space<vmem>>
          %dma_wait3A_276 = tpu.memref_squeeze %dma_wait3A_275 : memref<1x128xi32, #tpu.memory_space<vmem>> -> memref<128xi32, #tpu.memory_space<vmem>>
          %dma_wait3A_277 = arith.constant 0 : i32
          %dma_wait3A_278 = arith.constant 0 : i32
          %dma_wait3A_279 = tpu.memref_slice %arg7[%dma_wait3A_277, %dma_wait3A_278] : memref<10240x128xf32, #tpu.memory_space<vmem_shared>> -> memref<10240x128xf32, #tpu.memory_space<vmem_shared>>
          tpu.wait_indirect_dma semaphore(%arg8 : memref<!tpu.dma_semaphore, #tpu.memory_space<semaphore_mem>>) src(%arg6 : memref<128x128xf32, #tpu.memory_space<vmem>>) dst(%dma_wait3A_279 : memref<10240x128xf32, #tpu.memory_space<vmem_shared>>)
          %dma_wait3A_280 = arith.constant 10 : i32
          %dma_wait3A_281 = arith.constant 0 : i32
          %dma_wait3A_282 = tpu.memref_slice %arg5[%dma_wait3A_280, %dma_wait3A_281] : memref<16x128xi32, #tpu.memory_space<vmem>> -> memref<1x128xi32, #tpu.memory_space<vmem>>
          %dma_wait3A_283 = tpu.memref_squeeze %dma_wait3A_282 : memref<1x128xi32, #tpu.memory_space<vmem>> -> memref<128xi32, #tpu.memory_space<vmem>>
          %dma_wait3A_284 = arith.constant 0 : i32
          %dma_wait3A_285 = arith.constant 0 : i32
          %dma_wait3A_286 = tpu.memref_slice %arg7[%dma_wait3A_284, %dma_wait3A_285] : memref<10240x128xf32, #tpu.memory_space<vmem_shared>> -> memref<10240x128xf32, #tpu.memory_space<vmem_shared>>
          tpu.wait_indirect_dma semaphore(%arg8 : memref<!tpu.dma_semaphore, #tpu.memory_space<semaphore_mem>>) src(%arg6 : memref<128x128xf32, #tpu.memory_space<vmem>>) dst(%dma_wait3A_286 : memref<10240x128xf32, #tpu.memory_space<vmem_shared>>)
          %dma_wait3A_287 = arith.constant 11 : i32
          %dma_wait3A_288 = arith.constant 0 : i32
          %dma_wait3A_289 = tpu.memref_slice %arg5[%dma_wait3A_287, %dma_wait3A_288] : memref<16x128xi32, #tpu.memory_space<vmem>> -> memref<1x128xi32, #tpu.memory_space<vmem>>
          %dma_wait3A_290 = tpu.memref_squeeze %dma_wait3A_289 : memref<1x128xi32, #tpu.memory_space<vmem>> -> memref<128xi32, #tpu.memory_space<vmem>>
          %dma_wait3A_291 = arith.constant 0 : i32
          %dma_wait3A_292 = arith.constant 0 : i32
          %dma_wait3A_293 = tpu.memref_slice %arg7[%dma_wait3A_291, %dma_wait3A_292] : memref<10240x128xf32, #tpu.memory_space<vmem_shared>> -> memref<10240x128xf32, #tpu.memory_space<vmem_shared>>
          tpu.wait_indirect_dma semaphore(%arg8 : memref<!tpu.dma_semaphore, #tpu.memory_space<semaphore_mem>>) src(%arg6 : memref<128x128xf32, #tpu.memory_space<vmem>>) dst(%dma_wait3A_293 : memref<10240x128xf32, #tpu.memory_space<vmem_shared>>)
          %dma_wait3A_294 = arith.constant 12 : i32
          %dma_wait3A_295 = arith.constant 0 : i32
          %dma_wait3A_296 = tpu.memref_slice %arg5[%dma_wait3A_294, %dma_wait3A_295] : memref<16x128xi32, #tpu.memory_space<vmem>> -> memref<1x128xi32, #tpu.memory_space<vmem>>
          %dma_wait3A_297 = tpu.memref_squeeze %dma_wait3A_296 : memref<1x128xi32, #tpu.memory_space<vmem>> -> memref<128xi32, #tpu.memory_space<vmem>>
          %dma_wait3A_298 = arith.constant 0 : i32
          %dma_wait3A_299 = arith.constant 0 : i32
          %dma_wait3A_300 = tpu.memref_slice %arg7[%dma_wait3A_298, %dma_wait3A_299] : memref<10240x128xf32, #tpu.memory_space<vmem_shared>> -> memref<10240x128xf32, #tpu.memory_space<vmem_shared>>
          tpu.wait_indirect_dma semaphore(%arg8 : memref<!tpu.dma_semaphore, #tpu.memory_space<semaphore_mem>>) src(%arg6 : memref<128x128xf32, #tpu.memory_space<vmem>>) dst(%dma_wait3A_300 : memref<10240x128xf32, #tpu.memory_space<vmem_shared>>)
          %dma_wait3A_301 = arith.constant 13 : i32
          %dma_wait3A_302 = arith.constant 0 : i32
          %dma_wait3A_303 = tpu.memref_slice %arg5[%dma_wait3A_301, %dma_wait3A_302] : memref<16x128xi32, #tpu.memory_space<vmem>> -> memref<1x128xi32, #tpu.memory_space<vmem>>
          %dma_wait3A_304 = tpu.memref_squeeze %dma_wait3A_303 : memref<1x128xi32, #tpu.memory_space<vmem>> -> memref<128xi32, #tpu.memory_space<vmem>>
          %dma_wait3A_305 = arith.constant 0 : i32
          %dma_wait3A_306 = arith.constant 0 : i32
          %dma_wait3A_307 = tpu.memref_slice %arg7[%dma_wait3A_305, %dma_wait3A_306] : memref<10240x128xf32, #tpu.memory_space<vmem_shared>> -> memref<10240x128xf32, #tpu.memory_space<vmem_shared>>
          tpu.wait_indirect_dma semaphore(%arg8 : memref<!tpu.dma_semaphore, #tpu.memory_space<semaphore_mem>>) src(%arg6 : memref<128x128xf32, #tpu.memory_space<vmem>>) dst(%dma_wait3A_307 : memref<10240x128xf32, #tpu.memory_space<vmem_shared>>)
          %dma_wait3A_308 = arith.constant 14 : i32
          %dma_wait3A_309 = arith.constant 0 : i32
          %dma_wait3A_310 = tpu.memref_slice %arg5[%dma_wait3A_308, %dma_wait3A_309] : memref<16x128xi32, #tpu.memory_space<vmem>> -> memref<1x128xi32, #tpu.memory_space<vmem>>
          %dma_wait3A_311 = tpu.memref_squeeze %dma_wait3A_310 : memref<1x128xi32, #tpu.memory_space<vmem>> -> memref<128xi32, #tpu.memory_space<vmem>>
          %dma_wait3A_312 = arith.constant 0 : i32
          %dma_wait3A_313 = arith.constant 0 : i32
          %dma_wait3A_314 = tpu.memref_slice %arg7[%dma_wait3A_312, %dma_wait3A_313] : memref<10240x128xf32, #tpu.memory_space<vmem_shared>> -> memref<10240x128xf32, #tpu.memory_space<vmem_shared>>
          tpu.wait_indirect_dma semaphore(%arg8 : memref<!tpu.dma_semaphore, #tpu.memory_space<semaphore_mem>>) src(%arg6 : memref<128x128xf32, #tpu.memory_space<vmem>>) dst(%dma_wait3A_314 : memref<10240x128xf32, #tpu.memory_space<vmem_shared>>)
          %dma_wait3A_315 = arith.constant 15 : i32
          %dma_wait3A_316 = arith.constant 0 : i32
          %dma_wait3A_317 = tpu.memref_slice %arg5[%dma_wait3A_315, %dma_wait3A_316] : memref<16x128xi32, #tpu.memory_space<vmem>> -> memref<1x128xi32, #tpu.memory_space<vmem>>
          %dma_wait3A_318 = tpu.memref_squeeze %dma_wait3A_317 : memref<1x128xi32, #tpu.memory_space<vmem>> -> memref<128xi32, #tpu.memory_space<vmem>>
          %dma_wait3A_319 = arith.constant 0 : i32
          %dma_wait3A_320 = arith.constant 0 : i32
          %dma_wait3A_321 = tpu.memref_slice %arg7[%dma_wait3A_319, %dma_wait3A_320] : memref<10240x128xf32, #tpu.memory_space<vmem_shared>> -> memref<10240x128xf32, #tpu.memory_space<vmem_shared>>
          tpu.wait_indirect_dma semaphore(%arg8 : memref<!tpu.dma_semaphore, #tpu.memory_space<semaphore_mem>>) src(%arg6 : memref<128x128xf32, #tpu.memory_space<vmem>>) dst(%dma_wait3A_321 : memref<10240x128xf32, #tpu.memory_space<vmem_shared>>)
        } else {
        }
        %scan3A_94 = arith.constant 0 : i32
        scf.yield %scan3A_94 : i32
      }
      %scan3A_83 = arith.constant 10 : i32
      %eq3A_84 = arith.constant 15 : i32
      %eq3A_85 = arith.cmpi eq, %arg1, %eq3A_84 : i32
      %convert_element_type3A_86 = arith.extui %eq3A_85 : i1 to i32
      %cond3A_87 = arith.constant 0 : i32
      %cond3A_88 = arith.cmpi ne, %convert_element_type3A_86, %cond3A_87 : i32
      scf.if %cond3A_88 {
        "tpu.region"() ({
          %run_scoped3A_92 = tpu.sem_alloc : memref<!tpu.dma_semaphore, #tpu.memory_space<semaphore_mem>>
          %dma_start3A = arith.constant 0 : i32
          %dma_start3A_93 = arith.constant 0 : i32
          %dma_start3A_94 = tpu.memref_slice %arg5[%dma_start3A, %dma_start3A_93] : memref<16x128xi32, #tpu.memory_space<vmem>> -> memref<4x128xi32, #tpu.memory_space<vmem>>
          %dma_start3A_95 = arith.constant 2496 : i32
          %dma_start3A_96 = arith.constant 0 : i32
          %dma_start3A_97 = tpu.memref_slice %arg2[%dma_start3A_95, %dma_start3A_96] : memref<2500x128xi32, #tpu.memory_space<hbm>> -> memref<4x128xi32, #tpu.memory_space<hbm>>
          %dma_start3A_98 = arith.constant 0 : i32
          %dma_start3A_99 = arith.constant 0 : i32
          %dma_start3A_100 = tpu.memref_slice %arg5[%dma_start3A_98, %dma_start3A_99] : memref<16x128xi32, #tpu.memory_space<vmem>> -> memref<4x128xi32, #tpu.memory_space<vmem>>
          %dma_start3A_101 = arith.constant 2496 : i32
          %dma_start3A_102 = arith.constant 0 : i32
          %dma_start3A_103 = tpu.memref_slice %arg2[%dma_start3A_101, %dma_start3A_102] : memref<2500x128xi32, #tpu.memory_space<hbm>> -> memref<4x128xi32, #tpu.memory_space<hbm>>
          tpu.enqueue_dma source(%dma_start3A_103 : memref<4x128xi32, #tpu.memory_space<hbm>>) target(%dma_start3A_100 : memref<4x128xi32, #tpu.memory_space<vmem>>) target_semaphore(%run_scoped3A_92 : memref<!tpu.dma_semaphore, #tpu.memory_space<semaphore_mem>>)
          %dma_wait3A = arith.constant 0 : i32
          %dma_wait3A_104 = arith.constant 0 : i32
          %dma_wait3A_105 = tpu.memref_slice %arg5[%dma_wait3A, %dma_wait3A_104] : memref<16x128xi32, #tpu.memory_space<vmem>> -> memref<4x128xi32, #tpu.memory_space<vmem>>
          %dma_wait3A_106 = arith.constant 2496 : i32
          %dma_wait3A_107 = arith.constant 0 : i32
          %dma_wait3A_108 = tpu.memref_slice %arg2[%dma_wait3A_106, %dma_wait3A_107] : memref<2500x128xi32, #tpu.memory_space<hbm>> -> memref<4x128xi32, #tpu.memory_space<hbm>>
          %dma_wait3A_109 = arith.constant 0 : i32
          %dma_wait3A_110 = arith.constant 0 : i32
          %dma_wait3A_111 = tpu.memref_slice %arg5[%dma_wait3A_109, %dma_wait3A_110] : memref<16x128xi32, #tpu.memory_space<vmem>> -> memref<4x128xi32, #tpu.memory_space<vmem>>
          %dma_wait3A_112 = arith.constant 2496 : i32
          %dma_wait3A_113 = arith.constant 0 : i32
          %dma_wait3A_114 = tpu.memref_slice %arg2[%dma_wait3A_112, %dma_wait3A_113] : memref<2500x128xi32, #tpu.memory_space<hbm>> -> memref<4x128xi32, #tpu.memory_space<hbm>>
          tpu.wait_dma2 semaphore(%run_scoped3A_92 : memref<!tpu.dma_semaphore, #tpu.memory_space<semaphore_mem>>) src(%dma_wait3A_114 : memref<4x128xi32, #tpu.memory_space<hbm>>) dst(%dma_wait3A_111 : memref<4x128xi32, #tpu.memory_space<vmem>>)
          tpu.yield
        }) : () -> ()
        %run_scoped3A = arith.constant 0 : i32
        "tpu.region"() ({
          %run_scoped3A_92 = tpu.sem_alloc : memref<!tpu.dma_semaphore, #tpu.memory_space<semaphore_mem>>
          %dma_start3A = arith.constant 0 : i32
          %dma_start3A_93 = tpu.memref_slice %arg5[%run_scoped3A, %dma_start3A] : memref<16x128xi32, #tpu.memory_space<vmem>> -> memref<1x128xi32, #tpu.memory_space<vmem>>
          %dma_start3A_94 = tpu.memref_squeeze %dma_start3A_93 : memref<1x128xi32, #tpu.memory_space<vmem>> -> memref<128xi32, #tpu.memory_space<vmem>>
          %dma_start3A_95 = arith.constant 0 : i32
          %dma_start3A_96 = arith.constant 0 : i32
          %dma_start3A_97 = tpu.memref_slice %arg7[%dma_start3A_95, %dma_start3A_96] : memref<10240x128xf32, #tpu.memory_space<vmem_shared>> -> memref<10240x128xf32, #tpu.memory_space<vmem_shared>>
          tpu.enqueue_indirect_dma source(%arg6 : memref<128x128xf32, #tpu.memory_space<vmem>>) target(%dma_start3A_97 : memref<10240x128xf32, #tpu.memory_space<vmem_shared>>) offsets(%dma_start3A_94 : memref<128xi32, #tpu.memory_space<vmem>>) semaphore(%run_scoped3A_92 : memref<!tpu.dma_semaphore, #tpu.memory_space<semaphore_mem>>) {add = true}
          %dma_wait3A = arith.constant 0 : i32
          %dma_wait3A_98 = tpu.memref_slice %arg5[%run_scoped3A, %dma_wait3A] : memref<16x128xi32, #tpu.memory_space<vmem>> -> memref<1x128xi32, #tpu.memory_space<vmem>>
          %dma_wait3A_99 = tpu.memref_squeeze %dma_wait3A_98 : memref<1x128xi32, #tpu.memory_space<vmem>> -> memref<128xi32, #tpu.memory_space<vmem>>
          %dma_wait3A_100 = arith.constant 0 : i32
          %dma_wait3A_101 = arith.constant 0 : i32
          %dma_wait3A_102 = tpu.memref_slice %arg7[%dma_wait3A_100, %dma_wait3A_101] : memref<10240x128xf32, #tpu.memory_space<vmem_shared>> -> memref<10240x128xf32, #tpu.memory_space<vmem_shared>>
          tpu.wait_indirect_dma semaphore(%run_scoped3A_92 : memref<!tpu.dma_semaphore, #tpu.memory_space<semaphore_mem>>) src(%arg6 : memref<128x128xf32, #tpu.memory_space<vmem>>) dst(%dma_wait3A_102 : memref<10240x128xf32, #tpu.memory_space<vmem_shared>>)
          tpu.yield
        }) : () -> ()
        %run_scoped3A_89 = arith.constant 1 : i32
        "tpu.region"() ({
          %run_scoped3A_92 = tpu.sem_alloc : memref<!tpu.dma_semaphore, #tpu.memory_space<semaphore_mem>>
          %dma_start3A = arith.constant 0 : i32
          %dma_start3A_93 = tpu.memref_slice %arg5[%run_scoped3A_89, %dma_start3A] : memref<16x128xi32, #tpu.memory_space<vmem>> -> memref<1x128xi32, #tpu.memory_space<vmem>>
          %dma_start3A_94 = tpu.memref_squeeze %dma_start3A_93 : memref<1x128xi32, #tpu.memory_space<vmem>> -> memref<128xi32, #tpu.memory_space<vmem>>
          %dma_start3A_95 = arith.constant 0 : i32
          %dma_start3A_96 = arith.constant 0 : i32
          %dma_start3A_97 = tpu.memref_slice %arg7[%dma_start3A_95, %dma_start3A_96] : memref<10240x128xf32, #tpu.memory_space<vmem_shared>> -> memref<10240x128xf32, #tpu.memory_space<vmem_shared>>
          tpu.enqueue_indirect_dma source(%arg6 : memref<128x128xf32, #tpu.memory_space<vmem>>) target(%dma_start3A_97 : memref<10240x128xf32, #tpu.memory_space<vmem_shared>>) offsets(%dma_start3A_94 : memref<128xi32, #tpu.memory_space<vmem>>) semaphore(%run_scoped3A_92 : memref<!tpu.dma_semaphore, #tpu.memory_space<semaphore_mem>>) {add = true}
          %dma_wait3A = arith.constant 0 : i32
          %dma_wait3A_98 = tpu.memref_slice %arg5[%run_scoped3A_89, %dma_wait3A] : memref<16x128xi32, #tpu.memory_space<vmem>> -> memref<1x128xi32, #tpu.memory_space<vmem>>
          %dma_wait3A_99 = tpu.memref_squeeze %dma_wait3A_98 : memref<1x128xi32, #tpu.memory_space<vmem>> -> memref<128xi32, #tpu.memory_space<vmem>>
          %dma_wait3A_100 = arith.constant 0 : i32
          %dma_wait3A_101 = arith.constant 0 : i32
          %dma_wait3A_102 = tpu.memref_slice %arg7[%dma_wait3A_100, %dma_wait3A_101] : memref<10240x128xf32, #tpu.memory_space<vmem_shared>> -> memref<10240x128xf32, #tpu.memory_space<vmem_shared>>
          tpu.wait_indirect_dma semaphore(%run_scoped3A_92 : memref<!tpu.dma_semaphore, #tpu.memory_space<semaphore_mem>>) src(%arg6 : memref<128x128xf32, #tpu.memory_space<vmem>>) dst(%dma_wait3A_102 : memref<10240x128xf32, #tpu.memory_space<vmem_shared>>)
          tpu.yield
        }) : () -> ()
        %run_scoped3A_90 = arith.constant 2 : i32
        "tpu.region"() ({
          %run_scoped3A_92 = tpu.sem_alloc : memref<!tpu.dma_semaphore, #tpu.memory_space<semaphore_mem>>
          %dma_start3A = arith.constant 0 : i32
          %dma_start3A_93 = tpu.memref_slice %arg5[%run_scoped3A_90, %dma_start3A] : memref<16x128xi32, #tpu.memory_space<vmem>> -> memref<1x128xi32, #tpu.memory_space<vmem>>
          %dma_start3A_94 = tpu.memref_squeeze %dma_start3A_93 : memref<1x128xi32, #tpu.memory_space<vmem>> -> memref<128xi32, #tpu.memory_space<vmem>>
          %dma_start3A_95 = arith.constant 0 : i32
          %dma_start3A_96 = arith.constant 0 : i32
          %dma_start3A_97 = tpu.memref_slice %arg7[%dma_start3A_95, %dma_start3A_96] : memref<10240x128xf32, #tpu.memory_space<vmem_shared>> -> memref<10240x128xf32, #tpu.memory_space<vmem_shared>>
          tpu.enqueue_indirect_dma source(%arg6 : memref<128x128xf32, #tpu.memory_space<vmem>>) target(%dma_start3A_97 : memref<10240x128xf32, #tpu.memory_space<vmem_shared>>) offsets(%dma_start3A_94 : memref<128xi32, #tpu.memory_space<vmem>>) semaphore(%run_scoped3A_92 : memref<!tpu.dma_semaphore, #tpu.memory_space<semaphore_mem>>) {add = true}
          %dma_wait3A = arith.constant 0 : i32
          %dma_wait3A_98 = tpu.memref_slice %arg5[%run_scoped3A_90, %dma_wait3A] : memref<16x128xi32, #tpu.memory_space<vmem>> -> memref<1x128xi32, #tpu.memory_space<vmem>>
          %dma_wait3A_99 = tpu.memref_squeeze %dma_wait3A_98 : memref<1x128xi32, #tpu.memory_space<vmem>> -> memref<128xi32, #tpu.memory_space<vmem>>
          %dma_wait3A_100 = arith.constant 0 : i32
          %dma_wait3A_101 = arith.constant 0 : i32
          %dma_wait3A_102 = tpu.memref_slice %arg7[%dma_wait3A_100, %dma_wait3A_101] : memref<10240x128xf32, #tpu.memory_space<vmem_shared>> -> memref<10240x128xf32, #tpu.memory_space<vmem_shared>>
          tpu.wait_indirect_dma semaphore(%run_scoped3A_92 : memref<!tpu.dma_semaphore, #tpu.memory_space<semaphore_mem>>) src(%arg6 : memref<128x128xf32, #tpu.memory_space<vmem>>) dst(%dma_wait3A_102 : memref<10240x128xf32, #tpu.memory_space<vmem_shared>>)
          tpu.yield
        }) : () -> ()
        %run_scoped3A_91 = arith.constant 3 : i32
        "tpu.region"() ({
          %run_scoped3A_92 = tpu.sem_alloc : memref<!tpu.dma_semaphore, #tpu.memory_space<semaphore_mem>>
          %dma_start3A = arith.constant 0 : i32
          %dma_start3A_93 = tpu.memref_slice %arg5[%run_scoped3A_91, %dma_start3A] : memref<16x128xi32, #tpu.memory_space<vmem>> -> memref<1x128xi32, #tpu.memory_space<vmem>>
          %dma_start3A_94 = tpu.memref_squeeze %dma_start3A_93 : memref<1x128xi32, #tpu.memory_space<vmem>> -> memref<128xi32, #tpu.memory_space<vmem>>
          %dma_start3A_95 = arith.constant 0 : i32
          %dma_start3A_96 = arith.constant 0 : i32
          %dma_start3A_97 = tpu.memref_slice %arg7[%dma_start3A_95, %dma_start3A_96] : memref<10240x128xf32, #tpu.memory_space<vmem_shared>> -> memref<10240x128xf32, #tpu.memory_space<vmem_shared>>
          tpu.enqueue_indirect_dma source(%arg6 : memref<128x128xf32, #tpu.memory_space<vmem>>) target(%dma_start3A_97 : memref<10240x128xf32, #tpu.memory_space<vmem_shared>>) offsets(%dma_start3A_94 : memref<128xi32, #tpu.memory_space<vmem>>) semaphore(%run_scoped3A_92 : memref<!tpu.dma_semaphore, #tpu.memory_space<semaphore_mem>>) {add = true}
          %dma_wait3A = arith.constant 0 : i32
          %dma_wait3A_98 = tpu.memref_slice %arg5[%run_scoped3A_91, %dma_wait3A] : memref<16x128xi32, #tpu.memory_space<vmem>> -> memref<1x128xi32, #tpu.memory_space<vmem>>
          %dma_wait3A_99 = tpu.memref_squeeze %dma_wait3A_98 : memref<1x128xi32, #tpu.memory_space<vmem>> -> memref<128xi32, #tpu.memory_space<vmem>>
          %dma_wait3A_100 = arith.constant 0 : i32
          %dma_wait3A_101 = arith.constant 0 : i32
          %dma_wait3A_102 = tpu.memref_slice %arg7[%dma_wait3A_100, %dma_wait3A_101] : memref<10240x128xf32, #tpu.memory_space<vmem_shared>> -> memref<10240x128xf32, #tpu.memory_space<vmem_shared>>
          tpu.wait_indirect_dma semaphore(%run_scoped3A_92 : memref<!tpu.dma_semaphore, #tpu.memory_space<semaphore_mem>>) src(%arg6 : memref<128x128xf32, #tpu.memory_space<vmem>>) dst(%dma_wait3A_102 : memref<10240x128xf32, #tpu.memory_space<vmem_shared>>)
          tpu.yield
        }) : () -> ()
      } else {
      }
    } else {
    }
    %eq3A_51 = arith.constant 1 : i32
    %eq3A_52 = arith.cmpi eq, %arg0, %eq3A_51 : i32
    %convert_element_type3A_53 = arith.extui %eq3A_52 : i1 to i32
    %cond3A_54 = arith.constant 0 : i32
    %cond3A_55 = arith.cmpi ne, %convert_element_type3A_53, %cond3A_54 : i32
    scf.if %cond3A_55 {
      %scan3A_77 = arith.constant 0 : i32
      %scan3A_78 = arith.constant 0 : i32
      %scan3A_79 = arith.constant 10 : i32
      %scan3A_80 = arith.addi %scan3A_78, %scan3A_79 : i32
      %scan3A_81 = arith.constant 1 : i32
      %scan3A_82 = scf.for %scan3A_89 = %scan3A_78 to %scan3A_80 step %scan3A_81 iter_args(%scan3A_90 = %scan3A_77) -> (i32)  : i32 {
        %lt3A = arith.cmpi slt, %scan3A_89, %select_n3A : i32
        %convert_element_type3A_91 = arith.extui %lt3A : i1 to i32
        %cond3A_92 = arith.constant 0 : i32
        %cond3A_93 = arith.cmpi ne, %convert_element_type3A_91, %cond3A_92 : i32
        scf.if %cond3A_93 {
          %mul3A_95 = arith.constant 16 : i32
          %mul3A_96 = arith.muli %mul3A_95, %scan3A_89 : i32
          %add3A_97 = arith.addi %arg1, %mul3A_96 : i32
          %mul3A_98 = arith.constant 16 : i32
          %mul3A_99 = arith.muli %add3A_97, %mul3A_98 : i32
          "tpu.region"() ({
            %run_scoped3A = tpu.sem_alloc : memref<!tpu.dma_semaphore, #tpu.memory_space<semaphore_mem>>
            %dma_start3A_322 = arith.constant 0 : i32
            %dma_start3A_323 = tpu.memref_slice %arg3[%mul3A_99, %dma_start3A_322] : memref<2500x128xi32, #tpu.memory_space<hbm>> -> memref<16x128xi32, #tpu.memory_space<hbm>>
            %dma_start3A_324 = arith.constant 0 : i32
            %dma_start3A_325 = tpu.memref_slice %arg3[%mul3A_99, %dma_start3A_324] : memref<2500x128xi32, #tpu.memory_space<hbm>> -> memref<16x128xi32, #tpu.memory_space<hbm>>
            tpu.enqueue_dma source(%dma_start3A_325 : memref<16x128xi32, #tpu.memory_space<hbm>>) target(%arg5 : memref<16x128xi32, #tpu.memory_space<vmem>>) target_semaphore(%run_scoped3A : memref<!tpu.dma_semaphore, #tpu.memory_space<semaphore_mem>>)
            %dma_wait3A_326 = arith.constant 0 : i32
            %dma_wait3A_327 = tpu.memref_slice %arg3[%mul3A_99, %dma_wait3A_326] : memref<2500x128xi32, #tpu.memory_space<hbm>> -> memref<16x128xi32, #tpu.memory_space<hbm>>
            %dma_wait3A_328 = arith.constant 0 : i32
            %dma_wait3A_329 = tpu.memref_slice %arg3[%mul3A_99, %dma_wait3A_328] : memref<2500x128xi32, #tpu.memory_space<hbm>> -> memref<16x128xi32, #tpu.memory_space<hbm>>
            tpu.wait_dma2 semaphore(%run_scoped3A : memref<!tpu.dma_semaphore, #tpu.memory_space<semaphore_mem>>) src(%dma_wait3A_329 : memref<16x128xi32, #tpu.memory_space<hbm>>) dst(%arg5 : memref<16x128xi32, #tpu.memory_space<vmem>>)
            tpu.yield
          }) : () -> ()
          %dma_start3A = arith.constant 0 : i32
          %dma_start3A_100 = arith.constant 0 : i32
          %dma_start3A_101 = tpu.memref_slice %arg5[%dma_start3A, %dma_start3A_100] : memref<16x128xi32, #tpu.memory_space<vmem>> -> memref<1x128xi32, #tpu.memory_space<vmem>>
          %dma_start3A_102 = tpu.memref_squeeze %dma_start3A_101 : memref<1x128xi32, #tpu.memory_space<vmem>> -> memref<128xi32, #tpu.memory_space<vmem>>
          %dma_start3A_103 = arith.constant 0 : i32
          %dma_start3A_104 = arith.constant 0 : i32
          %dma_start3A_105 = tpu.memref_slice %arg7[%dma_start3A_103, %dma_start3A_104] : memref<10240x128xf32, #tpu.memory_space<vmem_shared>> -> memref<10240x128xf32, #tpu.memory_space<vmem_shared>>
          tpu.enqueue_indirect_dma source(%arg6 : memref<128x128xf32, #tpu.memory_space<vmem>>) target(%dma_start3A_105 : memref<10240x128xf32, #tpu.memory_space<vmem_shared>>) offsets(%dma_start3A_102 : memref<128xi32, #tpu.memory_space<vmem>>) semaphore(%arg8 : memref<!tpu.dma_semaphore, #tpu.memory_space<semaphore_mem>>) {add = true}
          %dma_start3A_106 = arith.constant 1 : i32
          %dma_start3A_107 = arith.constant 0 : i32
          %dma_start3A_108 = tpu.memref_slice %arg5[%dma_start3A_106, %dma_start3A_107] : memref<16x128xi32, #tpu.memory_space<vmem>> -> memref<1x128xi32, #tpu.memory_space<vmem>>
          %dma_start3A_109 = tpu.memref_squeeze %dma_start3A_108 : memref<1x128xi32, #tpu.memory_space<vmem>> -> memref<128xi32, #tpu.memory_space<vmem>>
          %dma_start3A_110 = arith.constant 0 : i32
          %dma_start3A_111 = arith.constant 0 : i32
          %dma_start3A_112 = tpu.memref_slice %arg7[%dma_start3A_110, %dma_start3A_111] : memref<10240x128xf32, #tpu.memory_space<vmem_shared>> -> memref<10240x128xf32, #tpu.memory_space<vmem_shared>>
          tpu.enqueue_indirect_dma source(%arg6 : memref<128x128xf32, #tpu.memory_space<vmem>>) target(%dma_start3A_112 : memref<10240x128xf32, #tpu.memory_space<vmem_shared>>) offsets(%dma_start3A_109 : memref<128xi32, #tpu.memory_space<vmem>>) semaphore(%arg8 : memref<!tpu.dma_semaphore, #tpu.memory_space<semaphore_mem>>) {add = true}
          %dma_start3A_113 = arith.constant 2 : i32
          %dma_start3A_114 = arith.constant 0 : i32
          %dma_start3A_115 = tpu.memref_slice %arg5[%dma_start3A_113, %dma_start3A_114] : memref<16x128xi32, #tpu.memory_space<vmem>> -> memref<1x128xi32, #tpu.memory_space<vmem>>
          %dma_start3A_116 = tpu.memref_squeeze %dma_start3A_115 : memref<1x128xi32, #tpu.memory_space<vmem>> -> memref<128xi32, #tpu.memory_space<vmem>>
          %dma_start3A_117 = arith.constant 0 : i32
          %dma_start3A_118 = arith.constant 0 : i32
          %dma_start3A_119 = tpu.memref_slice %arg7[%dma_start3A_117, %dma_start3A_118] : memref<10240x128xf32, #tpu.memory_space<vmem_shared>> -> memref<10240x128xf32, #tpu.memory_space<vmem_shared>>
          tpu.enqueue_indirect_dma source(%arg6 : memref<128x128xf32, #tpu.memory_space<vmem>>) target(%dma_start3A_119 : memref<10240x128xf32, #tpu.memory_space<vmem_shared>>) offsets(%dma_start3A_116 : memref<128xi32, #tpu.memory_space<vmem>>) semaphore(%arg8 : memref<!tpu.dma_semaphore, #tpu.memory_space<semaphore_mem>>) {add = true}
          %dma_start3A_120 = arith.constant 3 : i32
          %dma_start3A_121 = arith.constant 0 : i32
          %dma_start3A_122 = tpu.memref_slice %arg5[%dma_start3A_120, %dma_start3A_121] : memref<16x128xi32, #tpu.memory_space<vmem>> -> memref<1x128xi32, #tpu.memory_space<vmem>>
          %dma_start3A_123 = tpu.memref_squeeze %dma_start3A_122 : memref<1x128xi32, #tpu.memory_space<vmem>> -> memref<128xi32, #tpu.memory_space<vmem>>
          %dma_start3A_124 = arith.constant 0 : i32
          %dma_start3A_125 = arith.constant 0 : i32
          %dma_start3A_126 = tpu.memref_slice %arg7[%dma_start3A_124, %dma_start3A_125] : memref<10240x128xf32, #tpu.memory_space<vmem_shared>> -> memref<10240x128xf32, #tpu.memory_space<vmem_shared>>
          tpu.enqueue_indirect_dma source(%arg6 : memref<128x128xf32, #tpu.memory_space<vmem>>) target(%dma_start3A_126 : memref<10240x128xf32, #tpu.memory_space<vmem_shared>>) offsets(%dma_start3A_123 : memref<128xi32, #tpu.memory_space<vmem>>) semaphore(%arg8 : memref<!tpu.dma_semaphore, #tpu.memory_space<semaphore_mem>>) {add = true}
          %dma_start3A_127 = arith.constant 4 : i32
          %dma_start3A_128 = arith.constant 0 : i32
          %dma_start3A_129 = tpu.memref_slice %arg5[%dma_start3A_127, %dma_start3A_128] : memref<16x128xi32, #tpu.memory_space<vmem>> -> memref<1x128xi32, #tpu.memory_space<vmem>>
          %dma_start3A_130 = tpu.memref_squeeze %dma_start3A_129 : memref<1x128xi32, #tpu.memory_space<vmem>> -> memref<128xi32, #tpu.memory_space<vmem>>
          %dma_start3A_131 = arith.constant 0 : i32
          %dma_start3A_132 = arith.constant 0 : i32
          %dma_start3A_133 = tpu.memref_slice %arg7[%dma_start3A_131, %dma_start3A_132] : memref<10240x128xf32, #tpu.memory_space<vmem_shared>> -> memref<10240x128xf32, #tpu.memory_space<vmem_shared>>
          tpu.enqueue_indirect_dma source(%arg6 : memref<128x128xf32, #tpu.memory_space<vmem>>) target(%dma_start3A_133 : memref<10240x128xf32, #tpu.memory_space<vmem_shared>>) offsets(%dma_start3A_130 : memref<128xi32, #tpu.memory_space<vmem>>) semaphore(%arg8 : memref<!tpu.dma_semaphore, #tpu.memory_space<semaphore_mem>>) {add = true}
          %dma_start3A_134 = arith.constant 5 : i32
          %dma_start3A_135 = arith.constant 0 : i32
          %dma_start3A_136 = tpu.memref_slice %arg5[%dma_start3A_134, %dma_start3A_135] : memref<16x128xi32, #tpu.memory_space<vmem>> -> memref<1x128xi32, #tpu.memory_space<vmem>>
          %dma_start3A_137 = tpu.memref_squeeze %dma_start3A_136 : memref<1x128xi32, #tpu.memory_space<vmem>> -> memref<128xi32, #tpu.memory_space<vmem>>
          %dma_start3A_138 = arith.constant 0 : i32
          %dma_start3A_139 = arith.constant 0 : i32
          %dma_start3A_140 = tpu.memref_slice %arg7[%dma_start3A_138, %dma_start3A_139] : memref<10240x128xf32, #tpu.memory_space<vmem_shared>> -> memref<10240x128xf32, #tpu.memory_space<vmem_shared>>
          tpu.enqueue_indirect_dma source(%arg6 : memref<128x128xf32, #tpu.memory_space<vmem>>) target(%dma_start3A_140 : memref<10240x128xf32, #tpu.memory_space<vmem_shared>>) offsets(%dma_start3A_137 : memref<128xi32, #tpu.memory_space<vmem>>) semaphore(%arg8 : memref<!tpu.dma_semaphore, #tpu.memory_space<semaphore_mem>>) {add = true}
          %dma_start3A_141 = arith.constant 6 : i32
          %dma_start3A_142 = arith.constant 0 : i32
          %dma_start3A_143 = tpu.memref_slice %arg5[%dma_start3A_141, %dma_start3A_142] : memref<16x128xi32, #tpu.memory_space<vmem>> -> memref<1x128xi32, #tpu.memory_space<vmem>>
          %dma_start3A_144 = tpu.memref_squeeze %dma_start3A_143 : memref<1x128xi32, #tpu.memory_space<vmem>> -> memref<128xi32, #tpu.memory_space<vmem>>
          %dma_start3A_145 = arith.constant 0 : i32
          %dma_start3A_146 = arith.constant 0 : i32
          %dma_start3A_147 = tpu.memref_slice %arg7[%dma_start3A_145, %dma_start3A_146] : memref<10240x128xf32, #tpu.memory_space<vmem_shared>> -> memref<10240x128xf32, #tpu.memory_space<vmem_shared>>
          tpu.enqueue_indirect_dma source(%arg6 : memref<128x128xf32, #tpu.memory_space<vmem>>) target(%dma_start3A_147 : memref<10240x128xf32, #tpu.memory_space<vmem_shared>>) offsets(%dma_start3A_144 : memref<128xi32, #tpu.memory_space<vmem>>) semaphore(%arg8 : memref<!tpu.dma_semaphore, #tpu.memory_space<semaphore_mem>>) {add = true}
          %dma_start3A_148 = arith.constant 7 : i32
          %dma_start3A_149 = arith.constant 0 : i32
          %dma_start3A_150 = tpu.memref_slice %arg5[%dma_start3A_148, %dma_start3A_149] : memref<16x128xi32, #tpu.memory_space<vmem>> -> memref<1x128xi32, #tpu.memory_space<vmem>>
          %dma_start3A_151 = tpu.memref_squeeze %dma_start3A_150 : memref<1x128xi32, #tpu.memory_space<vmem>> -> memref<128xi32, #tpu.memory_space<vmem>>
          %dma_start3A_152 = arith.constant 0 : i32
          %dma_start3A_153 = arith.constant 0 : i32
          %dma_start3A_154 = tpu.memref_slice %arg7[%dma_start3A_152, %dma_start3A_153] : memref<10240x128xf32, #tpu.memory_space<vmem_shared>> -> memref<10240x128xf32, #tpu.memory_space<vmem_shared>>
          tpu.enqueue_indirect_dma source(%arg6 : memref<128x128xf32, #tpu.memory_space<vmem>>) target(%dma_start3A_154 : memref<10240x128xf32, #tpu.memory_space<vmem_shared>>) offsets(%dma_start3A_151 : memref<128xi32, #tpu.memory_space<vmem>>) semaphore(%arg8 : memref<!tpu.dma_semaphore, #tpu.memory_space<semaphore_mem>>) {add = true}
          %dma_start3A_155 = arith.constant 8 : i32
          %dma_start3A_156 = arith.constant 0 : i32
          %dma_start3A_157 = tpu.memref_slice %arg5[%dma_start3A_155, %dma_start3A_156] : memref<16x128xi32, #tpu.memory_space<vmem>> -> memref<1x128xi32, #tpu.memory_space<vmem>>
          %dma_start3A_158 = tpu.memref_squeeze %dma_start3A_157 : memref<1x128xi32, #tpu.memory_space<vmem>> -> memref<128xi32, #tpu.memory_space<vmem>>
          %dma_start3A_159 = arith.constant 0 : i32
          %dma_start3A_160 = arith.constant 0 : i32
          %dma_start3A_161 = tpu.memref_slice %arg7[%dma_start3A_159, %dma_start3A_160] : memref<10240x128xf32, #tpu.memory_space<vmem_shared>> -> memref<10240x128xf32, #tpu.memory_space<vmem_shared>>
          tpu.enqueue_indirect_dma source(%arg6 : memref<128x128xf32, #tpu.memory_space<vmem>>) target(%dma_start3A_161 : memref<10240x128xf32, #tpu.memory_space<vmem_shared>>) offsets(%dma_start3A_158 : memref<128xi32, #tpu.memory_space<vmem>>) semaphore(%arg8 : memref<!tpu.dma_semaphore, #tpu.memory_space<semaphore_mem>>) {add = true}
          %dma_start3A_162 = arith.constant 9 : i32
          %dma_start3A_163 = arith.constant 0 : i32
          %dma_start3A_164 = tpu.memref_slice %arg5[%dma_start3A_162, %dma_start3A_163] : memref<16x128xi32, #tpu.memory_space<vmem>> -> memref<1x128xi32, #tpu.memory_space<vmem>>
          %dma_start3A_165 = tpu.memref_squeeze %dma_start3A_164 : memref<1x128xi32, #tpu.memory_space<vmem>> -> memref<128xi32, #tpu.memory_space<vmem>>
          %dma_start3A_166 = arith.constant 0 : i32
          %dma_start3A_167 = arith.constant 0 : i32
          %dma_start3A_168 = tpu.memref_slice %arg7[%dma_start3A_166, %dma_start3A_167] : memref<10240x128xf32, #tpu.memory_space<vmem_shared>> -> memref<10240x128xf32, #tpu.memory_space<vmem_shared>>
          tpu.enqueue_indirect_dma source(%arg6 : memref<128x128xf32, #tpu.memory_space<vmem>>) target(%dma_start3A_168 : memref<10240x128xf32, #tpu.memory_space<vmem_shared>>) offsets(%dma_start3A_165 : memref<128xi32, #tpu.memory_space<vmem>>) semaphore(%arg8 : memref<!tpu.dma_semaphore, #tpu.memory_space<semaphore_mem>>) {add = true}
          %dma_start3A_169 = arith.constant 10 : i32
          %dma_start3A_170 = arith.constant 0 : i32
          %dma_start3A_171 = tpu.memref_slice %arg5[%dma_start3A_169, %dma_start3A_170] : memref<16x128xi32, #tpu.memory_space<vmem>> -> memref<1x128xi32, #tpu.memory_space<vmem>>
          %dma_start3A_172 = tpu.memref_squeeze %dma_start3A_171 : memref<1x128xi32, #tpu.memory_space<vmem>> -> memref<128xi32, #tpu.memory_space<vmem>>
          %dma_start3A_173 = arith.constant 0 : i32
          %dma_start3A_174 = arith.constant 0 : i32
          %dma_start3A_175 = tpu.memref_slice %arg7[%dma_start3A_173, %dma_start3A_174] : memref<10240x128xf32, #tpu.memory_space<vmem_shared>> -> memref<10240x128xf32, #tpu.memory_space<vmem_shared>>
          tpu.enqueue_indirect_dma source(%arg6 : memref<128x128xf32, #tpu.memory_space<vmem>>) target(%dma_start3A_175 : memref<10240x128xf32, #tpu.memory_space<vmem_shared>>) offsets(%dma_start3A_172 : memref<128xi32, #tpu.memory_space<vmem>>) semaphore(%arg8 : memref<!tpu.dma_semaphore, #tpu.memory_space<semaphore_mem>>) {add = true}
          %dma_start3A_176 = arith.constant 11 : i32
          %dma_start3A_177 = arith.constant 0 : i32
          %dma_start3A_178 = tpu.memref_slice %arg5[%dma_start3A_176, %dma_start3A_177] : memref<16x128xi32, #tpu.memory_space<vmem>> -> memref<1x128xi32, #tpu.memory_space<vmem>>
          %dma_start3A_179 = tpu.memref_squeeze %dma_start3A_178 : memref<1x128xi32, #tpu.memory_space<vmem>> -> memref<128xi32, #tpu.memory_space<vmem>>
          %dma_start3A_180 = arith.constant 0 : i32
          %dma_start3A_181 = arith.constant 0 : i32
          %dma_start3A_182 = tpu.memref_slice %arg7[%dma_start3A_180, %dma_start3A_181] : memref<10240x128xf32, #tpu.memory_space<vmem_shared>> -> memref<10240x128xf32, #tpu.memory_space<vmem_shared>>
          tpu.enqueue_indirect_dma source(%arg6 : memref<128x128xf32, #tpu.memory_space<vmem>>) target(%dma_start3A_182 : memref<10240x128xf32, #tpu.memory_space<vmem_shared>>) offsets(%dma_start3A_179 : memref<128xi32, #tpu.memory_space<vmem>>) semaphore(%arg8 : memref<!tpu.dma_semaphore, #tpu.memory_space<semaphore_mem>>) {add = true}
          %dma_start3A_183 = arith.constant 12 : i32
          %dma_start3A_184 = arith.constant 0 : i32
          %dma_start3A_185 = tpu.memref_slice %arg5[%dma_start3A_183, %dma_start3A_184] : memref<16x128xi32, #tpu.memory_space<vmem>> -> memref<1x128xi32, #tpu.memory_space<vmem>>
          %dma_start3A_186 = tpu.memref_squeeze %dma_start3A_185 : memref<1x128xi32, #tpu.memory_space<vmem>> -> memref<128xi32, #tpu.memory_space<vmem>>
          %dma_start3A_187 = arith.constant 0 : i32
          %dma_start3A_188 = arith.constant 0 : i32
          %dma_start3A_189 = tpu.memref_slice %arg7[%dma_start3A_187, %dma_start3A_188] : memref<10240x128xf32, #tpu.memory_space<vmem_shared>> -> memref<10240x128xf32, #tpu.memory_space<vmem_shared>>
          tpu.enqueue_indirect_dma source(%arg6 : memref<128x128xf32, #tpu.memory_space<vmem>>) target(%dma_start3A_189 : memref<10240x128xf32, #tpu.memory_space<vmem_shared>>) offsets(%dma_start3A_186 : memref<128xi32, #tpu.memory_space<vmem>>) semaphore(%arg8 : memref<!tpu.dma_semaphore, #tpu.memory_space<semaphore_mem>>) {add = true}
          %dma_start3A_190 = arith.constant 13 : i32
          %dma_start3A_191 = arith.constant 0 : i32
          %dma_start3A_192 = tpu.memref_slice %arg5[%dma_start3A_190, %dma_start3A_191] : memref<16x128xi32, #tpu.memory_space<vmem>> -> memref<1x128xi32, #tpu.memory_space<vmem>>
          %dma_start3A_193 = tpu.memref_squeeze %dma_start3A_192 : memref<1x128xi32, #tpu.memory_space<vmem>> -> memref<128xi32, #tpu.memory_space<vmem>>
          %dma_start3A_194 = arith.constant 0 : i32
          %dma_start3A_195 = arith.constant 0 : i32
          %dma_start3A_196 = tpu.memref_slice %arg7[%dma_start3A_194, %dma_start3A_195] : memref<10240x128xf32, #tpu.memory_space<vmem_shared>> -> memref<10240x128xf32, #tpu.memory_space<vmem_shared>>
          tpu.enqueue_indirect_dma source(%arg6 : memref<128x128xf32, #tpu.memory_space<vmem>>) target(%dma_start3A_196 : memref<10240x128xf32, #tpu.memory_space<vmem_shared>>) offsets(%dma_start3A_193 : memref<128xi32, #tpu.memory_space<vmem>>) semaphore(%arg8 : memref<!tpu.dma_semaphore, #tpu.memory_space<semaphore_mem>>) {add = true}
          %dma_start3A_197 = arith.constant 14 : i32
          %dma_start3A_198 = arith.constant 0 : i32
          %dma_start3A_199 = tpu.memref_slice %arg5[%dma_start3A_197, %dma_start3A_198] : memref<16x128xi32, #tpu.memory_space<vmem>> -> memref<1x128xi32, #tpu.memory_space<vmem>>
          %dma_start3A_200 = tpu.memref_squeeze %dma_start3A_199 : memref<1x128xi32, #tpu.memory_space<vmem>> -> memref<128xi32, #tpu.memory_space<vmem>>
          %dma_start3A_201 = arith.constant 0 : i32
          %dma_start3A_202 = arith.constant 0 : i32
          %dma_start3A_203 = tpu.memref_slice %arg7[%dma_start3A_201, %dma_start3A_202] : memref<10240x128xf32, #tpu.memory_space<vmem_shared>> -> memref<10240x128xf32, #tpu.memory_space<vmem_shared>>
          tpu.enqueue_indirect_dma source(%arg6 : memref<128x128xf32, #tpu.memory_space<vmem>>) target(%dma_start3A_203 : memref<10240x128xf32, #tpu.memory_space<vmem_shared>>) offsets(%dma_start3A_200 : memref<128xi32, #tpu.memory_space<vmem>>) semaphore(%arg8 : memref<!tpu.dma_semaphore, #tpu.memory_space<semaphore_mem>>) {add = true}
          %dma_start3A_204 = arith.constant 15 : i32
          %dma_start3A_205 = arith.constant 0 : i32
          %dma_start3A_206 = tpu.memref_slice %arg5[%dma_start3A_204, %dma_start3A_205] : memref<16x128xi32, #tpu.memory_space<vmem>> -> memref<1x128xi32, #tpu.memory_space<vmem>>
          %dma_start3A_207 = tpu.memref_squeeze %dma_start3A_206 : memref<1x128xi32, #tpu.memory_space<vmem>> -> memref<128xi32, #tpu.memory_space<vmem>>
          %dma_start3A_208 = arith.constant 0 : i32
          %dma_start3A_209 = arith.constant 0 : i32
          %dma_start3A_210 = tpu.memref_slice %arg7[%dma_start3A_208, %dma_start3A_209] : memref<10240x128xf32, #tpu.memory_space<vmem_shared>> -> memref<10240x128xf32, #tpu.memory_space<vmem_shared>>
          tpu.enqueue_indirect_dma source(%arg6 : memref<128x128xf32, #tpu.memory_space<vmem>>) target(%dma_start3A_210 : memref<10240x128xf32, #tpu.memory_space<vmem_shared>>) offsets(%dma_start3A_207 : memref<128xi32, #tpu.memory_space<vmem>>) semaphore(%arg8 : memref<!tpu.dma_semaphore, #tpu.memory_space<semaphore_mem>>) {add = true}
          %dma_wait3A = arith.constant 0 : i32
          %dma_wait3A_211 = arith.constant 0 : i32
          %dma_wait3A_212 = tpu.memref_slice %arg5[%dma_wait3A, %dma_wait3A_211] : memref<16x128xi32, #tpu.memory_space<vmem>> -> memref<1x128xi32, #tpu.memory_space<vmem>>
          %dma_wait3A_213 = tpu.memref_squeeze %dma_wait3A_212 : memref<1x128xi32, #tpu.memory_space<vmem>> -> memref<128xi32, #tpu.memory_space<vmem>>
          %dma_wait3A_214 = arith.constant 0 : i32
          %dma_wait3A_215 = arith.constant 0 : i32
          %dma_wait3A_216 = tpu.memref_slice %arg7[%dma_wait3A_214, %dma_wait3A_215] : memref<10240x128xf32, #tpu.memory_space<vmem_shared>> -> memref<10240x128xf32, #tpu.memory_space<vmem_shared>>
          tpu.wait_indirect_dma semaphore(%arg8 : memref<!tpu.dma_semaphore, #tpu.memory_space<semaphore_mem>>) src(%arg6 : memref<128x128xf32, #tpu.memory_space<vmem>>) dst(%dma_wait3A_216 : memref<10240x128xf32, #tpu.memory_space<vmem_shared>>)
          %dma_wait3A_217 = arith.constant 1 : i32
          %dma_wait3A_218 = arith.constant 0 : i32
          %dma_wait3A_219 = tpu.memref_slice %arg5[%dma_wait3A_217, %dma_wait3A_218] : memref<16x128xi32, #tpu.memory_space<vmem>> -> memref<1x128xi32, #tpu.memory_space<vmem>>
          %dma_wait3A_220 = tpu.memref_squeeze %dma_wait3A_219 : memref<1x128xi32, #tpu.memory_space<vmem>> -> memref<128xi32, #tpu.memory_space<vmem>>
          %dma_wait3A_221 = arith.constant 0 : i32
          %dma_wait3A_222 = arith.constant 0 : i32
          %dma_wait3A_223 = tpu.memref_slice %arg7[%dma_wait3A_221, %dma_wait3A_222] : memref<10240x128xf32, #tpu.memory_space<vmem_shared>> -> memref<10240x128xf32, #tpu.memory_space<vmem_shared>>
          tpu.wait_indirect_dma semaphore(%arg8 : memref<!tpu.dma_semaphore, #tpu.memory_space<semaphore_mem>>) src(%arg6 : memref<128x128xf32, #tpu.memory_space<vmem>>) dst(%dma_wait3A_223 : memref<10240x128xf32, #tpu.memory_space<vmem_shared>>)
          %dma_wait3A_224 = arith.constant 2 : i32
          %dma_wait3A_225 = arith.constant 0 : i32
          %dma_wait3A_226 = tpu.memref_slice %arg5[%dma_wait3A_224, %dma_wait3A_225] : memref<16x128xi32, #tpu.memory_space<vmem>> -> memref<1x128xi32, #tpu.memory_space<vmem>>
          %dma_wait3A_227 = tpu.memref_squeeze %dma_wait3A_226 : memref<1x128xi32, #tpu.memory_space<vmem>> -> memref<128xi32, #tpu.memory_space<vmem>>
          %dma_wait3A_228 = arith.constant 0 : i32
          %dma_wait3A_229 = arith.constant 0 : i32
          %dma_wait3A_230 = tpu.memref_slice %arg7[%dma_wait3A_228, %dma_wait3A_229] : memref<10240x128xf32, #tpu.memory_space<vmem_shared>> -> memref<10240x128xf32, #tpu.memory_space<vmem_shared>>
          tpu.wait_indirect_dma semaphore(%arg8 : memref<!tpu.dma_semaphore, #tpu.memory_space<semaphore_mem>>) src(%arg6 : memref<128x128xf32, #tpu.memory_space<vmem>>) dst(%dma_wait3A_230 : memref<10240x128xf32, #tpu.memory_space<vmem_shared>>)
          %dma_wait3A_231 = arith.constant 3 : i32
          %dma_wait3A_232 = arith.constant 0 : i32
          %dma_wait3A_233 = tpu.memref_slice %arg5[%dma_wait3A_231, %dma_wait3A_232] : memref<16x128xi32, #tpu.memory_space<vmem>> -> memref<1x128xi32, #tpu.memory_space<vmem>>
          %dma_wait3A_234 = tpu.memref_squeeze %dma_wait3A_233 : memref<1x128xi32, #tpu.memory_space<vmem>> -> memref<128xi32, #tpu.memory_space<vmem>>
          %dma_wait3A_235 = arith.constant 0 : i32
          %dma_wait3A_236 = arith.constant 0 : i32
          %dma_wait3A_237 = tpu.memref_slice %arg7[%dma_wait3A_235, %dma_wait3A_236] : memref<10240x128xf32, #tpu.memory_space<vmem_shared>> -> memref<10240x128xf32, #tpu.memory_space<vmem_shared>>
          tpu.wait_indirect_dma semaphore(%arg8 : memref<!tpu.dma_semaphore, #tpu.memory_space<semaphore_mem>>) src(%arg6 : memref<128x128xf32, #tpu.memory_space<vmem>>) dst(%dma_wait3A_237 : memref<10240x128xf32, #tpu.memory_space<vmem_shared>>)
          %dma_wait3A_238 = arith.constant 4 : i32
          %dma_wait3A_239 = arith.constant 0 : i32
          %dma_wait3A_240 = tpu.memref_slice %arg5[%dma_wait3A_238, %dma_wait3A_239] : memref<16x128xi32, #tpu.memory_space<vmem>> -> memref<1x128xi32, #tpu.memory_space<vmem>>
          %dma_wait3A_241 = tpu.memref_squeeze %dma_wait3A_240 : memref<1x128xi32, #tpu.memory_space<vmem>> -> memref<128xi32, #tpu.memory_space<vmem>>
          %dma_wait3A_242 = arith.constant 0 : i32
          %dma_wait3A_243 = arith.constant 0 : i32
          %dma_wait3A_244 = tpu.memref_slice %arg7[%dma_wait3A_242, %dma_wait3A_243] : memref<10240x128xf32, #tpu.memory_space<vmem_shared>> -> memref<10240x128xf32, #tpu.memory_space<vmem_shared>>
          tpu.wait_indirect_dma semaphore(%arg8 : memref<!tpu.dma_semaphore, #tpu.memory_space<semaphore_mem>>) src(%arg6 : memref<128x128xf32, #tpu.memory_space<vmem>>) dst(%dma_wait3A_244 : memref<10240x128xf32, #tpu.memory_space<vmem_shared>>)
          %dma_wait3A_245 = arith.constant 5 : i32
          %dma_wait3A_246 = arith.constant 0 : i32
          %dma_wait3A_247 = tpu.memref_slice %arg5[%dma_wait3A_245, %dma_wait3A_246] : memref<16x128xi32, #tpu.memory_space<vmem>> -> memref<1x128xi32, #tpu.memory_space<vmem>>
          %dma_wait3A_248 = tpu.memref_squeeze %dma_wait3A_247 : memref<1x128xi32, #tpu.memory_space<vmem>> -> memref<128xi32, #tpu.memory_space<vmem>>
          %dma_wait3A_249 = arith.constant 0 : i32
          %dma_wait3A_250 = arith.constant 0 : i32
          %dma_wait3A_251 = tpu.memref_slice %arg7[%dma_wait3A_249, %dma_wait3A_250] : memref<10240x128xf32, #tpu.memory_space<vmem_shared>> -> memref<10240x128xf32, #tpu.memory_space<vmem_shared>>
          tpu.wait_indirect_dma semaphore(%arg8 : memref<!tpu.dma_semaphore, #tpu.memory_space<semaphore_mem>>) src(%arg6 : memref<128x128xf32, #tpu.memory_space<vmem>>) dst(%dma_wait3A_251 : memref<10240x128xf32, #tpu.memory_space<vmem_shared>>)
          %dma_wait3A_252 = arith.constant 6 : i32
          %dma_wait3A_253 = arith.constant 0 : i32
          %dma_wait3A_254 = tpu.memref_slice %arg5[%dma_wait3A_252, %dma_wait3A_253] : memref<16x128xi32, #tpu.memory_space<vmem>> -> memref<1x128xi32, #tpu.memory_space<vmem>>
          %dma_wait3A_255 = tpu.memref_squeeze %dma_wait3A_254 : memref<1x128xi32, #tpu.memory_space<vmem>> -> memref<128xi32, #tpu.memory_space<vmem>>
          %dma_wait3A_256 = arith.constant 0 : i32
          %dma_wait3A_257 = arith.constant 0 : i32
          %dma_wait3A_258 = tpu.memref_slice %arg7[%dma_wait3A_256, %dma_wait3A_257] : memref<10240x128xf32, #tpu.memory_space<vmem_shared>> -> memref<10240x128xf32, #tpu.memory_space<vmem_shared>>
          tpu.wait_indirect_dma semaphore(%arg8 : memref<!tpu.dma_semaphore, #tpu.memory_space<semaphore_mem>>) src(%arg6 : memref<128x128xf32, #tpu.memory_space<vmem>>) dst(%dma_wait3A_258 : memref<10240x128xf32, #tpu.memory_space<vmem_shared>>)
          %dma_wait3A_259 = arith.constant 7 : i32
          %dma_wait3A_260 = arith.constant 0 : i32
          %dma_wait3A_261 = tpu.memref_slice %arg5[%dma_wait3A_259, %dma_wait3A_260] : memref<16x128xi32, #tpu.memory_space<vmem>> -> memref<1x128xi32, #tpu.memory_space<vmem>>
          %dma_wait3A_262 = tpu.memref_squeeze %dma_wait3A_261 : memref<1x128xi32, #tpu.memory_space<vmem>> -> memref<128xi32, #tpu.memory_space<vmem>>
          %dma_wait3A_263 = arith.constant 0 : i32
          %dma_wait3A_264 = arith.constant 0 : i32
          %dma_wait3A_265 = tpu.memref_slice %arg7[%dma_wait3A_263, %dma_wait3A_264] : memref<10240x128xf32, #tpu.memory_space<vmem_shared>> -> memref<10240x128xf32, #tpu.memory_space<vmem_shared>>
          tpu.wait_indirect_dma semaphore(%arg8 : memref<!tpu.dma_semaphore, #tpu.memory_space<semaphore_mem>>) src(%arg6 : memref<128x128xf32, #tpu.memory_space<vmem>>) dst(%dma_wait3A_265 : memref<10240x128xf32, #tpu.memory_space<vmem_shared>>)
          %dma_wait3A_266 = arith.constant 8 : i32
          %dma_wait3A_267 = arith.constant 0 : i32
          %dma_wait3A_268 = tpu.memref_slice %arg5[%dma_wait3A_266, %dma_wait3A_267] : memref<16x128xi32, #tpu.memory_space<vmem>> -> memref<1x128xi32, #tpu.memory_space<vmem>>
          %dma_wait3A_269 = tpu.memref_squeeze %dma_wait3A_268 : memref<1x128xi32, #tpu.memory_space<vmem>> -> memref<128xi32, #tpu.memory_space<vmem>>
          %dma_wait3A_270 = arith.constant 0 : i32
          %dma_wait3A_271 = arith.constant 0 : i32
          %dma_wait3A_272 = tpu.memref_slice %arg7[%dma_wait3A_270, %dma_wait3A_271] : memref<10240x128xf32, #tpu.memory_space<vmem_shared>> -> memref<10240x128xf32, #tpu.memory_space<vmem_shared>>
          tpu.wait_indirect_dma semaphore(%arg8 : memref<!tpu.dma_semaphore, #tpu.memory_space<semaphore_mem>>) src(%arg6 : memref<128x128xf32, #tpu.memory_space<vmem>>) dst(%dma_wait3A_272 : memref<10240x128xf32, #tpu.memory_space<vmem_shared>>)
          %dma_wait3A_273 = arith.constant 9 : i32
          %dma_wait3A_274 = arith.constant 0 : i32
          %dma_wait3A_275 = tpu.memref_slice %arg5[%dma_wait3A_273, %dma_wait3A_274] : memref<16x128xi32, #tpu.memory_space<vmem>> -> memref<1x128xi32, #tpu.memory_space<vmem>>
          %dma_wait3A_276 = tpu.memref_squeeze %dma_wait3A_275 : memref<1x128xi32, #tpu.memory_space<vmem>> -> memref<128xi32, #tpu.memory_space<vmem>>
          %dma_wait3A_277 = arith.constant 0 : i32
          %dma_wait3A_278 = arith.constant 0 : i32
          %dma_wait3A_279 = tpu.memref_slice %arg7[%dma_wait3A_277, %dma_wait3A_278] : memref<10240x128xf32, #tpu.memory_space<vmem_shared>> -> memref<10240x128xf32, #tpu.memory_space<vmem_shared>>
          tpu.wait_indirect_dma semaphore(%arg8 : memref<!tpu.dma_semaphore, #tpu.memory_space<semaphore_mem>>) src(%arg6 : memref<128x128xf32, #tpu.memory_space<vmem>>) dst(%dma_wait3A_279 : memref<10240x128xf32, #tpu.memory_space<vmem_shared>>)
          %dma_wait3A_280 = arith.constant 10 : i32
          %dma_wait3A_281 = arith.constant 0 : i32
          %dma_wait3A_282 = tpu.memref_slice %arg5[%dma_wait3A_280, %dma_wait3A_281] : memref<16x128xi32, #tpu.memory_space<vmem>> -> memref<1x128xi32, #tpu.memory_space<vmem>>
          %dma_wait3A_283 = tpu.memref_squeeze %dma_wait3A_282 : memref<1x128xi32, #tpu.memory_space<vmem>> -> memref<128xi32, #tpu.memory_space<vmem>>
          %dma_wait3A_284 = arith.constant 0 : i32
          %dma_wait3A_285 = arith.constant 0 : i32
          %dma_wait3A_286 = tpu.memref_slice %arg7[%dma_wait3A_284, %dma_wait3A_285] : memref<10240x128xf32, #tpu.memory_space<vmem_shared>> -> memref<10240x128xf32, #tpu.memory_space<vmem_shared>>
          tpu.wait_indirect_dma semaphore(%arg8 : memref<!tpu.dma_semaphore, #tpu.memory_space<semaphore_mem>>) src(%arg6 : memref<128x128xf32, #tpu.memory_space<vmem>>) dst(%dma_wait3A_286 : memref<10240x128xf32, #tpu.memory_space<vmem_shared>>)
          %dma_wait3A_287 = arith.constant 11 : i32
          %dma_wait3A_288 = arith.constant 0 : i32
          %dma_wait3A_289 = tpu.memref_slice %arg5[%dma_wait3A_287, %dma_wait3A_288] : memref<16x128xi32, #tpu.memory_space<vmem>> -> memref<1x128xi32, #tpu.memory_space<vmem>>
          %dma_wait3A_290 = tpu.memref_squeeze %dma_wait3A_289 : memref<1x128xi32, #tpu.memory_space<vmem>> -> memref<128xi32, #tpu.memory_space<vmem>>
          %dma_wait3A_291 = arith.constant 0 : i32
          %dma_wait3A_292 = arith.constant 0 : i32
          %dma_wait3A_293 = tpu.memref_slice %arg7[%dma_wait3A_291, %dma_wait3A_292] : memref<10240x128xf32, #tpu.memory_space<vmem_shared>> -> memref<10240x128xf32, #tpu.memory_space<vmem_shared>>
          tpu.wait_indirect_dma semaphore(%arg8 : memref<!tpu.dma_semaphore, #tpu.memory_space<semaphore_mem>>) src(%arg6 : memref<128x128xf32, #tpu.memory_space<vmem>>) dst(%dma_wait3A_293 : memref<10240x128xf32, #tpu.memory_space<vmem_shared>>)
          %dma_wait3A_294 = arith.constant 12 : i32
          %dma_wait3A_295 = arith.constant 0 : i32
          %dma_wait3A_296 = tpu.memref_slice %arg5[%dma_wait3A_294, %dma_wait3A_295] : memref<16x128xi32, #tpu.memory_space<vmem>> -> memref<1x128xi32, #tpu.memory_space<vmem>>
          %dma_wait3A_297 = tpu.memref_squeeze %dma_wait3A_296 : memref<1x128xi32, #tpu.memory_space<vmem>> -> memref<128xi32, #tpu.memory_space<vmem>>
          %dma_wait3A_298 = arith.constant 0 : i32
          %dma_wait3A_299 = arith.constant 0 : i32
          %dma_wait3A_300 = tpu.memref_slice %arg7[%dma_wait3A_298, %dma_wait3A_299] : memref<10240x128xf32, #tpu.memory_space<vmem_shared>> -> memref<10240x128xf32, #tpu.memory_space<vmem_shared>>
          tpu.wait_indirect_dma semaphore(%arg8 : memref<!tpu.dma_semaphore, #tpu.memory_space<semaphore_mem>>) src(%arg6 : memref<128x128xf32, #tpu.memory_space<vmem>>) dst(%dma_wait3A_300 : memref<10240x128xf32, #tpu.memory_space<vmem_shared>>)
          %dma_wait3A_301 = arith.constant 13 : i32
          %dma_wait3A_302 = arith.constant 0 : i32
          %dma_wait3A_303 = tpu.memref_slice %arg5[%dma_wait3A_301, %dma_wait3A_302] : memref<16x128xi32, #tpu.memory_space<vmem>> -> memref<1x128xi32, #tpu.memory_space<vmem>>
          %dma_wait3A_304 = tpu.memref_squeeze %dma_wait3A_303 : memref<1x128xi32, #tpu.memory_space<vmem>> -> memref<128xi32, #tpu.memory_space<vmem>>
          %dma_wait3A_305 = arith.constant 0 : i32
          %dma_wait3A_306 = arith.constant 0 : i32
          %dma_wait3A_307 = tpu.memref_slice %arg7[%dma_wait3A_305, %dma_wait3A_306] : memref<10240x128xf32, #tpu.memory_space<vmem_shared>> -> memref<10240x128xf32, #tpu.memory_space<vmem_shared>>
          tpu.wait_indirect_dma semaphore(%arg8 : memref<!tpu.dma_semaphore, #tpu.memory_space<semaphore_mem>>) src(%arg6 : memref<128x128xf32, #tpu.memory_space<vmem>>) dst(%dma_wait3A_307 : memref<10240x128xf32, #tpu.memory_space<vmem_shared>>)
          %dma_wait3A_308 = arith.constant 14 : i32
          %dma_wait3A_309 = arith.constant 0 : i32
          %dma_wait3A_310 = tpu.memref_slice %arg5[%dma_wait3A_308, %dma_wait3A_309] : memref<16x128xi32, #tpu.memory_space<vmem>> -> memref<1x128xi32, #tpu.memory_space<vmem>>
          %dma_wait3A_311 = tpu.memref_squeeze %dma_wait3A_310 : memref<1x128xi32, #tpu.memory_space<vmem>> -> memref<128xi32, #tpu.memory_space<vmem>>
          %dma_wait3A_312 = arith.constant 0 : i32
          %dma_wait3A_313 = arith.constant 0 : i32
          %dma_wait3A_314 = tpu.memref_slice %arg7[%dma_wait3A_312, %dma_wait3A_313] : memref<10240x128xf32, #tpu.memory_space<vmem_shared>> -> memref<10240x128xf32, #tpu.memory_space<vmem_shared>>
          tpu.wait_indirect_dma semaphore(%arg8 : memref<!tpu.dma_semaphore, #tpu.memory_space<semaphore_mem>>) src(%arg6 : memref<128x128xf32, #tpu.memory_space<vmem>>) dst(%dma_wait3A_314 : memref<10240x128xf32, #tpu.memory_space<vmem_shared>>)
          %dma_wait3A_315 = arith.constant 15 : i32
          %dma_wait3A_316 = arith.constant 0 : i32
          %dma_wait3A_317 = tpu.memref_slice %arg5[%dma_wait3A_315, %dma_wait3A_316] : memref<16x128xi32, #tpu.memory_space<vmem>> -> memref<1x128xi32, #tpu.memory_space<vmem>>
          %dma_wait3A_318 = tpu.memref_squeeze %dma_wait3A_317 : memref<1x128xi32, #tpu.memory_space<vmem>> -> memref<128xi32, #tpu.memory_space<vmem>>
          %dma_wait3A_319 = arith.constant 0 : i32
          %dma_wait3A_320 = arith.constant 0 : i32
          %dma_wait3A_321 = tpu.memref_slice %arg7[%dma_wait3A_319, %dma_wait3A_320] : memref<10240x128xf32, #tpu.memory_space<vmem_shared>> -> memref<10240x128xf32, #tpu.memory_space<vmem_shared>>
          tpu.wait_indirect_dma semaphore(%arg8 : memref<!tpu.dma_semaphore, #tpu.memory_space<semaphore_mem>>) src(%arg6 : memref<128x128xf32, #tpu.memory_space<vmem>>) dst(%dma_wait3A_321 : memref<10240x128xf32, #tpu.memory_space<vmem_shared>>)
        } else {
        }
        %scan3A_94 = arith.constant 0 : i32
        scf.yield %scan3A_94 : i32
      }
      %scan3A_83 = arith.constant 10 : i32
      %eq3A_84 = arith.constant 15 : i32
      %eq3A_85 = arith.cmpi eq, %arg1, %eq3A_84 : i32
      %convert_element_type3A_86 = arith.extui %eq3A_85 : i1 to i32
      %cond3A_87 = arith.constant 0 : i32
      %cond3A_88 = arith.cmpi ne, %convert_element_type3A_86, %cond3A_87 : i32
      scf.if %cond3A_88 {
        "tpu.region"() ({
          %run_scoped3A_92 = tpu.sem_alloc : memref<!tpu.dma_semaphore, #tpu.memory_space<semaphore_mem>>
          %dma_start3A = arith.constant 0 : i32
          %dma_start3A_93 = arith.constant 0 : i32
          %dma_start3A_94 = tpu.memref_slice %arg5[%dma_start3A, %dma_start3A_93] : memref<16x128xi32, #tpu.memory_space<vmem>> -> memref<4x128xi32, #tpu.memory_space<vmem>>
          %dma_start3A_95 = arith.constant 2496 : i32
          %dma_start3A_96 = arith.constant 0 : i32
          %dma_start3A_97 = tpu.memref_slice %arg3[%dma_start3A_95, %dma_start3A_96] : memref<2500x128xi32, #tpu.memory_space<hbm>> -> memref<4x128xi32, #tpu.memory_space<hbm>>
          %dma_start3A_98 = arith.constant 0 : i32
          %dma_start3A_99 = arith.constant 0 : i32
          %dma_start3A_100 = tpu.memref_slice %arg5[%dma_start3A_98, %dma_start3A_99] : memref<16x128xi32, #tpu.memory_space<vmem>> -> memref<4x128xi32, #tpu.memory_space<vmem>>
          %dma_start3A_101 = arith.constant 2496 : i32
          %dma_start3A_102 = arith.constant 0 : i32
          %dma_start3A_103 = tpu.memref_slice %arg3[%dma_start3A_101, %dma_start3A_102] : memref<2500x128xi32, #tpu.memory_space<hbm>> -> memref<4x128xi32, #tpu.memory_space<hbm>>
          tpu.enqueue_dma source(%dma_start3A_103 : memref<4x128xi32, #tpu.memory_space<hbm>>) target(%dma_start3A_100 : memref<4x128xi32, #tpu.memory_space<vmem>>) target_semaphore(%run_scoped3A_92 : memref<!tpu.dma_semaphore, #tpu.memory_space<semaphore_mem>>)
          %dma_wait3A = arith.constant 0 : i32
          %dma_wait3A_104 = arith.constant 0 : i32
          %dma_wait3A_105 = tpu.memref_slice %arg5[%dma_wait3A, %dma_wait3A_104] : memref<16x128xi32, #tpu.memory_space<vmem>> -> memref<4x128xi32, #tpu.memory_space<vmem>>
          %dma_wait3A_106 = arith.constant 2496 : i32
          %dma_wait3A_107 = arith.constant 0 : i32
          %dma_wait3A_108 = tpu.memref_slice %arg3[%dma_wait3A_106, %dma_wait3A_107] : memref<2500x128xi32, #tpu.memory_space<hbm>> -> memref<4x128xi32, #tpu.memory_space<hbm>>
          %dma_wait3A_109 = arith.constant 0 : i32
          %dma_wait3A_110 = arith.constant 0 : i32
          %dma_wait3A_111 = tpu.memref_slice %arg5[%dma_wait3A_109, %dma_wait3A_110] : memref<16x128xi32, #tpu.memory_space<vmem>> -> memref<4x128xi32, #tpu.memory_space<vmem>>
          %dma_wait3A_112 = arith.constant 2496 : i32
          %dma_wait3A_113 = arith.constant 0 : i32
          %dma_wait3A_114 = tpu.memref_slice %arg3[%dma_wait3A_112, %dma_wait3A_113] : memref<2500x128xi32, #tpu.memory_space<hbm>> -> memref<4x128xi32, #tpu.memory_space<hbm>>
          tpu.wait_dma2 semaphore(%run_scoped3A_92 : memref<!tpu.dma_semaphore, #tpu.memory_space<semaphore_mem>>) src(%dma_wait3A_114 : memref<4x128xi32, #tpu.memory_space<hbm>>) dst(%dma_wait3A_111 : memref<4x128xi32, #tpu.memory_space<vmem>>)
          tpu.yield
        }) : () -> ()
        %run_scoped3A = arith.constant 0 : i32
        "tpu.region"() ({
          %run_scoped3A_92 = tpu.sem_alloc : memref<!tpu.dma_semaphore, #tpu.memory_space<semaphore_mem>>
          %dma_start3A = arith.constant 0 : i32
          %dma_start3A_93 = tpu.memref_slice %arg5[%run_scoped3A, %dma_start3A] : memref<16x128xi32, #tpu.memory_space<vmem>> -> memref<1x128xi32, #tpu.memory_space<vmem>>
          %dma_start3A_94 = tpu.memref_squeeze %dma_start3A_93 : memref<1x128xi32, #tpu.memory_space<vmem>> -> memref<128xi32, #tpu.memory_space<vmem>>
          %dma_start3A_95 = arith.constant 0 : i32
          %dma_start3A_96 = arith.constant 0 : i32
          %dma_start3A_97 = tpu.memref_slice %arg7[%dma_start3A_95, %dma_start3A_96] : memref<10240x128xf32, #tpu.memory_space<vmem_shared>> -> memref<10240x128xf32, #tpu.memory_space<vmem_shared>>
          tpu.enqueue_indirect_dma source(%arg6 : memref<128x128xf32, #tpu.memory_space<vmem>>) target(%dma_start3A_97 : memref<10240x128xf32, #tpu.memory_space<vmem_shared>>) offsets(%dma_start3A_94 : memref<128xi32, #tpu.memory_space<vmem>>) semaphore(%run_scoped3A_92 : memref<!tpu.dma_semaphore, #tpu.memory_space<semaphore_mem>>) {add = true}
          %dma_wait3A = arith.constant 0 : i32
          %dma_wait3A_98 = tpu.memref_slice %arg5[%run_scoped3A, %dma_wait3A] : memref<16x128xi32, #tpu.memory_space<vmem>> -> memref<1x128xi32, #tpu.memory_space<vmem>>
          %dma_wait3A_99 = tpu.memref_squeeze %dma_wait3A_98 : memref<1x128xi32, #tpu.memory_space<vmem>> -> memref<128xi32, #tpu.memory_space<vmem>>
          %dma_wait3A_100 = arith.constant 0 : i32
          %dma_wait3A_101 = arith.constant 0 : i32
          %dma_wait3A_102 = tpu.memref_slice %arg7[%dma_wait3A_100, %dma_wait3A_101] : memref<10240x128xf32, #tpu.memory_space<vmem_shared>> -> memref<10240x128xf32, #tpu.memory_space<vmem_shared>>
          tpu.wait_indirect_dma semaphore(%run_scoped3A_92 : memref<!tpu.dma_semaphore, #tpu.memory_space<semaphore_mem>>) src(%arg6 : memref<128x128xf32, #tpu.memory_space<vmem>>) dst(%dma_wait3A_102 : memref<10240x128xf32, #tpu.memory_space<vmem_shared>>)
          tpu.yield
        }) : () -> ()
        %run_scoped3A_89 = arith.constant 1 : i32
        "tpu.region"() ({
          %run_scoped3A_92 = tpu.sem_alloc : memref<!tpu.dma_semaphore, #tpu.memory_space<semaphore_mem>>
          %dma_start3A = arith.constant 0 : i32
          %dma_start3A_93 = tpu.memref_slice %arg5[%run_scoped3A_89, %dma_start3A] : memref<16x128xi32, #tpu.memory_space<vmem>> -> memref<1x128xi32, #tpu.memory_space<vmem>>
          %dma_start3A_94 = tpu.memref_squeeze %dma_start3A_93 : memref<1x128xi32, #tpu.memory_space<vmem>> -> memref<128xi32, #tpu.memory_space<vmem>>
          %dma_start3A_95 = arith.constant 0 : i32
          %dma_start3A_96 = arith.constant 0 : i32
          %dma_start3A_97 = tpu.memref_slice %arg7[%dma_start3A_95, %dma_start3A_96] : memref<10240x128xf32, #tpu.memory_space<vmem_shared>> -> memref<10240x128xf32, #tpu.memory_space<vmem_shared>>
          tpu.enqueue_indirect_dma source(%arg6 : memref<128x128xf32, #tpu.memory_space<vmem>>) target(%dma_start3A_97 : memref<10240x128xf32, #tpu.memory_space<vmem_shared>>) offsets(%dma_start3A_94 : memref<128xi32, #tpu.memory_space<vmem>>) semaphore(%run_scoped3A_92 : memref<!tpu.dma_semaphore, #tpu.memory_space<semaphore_mem>>) {add = true}
          %dma_wait3A = arith.constant 0 : i32
          %dma_wait3A_98 = tpu.memref_slice %arg5[%run_scoped3A_89, %dma_wait3A] : memref<16x128xi32, #tpu.memory_space<vmem>> -> memref<1x128xi32, #tpu.memory_space<vmem>>
          %dma_wait3A_99 = tpu.memref_squeeze %dma_wait3A_98 : memref<1x128xi32, #tpu.memory_space<vmem>> -> memref<128xi32, #tpu.memory_space<vmem>>
          %dma_wait3A_100 = arith.constant 0 : i32
          %dma_wait3A_101 = arith.constant 0 : i32
          %dma_wait3A_102 = tpu.memref_slice %arg7[%dma_wait3A_100, %dma_wait3A_101] : memref<10240x128xf32, #tpu.memory_space<vmem_shared>> -> memref<10240x128xf32, #tpu.memory_space<vmem_shared>>
          tpu.wait_indirect_dma semaphore(%run_scoped3A_92 : memref<!tpu.dma_semaphore, #tpu.memory_space<semaphore_mem>>) src(%arg6 : memref<128x128xf32, #tpu.memory_space<vmem>>) dst(%dma_wait3A_102 : memref<10240x128xf32, #tpu.memory_space<vmem_shared>>)
          tpu.yield
        }) : () -> ()
        %run_scoped3A_90 = arith.constant 2 : i32
        "tpu.region"() ({
          %run_scoped3A_92 = tpu.sem_alloc : memref<!tpu.dma_semaphore, #tpu.memory_space<semaphore_mem>>
          %dma_start3A = arith.constant 0 : i32
          %dma_start3A_93 = tpu.memref_slice %arg5[%run_scoped3A_90, %dma_start3A] : memref<16x128xi32, #tpu.memory_space<vmem>> -> memref<1x128xi32, #tpu.memory_space<vmem>>
          %dma_start3A_94 = tpu.memref_squeeze %dma_start3A_93 : memref<1x128xi32, #tpu.memory_space<vmem>> -> memref<128xi32, #tpu.memory_space<vmem>>
          %dma_start3A_95 = arith.constant 0 : i32
          %dma_start3A_96 = arith.constant 0 : i32
          %dma_start3A_97 = tpu.memref_slice %arg7[%dma_start3A_95, %dma_start3A_96] : memref<10240x128xf32, #tpu.memory_space<vmem_shared>> -> memref<10240x128xf32, #tpu.memory_space<vmem_shared>>
          tpu.enqueue_indirect_dma source(%arg6 : memref<128x128xf32, #tpu.memory_space<vmem>>) target(%dma_start3A_97 : memref<10240x128xf32, #tpu.memory_space<vmem_shared>>) offsets(%dma_start3A_94 : memref<128xi32, #tpu.memory_space<vmem>>) semaphore(%run_scoped3A_92 : memref<!tpu.dma_semaphore, #tpu.memory_space<semaphore_mem>>) {add = true}
          %dma_wait3A = arith.constant 0 : i32
          %dma_wait3A_98 = tpu.memref_slice %arg5[%run_scoped3A_90, %dma_wait3A] : memref<16x128xi32, #tpu.memory_space<vmem>> -> memref<1x128xi32, #tpu.memory_space<vmem>>
          %dma_wait3A_99 = tpu.memref_squeeze %dma_wait3A_98 : memref<1x128xi32, #tpu.memory_space<vmem>> -> memref<128xi32, #tpu.memory_space<vmem>>
          %dma_wait3A_100 = arith.constant 0 : i32
          %dma_wait3A_101 = arith.constant 0 : i32
          %dma_wait3A_102 = tpu.memref_slice %arg7[%dma_wait3A_100, %dma_wait3A_101] : memref<10240x128xf32, #tpu.memory_space<vmem_shared>> -> memref<10240x128xf32, #tpu.memory_space<vmem_shared>>
          tpu.wait_indirect_dma semaphore(%run_scoped3A_92 : memref<!tpu.dma_semaphore, #tpu.memory_space<semaphore_mem>>) src(%arg6 : memref<128x128xf32, #tpu.memory_space<vmem>>) dst(%dma_wait3A_102 : memref<10240x128xf32, #tpu.memory_space<vmem_shared>>)
          tpu.yield
        }) : () -> ()
        %run_scoped3A_91 = arith.constant 3 : i32
        "tpu.region"() ({
          %run_scoped3A_92 = tpu.sem_alloc : memref<!tpu.dma_semaphore, #tpu.memory_space<semaphore_mem>>
          %dma_start3A = arith.constant 0 : i32
          %dma_start3A_93 = tpu.memref_slice %arg5[%run_scoped3A_91, %dma_start3A] : memref<16x128xi32, #tpu.memory_space<vmem>> -> memref<1x128xi32, #tpu.memory_space<vmem>>
          %dma_start3A_94 = tpu.memref_squeeze %dma_start3A_93 : memref<1x128xi32, #tpu.memory_space<vmem>> -> memref<128xi32, #tpu.memory_space<vmem>>
          %dma_start3A_95 = arith.constant 0 : i32
          %dma_start3A_96 = arith.constant 0 : i32
          %dma_start3A_97 = tpu.memref_slice %arg7[%dma_start3A_95, %dma_start3A_96] : memref<10240x128xf32, #tpu.memory_space<vmem_shared>> -> memref<10240x128xf32, #tpu.memory_space<vmem_shared>>
          tpu.enqueue_indirect_dma source(%arg6 : memref<128x128xf32, #tpu.memory_space<vmem>>) target(%dma_start3A_97 : memref<10240x128xf32, #tpu.memory_space<vmem_shared>>) offsets(%dma_start3A_94 : memref<128xi32, #tpu.memory_space<vmem>>) semaphore(%run_scoped3A_92 : memref<!tpu.dma_semaphore, #tpu.memory_space<semaphore_mem>>) {add = true}
          %dma_wait3A = arith.constant 0 : i32
          %dma_wait3A_98 = tpu.memref_slice %arg5[%run_scoped3A_91, %dma_wait3A] : memref<16x128xi32, #tpu.memory_space<vmem>> -> memref<1x128xi32, #tpu.memory_space<vmem>>
          %dma_wait3A_99 = tpu.memref_squeeze %dma_wait3A_98 : memref<1x128xi32, #tpu.memory_space<vmem>> -> memref<128xi32, #tpu.memory_space<vmem>>
          %dma_wait3A_100 = arith.constant 0 : i32
          %dma_wait3A_101 = arith.constant 0 : i32
          %dma_wait3A_102 = tpu.memref_slice %arg7[%dma_wait3A_100, %dma_wait3A_101] : memref<10240x128xf32, #tpu.memory_space<vmem_shared>> -> memref<10240x128xf32, #tpu.memory_space<vmem_shared>>
          tpu.wait_indirect_dma semaphore(%run_scoped3A_92 : memref<!tpu.dma_semaphore, #tpu.memory_space<semaphore_mem>>) src(%arg6 : memref<128x128xf32, #tpu.memory_space<vmem>>) dst(%dma_wait3A_102 : memref<10240x128xf32, #tpu.memory_space<vmem_shared>>)
          tpu.yield
        }) : () -> ()
      } else {
      }
    } else {
    }
    %barrier3A_56 = arith.constant 0 : index
    tpu.barrier barrier_id(%barrier3A_56)
    %mul3A_57 = arith.constant 640 : i32
    %mul3A_58 = arith.muli %arg1, %mul3A_57 : i32
    %add3A_59 = arith.constant 0 : i32
    %add3A_60 = arith.addi %mul3A_58, %add3A_59 : i32
    "tpu.region"() ({
      %run_scoped3A = tpu.sem_alloc : memref<!tpu.dma_semaphore, #tpu.memory_space<semaphore_mem>>
      %dma_start3A = arith.constant 0 : i32
      %dma_start3A_77 = tpu.memref_slice %arg4[%arg0, %add3A_60, %dma_start3A] : memref<2x10240x128xf32, #tpu.memory_space<hbm>> -> memref<1x128x128xf32, #tpu.memory_space<hbm>>
      %dma_start3A_78 = tpu.memref_squeeze %dma_start3A_77 : memref<1x128x128xf32, #tpu.memory_space<hbm>> -> memref<128x128xf32, #tpu.memory_space<hbm>>
      %dma_start3A_79 = arith.constant 0 : i32
      %dma_start3A_80 = tpu.memref_slice %arg7[%add3A_60, %dma_start3A_79] : memref<10240x128xf32, #tpu.memory_space<vmem_shared>> -> memref<128x128xf32, #tpu.memory_space<vmem_shared>>
      tpu.enqueue_dma source(%dma_start3A_80 : memref<128x128xf32, #tpu.memory_space<vmem_shared>>) target(%dma_start3A_78 : memref<128x128xf32, #tpu.memory_space<hbm>>) target_semaphore(%run_scoped3A : memref<!tpu.dma_semaphore, #tpu.memory_space<semaphore_mem>>)
      %dma_wait3A = arith.constant 0 : i32
      %dma_wait3A_81 = tpu.memref_slice %arg4[%arg0, %add3A_60, %dma_wait3A] : memref<2x10240x128xf32, #tpu.memory_space<hbm>> -> memref<1x128x128xf32, #tpu.memory_space<hbm>>
      %dma_wait3A_82 = tpu.memref_squeeze %dma_wait3A_81 : memref<1x128x128xf32, #tpu.memory_space<hbm>> -> memref<128x128xf32, #tpu.memory_space<hbm>>
      %dma_wait3A_83 = arith.constant 0 : i32
      %dma_wait3A_84 = tpu.memref_slice %arg7[%add3A_60, %dma_wait3A_83] : memref<10240x128xf32, #tpu.memory_space<vmem_shared>> -> memref<128x128xf32, #tpu.memory_space<vmem_shared>>
      tpu.wait_dma2 semaphore(%run_scoped3A : memref<!tpu.dma_semaphore, #tpu.memory_space<semaphore_mem>>) src(%dma_wait3A_84 : memref<128x128xf32, #tpu.memory_space<vmem_shared>>) dst(%dma_wait3A_82 : memref<128x128xf32, #tpu.memory_space<hbm>>)
      tpu.yield
    }) : () -> ()
    %mul3A_61 = arith.constant 640 : i32
    %mul3A_62 = arith.muli %arg1, %mul3A_61 : i32
    %add3A_63 = arith.constant 128 : i32
    %add3A_64 = arith.addi %mul3A_62, %add3A_63 : i32
    "tpu.region"() ({
      %run_scoped3A = tpu.sem_alloc : memref<!tpu.dma_semaphore, #tpu.memory_space<semaphore_mem>>
      %dma_start3A = arith.constant 0 : i32
      %dma_start3A_77 = tpu.memref_slice %arg4[%arg0, %add3A_64, %dma_start3A] : memref<2x10240x128xf32, #tpu.memory_space<hbm>> -> memref<1x128x128xf32, #tpu.memory_space<hbm>>
      %dma_start3A_78 = tpu.memref_squeeze %dma_start3A_77 : memref<1x128x128xf32, #tpu.memory_space<hbm>> -> memref<128x128xf32, #tpu.memory_space<hbm>>
      %dma_start3A_79 = arith.constant 0 : i32
      %dma_start3A_80 = tpu.memref_slice %arg7[%add3A_64, %dma_start3A_79] : memref<10240x128xf32, #tpu.memory_space<vmem_shared>> -> memref<128x128xf32, #tpu.memory_space<vmem_shared>>
      tpu.enqueue_dma source(%dma_start3A_80 : memref<128x128xf32, #tpu.memory_space<vmem_shared>>) target(%dma_start3A_78 : memref<128x128xf32, #tpu.memory_space<hbm>>) target_semaphore(%run_scoped3A : memref<!tpu.dma_semaphore, #tpu.memory_space<semaphore_mem>>)
      %dma_wait3A = arith.constant 0 : i32
      %dma_wait3A_81 = tpu.memref_slice %arg4[%arg0, %add3A_64, %dma_wait3A] : memref<2x10240x128xf32, #tpu.memory_space<hbm>> -> memref<1x128x128xf32, #tpu.memory_space<hbm>>
      %dma_wait3A_82 = tpu.memref_squeeze %dma_wait3A_81 : memref<1x128x128xf32, #tpu.memory_space<hbm>> -> memref<128x128xf32, #tpu.memory_space<hbm>>
      %dma_wait3A_83 = arith.constant 0 : i32
      %dma_wait3A_84 = tpu.memref_slice %arg7[%add3A_64, %dma_wait3A_83] : memref<10240x128xf32, #tpu.memory_space<vmem_shared>> -> memref<128x128xf32, #tpu.memory_space<vmem_shared>>
      tpu.wait_dma2 semaphore(%run_scoped3A : memref<!tpu.dma_semaphore, #tpu.memory_space<semaphore_mem>>) src(%dma_wait3A_84 : memref<128x128xf32, #tpu.memory_space<vmem_shared>>) dst(%dma_wait3A_82 : memref<128x128xf32, #tpu.memory_space<hbm>>)
      tpu.yield
    }) : () -> ()
    %mul3A_65 = arith.constant 640 : i32
    %mul3A_66 = arith.muli %arg1, %mul3A_65 : i32
    %add3A_67 = arith.constant 256 : i32
    %add3A_68 = arith.addi %mul3A_66, %add3A_67 : i32
    "tpu.region"() ({
      %run_scoped3A = tpu.sem_alloc : memref<!tpu.dma_semaphore, #tpu.memory_space<semaphore_mem>>
      %dma_start3A = arith.constant 0 : i32
      %dma_start3A_77 = tpu.memref_slice %arg4[%arg0, %add3A_68, %dma_start3A] : memref<2x10240x128xf32, #tpu.memory_space<hbm>> -> memref<1x128x128xf32, #tpu.memory_space<hbm>>
      %dma_start3A_78 = tpu.memref_squeeze %dma_start3A_77 : memref<1x128x128xf32, #tpu.memory_space<hbm>> -> memref<128x128xf32, #tpu.memory_space<hbm>>
      %dma_start3A_79 = arith.constant 0 : i32
      %dma_start3A_80 = tpu.memref_slice %arg7[%add3A_68, %dma_start3A_79] : memref<10240x128xf32, #tpu.memory_space<vmem_shared>> -> memref<128x128xf32, #tpu.memory_space<vmem_shared>>
      tpu.enqueue_dma source(%dma_start3A_80 : memref<128x128xf32, #tpu.memory_space<vmem_shared>>) target(%dma_start3A_78 : memref<128x128xf32, #tpu.memory_space<hbm>>) target_semaphore(%run_scoped3A : memref<!tpu.dma_semaphore, #tpu.memory_space<semaphore_mem>>)
      %dma_wait3A = arith.constant 0 : i32
      %dma_wait3A_81 = tpu.memref_slice %arg4[%arg0, %add3A_68, %dma_wait3A] : memref<2x10240x128xf32, #tpu.memory_space<hbm>> -> memref<1x128x128xf32, #tpu.memory_space<hbm>>
      %dma_wait3A_82 = tpu.memref_squeeze %dma_wait3A_81 : memref<1x128x128xf32, #tpu.memory_space<hbm>> -> memref<128x128xf32, #tpu.memory_space<hbm>>
      %dma_wait3A_83 = arith.constant 0 : i32
      %dma_wait3A_84 = tpu.memref_slice %arg7[%add3A_68, %dma_wait3A_83] : memref<10240x128xf32, #tpu.memory_space<vmem_shared>> -> memref<128x128xf32, #tpu.memory_space<vmem_shared>>
      tpu.wait_dma2 semaphore(%run_scoped3A : memref<!tpu.dma_semaphore, #tpu.memory_space<semaphore_mem>>) src(%dma_wait3A_84 : memref<128x128xf32, #tpu.memory_space<vmem_shared>>) dst(%dma_wait3A_82 : memref<128x128xf32, #tpu.memory_space<hbm>>)
      tpu.yield
    }) : () -> ()
    %mul3A_69 = arith.constant 640 : i32
    %mul3A_70 = arith.muli %arg1, %mul3A_69 : i32
    %add3A_71 = arith.constant 384 : i32
    %add3A_72 = arith.addi %mul3A_70, %add3A_71 : i32
    "tpu.region"() ({
      %run_scoped3A = tpu.sem_alloc : memref<!tpu.dma_semaphore, #tpu.memory_space<semaphore_mem>>
      %dma_start3A = arith.constant 0 : i32
      %dma_start3A_77 = tpu.memref_slice %arg4[%arg0, %add3A_72, %dma_start3A] : memref<2x10240x128xf32, #tpu.memory_space<hbm>> -> memref<1x128x128xf32, #tpu.memory_space<hbm>>
      %dma_start3A_78 = tpu.memref_squeeze %dma_start3A_77 : memref<1x128x128xf32, #tpu.memory_space<hbm>> -> memref<128x128xf32, #tpu.memory_space<hbm>>
      %dma_start3A_79 = arith.constant 0 : i32
      %dma_start3A_80 = tpu.memref_slice %arg7[%add3A_72, %dma_start3A_79] : memref<10240x128xf32, #tpu.memory_space<vmem_shared>> -> memref<128x128xf32, #tpu.memory_space<vmem_shared>>
      tpu.enqueue_dma source(%dma_start3A_80 : memref<128x128xf32, #tpu.memory_space<vmem_shared>>) target(%dma_start3A_78 : memref<128x128xf32, #tpu.memory_space<hbm>>) target_semaphore(%run_scoped3A : memref<!tpu.dma_semaphore, #tpu.memory_space<semaphore_mem>>)
      %dma_wait3A = arith.constant 0 : i32
      %dma_wait3A_81 = tpu.memref_slice %arg4[%arg0, %add3A_72, %dma_wait3A] : memref<2x10240x128xf32, #tpu.memory_space<hbm>> -> memref<1x128x128xf32, #tpu.memory_space<hbm>>
      %dma_wait3A_82 = tpu.memref_squeeze %dma_wait3A_81 : memref<1x128x128xf32, #tpu.memory_space<hbm>> -> memref<128x128xf32, #tpu.memory_space<hbm>>
      %dma_wait3A_83 = arith.constant 0 : i32
      %dma_wait3A_84 = tpu.memref_slice %arg7[%add3A_72, %dma_wait3A_83] : memref<10240x128xf32, #tpu.memory_space<vmem_shared>> -> memref<128x128xf32, #tpu.memory_space<vmem_shared>>
      tpu.wait_dma2 semaphore(%run_scoped3A : memref<!tpu.dma_semaphore, #tpu.memory_space<semaphore_mem>>) src(%dma_wait3A_84 : memref<128x128xf32, #tpu.memory_space<vmem_shared>>) dst(%dma_wait3A_82 : memref<128x128xf32, #tpu.memory_space<hbm>>)
      tpu.yield
    }) : () -> ()
    %mul3A_73 = arith.constant 640 : i32
    %mul3A_74 = arith.muli %arg1, %mul3A_73 : i32
    %add3A_75 = arith.constant 512 : i32
    %add3A_76 = arith.addi %mul3A_74, %add3A_75 : i32
    "tpu.region"() ({
      %run_scoped3A = tpu.sem_alloc : memref<!tpu.dma_semaphore, #tpu.memory_space<semaphore_mem>>
      %dma_start3A = arith.constant 0 : i32
      %dma_start3A_77 = tpu.memref_slice %arg4[%arg0, %add3A_76, %dma_start3A] : memref<2x10240x128xf32, #tpu.memory_space<hbm>> -> memref<1x128x128xf32, #tpu.memory_space<hbm>>
      %dma_start3A_78 = tpu.memref_squeeze %dma_start3A_77 : memref<1x128x128xf32, #tpu.memory_space<hbm>> -> memref<128x128xf32, #tpu.memory_space<hbm>>
      %dma_start3A_79 = arith.constant 0 : i32
      %dma_start3A_80 = tpu.memref_slice %arg7[%add3A_76, %dma_start3A_79] : memref<10240x128xf32, #tpu.memory_space<vmem_shared>> -> memref<128x128xf32, #tpu.memory_space<vmem_shared>>
      tpu.enqueue_dma source(%dma_start3A_80 : memref<128x128xf32, #tpu.memory_space<vmem_shared>>) target(%dma_start3A_78 : memref<128x128xf32, #tpu.memory_space<hbm>>) target_semaphore(%run_scoped3A : memref<!tpu.dma_semaphore, #tpu.memory_space<semaphore_mem>>)
      %dma_wait3A = arith.constant 0 : i32
      %dma_wait3A_81 = tpu.memref_slice %arg4[%arg0, %add3A_76, %dma_wait3A] : memref<2x10240x128xf32, #tpu.memory_space<hbm>> -> memref<1x128x128xf32, #tpu.memory_space<hbm>>
      %dma_wait3A_82 = tpu.memref_squeeze %dma_wait3A_81 : memref<1x128x128xf32, #tpu.memory_space<hbm>> -> memref<128x128xf32, #tpu.memory_space<hbm>>
      %dma_wait3A_83 = arith.constant 0 : i32
      %dma_wait3A_84 = tpu.memref_slice %arg7[%add3A_76, %dma_wait3A_83] : memref<10240x128xf32, #tpu.memory_space<vmem_shared>> -> memref<128x128xf32, #tpu.memory_space<vmem_shared>>
      tpu.wait_dma2 semaphore(%run_scoped3A : memref<!tpu.dma_semaphore, #tpu.memory_space<semaphore_mem>>) src(%dma_wait3A_84 : memref<128x128xf32, #tpu.memory_space<vmem_shared>>) dst(%dma_wait3A_82 : memref<128x128xf32, #tpu.memory_space<hbm>>)
      tpu.yield
    }) : () -> ()
    return
  }
}

#map = affine_map<(d0, d1) -> (0, 0)>
#map1 = affine_map<(d0, d1) -> (0, 0, 0)>
module attributes {stable_mosaic.version = 14 : i64} {
  func.func @_sc_aggregate(%arg0: i32, %arg1: i32, %arg2: memref<10000x128xf32, #tpu.memory_space<hbm>>, %arg3: memref<2500x128xi32, #tpu.memory_space<hbm>>, %arg4: memref<2500x128xi32, #tpu.memory_space<hbm>>, %arg5: memref<2x10240x128xf32, #tpu.memory_space<hbm>>, %arg6: memref<16x128xi32, #tpu.memory_space<vmem>>, %arg7: memref<16x128xi32, #tpu.memory_space<vmem>>, %arg8: memref<128x128xf32, #tpu.memory_space<vmem>>, %arg9: memref<128x128xf32, #tpu.memory_space<vmem>>, %arg10: memref<10240x128xf32, #tpu.memory_space<vmem_shared>>, %arg11: memref<!tpu.dma_semaphore, #tpu.memory_space<semaphore_mem>>, %arg12: memref<!tpu.dma_semaphore, #tpu.memory_space<semaphore_mem>>, %arg13: memref<!tpu.dma_semaphore, #tpu.memory_space<semaphore_mem>>, %arg14: memref<!tpu.dma_semaphore, #tpu.memory_space<semaphore_mem>>) attributes {dimension_semantics = [#tpu.dimension_semantics<core_parallel>, #tpu.dimension_semantics<subcore_parallel>], iteration_bounds = array<i64: 2, 16>, scalar_prefetch = 0 : i64, scratch_operands = 9 : i64, tpu.core_type = #tpu.core_type<sc_vector_subcore>, window_params = [{transform_indices = #map}, {transform_indices = #map}, {transform_indices = #map}, {transform_indices = #map1}]} {
    %mul3A = arith.constant 2 : i32
    %mul3A_0 = arith.muli %arg1, %mul3A : i32
    %add3A = arith.addi %mul3A_0, %arg0 : i32
    %scan3A = arith.constant 0 : i32
    %scan3A_1 = arith.constant 0 : i32
    %scan3A_2 = arith.constant 128 : i32
    %scan3A_3 = arith.addi %scan3A_1, %scan3A_2 : i32
    %scan3A_4 = arith.constant 1 : i32
    %scan3A_5 = scf.for %scan3A_75 = %scan3A_1 to %scan3A_3 step %scan3A_4 iter_args(%scan3A_76 = %scan3A) -> (i32)  : i32 {
      %broadcast_in_dim3A = arith.constant 0.000000e+00 : f32
      %broadcast_in_dim3A_77 = vector.broadcast %broadcast_in_dim3A : f32 to vector<16xf32>
      %swap3A = arith.index_cast %scan3A_75 : i32 to index
      %swap3A_78 = arith.constant 0 : index
      %swap3A_79 = tpu.vector_load %arg8[%swap3A, %swap3A_78] {strides = array<i32>} : memref<128x128xf32, #tpu.memory_space<vmem>>, vector<1x16xf32>,
      %swap3A_80 = vector.shape_cast %swap3A_79 : vector<1x16xf32> to vector<16xf32>
      %swap3A_81 = vector.shape_cast %broadcast_in_dim3A_77 : vector<16xf32> to vector<1x16xf32>
      tpu.vector_store %arg8[%swap3A, %swap3A_78], %swap3A_81 {strides = array<i32>} : memref<128x128xf32, #tpu.memory_space<vmem>>, vector<1x16xf32>,
      %broadcast_in_dim3A_82 = arith.constant 0.000000e+00 : f32
      %broadcast_in_dim3A_83 = vector.broadcast %broadcast_in_dim3A_82 : f32 to vector<16xf32>
      %swap3A_84 = arith.index_cast %scan3A_75 : i32 to index
      %swap3A_85 = arith.constant 16 : index
      %swap3A_86 = tpu.vector_load %arg8[%swap3A_84, %swap3A_85] {strides = array<i32>} : memref<128x128xf32, #tpu.memory_space<vmem>>, vector<1x16xf32>,
      %swap3A_87 = vector.shape_cast %swap3A_86 : vector<1x16xf32> to vector<16xf32>
      %swap3A_88 = vector.shape_cast %broadcast_in_dim3A_83 : vector<16xf32> to vector<1x16xf32>
      tpu.vector_store %arg8[%swap3A_84, %swap3A_85], %swap3A_88 {strides = array<i32>} : memref<128x128xf32, #tpu.memory_space<vmem>>, vector<1x16xf32>,
      %broadcast_in_dim3A_89 = arith.constant 0.000000e+00 : f32
      %broadcast_in_dim3A_90 = vector.broadcast %broadcast_in_dim3A_89 : f32 to vector<16xf32>
      %swap3A_91 = arith.index_cast %scan3A_75 : i32 to index
      %swap3A_92 = arith.constant 32 : index
      %swap3A_93 = tpu.vector_load %arg8[%swap3A_91, %swap3A_92] {strides = array<i32>} : memref<128x128xf32, #tpu.memory_space<vmem>>, vector<1x16xf32>,
      %swap3A_94 = vector.shape_cast %swap3A_93 : vector<1x16xf32> to vector<16xf32>
      %swap3A_95 = vector.shape_cast %broadcast_in_dim3A_90 : vector<16xf32> to vector<1x16xf32>
      tpu.vector_store %arg8[%swap3A_91, %swap3A_92], %swap3A_95 {strides = array<i32>} : memref<128x128xf32, #tpu.memory_space<vmem>>, vector<1x16xf32>,
      %broadcast_in_dim3A_96 = arith.constant 0.000000e+00 : f32
      %broadcast_in_dim3A_97 = vector.broadcast %broadcast_in_dim3A_96 : f32 to vector<16xf32>
      %swap3A_98 = arith.index_cast %scan3A_75 : i32 to index
      %swap3A_99 = arith.constant 48 : index
      %swap3A_100 = tpu.vector_load %arg8[%swap3A_98, %swap3A_99] {strides = array<i32>} : memref<128x128xf32, #tpu.memory_space<vmem>>, vector<1x16xf32>,
      %swap3A_101 = vector.shape_cast %swap3A_100 : vector<1x16xf32> to vector<16xf32>
      %swap3A_102 = vector.shape_cast %broadcast_in_dim3A_97 : vector<16xf32> to vector<1x16xf32>
      tpu.vector_store %arg8[%swap3A_98, %swap3A_99], %swap3A_102 {strides = array<i32>} : memref<128x128xf32, #tpu.memory_space<vmem>>, vector<1x16xf32>,
      %broadcast_in_dim3A_103 = arith.constant 0.000000e+00 : f32
      %broadcast_in_dim3A_104 = vector.broadcast %broadcast_in_dim3A_103 : f32 to vector<16xf32>
      %swap3A_105 = arith.index_cast %scan3A_75 : i32 to index
      %swap3A_106 = arith.constant 64 : index
      %swap3A_107 = tpu.vector_load %arg8[%swap3A_105, %swap3A_106] {strides = array<i32>} : memref<128x128xf32, #tpu.memory_space<vmem>>, vector<1x16xf32>,
      %swap3A_108 = vector.shape_cast %swap3A_107 : vector<1x16xf32> to vector<16xf32>
      %swap3A_109 = vector.shape_cast %broadcast_in_dim3A_104 : vector<16xf32> to vector<1x16xf32>
      tpu.vector_store %arg8[%swap3A_105, %swap3A_106], %swap3A_109 {strides = array<i32>} : memref<128x128xf32, #tpu.memory_space<vmem>>, vector<1x16xf32>,
      %broadcast_in_dim3A_110 = arith.constant 0.000000e+00 : f32
      %broadcast_in_dim3A_111 = vector.broadcast %broadcast_in_dim3A_110 : f32 to vector<16xf32>
      %swap3A_112 = arith.index_cast %scan3A_75 : i32 to index
      %swap3A_113 = arith.constant 80 : index
      %swap3A_114 = tpu.vector_load %arg8[%swap3A_112, %swap3A_113] {strides = array<i32>} : memref<128x128xf32, #tpu.memory_space<vmem>>, vector<1x16xf32>,
      %swap3A_115 = vector.shape_cast %swap3A_114 : vector<1x16xf32> to vector<16xf32>
      %swap3A_116 = vector.shape_cast %broadcast_in_dim3A_111 : vector<16xf32> to vector<1x16xf32>
      tpu.vector_store %arg8[%swap3A_112, %swap3A_113], %swap3A_116 {strides = array<i32>} : memref<128x128xf32, #tpu.memory_space<vmem>>, vector<1x16xf32>,
      %broadcast_in_dim3A_117 = arith.constant 0.000000e+00 : f32
      %broadcast_in_dim3A_118 = vector.broadcast %broadcast_in_dim3A_117 : f32 to vector<16xf32>
      %swap3A_119 = arith.index_cast %scan3A_75 : i32 to index
      %swap3A_120 = arith.constant 96 : index
      %swap3A_121 = tpu.vector_load %arg8[%swap3A_119, %swap3A_120] {strides = array<i32>} : memref<128x128xf32, #tpu.memory_space<vmem>>, vector<1x16xf32>,
      %swap3A_122 = vector.shape_cast %swap3A_121 : vector<1x16xf32> to vector<16xf32>
      %swap3A_123 = vector.shape_cast %broadcast_in_dim3A_118 : vector<16xf32> to vector<1x16xf32>
      tpu.vector_store %arg8[%swap3A_119, %swap3A_120], %swap3A_123 {strides = array<i32>} : memref<128x128xf32, #tpu.memory_space<vmem>>, vector<1x16xf32>,
      %broadcast_in_dim3A_124 = arith.constant 0.000000e+00 : f32
      %broadcast_in_dim3A_125 = vector.broadcast %broadcast_in_dim3A_124 : f32 to vector<16xf32>
      %swap3A_126 = arith.index_cast %scan3A_75 : i32 to index
      %swap3A_127 = arith.constant 112 : index
      %swap3A_128 = tpu.vector_load %arg8[%swap3A_126, %swap3A_127] {strides = array<i32>} : memref<128x128xf32, #tpu.memory_space<vmem>>, vector<1x16xf32>,
      %swap3A_129 = vector.shape_cast %swap3A_128 : vector<1x16xf32> to vector<16xf32>
      %swap3A_130 = vector.shape_cast %broadcast_in_dim3A_125 : vector<16xf32> to vector<1x16xf32>
      tpu.vector_store %arg8[%swap3A_126, %swap3A_127], %swap3A_130 {strides = array<i32>} : memref<128x128xf32, #tpu.memory_space<vmem>>, vector<1x16xf32>,
      %scan3A_131 = arith.constant 0 : i32
      scf.yield %scan3A_131 : i32
    }
    %scan3A_6 = arith.constant 128 : i32
    %mul3A_7 = arith.constant 640 : i32
    %mul3A_8 = arith.muli %arg1, %mul3A_7 : i32
    %add3A_9 = arith.constant 0 : i32
    %add3A_10 = arith.addi %mul3A_8, %add3A_9 : i32
    "tpu.region"() ({
      %run_scoped3A = tpu.sem_alloc : memref<!tpu.dma_semaphore, #tpu.memory_space<semaphore_mem>>
      %dma_start3A = arith.constant 0 : i32
      %dma_start3A_75 = tpu.memref_slice %arg10[%add3A_10, %dma_start3A] : memref<10240x128xf32, #tpu.memory_space<vmem_shared>> -> memref<128x128xf32, #tpu.memory_space<vmem_shared>>
      %dma_start3A_76 = arith.constant 0 : i32
      %dma_start3A_77 = tpu.memref_slice %arg10[%add3A_10, %dma_start3A_76] : memref<10240x128xf32, #tpu.memory_space<vmem_shared>> -> memref<128x128xf32, #tpu.memory_space<vmem_shared>>
      tpu.enqueue_dma source(%arg8 : memref<128x128xf32, #tpu.memory_space<vmem>>) target(%dma_start3A_77 : memref<128x128xf32, #tpu.memory_space<vmem_shared>>) target_semaphore(%run_scoped3A : memref<!tpu.dma_semaphore, #tpu.memory_space<semaphore_mem>>)
      %dma_wait3A = arith.constant 0 : i32
      %dma_wait3A_78 = tpu.memref_slice %arg10[%add3A_10, %dma_wait3A] : memref<10240x128xf32, #tpu.memory_space<vmem_shared>> -> memref<128x128xf32, #tpu.memory_space<vmem_shared>>
      %dma_wait3A_79 = arith.constant 0 : i32
      %dma_wait3A_80 = tpu.memref_slice %arg10[%add3A_10, %dma_wait3A_79] : memref<10240x128xf32, #tpu.memory_space<vmem_shared>> -> memref<128x128xf32, #tpu.memory_space<vmem_shared>>
      tpu.wait_dma2 semaphore(%run_scoped3A : memref<!tpu.dma_semaphore, #tpu.memory_space<semaphore_mem>>) src(%arg8 : memref<128x128xf32, #tpu.memory_space<vmem>>) dst(%dma_wait3A_80 : memref<128x128xf32, #tpu.memory_space<vmem_shared>>)
      tpu.yield
    }) : () -> ()
    %mul3A_11 = arith.constant 640 : i32
    %mul3A_12 = arith.muli %arg1, %mul3A_11 : i32
    %add3A_13 = arith.constant 128 : i32
    %add3A_14 = arith.addi %mul3A_12, %add3A_13 : i32
    "tpu.region"() ({
      %run_scoped3A = tpu.sem_alloc : memref<!tpu.dma_semaphore, #tpu.memory_space<semaphore_mem>>
      %dma_start3A = arith.constant 0 : i32
      %dma_start3A_75 = tpu.memref_slice %arg10[%add3A_14, %dma_start3A] : memref<10240x128xf32, #tpu.memory_space<vmem_shared>> -> memref<128x128xf32, #tpu.memory_space<vmem_shared>>
      %dma_start3A_76 = arith.constant 0 : i32
      %dma_start3A_77 = tpu.memref_slice %arg10[%add3A_14, %dma_start3A_76] : memref<10240x128xf32, #tpu.memory_space<vmem_shared>> -> memref<128x128xf32, #tpu.memory_space<vmem_shared>>
      tpu.enqueue_dma source(%arg8 : memref<128x128xf32, #tpu.memory_space<vmem>>) target(%dma_start3A_77 : memref<128x128xf32, #tpu.memory_space<vmem_shared>>) target_semaphore(%run_scoped3A : memref<!tpu.dma_semaphore, #tpu.memory_space<semaphore_mem>>)
      %dma_wait3A = arith.constant 0 : i32
      %dma_wait3A_78 = tpu.memref_slice %arg10[%add3A_14, %dma_wait3A] : memref<10240x128xf32, #tpu.memory_space<vmem_shared>> -> memref<128x128xf32, #tpu.memory_space<vmem_shared>>
      %dma_wait3A_79 = arith.constant 0 : i32
      %dma_wait3A_80 = tpu.memref_slice %arg10[%add3A_14, %dma_wait3A_79] : memref<10240x128xf32, #tpu.memory_space<vmem_shared>> -> memref<128x128xf32, #tpu.memory_space<vmem_shared>>
      tpu.wait_dma2 semaphore(%run_scoped3A : memref<!tpu.dma_semaphore, #tpu.memory_space<semaphore_mem>>) src(%arg8 : memref<128x128xf32, #tpu.memory_space<vmem>>) dst(%dma_wait3A_80 : memref<128x128xf32, #tpu.memory_space<vmem_shared>>)
      tpu.yield
    }) : () -> ()
    %mul3A_15 = arith.constant 640 : i32
    %mul3A_16 = arith.muli %arg1, %mul3A_15 : i32
    %add3A_17 = arith.constant 256 : i32
    %add3A_18 = arith.addi %mul3A_16, %add3A_17 : i32
    "tpu.region"() ({
      %run_scoped3A = tpu.sem_alloc : memref<!tpu.dma_semaphore, #tpu.memory_space<semaphore_mem>>
      %dma_start3A = arith.constant 0 : i32
      %dma_start3A_75 = tpu.memref_slice %arg10[%add3A_18, %dma_start3A] : memref<10240x128xf32, #tpu.memory_space<vmem_shared>> -> memref<128x128xf32, #tpu.memory_space<vmem_shared>>
      %dma_start3A_76 = arith.constant 0 : i32
      %dma_start3A_77 = tpu.memref_slice %arg10[%add3A_18, %dma_start3A_76] : memref<10240x128xf32, #tpu.memory_space<vmem_shared>> -> memref<128x128xf32, #tpu.memory_space<vmem_shared>>
      tpu.enqueue_dma source(%arg8 : memref<128x128xf32, #tpu.memory_space<vmem>>) target(%dma_start3A_77 : memref<128x128xf32, #tpu.memory_space<vmem_shared>>) target_semaphore(%run_scoped3A : memref<!tpu.dma_semaphore, #tpu.memory_space<semaphore_mem>>)
      %dma_wait3A = arith.constant 0 : i32
      %dma_wait3A_78 = tpu.memref_slice %arg10[%add3A_18, %dma_wait3A] : memref<10240x128xf32, #tpu.memory_space<vmem_shared>> -> memref<128x128xf32, #tpu.memory_space<vmem_shared>>
      %dma_wait3A_79 = arith.constant 0 : i32
      %dma_wait3A_80 = tpu.memref_slice %arg10[%add3A_18, %dma_wait3A_79] : memref<10240x128xf32, #tpu.memory_space<vmem_shared>> -> memref<128x128xf32, #tpu.memory_space<vmem_shared>>
      tpu.wait_dma2 semaphore(%run_scoped3A : memref<!tpu.dma_semaphore, #tpu.memory_space<semaphore_mem>>) src(%arg8 : memref<128x128xf32, #tpu.memory_space<vmem>>) dst(%dma_wait3A_80 : memref<128x128xf32, #tpu.memory_space<vmem_shared>>)
      tpu.yield
    }) : () -> ()
    %mul3A_19 = arith.constant 640 : i32
    %mul3A_20 = arith.muli %arg1, %mul3A_19 : i32
    %add3A_21 = arith.constant 384 : i32
    %add3A_22 = arith.addi %mul3A_20, %add3A_21 : i32
    "tpu.region"() ({
      %run_scoped3A = tpu.sem_alloc : memref<!tpu.dma_semaphore, #tpu.memory_space<semaphore_mem>>
      %dma_start3A = arith.constant 0 : i32
      %dma_start3A_75 = tpu.memref_slice %arg10[%add3A_22, %dma_start3A] : memref<10240x128xf32, #tpu.memory_space<vmem_shared>> -> memref<128x128xf32, #tpu.memory_space<vmem_shared>>
      %dma_start3A_76 = arith.constant 0 : i32
      %dma_start3A_77 = tpu.memref_slice %arg10[%add3A_22, %dma_start3A_76] : memref<10240x128xf32, #tpu.memory_space<vmem_shared>> -> memref<128x128xf32, #tpu.memory_space<vmem_shared>>
      tpu.enqueue_dma source(%arg8 : memref<128x128xf32, #tpu.memory_space<vmem>>) target(%dma_start3A_77 : memref<128x128xf32, #tpu.memory_space<vmem_shared>>) target_semaphore(%run_scoped3A : memref<!tpu.dma_semaphore, #tpu.memory_space<semaphore_mem>>)
      %dma_wait3A = arith.constant 0 : i32
      %dma_wait3A_78 = tpu.memref_slice %arg10[%add3A_22, %dma_wait3A] : memref<10240x128xf32, #tpu.memory_space<vmem_shared>> -> memref<128x128xf32, #tpu.memory_space<vmem_shared>>
      %dma_wait3A_79 = arith.constant 0 : i32
      %dma_wait3A_80 = tpu.memref_slice %arg10[%add3A_22, %dma_wait3A_79] : memref<10240x128xf32, #tpu.memory_space<vmem_shared>> -> memref<128x128xf32, #tpu.memory_space<vmem_shared>>
      tpu.wait_dma2 semaphore(%run_scoped3A : memref<!tpu.dma_semaphore, #tpu.memory_space<semaphore_mem>>) src(%arg8 : memref<128x128xf32, #tpu.memory_space<vmem>>) dst(%dma_wait3A_80 : memref<128x128xf32, #tpu.memory_space<vmem_shared>>)
      tpu.yield
    }) : () -> ()
    %mul3A_23 = arith.constant 640 : i32
    %mul3A_24 = arith.muli %arg1, %mul3A_23 : i32
    %add3A_25 = arith.constant 512 : i32
    %add3A_26 = arith.addi %mul3A_24, %add3A_25 : i32
    "tpu.region"() ({
      %run_scoped3A = tpu.sem_alloc : memref<!tpu.dma_semaphore, #tpu.memory_space<semaphore_mem>>
      %dma_start3A = arith.constant 0 : i32
      %dma_start3A_75 = tpu.memref_slice %arg10[%add3A_26, %dma_start3A] : memref<10240x128xf32, #tpu.memory_space<vmem_shared>> -> memref<128x128xf32, #tpu.memory_space<vmem_shared>>
      %dma_start3A_76 = arith.constant 0 : i32
      %dma_start3A_77 = tpu.memref_slice %arg10[%add3A_26, %dma_start3A_76] : memref<10240x128xf32, #tpu.memory_space<vmem_shared>> -> memref<128x128xf32, #tpu.memory_space<vmem_shared>>
      tpu.enqueue_dma source(%arg8 : memref<128x128xf32, #tpu.memory_space<vmem>>) target(%dma_start3A_77 : memref<128x128xf32, #tpu.memory_space<vmem_shared>>) target_semaphore(%run_scoped3A : memref<!tpu.dma_semaphore, #tpu.memory_space<semaphore_mem>>)
      %dma_wait3A = arith.constant 0 : i32
      %dma_wait3A_78 = tpu.memref_slice %arg10[%add3A_26, %dma_wait3A] : memref<10240x128xf32, #tpu.memory_space<vmem_shared>> -> memref<128x128xf32, #tpu.memory_space<vmem_shared>>
      %dma_wait3A_79 = arith.constant 0 : i32
      %dma_wait3A_80 = tpu.memref_slice %arg10[%add3A_26, %dma_wait3A_79] : memref<10240x128xf32, #tpu.memory_space<vmem_shared>> -> memref<128x128xf32, #tpu.memory_space<vmem_shared>>
      tpu.wait_dma2 semaphore(%run_scoped3A : memref<!tpu.dma_semaphore, #tpu.memory_space<semaphore_mem>>) src(%arg8 : memref<128x128xf32, #tpu.memory_space<vmem>>) dst(%dma_wait3A_80 : memref<128x128xf32, #tpu.memory_space<vmem_shared>>)
      tpu.yield
    }) : () -> ()
    %barrier3A = arith.constant 0 : index
    tpu.barrier barrier_id(%barrier3A)
    %sub3A = arith.constant 187 : i32
    %sub3A_27 = arith.subi %sub3A, %add3A : i32
    %jit3A = arith.constant 32 : i32
    %div3A = arith.divsi %sub3A_27, %jit3A : i32
    %sign3A = arith.constant 0 : i32
    %sign3A_28 = arith.cmpi sgt, %sub3A_27, %sign3A : i32
    %sign3A_29 = arith.extui %sign3A_28 : i1 to i32
    %sign3A_30 = arith.constant 0 : i32
    %sign3A_31 = arith.cmpi slt, %sub3A_27, %sign3A_30 : i32
    %sign3A_32 = arith.extui %sign3A_31 : i1 to i32
    %sign3A_33 = arith.subi %sign3A_29, %sign3A_32 : i32
    %sign3A_34 = arith.constant 0 : i32
    %sign3A_35 = arith.cmpi sgt, %jit3A, %sign3A_34 : i32
    %sign3A_36 = arith.extui %sign3A_35 : i1 to i32
    %sign3A_37 = arith.constant 0 : i32
    %sign3A_38 = arith.cmpi slt, %jit3A, %sign3A_37 : i32
    %sign3A_39 = arith.extui %sign3A_38 : i1 to i32
    %sign3A_40 = arith.subi %sign3A_36, %sign3A_39 : i32
    %ne3A = arith.cmpi ne, %sign3A_33, %sign3A_40 : i32
    %rem3A = arith.remsi %sub3A_27, %jit3A : i32
    %ne3A_41 = arith.constant 0 : i32
    %ne3A_42 = arith.cmpi ne, %rem3A, %ne3A_41 : i32
    %and3A = arith.andi %ne3A, %ne3A_42 : i1
    %sub3A_43 = arith.constant 1 : i32
    %sub3A_44 = arith.subi %div3A, %sub3A_43 : i32
    %select_n3A = arith.select %and3A, %sub3A_44, %div3A : i32
    %scan3A_45 = arith.constant 0 : i32
    %scan3A_46 = arith.constant 0 : i32
    %scan3A_47 = arith.constant 5 : i32
    %scan3A_48 = arith.addi %scan3A_46, %scan3A_47 : i32
    %scan3A_49 = arith.constant 1 : i32
    %scan3A_50 = scf.for %scan3A_75 = %scan3A_46 to %scan3A_48 step %scan3A_49 iter_args(%scan3A_76 = %scan3A_45) -> (i32)  : i32 {
      %lt3A = arith.cmpi slt, %scan3A_75, %select_n3A : i32
      %convert_element_type3A_77 = arith.extui %lt3A : i1 to i32
      %cond3A_78 = arith.constant 0 : i32
      %cond3A_79 = arith.cmpi ne, %convert_element_type3A_77, %cond3A_78 : i32
      scf.if %cond3A_79 {
        %mul3A_81 = arith.constant 32 : i32
        %mul3A_82 = arith.muli %mul3A_81, %scan3A_75 : i32
        %add3A_83 = arith.addi %add3A, %mul3A_82 : i32
        %mul3A_84 = arith.constant 16 : i32
        %mul3A_85 = arith.muli %add3A_83, %mul3A_84 : i32
        "tpu.region"() ({
          %run_scoped3A = tpu.sem_alloc : memref<!tpu.dma_semaphore, #tpu.memory_space<semaphore_mem>>
          %dma_start3A_532 = arith.constant 0 : i32
          %dma_start3A_533 = tpu.memref_slice %arg3[%mul3A_85, %dma_start3A_532] : memref<2500x128xi32, #tpu.memory_space<hbm>> -> memref<16x128xi32, #tpu.memory_space<hbm>>
          %dma_start3A_534 = arith.constant 0 : i32
          %dma_start3A_535 = tpu.memref_slice %arg3[%mul3A_85, %dma_start3A_534] : memref<2500x128xi32, #tpu.memory_space<hbm>> -> memref<16x128xi32, #tpu.memory_space<hbm>>
          tpu.enqueue_dma source(%dma_start3A_535 : memref<16x128xi32, #tpu.memory_space<hbm>>) target(%arg6 : memref<16x128xi32, #tpu.memory_space<vmem>>) target_semaphore(%run_scoped3A : memref<!tpu.dma_semaphore, #tpu.memory_space<semaphore_mem>>)
          %dma_wait3A_536 = arith.constant 0 : i32
          %dma_wait3A_537 = tpu.memref_slice %arg3[%mul3A_85, %dma_wait3A_536] : memref<2500x128xi32, #tpu.memory_space<hbm>> -> memref<16x128xi32, #tpu.memory_space<hbm>>
          %dma_wait3A_538 = arith.constant 0 : i32
          %dma_wait3A_539 = tpu.memref_slice %arg3[%mul3A_85, %dma_wait3A_538] : memref<2500x128xi32, #tpu.memory_space<hbm>> -> memref<16x128xi32, #tpu.memory_space<hbm>>
          tpu.wait_dma2 semaphore(%run_scoped3A : memref<!tpu.dma_semaphore, #tpu.memory_space<semaphore_mem>>) src(%dma_wait3A_539 : memref<16x128xi32, #tpu.memory_space<hbm>>) dst(%arg6 : memref<16x128xi32, #tpu.memory_space<vmem>>)
          tpu.yield
        }) : () -> ()
        "tpu.region"() ({
          %run_scoped3A = tpu.sem_alloc : memref<!tpu.dma_semaphore, #tpu.memory_space<semaphore_mem>>
          %dma_start3A_532 = arith.constant 0 : i32
          %dma_start3A_533 = tpu.memref_slice %arg4[%mul3A_85, %dma_start3A_532] : memref<2500x128xi32, #tpu.memory_space<hbm>> -> memref<16x128xi32, #tpu.memory_space<hbm>>
          %dma_start3A_534 = arith.constant 0 : i32
          %dma_start3A_535 = tpu.memref_slice %arg4[%mul3A_85, %dma_start3A_534] : memref<2500x128xi32, #tpu.memory_space<hbm>> -> memref<16x128xi32, #tpu.memory_space<hbm>>
          tpu.enqueue_dma source(%dma_start3A_535 : memref<16x128xi32, #tpu.memory_space<hbm>>) target(%arg7 : memref<16x128xi32, #tpu.memory_space<vmem>>) target_semaphore(%run_scoped3A : memref<!tpu.dma_semaphore, #tpu.memory_space<semaphore_mem>>)
          %dma_wait3A_536 = arith.constant 0 : i32
          %dma_wait3A_537 = tpu.memref_slice %arg4[%mul3A_85, %dma_wait3A_536] : memref<2500x128xi32, #tpu.memory_space<hbm>> -> memref<16x128xi32, #tpu.memory_space<hbm>>
          %dma_wait3A_538 = arith.constant 0 : i32
          %dma_wait3A_539 = tpu.memref_slice %arg4[%mul3A_85, %dma_wait3A_538] : memref<2500x128xi32, #tpu.memory_space<hbm>> -> memref<16x128xi32, #tpu.memory_space<hbm>>
          tpu.wait_dma2 semaphore(%run_scoped3A : memref<!tpu.dma_semaphore, #tpu.memory_space<semaphore_mem>>) src(%dma_wait3A_539 : memref<16x128xi32, #tpu.memory_space<hbm>>) dst(%arg7 : memref<16x128xi32, #tpu.memory_space<vmem>>)
          tpu.yield
        }) : () -> ()
        %dma_start3A = arith.constant 0 : i32
        %dma_start3A_86 = arith.constant 0 : i32
        %dma_start3A_87 = tpu.memref_slice %arg6[%dma_start3A, %dma_start3A_86] : memref<16x128xi32, #tpu.memory_space<vmem>> -> memref<1x128xi32, #tpu.memory_space<vmem>>
        %dma_start3A_88 = tpu.memref_squeeze %dma_start3A_87 : memref<1x128xi32, #tpu.memory_space<vmem>> -> memref<128xi32, #tpu.memory_space<vmem>>
        %dma_start3A_89 = arith.constant 0 : i32
        %dma_start3A_90 = arith.constant 0 : i32
        %dma_start3A_91 = tpu.memref_slice %arg2[%dma_start3A_89, %dma_start3A_90] : memref<10000x128xf32, #tpu.memory_space<hbm>> -> memref<10000x128xf32, #tpu.memory_space<hbm>>
        tpu.enqueue_indirect_dma source(%dma_start3A_91 : memref<10000x128xf32, #tpu.memory_space<hbm>>) target(%arg8 : memref<128x128xf32, #tpu.memory_space<vmem>>) offsets(%dma_start3A_88 : memref<128xi32, #tpu.memory_space<vmem>>) semaphore(%arg11 : memref<!tpu.dma_semaphore, #tpu.memory_space<semaphore_mem>>)
        %dma_wait3A = arith.constant 0 : i32
        %dma_wait3A_92 = arith.constant 0 : i32
        %dma_wait3A_93 = tpu.memref_slice %arg6[%dma_wait3A, %dma_wait3A_92] : memref<16x128xi32, #tpu.memory_space<vmem>> -> memref<1x128xi32, #tpu.memory_space<vmem>>
        %dma_wait3A_94 = tpu.memref_squeeze %dma_wait3A_93 : memref<1x128xi32, #tpu.memory_space<vmem>> -> memref<128xi32, #tpu.memory_space<vmem>>
        %dma_wait3A_95 = arith.constant 0 : i32
        %dma_wait3A_96 = arith.constant 0 : i32
        %dma_wait3A_97 = tpu.memref_slice %arg2[%dma_wait3A_95, %dma_wait3A_96] : memref<10000x128xf32, #tpu.memory_space<hbm>> -> memref<10000x128xf32, #tpu.memory_space<hbm>>
        tpu.wait_indirect_dma semaphore(%arg11 : memref<!tpu.dma_semaphore, #tpu.memory_space<semaphore_mem>>) src(%dma_wait3A_97 : memref<10000x128xf32, #tpu.memory_space<hbm>>) dst(%arg8 : memref<128x128xf32, #tpu.memory_space<vmem>>)
        %dma_start3A_98 = arith.constant 0 : i32
        %dma_start3A_99 = arith.constant 0 : i32
        %dma_start3A_100 = tpu.memref_slice %arg7[%dma_start3A_98, %dma_start3A_99] : memref<16x128xi32, #tpu.memory_space<vmem>> -> memref<1x128xi32, #tpu.memory_space<vmem>>
        %dma_start3A_101 = tpu.memref_squeeze %dma_start3A_100 : memref<1x128xi32, #tpu.memory_space<vmem>> -> memref<128xi32, #tpu.memory_space<vmem>>
        %dma_start3A_102 = arith.constant 0 : i32
        %dma_start3A_103 = arith.constant 0 : i32
        %dma_start3A_104 = tpu.memref_slice %arg10[%dma_start3A_102, %dma_start3A_103] : memref<10240x128xf32, #tpu.memory_space<vmem_shared>> -> memref<10240x128xf32, #tpu.memory_space<vmem_shared>>
        tpu.enqueue_indirect_dma source(%arg8 : memref<128x128xf32, #tpu.memory_space<vmem>>) target(%dma_start3A_104 : memref<10240x128xf32, #tpu.memory_space<vmem_shared>>) offsets(%dma_start3A_101 : memref<128xi32, #tpu.memory_space<vmem>>) semaphore(%arg13 : memref<!tpu.dma_semaphore, #tpu.memory_space<semaphore_mem>>) {add = true}
        %dma_start3A_105 = arith.constant 1 : i32
        %dma_start3A_106 = arith.constant 0 : i32
        %dma_start3A_107 = tpu.memref_slice %arg6[%dma_start3A_105, %dma_start3A_106] : memref<16x128xi32, #tpu.memory_space<vmem>> -> memref<1x128xi32, #tpu.memory_space<vmem>>
        %dma_start3A_108 = tpu.memref_squeeze %dma_start3A_107 : memref<1x128xi32, #tpu.memory_space<vmem>> -> memref<128xi32, #tpu.memory_space<vmem>>
        %dma_start3A_109 = arith.constant 0 : i32
        %dma_start3A_110 = arith.constant 0 : i32
        %dma_start3A_111 = tpu.memref_slice %arg2[%dma_start3A_109, %dma_start3A_110] : memref<10000x128xf32, #tpu.memory_space<hbm>> -> memref<10000x128xf32, #tpu.memory_space<hbm>>
        tpu.enqueue_indirect_dma source(%dma_start3A_111 : memref<10000x128xf32, #tpu.memory_space<hbm>>) target(%arg9 : memref<128x128xf32, #tpu.memory_space<vmem>>) offsets(%dma_start3A_108 : memref<128xi32, #tpu.memory_space<vmem>>) semaphore(%arg12 : memref<!tpu.dma_semaphore, #tpu.memory_space<semaphore_mem>>)
        %dma_wait3A_112 = arith.constant 1 : i32
        %dma_wait3A_113 = arith.constant 0 : i32
        %dma_wait3A_114 = tpu.memref_slice %arg6[%dma_wait3A_112, %dma_wait3A_113] : memref<16x128xi32, #tpu.memory_space<vmem>> -> memref<1x128xi32, #tpu.memory_space<vmem>>
        %dma_wait3A_115 = tpu.memref_squeeze %dma_wait3A_114 : memref<1x128xi32, #tpu.memory_space<vmem>> -> memref<128xi32, #tpu.memory_space<vmem>>
        %dma_wait3A_116 = arith.constant 0 : i32
        %dma_wait3A_117 = arith.constant 0 : i32
        %dma_wait3A_118 = tpu.memref_slice %arg2[%dma_wait3A_116, %dma_wait3A_117] : memref<10000x128xf32, #tpu.memory_space<hbm>> -> memref<10000x128xf32, #tpu.memory_space<hbm>>
        tpu.wait_indirect_dma semaphore(%arg12 : memref<!tpu.dma_semaphore, #tpu.memory_space<semaphore_mem>>) src(%dma_wait3A_118 : memref<10000x128xf32, #tpu.memory_space<hbm>>) dst(%arg9 : memref<128x128xf32, #tpu.memory_space<vmem>>)
        %dma_start3A_119 = arith.constant 1 : i32
        %dma_start3A_120 = arith.constant 0 : i32
        %dma_start3A_121 = tpu.memref_slice %arg7[%dma_start3A_119, %dma_start3A_120] : memref<16x128xi32, #tpu.memory_space<vmem>> -> memref<1x128xi32, #tpu.memory_space<vmem>>
        %dma_start3A_122 = tpu.memref_squeeze %dma_start3A_121 : memref<1x128xi32, #tpu.memory_space<vmem>> -> memref<128xi32, #tpu.memory_space<vmem>>
        %dma_start3A_123 = arith.constant 0 : i32
        %dma_start3A_124 = arith.constant 0 : i32
        %dma_start3A_125 = tpu.memref_slice %arg10[%dma_start3A_123, %dma_start3A_124] : memref<10240x128xf32, #tpu.memory_space<vmem_shared>> -> memref<10240x128xf32, #tpu.memory_space<vmem_shared>>
        tpu.enqueue_indirect_dma source(%arg9 : memref<128x128xf32, #tpu.memory_space<vmem>>) target(%dma_start3A_125 : memref<10240x128xf32, #tpu.memory_space<vmem_shared>>) offsets(%dma_start3A_122 : memref<128xi32, #tpu.memory_space<vmem>>) semaphore(%arg14 : memref<!tpu.dma_semaphore, #tpu.memory_space<semaphore_mem>>) {add = true}
        %dma_wait3A_126 = arith.constant 0 : i32
        %dma_wait3A_127 = arith.constant 0 : i32
        %dma_wait3A_128 = tpu.memref_slice %arg7[%dma_wait3A_126, %dma_wait3A_127] : memref<16x128xi32, #tpu.memory_space<vmem>> -> memref<1x128xi32, #tpu.memory_space<vmem>>
        %dma_wait3A_129 = tpu.memref_squeeze %dma_wait3A_128 : memref<1x128xi32, #tpu.memory_space<vmem>> -> memref<128xi32, #tpu.memory_space<vmem>>
        %dma_wait3A_130 = arith.constant 0 : i32
        %dma_wait3A_131 = arith.constant 0 : i32
        %dma_wait3A_132 = tpu.memref_slice %arg10[%dma_wait3A_130, %dma_wait3A_131] : memref<10240x128xf32, #tpu.memory_space<vmem_shared>> -> memref<10240x128xf32, #tpu.memory_space<vmem_shared>>
        tpu.wait_indirect_dma semaphore(%arg13 : memref<!tpu.dma_semaphore, #tpu.memory_space<semaphore_mem>>) src(%arg8 : memref<128x128xf32, #tpu.memory_space<vmem>>) dst(%dma_wait3A_132 : memref<10240x128xf32, #tpu.memory_space<vmem_shared>>)
        %dma_start3A_133 = arith.constant 2 : i32
        %dma_start3A_134 = arith.constant 0 : i32
        %dma_start3A_135 = tpu.memref_slice %arg6[%dma_start3A_133, %dma_start3A_134] : memref<16x128xi32, #tpu.memory_space<vmem>> -> memref<1x128xi32, #tpu.memory_space<vmem>>
        %dma_start3A_136 = tpu.memref_squeeze %dma_start3A_135 : memref<1x128xi32, #tpu.memory_space<vmem>> -> memref<128xi32, #tpu.memory_space<vmem>>
        %dma_start3A_137 = arith.constant 0 : i32
        %dma_start3A_138 = arith.constant 0 : i32
        %dma_start3A_139 = tpu.memref_slice %arg2[%dma_start3A_137, %dma_start3A_138] : memref<10000x128xf32, #tpu.memory_space<hbm>> -> memref<10000x128xf32, #tpu.memory_space<hbm>>
        tpu.enqueue_indirect_dma source(%dma_start3A_139 : memref<10000x128xf32, #tpu.memory_space<hbm>>) target(%arg8 : memref<128x128xf32, #tpu.memory_space<vmem>>) offsets(%dma_start3A_136 : memref<128xi32, #tpu.memory_space<vmem>>) semaphore(%arg11 : memref<!tpu.dma_semaphore, #tpu.memory_space<semaphore_mem>>)
        %dma_wait3A_140 = arith.constant 2 : i32
        %dma_wait3A_141 = arith.constant 0 : i32
        %dma_wait3A_142 = tpu.memref_slice %arg6[%dma_wait3A_140, %dma_wait3A_141] : memref<16x128xi32, #tpu.memory_space<vmem>> -> memref<1x128xi32, #tpu.memory_space<vmem>>
        %dma_wait3A_143 = tpu.memref_squeeze %dma_wait3A_142 : memref<1x128xi32, #tpu.memory_space<vmem>> -> memref<128xi32, #tpu.memory_space<vmem>>
        %dma_wait3A_144 = arith.constant 0 : i32
        %dma_wait3A_145 = arith.constant 0 : i32
        %dma_wait3A_146 = tpu.memref_slice %arg2[%dma_wait3A_144, %dma_wait3A_145] : memref<10000x128xf32, #tpu.memory_space<hbm>> -> memref<10000x128xf32, #tpu.memory_space<hbm>>
        tpu.wait_indirect_dma semaphore(%arg11 : memref<!tpu.dma_semaphore, #tpu.memory_space<semaphore_mem>>) src(%dma_wait3A_146 : memref<10000x128xf32, #tpu.memory_space<hbm>>) dst(%arg8 : memref<128x128xf32, #tpu.memory_space<vmem>>)
        %dma_start3A_147 = arith.constant 2 : i32
        %dma_start3A_148 = arith.constant 0 : i32
        %dma_start3A_149 = tpu.memref_slice %arg7[%dma_start3A_147, %dma_start3A_148] : memref<16x128xi32, #tpu.memory_space<vmem>> -> memref<1x128xi32, #tpu.memory_space<vmem>>
        %dma_start3A_150 = tpu.memref_squeeze %dma_start3A_149 : memref<1x128xi32, #tpu.memory_space<vmem>> -> memref<128xi32, #tpu.memory_space<vmem>>
        %dma_start3A_151 = arith.constant 0 : i32
        %dma_start3A_152 = arith.constant 0 : i32
        %dma_start3A_153 = tpu.memref_slice %arg10[%dma_start3A_151, %dma_start3A_152] : memref<10240x128xf32, #tpu.memory_space<vmem_shared>> -> memref<10240x128xf32, #tpu.memory_space<vmem_shared>>
        tpu.enqueue_indirect_dma source(%arg8 : memref<128x128xf32, #tpu.memory_space<vmem>>) target(%dma_start3A_153 : memref<10240x128xf32, #tpu.memory_space<vmem_shared>>) offsets(%dma_start3A_150 : memref<128xi32, #tpu.memory_space<vmem>>) semaphore(%arg13 : memref<!tpu.dma_semaphore, #tpu.memory_space<semaphore_mem>>) {add = true}
        %dma_wait3A_154 = arith.constant 1 : i32
        %dma_wait3A_155 = arith.constant 0 : i32
        %dma_wait3A_156 = tpu.memref_slice %arg7[%dma_wait3A_154, %dma_wait3A_155] : memref<16x128xi32, #tpu.memory_space<vmem>> -> memref<1x128xi32, #tpu.memory_space<vmem>>
        %dma_wait3A_157 = tpu.memref_squeeze %dma_wait3A_156 : memref<1x128xi32, #tpu.memory_space<vmem>> -> memref<128xi32, #tpu.memory_space<vmem>>
        %dma_wait3A_158 = arith.constant 0 : i32
        %dma_wait3A_159 = arith.constant 0 : i32
        %dma_wait3A_160 = tpu.memref_slice %arg10[%dma_wait3A_158, %dma_wait3A_159] : memref<10240x128xf32, #tpu.memory_space<vmem_shared>> -> memref<10240x128xf32, #tpu.memory_space<vmem_shared>>
        tpu.wait_indirect_dma semaphore(%arg14 : memref<!tpu.dma_semaphore, #tpu.memory_space<semaphore_mem>>) src(%arg9 : memref<128x128xf32, #tpu.memory_space<vmem>>) dst(%dma_wait3A_160 : memref<10240x128xf32, #tpu.memory_space<vmem_shared>>)
        %dma_start3A_161 = arith.constant 3 : i32
        %dma_start3A_162 = arith.constant 0 : i32
        %dma_start3A_163 = tpu.memref_slice %arg6[%dma_start3A_161, %dma_start3A_162] : memref<16x128xi32, #tpu.memory_space<vmem>> -> memref<1x128xi32, #tpu.memory_space<vmem>>
        %dma_start3A_164 = tpu.memref_squeeze %dma_start3A_163 : memref<1x128xi32, #tpu.memory_space<vmem>> -> memref<128xi32, #tpu.memory_space<vmem>>
        %dma_start3A_165 = arith.constant 0 : i32
        %dma_start3A_166 = arith.constant 0 : i32
        %dma_start3A_167 = tpu.memref_slice %arg2[%dma_start3A_165, %dma_start3A_166] : memref<10000x128xf32, #tpu.memory_space<hbm>> -> memref<10000x128xf32, #tpu.memory_space<hbm>>
        tpu.enqueue_indirect_dma source(%dma_start3A_167 : memref<10000x128xf32, #tpu.memory_space<hbm>>) target(%arg9 : memref<128x128xf32, #tpu.memory_space<vmem>>) offsets(%dma_start3A_164 : memref<128xi32, #tpu.memory_space<vmem>>) semaphore(%arg12 : memref<!tpu.dma_semaphore, #tpu.memory_space<semaphore_mem>>)
        %dma_wait3A_168 = arith.constant 3 : i32
        %dma_wait3A_169 = arith.constant 0 : i32
        %dma_wait3A_170 = tpu.memref_slice %arg6[%dma_wait3A_168, %dma_wait3A_169] : memref<16x128xi32, #tpu.memory_space<vmem>> -> memref<1x128xi32, #tpu.memory_space<vmem>>
        %dma_wait3A_171 = tpu.memref_squeeze %dma_wait3A_170 : memref<1x128xi32, #tpu.memory_space<vmem>> -> memref<128xi32, #tpu.memory_space<vmem>>
        %dma_wait3A_172 = arith.constant 0 : i32
        %dma_wait3A_173 = arith.constant 0 : i32
        %dma_wait3A_174 = tpu.memref_slice %arg2[%dma_wait3A_172, %dma_wait3A_173] : memref<10000x128xf32, #tpu.memory_space<hbm>> -> memref<10000x128xf32, #tpu.memory_space<hbm>>
        tpu.wait_indirect_dma semaphore(%arg12 : memref<!tpu.dma_semaphore, #tpu.memory_space<semaphore_mem>>) src(%dma_wait3A_174 : memref<10000x128xf32, #tpu.memory_space<hbm>>) dst(%arg9 : memref<128x128xf32, #tpu.memory_space<vmem>>)
        %dma_start3A_175 = arith.constant 3 : i32
        %dma_start3A_176 = arith.constant 0 : i32
        %dma_start3A_177 = tpu.memref_slice %arg7[%dma_start3A_175, %dma_start3A_176] : memref<16x128xi32, #tpu.memory_space<vmem>> -> memref<1x128xi32, #tpu.memory_space<vmem>>
        %dma_start3A_178 = tpu.memref_squeeze %dma_start3A_177 : memref<1x128xi32, #tpu.memory_space<vmem>> -> memref<128xi32, #tpu.memory_space<vmem>>
        %dma_start3A_179 = arith.constant 0 : i32
        %dma_start3A_180 = arith.constant 0 : i32
        %dma_start3A_181 = tpu.memref_slice %arg10[%dma_start3A_179, %dma_start3A_180] : memref<10240x128xf32, #tpu.memory_space<vmem_shared>> -> memref<10240x128xf32, #tpu.memory_space<vmem_shared>>
        tpu.enqueue_indirect_dma source(%arg9 : memref<128x128xf32, #tpu.memory_space<vmem>>) target(%dma_start3A_181 : memref<10240x128xf32, #tpu.memory_space<vmem_shared>>) offsets(%dma_start3A_178 : memref<128xi32, #tpu.memory_space<vmem>>) semaphore(%arg14 : memref<!tpu.dma_semaphore, #tpu.memory_space<semaphore_mem>>) {add = true}
        %dma_wait3A_182 = arith.constant 2 : i32
        %dma_wait3A_183 = arith.constant 0 : i32
        %dma_wait3A_184 = tpu.memref_slice %arg7[%dma_wait3A_182, %dma_wait3A_183] : memref<16x128xi32, #tpu.memory_space<vmem>> -> memref<1x128xi32, #tpu.memory_space<vmem>>
        %dma_wait3A_185 = tpu.memref_squeeze %dma_wait3A_184 : memref<1x128xi32, #tpu.memory_space<vmem>> -> memref<128xi32, #tpu.memory_space<vmem>>
        %dma_wait3A_186 = arith.constant 0 : i32
        %dma_wait3A_187 = arith.constant 0 : i32
        %dma_wait3A_188 = tpu.memref_slice %arg10[%dma_wait3A_186, %dma_wait3A_187] : memref<10240x128xf32, #tpu.memory_space<vmem_shared>> -> memref<10240x128xf32, #tpu.memory_space<vmem_shared>>
        tpu.wait_indirect_dma semaphore(%arg13 : memref<!tpu.dma_semaphore, #tpu.memory_space<semaphore_mem>>) src(%arg8 : memref<128x128xf32, #tpu.memory_space<vmem>>) dst(%dma_wait3A_188 : memref<10240x128xf32, #tpu.memory_space<vmem_shared>>)
        %dma_start3A_189 = arith.constant 4 : i32
        %dma_start3A_190 = arith.constant 0 : i32
        %dma_start3A_191 = tpu.memref_slice %arg6[%dma_start3A_189, %dma_start3A_190] : memref<16x128xi32, #tpu.memory_space<vmem>> -> memref<1x128xi32, #tpu.memory_space<vmem>>
        %dma_start3A_192 = tpu.memref_squeeze %dma_start3A_191 : memref<1x128xi32, #tpu.memory_space<vmem>> -> memref<128xi32, #tpu.memory_space<vmem>>
        %dma_start3A_193 = arith.constant 0 : i32
        %dma_start3A_194 = arith.constant 0 : i32
        %dma_start3A_195 = tpu.memref_slice %arg2[%dma_start3A_193, %dma_start3A_194] : memref<10000x128xf32, #tpu.memory_space<hbm>> -> memref<10000x128xf32, #tpu.memory_space<hbm>>
        tpu.enqueue_indirect_dma source(%dma_start3A_195 : memref<10000x128xf32, #tpu.memory_space<hbm>>) target(%arg8 : memref<128x128xf32, #tpu.memory_space<vmem>>) offsets(%dma_start3A_192 : memref<128xi32, #tpu.memory_space<vmem>>) semaphore(%arg11 : memref<!tpu.dma_semaphore, #tpu.memory_space<semaphore_mem>>)
        %dma_wait3A_196 = arith.constant 4 : i32
        %dma_wait3A_197 = arith.constant 0 : i32
        %dma_wait3A_198 = tpu.memref_slice %arg6[%dma_wait3A_196, %dma_wait3A_197] : memref<16x128xi32, #tpu.memory_space<vmem>> -> memref<1x128xi32, #tpu.memory_space<vmem>>
        %dma_wait3A_199 = tpu.memref_squeeze %dma_wait3A_198 : memref<1x128xi32, #tpu.memory_space<vmem>> -> memref<128xi32, #tpu.memory_space<vmem>>
        %dma_wait3A_200 = arith.constant 0 : i32
        %dma_wait3A_201 = arith.constant 0 : i32
        %dma_wait3A_202 = tpu.memref_slice %arg2[%dma_wait3A_200, %dma_wait3A_201] : memref<10000x128xf32, #tpu.memory_space<hbm>> -> memref<10000x128xf32, #tpu.memory_space<hbm>>
        tpu.wait_indirect_dma semaphore(%arg11 : memref<!tpu.dma_semaphore, #tpu.memory_space<semaphore_mem>>) src(%dma_wait3A_202 : memref<10000x128xf32, #tpu.memory_space<hbm>>) dst(%arg8 : memref<128x128xf32, #tpu.memory_space<vmem>>)
        %dma_start3A_203 = arith.constant 4 : i32
        %dma_start3A_204 = arith.constant 0 : i32
        %dma_start3A_205 = tpu.memref_slice %arg7[%dma_start3A_203, %dma_start3A_204] : memref<16x128xi32, #tpu.memory_space<vmem>> -> memref<1x128xi32, #tpu.memory_space<vmem>>
        %dma_start3A_206 = tpu.memref_squeeze %dma_start3A_205 : memref<1x128xi32, #tpu.memory_space<vmem>> -> memref<128xi32, #tpu.memory_space<vmem>>
        %dma_start3A_207 = arith.constant 0 : i32
        %dma_start3A_208 = arith.constant 0 : i32
        %dma_start3A_209 = tpu.memref_slice %arg10[%dma_start3A_207, %dma_start3A_208] : memref<10240x128xf32, #tpu.memory_space<vmem_shared>> -> memref<10240x128xf32, #tpu.memory_space<vmem_shared>>
        tpu.enqueue_indirect_dma source(%arg8 : memref<128x128xf32, #tpu.memory_space<vmem>>) target(%dma_start3A_209 : memref<10240x128xf32, #tpu.memory_space<vmem_shared>>) offsets(%dma_start3A_206 : memref<128xi32, #tpu.memory_space<vmem>>) semaphore(%arg13 : memref<!tpu.dma_semaphore, #tpu.memory_space<semaphore_mem>>) {add = true}
        %dma_wait3A_210 = arith.constant 3 : i32
        %dma_wait3A_211 = arith.constant 0 : i32
        %dma_wait3A_212 = tpu.memref_slice %arg7[%dma_wait3A_210, %dma_wait3A_211] : memref<16x128xi32, #tpu.memory_space<vmem>> -> memref<1x128xi32, #tpu.memory_space<vmem>>
        %dma_wait3A_213 = tpu.memref_squeeze %dma_wait3A_212 : memref<1x128xi32, #tpu.memory_space<vmem>> -> memref<128xi32, #tpu.memory_space<vmem>>
        %dma_wait3A_214 = arith.constant 0 : i32
        %dma_wait3A_215 = arith.constant 0 : i32
        %dma_wait3A_216 = tpu.memref_slice %arg10[%dma_wait3A_214, %dma_wait3A_215] : memref<10240x128xf32, #tpu.memory_space<vmem_shared>> -> memref<10240x128xf32, #tpu.memory_space<vmem_shared>>
        tpu.wait_indirect_dma semaphore(%arg14 : memref<!tpu.dma_semaphore, #tpu.memory_space<semaphore_mem>>) src(%arg9 : memref<128x128xf32, #tpu.memory_space<vmem>>) dst(%dma_wait3A_216 : memref<10240x128xf32, #tpu.memory_space<vmem_shared>>)
        %dma_start3A_217 = arith.constant 5 : i32
        %dma_start3A_218 = arith.constant 0 : i32
        %dma_start3A_219 = tpu.memref_slice %arg6[%dma_start3A_217, %dma_start3A_218] : memref<16x128xi32, #tpu.memory_space<vmem>> -> memref<1x128xi32, #tpu.memory_space<vmem>>
        %dma_start3A_220 = tpu.memref_squeeze %dma_start3A_219 : memref<1x128xi32, #tpu.memory_space<vmem>> -> memref<128xi32, #tpu.memory_space<vmem>>
        %dma_start3A_221 = arith.constant 0 : i32
        %dma_start3A_222 = arith.constant 0 : i32
        %dma_start3A_223 = tpu.memref_slice %arg2[%dma_start3A_221, %dma_start3A_222] : memref<10000x128xf32, #tpu.memory_space<hbm>> -> memref<10000x128xf32, #tpu.memory_space<hbm>>
        tpu.enqueue_indirect_dma source(%dma_start3A_223 : memref<10000x128xf32, #tpu.memory_space<hbm>>) target(%arg9 : memref<128x128xf32, #tpu.memory_space<vmem>>) offsets(%dma_start3A_220 : memref<128xi32, #tpu.memory_space<vmem>>) semaphore(%arg12 : memref<!tpu.dma_semaphore, #tpu.memory_space<semaphore_mem>>)
        %dma_wait3A_224 = arith.constant 5 : i32
        %dma_wait3A_225 = arith.constant 0 : i32
        %dma_wait3A_226 = tpu.memref_slice %arg6[%dma_wait3A_224, %dma_wait3A_225] : memref<16x128xi32, #tpu.memory_space<vmem>> -> memref<1x128xi32, #tpu.memory_space<vmem>>
        %dma_wait3A_227 = tpu.memref_squeeze %dma_wait3A_226 : memref<1x128xi32, #tpu.memory_space<vmem>> -> memref<128xi32, #tpu.memory_space<vmem>>
        %dma_wait3A_228 = arith.constant 0 : i32
        %dma_wait3A_229 = arith.constant 0 : i32
        %dma_wait3A_230 = tpu.memref_slice %arg2[%dma_wait3A_228, %dma_wait3A_229] : memref<10000x128xf32, #tpu.memory_space<hbm>> -> memref<10000x128xf32, #tpu.memory_space<hbm>>
        tpu.wait_indirect_dma semaphore(%arg12 : memref<!tpu.dma_semaphore, #tpu.memory_space<semaphore_mem>>) src(%dma_wait3A_230 : memref<10000x128xf32, #tpu.memory_space<hbm>>) dst(%arg9 : memref<128x128xf32, #tpu.memory_space<vmem>>)
        %dma_start3A_231 = arith.constant 5 : i32
        %dma_start3A_232 = arith.constant 0 : i32
        %dma_start3A_233 = tpu.memref_slice %arg7[%dma_start3A_231, %dma_start3A_232] : memref<16x128xi32, #tpu.memory_space<vmem>> -> memref<1x128xi32, #tpu.memory_space<vmem>>
        %dma_start3A_234 = tpu.memref_squeeze %dma_start3A_233 : memref<1x128xi32, #tpu.memory_space<vmem>> -> memref<128xi32, #tpu.memory_space<vmem>>
        %dma_start3A_235 = arith.constant 0 : i32
        %dma_start3A_236 = arith.constant 0 : i32
        %dma_start3A_237 = tpu.memref_slice %arg10[%dma_start3A_235, %dma_start3A_236] : memref<10240x128xf32, #tpu.memory_space<vmem_shared>> -> memref<10240x128xf32, #tpu.memory_space<vmem_shared>>
        tpu.enqueue_indirect_dma source(%arg9 : memref<128x128xf32, #tpu.memory_space<vmem>>) target(%dma_start3A_237 : memref<10240x128xf32, #tpu.memory_space<vmem_shared>>) offsets(%dma_start3A_234 : memref<128xi32, #tpu.memory_space<vmem>>) semaphore(%arg14 : memref<!tpu.dma_semaphore, #tpu.memory_space<semaphore_mem>>) {add = true}
        %dma_wait3A_238 = arith.constant 4 : i32
        %dma_wait3A_239 = arith.constant 0 : i32
        %dma_wait3A_240 = tpu.memref_slice %arg7[%dma_wait3A_238, %dma_wait3A_239] : memref<16x128xi32, #tpu.memory_space<vmem>> -> memref<1x128xi32, #tpu.memory_space<vmem>>
        %dma_wait3A_241 = tpu.memref_squeeze %dma_wait3A_240 : memref<1x128xi32, #tpu.memory_space<vmem>> -> memref<128xi32, #tpu.memory_space<vmem>>
        %dma_wait3A_242 = arith.constant 0 : i32
        %dma_wait3A_243 = arith.constant 0 : i32
        %dma_wait3A_244 = tpu.memref_slice %arg10[%dma_wait3A_242, %dma_wait3A_243] : memref<10240x128xf32, #tpu.memory_space<vmem_shared>> -> memref<10240x128xf32, #tpu.memory_space<vmem_shared>>
        tpu.wait_indirect_dma semaphore(%arg13 : memref<!tpu.dma_semaphore, #tpu.memory_space<semaphore_mem>>) src(%arg8 : memref<128x128xf32, #tpu.memory_space<vmem>>) dst(%dma_wait3A_244 : memref<10240x128xf32, #tpu.memory_space<vmem_shared>>)
        %dma_start3A_245 = arith.constant 6 : i32
        %dma_start3A_246 = arith.constant 0 : i32
        %dma_start3A_247 = tpu.memref_slice %arg6[%dma_start3A_245, %dma_start3A_246] : memref<16x128xi32, #tpu.memory_space<vmem>> -> memref<1x128xi32, #tpu.memory_space<vmem>>
        %dma_start3A_248 = tpu.memref_squeeze %dma_start3A_247 : memref<1x128xi32, #tpu.memory_space<vmem>> -> memref<128xi32, #tpu.memory_space<vmem>>
        %dma_start3A_249 = arith.constant 0 : i32
        %dma_start3A_250 = arith.constant 0 : i32
        %dma_start3A_251 = tpu.memref_slice %arg2[%dma_start3A_249, %dma_start3A_250] : memref<10000x128xf32, #tpu.memory_space<hbm>> -> memref<10000x128xf32, #tpu.memory_space<hbm>>
        tpu.enqueue_indirect_dma source(%dma_start3A_251 : memref<10000x128xf32, #tpu.memory_space<hbm>>) target(%arg8 : memref<128x128xf32, #tpu.memory_space<vmem>>) offsets(%dma_start3A_248 : memref<128xi32, #tpu.memory_space<vmem>>) semaphore(%arg11 : memref<!tpu.dma_semaphore, #tpu.memory_space<semaphore_mem>>)
        %dma_wait3A_252 = arith.constant 6 : i32
        %dma_wait3A_253 = arith.constant 0 : i32
        %dma_wait3A_254 = tpu.memref_slice %arg6[%dma_wait3A_252, %dma_wait3A_253] : memref<16x128xi32, #tpu.memory_space<vmem>> -> memref<1x128xi32, #tpu.memory_space<vmem>>
        %dma_wait3A_255 = tpu.memref_squeeze %dma_wait3A_254 : memref<1x128xi32, #tpu.memory_space<vmem>> -> memref<128xi32, #tpu.memory_space<vmem>>
        %dma_wait3A_256 = arith.constant 0 : i32
        %dma_wait3A_257 = arith.constant 0 : i32
        %dma_wait3A_258 = tpu.memref_slice %arg2[%dma_wait3A_256, %dma_wait3A_257] : memref<10000x128xf32, #tpu.memory_space<hbm>> -> memref<10000x128xf32, #tpu.memory_space<hbm>>
        tpu.wait_indirect_dma semaphore(%arg11 : memref<!tpu.dma_semaphore, #tpu.memory_space<semaphore_mem>>) src(%dma_wait3A_258 : memref<10000x128xf32, #tpu.memory_space<hbm>>) dst(%arg8 : memref<128x128xf32, #tpu.memory_space<vmem>>)
        %dma_start3A_259 = arith.constant 6 : i32
        %dma_start3A_260 = arith.constant 0 : i32
        %dma_start3A_261 = tpu.memref_slice %arg7[%dma_start3A_259, %dma_start3A_260] : memref<16x128xi32, #tpu.memory_space<vmem>> -> memref<1x128xi32, #tpu.memory_space<vmem>>
        %dma_start3A_262 = tpu.memref_squeeze %dma_start3A_261 : memref<1x128xi32, #tpu.memory_space<vmem>> -> memref<128xi32, #tpu.memory_space<vmem>>
        %dma_start3A_263 = arith.constant 0 : i32
        %dma_start3A_264 = arith.constant 0 : i32
        %dma_start3A_265 = tpu.memref_slice %arg10[%dma_start3A_263, %dma_start3A_264] : memref<10240x128xf32, #tpu.memory_space<vmem_shared>> -> memref<10240x128xf32, #tpu.memory_space<vmem_shared>>
        tpu.enqueue_indirect_dma source(%arg8 : memref<128x128xf32, #tpu.memory_space<vmem>>) target(%dma_start3A_265 : memref<10240x128xf32, #tpu.memory_space<vmem_shared>>) offsets(%dma_start3A_262 : memref<128xi32, #tpu.memory_space<vmem>>) semaphore(%arg13 : memref<!tpu.dma_semaphore, #tpu.memory_space<semaphore_mem>>) {add = true}
        %dma_wait3A_266 = arith.constant 5 : i32
        %dma_wait3A_267 = arith.constant 0 : i32
        %dma_wait3A_268 = tpu.memref_slice %arg7[%dma_wait3A_266, %dma_wait3A_267] : memref<16x128xi32, #tpu.memory_space<vmem>> -> memref<1x128xi32, #tpu.memory_space<vmem>>
        %dma_wait3A_269 = tpu.memref_squeeze %dma_wait3A_268 : memref<1x128xi32, #tpu.memory_space<vmem>> -> memref<128xi32, #tpu.memory_space<vmem>>
        %dma_wait3A_270 = arith.constant 0 : i32
        %dma_wait3A_271 = arith.constant 0 : i32
        %dma_wait3A_272 = tpu.memref_slice %arg10[%dma_wait3A_270, %dma_wait3A_271] : memref<10240x128xf32, #tpu.memory_space<vmem_shared>> -> memref<10240x128xf32, #tpu.memory_space<vmem_shared>>
        tpu.wait_indirect_dma semaphore(%arg14 : memref<!tpu.dma_semaphore, #tpu.memory_space<semaphore_mem>>) src(%arg9 : memref<128x128xf32, #tpu.memory_space<vmem>>) dst(%dma_wait3A_272 : memref<10240x128xf32, #tpu.memory_space<vmem_shared>>)
        %dma_start3A_273 = arith.constant 7 : i32
        %dma_start3A_274 = arith.constant 0 : i32
        %dma_start3A_275 = tpu.memref_slice %arg6[%dma_start3A_273, %dma_start3A_274] : memref<16x128xi32, #tpu.memory_space<vmem>> -> memref<1x128xi32, #tpu.memory_space<vmem>>
        %dma_start3A_276 = tpu.memref_squeeze %dma_start3A_275 : memref<1x128xi32, #tpu.memory_space<vmem>> -> memref<128xi32, #tpu.memory_space<vmem>>
        %dma_start3A_277 = arith.constant 0 : i32
        %dma_start3A_278 = arith.constant 0 : i32
        %dma_start3A_279 = tpu.memref_slice %arg2[%dma_start3A_277, %dma_start3A_278] : memref<10000x128xf32, #tpu.memory_space<hbm>> -> memref<10000x128xf32, #tpu.memory_space<hbm>>
        tpu.enqueue_indirect_dma source(%dma_start3A_279 : memref<10000x128xf32, #tpu.memory_space<hbm>>) target(%arg9 : memref<128x128xf32, #tpu.memory_space<vmem>>) offsets(%dma_start3A_276 : memref<128xi32, #tpu.memory_space<vmem>>) semaphore(%arg12 : memref<!tpu.dma_semaphore, #tpu.memory_space<semaphore_mem>>)
        %dma_wait3A_280 = arith.constant 7 : i32
        %dma_wait3A_281 = arith.constant 0 : i32
        %dma_wait3A_282 = tpu.memref_slice %arg6[%dma_wait3A_280, %dma_wait3A_281] : memref<16x128xi32, #tpu.memory_space<vmem>> -> memref<1x128xi32, #tpu.memory_space<vmem>>
        %dma_wait3A_283 = tpu.memref_squeeze %dma_wait3A_282 : memref<1x128xi32, #tpu.memory_space<vmem>> -> memref<128xi32, #tpu.memory_space<vmem>>
        %dma_wait3A_284 = arith.constant 0 : i32
        %dma_wait3A_285 = arith.constant 0 : i32
        %dma_wait3A_286 = tpu.memref_slice %arg2[%dma_wait3A_284, %dma_wait3A_285] : memref<10000x128xf32, #tpu.memory_space<hbm>> -> memref<10000x128xf32, #tpu.memory_space<hbm>>
        tpu.wait_indirect_dma semaphore(%arg12 : memref<!tpu.dma_semaphore, #tpu.memory_space<semaphore_mem>>) src(%dma_wait3A_286 : memref<10000x128xf32, #tpu.memory_space<hbm>>) dst(%arg9 : memref<128x128xf32, #tpu.memory_space<vmem>>)
        %dma_start3A_287 = arith.constant 7 : i32
        %dma_start3A_288 = arith.constant 0 : i32
        %dma_start3A_289 = tpu.memref_slice %arg7[%dma_start3A_287, %dma_start3A_288] : memref<16x128xi32, #tpu.memory_space<vmem>> -> memref<1x128xi32, #tpu.memory_space<vmem>>
        %dma_start3A_290 = tpu.memref_squeeze %dma_start3A_289 : memref<1x128xi32, #tpu.memory_space<vmem>> -> memref<128xi32, #tpu.memory_space<vmem>>
        %dma_start3A_291 = arith.constant 0 : i32
        %dma_start3A_292 = arith.constant 0 : i32
        %dma_start3A_293 = tpu.memref_slice %arg10[%dma_start3A_291, %dma_start3A_292] : memref<10240x128xf32, #tpu.memory_space<vmem_shared>> -> memref<10240x128xf32, #tpu.memory_space<vmem_shared>>
        tpu.enqueue_indirect_dma source(%arg9 : memref<128x128xf32, #tpu.memory_space<vmem>>) target(%dma_start3A_293 : memref<10240x128xf32, #tpu.memory_space<vmem_shared>>) offsets(%dma_start3A_290 : memref<128xi32, #tpu.memory_space<vmem>>) semaphore(%arg14 : memref<!tpu.dma_semaphore, #tpu.memory_space<semaphore_mem>>) {add = true}
        %dma_wait3A_294 = arith.constant 6 : i32
        %dma_wait3A_295 = arith.constant 0 : i32
        %dma_wait3A_296 = tpu.memref_slice %arg7[%dma_wait3A_294, %dma_wait3A_295] : memref<16x128xi32, #tpu.memory_space<vmem>> -> memref<1x128xi32, #tpu.memory_space<vmem>>
        %dma_wait3A_297 = tpu.memref_squeeze %dma_wait3A_296 : memref<1x128xi32, #tpu.memory_space<vmem>> -> memref<128xi32, #tpu.memory_space<vmem>>
        %dma_wait3A_298 = arith.constant 0 : i32
        %dma_wait3A_299 = arith.constant 0 : i32
        %dma_wait3A_300 = tpu.memref_slice %arg10[%dma_wait3A_298, %dma_wait3A_299] : memref<10240x128xf32, #tpu.memory_space<vmem_shared>> -> memref<10240x128xf32, #tpu.memory_space<vmem_shared>>
        tpu.wait_indirect_dma semaphore(%arg13 : memref<!tpu.dma_semaphore, #tpu.memory_space<semaphore_mem>>) src(%arg8 : memref<128x128xf32, #tpu.memory_space<vmem>>) dst(%dma_wait3A_300 : memref<10240x128xf32, #tpu.memory_space<vmem_shared>>)
        %dma_start3A_301 = arith.constant 8 : i32
        %dma_start3A_302 = arith.constant 0 : i32
        %dma_start3A_303 = tpu.memref_slice %arg6[%dma_start3A_301, %dma_start3A_302] : memref<16x128xi32, #tpu.memory_space<vmem>> -> memref<1x128xi32, #tpu.memory_space<vmem>>
        %dma_start3A_304 = tpu.memref_squeeze %dma_start3A_303 : memref<1x128xi32, #tpu.memory_space<vmem>> -> memref<128xi32, #tpu.memory_space<vmem>>
        %dma_start3A_305 = arith.constant 0 : i32
        %dma_start3A_306 = arith.constant 0 : i32
        %dma_start3A_307 = tpu.memref_slice %arg2[%dma_start3A_305, %dma_start3A_306] : memref<10000x128xf32, #tpu.memory_space<hbm>> -> memref<10000x128xf32, #tpu.memory_space<hbm>>
        tpu.enqueue_indirect_dma source(%dma_start3A_307 : memref<10000x128xf32, #tpu.memory_space<hbm>>) target(%arg8 : memref<128x128xf32, #tpu.memory_space<vmem>>) offsets(%dma_start3A_304 : memref<128xi32, #tpu.memory_space<vmem>>) semaphore(%arg11 : memref<!tpu.dma_semaphore, #tpu.memory_space<semaphore_mem>>)
        %dma_wait3A_308 = arith.constant 8 : i32
        %dma_wait3A_309 = arith.constant 0 : i32
        %dma_wait3A_310 = tpu.memref_slice %arg6[%dma_wait3A_308, %dma_wait3A_309] : memref<16x128xi32, #tpu.memory_space<vmem>> -> memref<1x128xi32, #tpu.memory_space<vmem>>
        %dma_wait3A_311 = tpu.memref_squeeze %dma_wait3A_310 : memref<1x128xi32, #tpu.memory_space<vmem>> -> memref<128xi32, #tpu.memory_space<vmem>>
        %dma_wait3A_312 = arith.constant 0 : i32
        %dma_wait3A_313 = arith.constant 0 : i32
        %dma_wait3A_314 = tpu.memref_slice %arg2[%dma_wait3A_312, %dma_wait3A_313] : memref<10000x128xf32, #tpu.memory_space<hbm>> -> memref<10000x128xf32, #tpu.memory_space<hbm>>
        tpu.wait_indirect_dma semaphore(%arg11 : memref<!tpu.dma_semaphore, #tpu.memory_space<semaphore_mem>>) src(%dma_wait3A_314 : memref<10000x128xf32, #tpu.memory_space<hbm>>) dst(%arg8 : memref<128x128xf32, #tpu.memory_space<vmem>>)
        %dma_start3A_315 = arith.constant 8 : i32
        %dma_start3A_316 = arith.constant 0 : i32
        %dma_start3A_317 = tpu.memref_slice %arg7[%dma_start3A_315, %dma_start3A_316] : memref<16x128xi32, #tpu.memory_space<vmem>> -> memref<1x128xi32, #tpu.memory_space<vmem>>
        %dma_start3A_318 = tpu.memref_squeeze %dma_start3A_317 : memref<1x128xi32, #tpu.memory_space<vmem>> -> memref<128xi32, #tpu.memory_space<vmem>>
        %dma_start3A_319 = arith.constant 0 : i32
        %dma_start3A_320 = arith.constant 0 : i32
        %dma_start3A_321 = tpu.memref_slice %arg10[%dma_start3A_319, %dma_start3A_320] : memref<10240x128xf32, #tpu.memory_space<vmem_shared>> -> memref<10240x128xf32, #tpu.memory_space<vmem_shared>>
        tpu.enqueue_indirect_dma source(%arg8 : memref<128x128xf32, #tpu.memory_space<vmem>>) target(%dma_start3A_321 : memref<10240x128xf32, #tpu.memory_space<vmem_shared>>) offsets(%dma_start3A_318 : memref<128xi32, #tpu.memory_space<vmem>>) semaphore(%arg13 : memref<!tpu.dma_semaphore, #tpu.memory_space<semaphore_mem>>) {add = true}
        %dma_wait3A_322 = arith.constant 7 : i32
        %dma_wait3A_323 = arith.constant 0 : i32
        %dma_wait3A_324 = tpu.memref_slice %arg7[%dma_wait3A_322, %dma_wait3A_323] : memref<16x128xi32, #tpu.memory_space<vmem>> -> memref<1x128xi32, #tpu.memory_space<vmem>>
        %dma_wait3A_325 = tpu.memref_squeeze %dma_wait3A_324 : memref<1x128xi32, #tpu.memory_space<vmem>> -> memref<128xi32, #tpu.memory_space<vmem>>
        %dma_wait3A_326 = arith.constant 0 : i32
        %dma_wait3A_327 = arith.constant 0 : i32
        %dma_wait3A_328 = tpu.memref_slice %arg10[%dma_wait3A_326, %dma_wait3A_327] : memref<10240x128xf32, #tpu.memory_space<vmem_shared>> -> memref<10240x128xf32, #tpu.memory_space<vmem_shared>>
        tpu.wait_indirect_dma semaphore(%arg14 : memref<!tpu.dma_semaphore, #tpu.memory_space<semaphore_mem>>) src(%arg9 : memref<128x128xf32, #tpu.memory_space<vmem>>) dst(%dma_wait3A_328 : memref<10240x128xf32, #tpu.memory_space<vmem_shared>>)
        %dma_start3A_329 = arith.constant 9 : i32
        %dma_start3A_330 = arith.constant 0 : i32
        %dma_start3A_331 = tpu.memref_slice %arg6[%dma_start3A_329, %dma_start3A_330] : memref<16x128xi32, #tpu.memory_space<vmem>> -> memref<1x128xi32, #tpu.memory_space<vmem>>
        %dma_start3A_332 = tpu.memref_squeeze %dma_start3A_331 : memref<1x128xi32, #tpu.memory_space<vmem>> -> memref<128xi32, #tpu.memory_space<vmem>>
        %dma_start3A_333 = arith.constant 0 : i32
        %dma_start3A_334 = arith.constant 0 : i32
        %dma_start3A_335 = tpu.memref_slice %arg2[%dma_start3A_333, %dma_start3A_334] : memref<10000x128xf32, #tpu.memory_space<hbm>> -> memref<10000x128xf32, #tpu.memory_space<hbm>>
        tpu.enqueue_indirect_dma source(%dma_start3A_335 : memref<10000x128xf32, #tpu.memory_space<hbm>>) target(%arg9 : memref<128x128xf32, #tpu.memory_space<vmem>>) offsets(%dma_start3A_332 : memref<128xi32, #tpu.memory_space<vmem>>) semaphore(%arg12 : memref<!tpu.dma_semaphore, #tpu.memory_space<semaphore_mem>>)
        %dma_wait3A_336 = arith.constant 9 : i32
        %dma_wait3A_337 = arith.constant 0 : i32
        %dma_wait3A_338 = tpu.memref_slice %arg6[%dma_wait3A_336, %dma_wait3A_337] : memref<16x128xi32, #tpu.memory_space<vmem>> -> memref<1x128xi32, #tpu.memory_space<vmem>>
        %dma_wait3A_339 = tpu.memref_squeeze %dma_wait3A_338 : memref<1x128xi32, #tpu.memory_space<vmem>> -> memref<128xi32, #tpu.memory_space<vmem>>
        %dma_wait3A_340 = arith.constant 0 : i32
        %dma_wait3A_341 = arith.constant 0 : i32
        %dma_wait3A_342 = tpu.memref_slice %arg2[%dma_wait3A_340, %dma_wait3A_341] : memref<10000x128xf32, #tpu.memory_space<hbm>> -> memref<10000x128xf32, #tpu.memory_space<hbm>>
        tpu.wait_indirect_dma semaphore(%arg12 : memref<!tpu.dma_semaphore, #tpu.memory_space<semaphore_mem>>) src(%dma_wait3A_342 : memref<10000x128xf32, #tpu.memory_space<hbm>>) dst(%arg9 : memref<128x128xf32, #tpu.memory_space<vmem>>)
        %dma_start3A_343 = arith.constant 9 : i32
        %dma_start3A_344 = arith.constant 0 : i32
        %dma_start3A_345 = tpu.memref_slice %arg7[%dma_start3A_343, %dma_start3A_344] : memref<16x128xi32, #tpu.memory_space<vmem>> -> memref<1x128xi32, #tpu.memory_space<vmem>>
        %dma_start3A_346 = tpu.memref_squeeze %dma_start3A_345 : memref<1x128xi32, #tpu.memory_space<vmem>> -> memref<128xi32, #tpu.memory_space<vmem>>
        %dma_start3A_347 = arith.constant 0 : i32
        %dma_start3A_348 = arith.constant 0 : i32
        %dma_start3A_349 = tpu.memref_slice %arg10[%dma_start3A_347, %dma_start3A_348] : memref<10240x128xf32, #tpu.memory_space<vmem_shared>> -> memref<10240x128xf32, #tpu.memory_space<vmem_shared>>
        tpu.enqueue_indirect_dma source(%arg9 : memref<128x128xf32, #tpu.memory_space<vmem>>) target(%dma_start3A_349 : memref<10240x128xf32, #tpu.memory_space<vmem_shared>>) offsets(%dma_start3A_346 : memref<128xi32, #tpu.memory_space<vmem>>) semaphore(%arg14 : memref<!tpu.dma_semaphore, #tpu.memory_space<semaphore_mem>>) {add = true}
        %dma_wait3A_350 = arith.constant 8 : i32
        %dma_wait3A_351 = arith.constant 0 : i32
        %dma_wait3A_352 = tpu.memref_slice %arg7[%dma_wait3A_350, %dma_wait3A_351] : memref<16x128xi32, #tpu.memory_space<vmem>> -> memref<1x128xi32, #tpu.memory_space<vmem>>
        %dma_wait3A_353 = tpu.memref_squeeze %dma_wait3A_352 : memref<1x128xi32, #tpu.memory_space<vmem>> -> memref<128xi32, #tpu.memory_space<vmem>>
        %dma_wait3A_354 = arith.constant 0 : i32
        %dma_wait3A_355 = arith.constant 0 : i32
        %dma_wait3A_356 = tpu.memref_slice %arg10[%dma_wait3A_354, %dma_wait3A_355] : memref<10240x128xf32, #tpu.memory_space<vmem_shared>> -> memref<10240x128xf32, #tpu.memory_space<vmem_shared>>
        tpu.wait_indirect_dma semaphore(%arg13 : memref<!tpu.dma_semaphore, #tpu.memory_space<semaphore_mem>>) src(%arg8 : memref<128x128xf32, #tpu.memory_space<vmem>>) dst(%dma_wait3A_356 : memref<10240x128xf32, #tpu.memory_space<vmem_shared>>)
        %dma_start3A_357 = arith.constant 10 : i32
        %dma_start3A_358 = arith.constant 0 : i32
        %dma_start3A_359 = tpu.memref_slice %arg6[%dma_start3A_357, %dma_start3A_358] : memref<16x128xi32, #tpu.memory_space<vmem>> -> memref<1x128xi32, #tpu.memory_space<vmem>>
        %dma_start3A_360 = tpu.memref_squeeze %dma_start3A_359 : memref<1x128xi32, #tpu.memory_space<vmem>> -> memref<128xi32, #tpu.memory_space<vmem>>
        %dma_start3A_361 = arith.constant 0 : i32
        %dma_start3A_362 = arith.constant 0 : i32
        %dma_start3A_363 = tpu.memref_slice %arg2[%dma_start3A_361, %dma_start3A_362] : memref<10000x128xf32, #tpu.memory_space<hbm>> -> memref<10000x128xf32, #tpu.memory_space<hbm>>
        tpu.enqueue_indirect_dma source(%dma_start3A_363 : memref<10000x128xf32, #tpu.memory_space<hbm>>) target(%arg8 : memref<128x128xf32, #tpu.memory_space<vmem>>) offsets(%dma_start3A_360 : memref<128xi32, #tpu.memory_space<vmem>>) semaphore(%arg11 : memref<!tpu.dma_semaphore, #tpu.memory_space<semaphore_mem>>)
        %dma_wait3A_364 = arith.constant 10 : i32
        %dma_wait3A_365 = arith.constant 0 : i32
        %dma_wait3A_366 = tpu.memref_slice %arg6[%dma_wait3A_364, %dma_wait3A_365] : memref<16x128xi32, #tpu.memory_space<vmem>> -> memref<1x128xi32, #tpu.memory_space<vmem>>
        %dma_wait3A_367 = tpu.memref_squeeze %dma_wait3A_366 : memref<1x128xi32, #tpu.memory_space<vmem>> -> memref<128xi32, #tpu.memory_space<vmem>>
        %dma_wait3A_368 = arith.constant 0 : i32
        %dma_wait3A_369 = arith.constant 0 : i32
        %dma_wait3A_370 = tpu.memref_slice %arg2[%dma_wait3A_368, %dma_wait3A_369] : memref<10000x128xf32, #tpu.memory_space<hbm>> -> memref<10000x128xf32, #tpu.memory_space<hbm>>
        tpu.wait_indirect_dma semaphore(%arg11 : memref<!tpu.dma_semaphore, #tpu.memory_space<semaphore_mem>>) src(%dma_wait3A_370 : memref<10000x128xf32, #tpu.memory_space<hbm>>) dst(%arg8 : memref<128x128xf32, #tpu.memory_space<vmem>>)
        %dma_start3A_371 = arith.constant 10 : i32
        %dma_start3A_372 = arith.constant 0 : i32
        %dma_start3A_373 = tpu.memref_slice %arg7[%dma_start3A_371, %dma_start3A_372] : memref<16x128xi32, #tpu.memory_space<vmem>> -> memref<1x128xi32, #tpu.memory_space<vmem>>
        %dma_start3A_374 = tpu.memref_squeeze %dma_start3A_373 : memref<1x128xi32, #tpu.memory_space<vmem>> -> memref<128xi32, #tpu.memory_space<vmem>>
        %dma_start3A_375 = arith.constant 0 : i32
        %dma_start3A_376 = arith.constant 0 : i32
        %dma_start3A_377 = tpu.memref_slice %arg10[%dma_start3A_375, %dma_start3A_376] : memref<10240x128xf32, #tpu.memory_space<vmem_shared>> -> memref<10240x128xf32, #tpu.memory_space<vmem_shared>>
        tpu.enqueue_indirect_dma source(%arg8 : memref<128x128xf32, #tpu.memory_space<vmem>>) target(%dma_start3A_377 : memref<10240x128xf32, #tpu.memory_space<vmem_shared>>) offsets(%dma_start3A_374 : memref<128xi32, #tpu.memory_space<vmem>>) semaphore(%arg13 : memref<!tpu.dma_semaphore, #tpu.memory_space<semaphore_mem>>) {add = true}
        %dma_wait3A_378 = arith.constant 9 : i32
        %dma_wait3A_379 = arith.constant 0 : i32
        %dma_wait3A_380 = tpu.memref_slice %arg7[%dma_wait3A_378, %dma_wait3A_379] : memref<16x128xi32, #tpu.memory_space<vmem>> -> memref<1x128xi32, #tpu.memory_space<vmem>>
        %dma_wait3A_381 = tpu.memref_squeeze %dma_wait3A_380 : memref<1x128xi32, #tpu.memory_space<vmem>> -> memref<128xi32, #tpu.memory_space<vmem>>
        %dma_wait3A_382 = arith.constant 0 : i32
        %dma_wait3A_383 = arith.constant 0 : i32
        %dma_wait3A_384 = tpu.memref_slice %arg10[%dma_wait3A_382, %dma_wait3A_383] : memref<10240x128xf32, #tpu.memory_space<vmem_shared>> -> memref<10240x128xf32, #tpu.memory_space<vmem_shared>>
        tpu.wait_indirect_dma semaphore(%arg14 : memref<!tpu.dma_semaphore, #tpu.memory_space<semaphore_mem>>) src(%arg9 : memref<128x128xf32, #tpu.memory_space<vmem>>) dst(%dma_wait3A_384 : memref<10240x128xf32, #tpu.memory_space<vmem_shared>>)
        %dma_start3A_385 = arith.constant 11 : i32
        %dma_start3A_386 = arith.constant 0 : i32
        %dma_start3A_387 = tpu.memref_slice %arg6[%dma_start3A_385, %dma_start3A_386] : memref<16x128xi32, #tpu.memory_space<vmem>> -> memref<1x128xi32, #tpu.memory_space<vmem>>
        %dma_start3A_388 = tpu.memref_squeeze %dma_start3A_387 : memref<1x128xi32, #tpu.memory_space<vmem>> -> memref<128xi32, #tpu.memory_space<vmem>>
        %dma_start3A_389 = arith.constant 0 : i32
        %dma_start3A_390 = arith.constant 0 : i32
        %dma_start3A_391 = tpu.memref_slice %arg2[%dma_start3A_389, %dma_start3A_390] : memref<10000x128xf32, #tpu.memory_space<hbm>> -> memref<10000x128xf32, #tpu.memory_space<hbm>>
        tpu.enqueue_indirect_dma source(%dma_start3A_391 : memref<10000x128xf32, #tpu.memory_space<hbm>>) target(%arg9 : memref<128x128xf32, #tpu.memory_space<vmem>>) offsets(%dma_start3A_388 : memref<128xi32, #tpu.memory_space<vmem>>) semaphore(%arg12 : memref<!tpu.dma_semaphore, #tpu.memory_space<semaphore_mem>>)
        %dma_wait3A_392 = arith.constant 11 : i32
        %dma_wait3A_393 = arith.constant 0 : i32
        %dma_wait3A_394 = tpu.memref_slice %arg6[%dma_wait3A_392, %dma_wait3A_393] : memref<16x128xi32, #tpu.memory_space<vmem>> -> memref<1x128xi32, #tpu.memory_space<vmem>>
        %dma_wait3A_395 = tpu.memref_squeeze %dma_wait3A_394 : memref<1x128xi32, #tpu.memory_space<vmem>> -> memref<128xi32, #tpu.memory_space<vmem>>
        %dma_wait3A_396 = arith.constant 0 : i32
        %dma_wait3A_397 = arith.constant 0 : i32
        %dma_wait3A_398 = tpu.memref_slice %arg2[%dma_wait3A_396, %dma_wait3A_397] : memref<10000x128xf32, #tpu.memory_space<hbm>> -> memref<10000x128xf32, #tpu.memory_space<hbm>>
        tpu.wait_indirect_dma semaphore(%arg12 : memref<!tpu.dma_semaphore, #tpu.memory_space<semaphore_mem>>) src(%dma_wait3A_398 : memref<10000x128xf32, #tpu.memory_space<hbm>>) dst(%arg9 : memref<128x128xf32, #tpu.memory_space<vmem>>)
        %dma_start3A_399 = arith.constant 11 : i32
        %dma_start3A_400 = arith.constant 0 : i32
        %dma_start3A_401 = tpu.memref_slice %arg7[%dma_start3A_399, %dma_start3A_400] : memref<16x128xi32, #tpu.memory_space<vmem>> -> memref<1x128xi32, #tpu.memory_space<vmem>>
        %dma_start3A_402 = tpu.memref_squeeze %dma_start3A_401 : memref<1x128xi32, #tpu.memory_space<vmem>> -> memref<128xi32, #tpu.memory_space<vmem>>
        %dma_start3A_403 = arith.constant 0 : i32
        %dma_start3A_404 = arith.constant 0 : i32
        %dma_start3A_405 = tpu.memref_slice %arg10[%dma_start3A_403, %dma_start3A_404] : memref<10240x128xf32, #tpu.memory_space<vmem_shared>> -> memref<10240x128xf32, #tpu.memory_space<vmem_shared>>
        tpu.enqueue_indirect_dma source(%arg9 : memref<128x128xf32, #tpu.memory_space<vmem>>) target(%dma_start3A_405 : memref<10240x128xf32, #tpu.memory_space<vmem_shared>>) offsets(%dma_start3A_402 : memref<128xi32, #tpu.memory_space<vmem>>) semaphore(%arg14 : memref<!tpu.dma_semaphore, #tpu.memory_space<semaphore_mem>>) {add = true}
        %dma_wait3A_406 = arith.constant 10 : i32
        %dma_wait3A_407 = arith.constant 0 : i32
        %dma_wait3A_408 = tpu.memref_slice %arg7[%dma_wait3A_406, %dma_wait3A_407] : memref<16x128xi32, #tpu.memory_space<vmem>> -> memref<1x128xi32, #tpu.memory_space<vmem>>
        %dma_wait3A_409 = tpu.memref_squeeze %dma_wait3A_408 : memref<1x128xi32, #tpu.memory_space<vmem>> -> memref<128xi32, #tpu.memory_space<vmem>>
        %dma_wait3A_410 = arith.constant 0 : i32
        %dma_wait3A_411 = arith.constant 0 : i32
        %dma_wait3A_412 = tpu.memref_slice %arg10[%dma_wait3A_410, %dma_wait3A_411] : memref<10240x128xf32, #tpu.memory_space<vmem_shared>> -> memref<10240x128xf32, #tpu.memory_space<vmem_shared>>
        tpu.wait_indirect_dma semaphore(%arg13 : memref<!tpu.dma_semaphore, #tpu.memory_space<semaphore_mem>>) src(%arg8 : memref<128x128xf32, #tpu.memory_space<vmem>>) dst(%dma_wait3A_412 : memref<10240x128xf32, #tpu.memory_space<vmem_shared>>)
        %dma_start3A_413 = arith.constant 12 : i32
        %dma_start3A_414 = arith.constant 0 : i32
        %dma_start3A_415 = tpu.memref_slice %arg6[%dma_start3A_413, %dma_start3A_414] : memref<16x128xi32, #tpu.memory_space<vmem>> -> memref<1x128xi32, #tpu.memory_space<vmem>>
        %dma_start3A_416 = tpu.memref_squeeze %dma_start3A_415 : memref<1x128xi32, #tpu.memory_space<vmem>> -> memref<128xi32, #tpu.memory_space<vmem>>
        %dma_start3A_417 = arith.constant 0 : i32
        %dma_start3A_418 = arith.constant 0 : i32
        %dma_start3A_419 = tpu.memref_slice %arg2[%dma_start3A_417, %dma_start3A_418] : memref<10000x128xf32, #tpu.memory_space<hbm>> -> memref<10000x128xf32, #tpu.memory_space<hbm>>
        tpu.enqueue_indirect_dma source(%dma_start3A_419 : memref<10000x128xf32, #tpu.memory_space<hbm>>) target(%arg8 : memref<128x128xf32, #tpu.memory_space<vmem>>) offsets(%dma_start3A_416 : memref<128xi32, #tpu.memory_space<vmem>>) semaphore(%arg11 : memref<!tpu.dma_semaphore, #tpu.memory_space<semaphore_mem>>)
        %dma_wait3A_420 = arith.constant 12 : i32
        %dma_wait3A_421 = arith.constant 0 : i32
        %dma_wait3A_422 = tpu.memref_slice %arg6[%dma_wait3A_420, %dma_wait3A_421] : memref<16x128xi32, #tpu.memory_space<vmem>> -> memref<1x128xi32, #tpu.memory_space<vmem>>
        %dma_wait3A_423 = tpu.memref_squeeze %dma_wait3A_422 : memref<1x128xi32, #tpu.memory_space<vmem>> -> memref<128xi32, #tpu.memory_space<vmem>>
        %dma_wait3A_424 = arith.constant 0 : i32
        %dma_wait3A_425 = arith.constant 0 : i32
        %dma_wait3A_426 = tpu.memref_slice %arg2[%dma_wait3A_424, %dma_wait3A_425] : memref<10000x128xf32, #tpu.memory_space<hbm>> -> memref<10000x128xf32, #tpu.memory_space<hbm>>
        tpu.wait_indirect_dma semaphore(%arg11 : memref<!tpu.dma_semaphore, #tpu.memory_space<semaphore_mem>>) src(%dma_wait3A_426 : memref<10000x128xf32, #tpu.memory_space<hbm>>) dst(%arg8 : memref<128x128xf32, #tpu.memory_space<vmem>>)
        %dma_start3A_427 = arith.constant 12 : i32
        %dma_start3A_428 = arith.constant 0 : i32
        %dma_start3A_429 = tpu.memref_slice %arg7[%dma_start3A_427, %dma_start3A_428] : memref<16x128xi32, #tpu.memory_space<vmem>> -> memref<1x128xi32, #tpu.memory_space<vmem>>
        %dma_start3A_430 = tpu.memref_squeeze %dma_start3A_429 : memref<1x128xi32, #tpu.memory_space<vmem>> -> memref<128xi32, #tpu.memory_space<vmem>>
        %dma_start3A_431 = arith.constant 0 : i32
        %dma_start3A_432 = arith.constant 0 : i32
        %dma_start3A_433 = tpu.memref_slice %arg10[%dma_start3A_431, %dma_start3A_432] : memref<10240x128xf32, #tpu.memory_space<vmem_shared>> -> memref<10240x128xf32, #tpu.memory_space<vmem_shared>>
        tpu.enqueue_indirect_dma source(%arg8 : memref<128x128xf32, #tpu.memory_space<vmem>>) target(%dma_start3A_433 : memref<10240x128xf32, #tpu.memory_space<vmem_shared>>) offsets(%dma_start3A_430 : memref<128xi32, #tpu.memory_space<vmem>>) semaphore(%arg13 : memref<!tpu.dma_semaphore, #tpu.memory_space<semaphore_mem>>) {add = true}
        %dma_wait3A_434 = arith.constant 11 : i32
        %dma_wait3A_435 = arith.constant 0 : i32
        %dma_wait3A_436 = tpu.memref_slice %arg7[%dma_wait3A_434, %dma_wait3A_435] : memref<16x128xi32, #tpu.memory_space<vmem>> -> memref<1x128xi32, #tpu.memory_space<vmem>>
        %dma_wait3A_437 = tpu.memref_squeeze %dma_wait3A_436 : memref<1x128xi32, #tpu.memory_space<vmem>> -> memref<128xi32, #tpu.memory_space<vmem>>
        %dma_wait3A_438 = arith.constant 0 : i32
        %dma_wait3A_439 = arith.constant 0 : i32
        %dma_wait3A_440 = tpu.memref_slice %arg10[%dma_wait3A_438, %dma_wait3A_439] : memref<10240x128xf32, #tpu.memory_space<vmem_shared>> -> memref<10240x128xf32, #tpu.memory_space<vmem_shared>>
        tpu.wait_indirect_dma semaphore(%arg14 : memref<!tpu.dma_semaphore, #tpu.memory_space<semaphore_mem>>) src(%arg9 : memref<128x128xf32, #tpu.memory_space<vmem>>) dst(%dma_wait3A_440 : memref<10240x128xf32, #tpu.memory_space<vmem_shared>>)
        %dma_start3A_441 = arith.constant 13 : i32
        %dma_start3A_442 = arith.constant 0 : i32
        %dma_start3A_443 = tpu.memref_slice %arg6[%dma_start3A_441, %dma_start3A_442] : memref<16x128xi32, #tpu.memory_space<vmem>> -> memref<1x128xi32, #tpu.memory_space<vmem>>
        %dma_start3A_444 = tpu.memref_squeeze %dma_start3A_443 : memref<1x128xi32, #tpu.memory_space<vmem>> -> memref<128xi32, #tpu.memory_space<vmem>>
        %dma_start3A_445 = arith.constant 0 : i32
        %dma_start3A_446 = arith.constant 0 : i32
        %dma_start3A_447 = tpu.memref_slice %arg2[%dma_start3A_445, %dma_start3A_446] : memref<10000x128xf32, #tpu.memory_space<hbm>> -> memref<10000x128xf32, #tpu.memory_space<hbm>>
        tpu.enqueue_indirect_dma source(%dma_start3A_447 : memref<10000x128xf32, #tpu.memory_space<hbm>>) target(%arg9 : memref<128x128xf32, #tpu.memory_space<vmem>>) offsets(%dma_start3A_444 : memref<128xi32, #tpu.memory_space<vmem>>) semaphore(%arg12 : memref<!tpu.dma_semaphore, #tpu.memory_space<semaphore_mem>>)
        %dma_wait3A_448 = arith.constant 13 : i32
        %dma_wait3A_449 = arith.constant 0 : i32
        %dma_wait3A_450 = tpu.memref_slice %arg6[%dma_wait3A_448, %dma_wait3A_449] : memref<16x128xi32, #tpu.memory_space<vmem>> -> memref<1x128xi32, #tpu.memory_space<vmem>>
        %dma_wait3A_451 = tpu.memref_squeeze %dma_wait3A_450 : memref<1x128xi32, #tpu.memory_space<vmem>> -> memref<128xi32, #tpu.memory_space<vmem>>
        %dma_wait3A_452 = arith.constant 0 : i32
        %dma_wait3A_453 = arith.constant 0 : i32
        %dma_wait3A_454 = tpu.memref_slice %arg2[%dma_wait3A_452, %dma_wait3A_453] : memref<10000x128xf32, #tpu.memory_space<hbm>> -> memref<10000x128xf32, #tpu.memory_space<hbm>>
        tpu.wait_indirect_dma semaphore(%arg12 : memref<!tpu.dma_semaphore, #tpu.memory_space<semaphore_mem>>) src(%dma_wait3A_454 : memref<10000x128xf32, #tpu.memory_space<hbm>>) dst(%arg9 : memref<128x128xf32, #tpu.memory_space<vmem>>)
        %dma_start3A_455 = arith.constant 13 : i32
        %dma_start3A_456 = arith.constant 0 : i32
        %dma_start3A_457 = tpu.memref_slice %arg7[%dma_start3A_455, %dma_start3A_456] : memref<16x128xi32, #tpu.memory_space<vmem>> -> memref<1x128xi32, #tpu.memory_space<vmem>>
        %dma_start3A_458 = tpu.memref_squeeze %dma_start3A_457 : memref<1x128xi32, #tpu.memory_space<vmem>> -> memref<128xi32, #tpu.memory_space<vmem>>
        %dma_start3A_459 = arith.constant 0 : i32
        %dma_start3A_460 = arith.constant 0 : i32
        %dma_start3A_461 = tpu.memref_slice %arg10[%dma_start3A_459, %dma_start3A_460] : memref<10240x128xf32, #tpu.memory_space<vmem_shared>> -> memref<10240x128xf32, #tpu.memory_space<vmem_shared>>
        tpu.enqueue_indirect_dma source(%arg9 : memref<128x128xf32, #tpu.memory_space<vmem>>) target(%dma_start3A_461 : memref<10240x128xf32, #tpu.memory_space<vmem_shared>>) offsets(%dma_start3A_458 : memref<128xi32, #tpu.memory_space<vmem>>) semaphore(%arg14 : memref<!tpu.dma_semaphore, #tpu.memory_space<semaphore_mem>>) {add = true}
        %dma_wait3A_462 = arith.constant 12 : i32
        %dma_wait3A_463 = arith.constant 0 : i32
        %dma_wait3A_464 = tpu.memref_slice %arg7[%dma_wait3A_462, %dma_wait3A_463] : memref<16x128xi32, #tpu.memory_space<vmem>> -> memref<1x128xi32, #tpu.memory_space<vmem>>
        %dma_wait3A_465 = tpu.memref_squeeze %dma_wait3A_464 : memref<1x128xi32, #tpu.memory_space<vmem>> -> memref<128xi32, #tpu.memory_space<vmem>>
        %dma_wait3A_466 = arith.constant 0 : i32
        %dma_wait3A_467 = arith.constant 0 : i32
        %dma_wait3A_468 = tpu.memref_slice %arg10[%dma_wait3A_466, %dma_wait3A_467] : memref<10240x128xf32, #tpu.memory_space<vmem_shared>> -> memref<10240x128xf32, #tpu.memory_space<vmem_shared>>
        tpu.wait_indirect_dma semaphore(%arg13 : memref<!tpu.dma_semaphore, #tpu.memory_space<semaphore_mem>>) src(%arg8 : memref<128x128xf32, #tpu.memory_space<vmem>>) dst(%dma_wait3A_468 : memref<10240x128xf32, #tpu.memory_space<vmem_shared>>)
        %dma_start3A_469 = arith.constant 14 : i32
        %dma_start3A_470 = arith.constant 0 : i32
        %dma_start3A_471 = tpu.memref_slice %arg6[%dma_start3A_469, %dma_start3A_470] : memref<16x128xi32, #tpu.memory_space<vmem>> -> memref<1x128xi32, #tpu.memory_space<vmem>>
        %dma_start3A_472 = tpu.memref_squeeze %dma_start3A_471 : memref<1x128xi32, #tpu.memory_space<vmem>> -> memref<128xi32, #tpu.memory_space<vmem>>
        %dma_start3A_473 = arith.constant 0 : i32
        %dma_start3A_474 = arith.constant 0 : i32
        %dma_start3A_475 = tpu.memref_slice %arg2[%dma_start3A_473, %dma_start3A_474] : memref<10000x128xf32, #tpu.memory_space<hbm>> -> memref<10000x128xf32, #tpu.memory_space<hbm>>
        tpu.enqueue_indirect_dma source(%dma_start3A_475 : memref<10000x128xf32, #tpu.memory_space<hbm>>) target(%arg8 : memref<128x128xf32, #tpu.memory_space<vmem>>) offsets(%dma_start3A_472 : memref<128xi32, #tpu.memory_space<vmem>>) semaphore(%arg11 : memref<!tpu.dma_semaphore, #tpu.memory_space<semaphore_mem>>)
        %dma_wait3A_476 = arith.constant 14 : i32
        %dma_wait3A_477 = arith.constant 0 : i32
        %dma_wait3A_478 = tpu.memref_slice %arg6[%dma_wait3A_476, %dma_wait3A_477] : memref<16x128xi32, #tpu.memory_space<vmem>> -> memref<1x128xi32, #tpu.memory_space<vmem>>
        %dma_wait3A_479 = tpu.memref_squeeze %dma_wait3A_478 : memref<1x128xi32, #tpu.memory_space<vmem>> -> memref<128xi32, #tpu.memory_space<vmem>>
        %dma_wait3A_480 = arith.constant 0 : i32
        %dma_wait3A_481 = arith.constant 0 : i32
        %dma_wait3A_482 = tpu.memref_slice %arg2[%dma_wait3A_480, %dma_wait3A_481] : memref<10000x128xf32, #tpu.memory_space<hbm>> -> memref<10000x128xf32, #tpu.memory_space<hbm>>
        tpu.wait_indirect_dma semaphore(%arg11 : memref<!tpu.dma_semaphore, #tpu.memory_space<semaphore_mem>>) src(%dma_wait3A_482 : memref<10000x128xf32, #tpu.memory_space<hbm>>) dst(%arg8 : memref<128x128xf32, #tpu.memory_space<vmem>>)
        %dma_start3A_483 = arith.constant 14 : i32
        %dma_start3A_484 = arith.constant 0 : i32
        %dma_start3A_485 = tpu.memref_slice %arg7[%dma_start3A_483, %dma_start3A_484] : memref<16x128xi32, #tpu.memory_space<vmem>> -> memref<1x128xi32, #tpu.memory_space<vmem>>
        %dma_start3A_486 = tpu.memref_squeeze %dma_start3A_485 : memref<1x128xi32, #tpu.memory_space<vmem>> -> memref<128xi32, #tpu.memory_space<vmem>>
        %dma_start3A_487 = arith.constant 0 : i32
        %dma_start3A_488 = arith.constant 0 : i32
        %dma_start3A_489 = tpu.memref_slice %arg10[%dma_start3A_487, %dma_start3A_488] : memref<10240x128xf32, #tpu.memory_space<vmem_shared>> -> memref<10240x128xf32, #tpu.memory_space<vmem_shared>>
        tpu.enqueue_indirect_dma source(%arg8 : memref<128x128xf32, #tpu.memory_space<vmem>>) target(%dma_start3A_489 : memref<10240x128xf32, #tpu.memory_space<vmem_shared>>) offsets(%dma_start3A_486 : memref<128xi32, #tpu.memory_space<vmem>>) semaphore(%arg13 : memref<!tpu.dma_semaphore, #tpu.memory_space<semaphore_mem>>) {add = true}
        %dma_wait3A_490 = arith.constant 13 : i32
        %dma_wait3A_491 = arith.constant 0 : i32
        %dma_wait3A_492 = tpu.memref_slice %arg7[%dma_wait3A_490, %dma_wait3A_491] : memref<16x128xi32, #tpu.memory_space<vmem>> -> memref<1x128xi32, #tpu.memory_space<vmem>>
        %dma_wait3A_493 = tpu.memref_squeeze %dma_wait3A_492 : memref<1x128xi32, #tpu.memory_space<vmem>> -> memref<128xi32, #tpu.memory_space<vmem>>
        %dma_wait3A_494 = arith.constant 0 : i32
        %dma_wait3A_495 = arith.constant 0 : i32
        %dma_wait3A_496 = tpu.memref_slice %arg10[%dma_wait3A_494, %dma_wait3A_495] : memref<10240x128xf32, #tpu.memory_space<vmem_shared>> -> memref<10240x128xf32, #tpu.memory_space<vmem_shared>>
        tpu.wait_indirect_dma semaphore(%arg14 : memref<!tpu.dma_semaphore, #tpu.memory_space<semaphore_mem>>) src(%arg9 : memref<128x128xf32, #tpu.memory_space<vmem>>) dst(%dma_wait3A_496 : memref<10240x128xf32, #tpu.memory_space<vmem_shared>>)
        %dma_start3A_497 = arith.constant 15 : i32
        %dma_start3A_498 = arith.constant 0 : i32
        %dma_start3A_499 = tpu.memref_slice %arg6[%dma_start3A_497, %dma_start3A_498] : memref<16x128xi32, #tpu.memory_space<vmem>> -> memref<1x128xi32, #tpu.memory_space<vmem>>
        %dma_start3A_500 = tpu.memref_squeeze %dma_start3A_499 : memref<1x128xi32, #tpu.memory_space<vmem>> -> memref<128xi32, #tpu.memory_space<vmem>>
        %dma_start3A_501 = arith.constant 0 : i32
        %dma_start3A_502 = arith.constant 0 : i32
        %dma_start3A_503 = tpu.memref_slice %arg2[%dma_start3A_501, %dma_start3A_502] : memref<10000x128xf32, #tpu.memory_space<hbm>> -> memref<10000x128xf32, #tpu.memory_space<hbm>>
        tpu.enqueue_indirect_dma source(%dma_start3A_503 : memref<10000x128xf32, #tpu.memory_space<hbm>>) target(%arg9 : memref<128x128xf32, #tpu.memory_space<vmem>>) offsets(%dma_start3A_500 : memref<128xi32, #tpu.memory_space<vmem>>) semaphore(%arg12 : memref<!tpu.dma_semaphore, #tpu.memory_space<semaphore_mem>>)
        %dma_wait3A_504 = arith.constant 15 : i32
        %dma_wait3A_505 = arith.constant 0 : i32
        %dma_wait3A_506 = tpu.memref_slice %arg6[%dma_wait3A_504, %dma_wait3A_505] : memref<16x128xi32, #tpu.memory_space<vmem>> -> memref<1x128xi32, #tpu.memory_space<vmem>>
        %dma_wait3A_507 = tpu.memref_squeeze %dma_wait3A_506 : memref<1x128xi32, #tpu.memory_space<vmem>> -> memref<128xi32, #tpu.memory_space<vmem>>
        %dma_wait3A_508 = arith.constant 0 : i32
        %dma_wait3A_509 = arith.constant 0 : i32
        %dma_wait3A_510 = tpu.memref_slice %arg2[%dma_wait3A_508, %dma_wait3A_509] : memref<10000x128xf32, #tpu.memory_space<hbm>> -> memref<10000x128xf32, #tpu.memory_space<hbm>>
        tpu.wait_indirect_dma semaphore(%arg12 : memref<!tpu.dma_semaphore, #tpu.memory_space<semaphore_mem>>) src(%dma_wait3A_510 : memref<10000x128xf32, #tpu.memory_space<hbm>>) dst(%arg9 : memref<128x128xf32, #tpu.memory_space<vmem>>)
        %dma_start3A_511 = arith.constant 15 : i32
        %dma_start3A_512 = arith.constant 0 : i32
        %dma_start3A_513 = tpu.memref_slice %arg7[%dma_start3A_511, %dma_start3A_512] : memref<16x128xi32, #tpu.memory_space<vmem>> -> memref<1x128xi32, #tpu.memory_space<vmem>>
        %dma_start3A_514 = tpu.memref_squeeze %dma_start3A_513 : memref<1x128xi32, #tpu.memory_space<vmem>> -> memref<128xi32, #tpu.memory_space<vmem>>
        %dma_start3A_515 = arith.constant 0 : i32
        %dma_start3A_516 = arith.constant 0 : i32
        %dma_start3A_517 = tpu.memref_slice %arg10[%dma_start3A_515, %dma_start3A_516] : memref<10240x128xf32, #tpu.memory_space<vmem_shared>> -> memref<10240x128xf32, #tpu.memory_space<vmem_shared>>
        tpu.enqueue_indirect_dma source(%arg9 : memref<128x128xf32, #tpu.memory_space<vmem>>) target(%dma_start3A_517 : memref<10240x128xf32, #tpu.memory_space<vmem_shared>>) offsets(%dma_start3A_514 : memref<128xi32, #tpu.memory_space<vmem>>) semaphore(%arg14 : memref<!tpu.dma_semaphore, #tpu.memory_space<semaphore_mem>>) {add = true}
        %dma_wait3A_518 = arith.constant 14 : i32
        %dma_wait3A_519 = arith.constant 0 : i32
        %dma_wait3A_520 = tpu.memref_slice %arg7[%dma_wait3A_518, %dma_wait3A_519] : memref<16x128xi32, #tpu.memory_space<vmem>> -> memref<1x128xi32, #tpu.memory_space<vmem>>
        %dma_wait3A_521 = tpu.memref_squeeze %dma_wait3A_520 : memref<1x128xi32, #tpu.memory_space<vmem>> -> memref<128xi32, #tpu.memory_space<vmem>>
        %dma_wait3A_522 = arith.constant 0 : i32
        %dma_wait3A_523 = arith.constant 0 : i32
        %dma_wait3A_524 = tpu.memref_slice %arg10[%dma_wait3A_522, %dma_wait3A_523] : memref<10240x128xf32, #tpu.memory_space<vmem_shared>> -> memref<10240x128xf32, #tpu.memory_space<vmem_shared>>
        tpu.wait_indirect_dma semaphore(%arg13 : memref<!tpu.dma_semaphore, #tpu.memory_space<semaphore_mem>>) src(%arg8 : memref<128x128xf32, #tpu.memory_space<vmem>>) dst(%dma_wait3A_524 : memref<10240x128xf32, #tpu.memory_space<vmem_shared>>)
        %dma_wait3A_525 = arith.constant 15 : i32
        %dma_wait3A_526 = arith.constant 0 : i32
        %dma_wait3A_527 = tpu.memref_slice %arg7[%dma_wait3A_525, %dma_wait3A_526] : memref<16x128xi32, #tpu.memory_space<vmem>> -> memref<1x128xi32, #tpu.memory_space<vmem>>
        %dma_wait3A_528 = tpu.memref_squeeze %dma_wait3A_527 : memref<1x128xi32, #tpu.memory_space<vmem>> -> memref<128xi32, #tpu.memory_space<vmem>>
        %dma_wait3A_529 = arith.constant 0 : i32
        %dma_wait3A_530 = arith.constant 0 : i32
        %dma_wait3A_531 = tpu.memref_slice %arg10[%dma_wait3A_529, %dma_wait3A_530] : memref<10240x128xf32, #tpu.memory_space<vmem_shared>> -> memref<10240x128xf32, #tpu.memory_space<vmem_shared>>
        tpu.wait_indirect_dma semaphore(%arg14 : memref<!tpu.dma_semaphore, #tpu.memory_space<semaphore_mem>>) src(%arg9 : memref<128x128xf32, #tpu.memory_space<vmem>>) dst(%dma_wait3A_531 : memref<10240x128xf32, #tpu.memory_space<vmem_shared>>)
      } else {
      }
      %scan3A_80 = arith.constant 0 : i32
      scf.yield %scan3A_80 : i32
    }
    %scan3A_51 = arith.constant 5 : i32
    %eq3A = arith.constant 31 : i32
    %eq3A_52 = arith.cmpi eq, %add3A, %eq3A : i32
    %convert_element_type3A = arith.extui %eq3A_52 : i1 to i32
    %cond3A = arith.constant 0 : i32
    %cond3A_53 = arith.cmpi ne, %convert_element_type3A, %cond3A : i32
    scf.if %cond3A_53 {
      "tpu.region"() ({
        %run_scoped3A_132 = tpu.sem_alloc : memref<!tpu.dma_semaphore, #tpu.memory_space<semaphore_mem>>
        %dma_start3A_133 = arith.constant 0 : i32
        %dma_start3A_134 = arith.constant 0 : i32
        %dma_start3A_135 = tpu.memref_slice %arg6[%dma_start3A_133, %dma_start3A_134] : memref<16x128xi32, #tpu.memory_space<vmem>> -> memref<4x128xi32, #tpu.memory_space<vmem>>
        %dma_start3A_136 = arith.constant 2496 : i32
        %dma_start3A_137 = arith.constant 0 : i32
        %dma_start3A_138 = tpu.memref_slice %arg3[%dma_start3A_136, %dma_start3A_137] : memref<2500x128xi32, #tpu.memory_space<hbm>> -> memref<4x128xi32, #tpu.memory_space<hbm>>
        %dma_start3A_139 = arith.constant 0 : i32
        %dma_start3A_140 = arith.constant 0 : i32
        %dma_start3A_141 = tpu.memref_slice %arg6[%dma_start3A_139, %dma_start3A_140] : memref<16x128xi32, #tpu.memory_space<vmem>> -> memref<4x128xi32, #tpu.memory_space<vmem>>
        %dma_start3A_142 = arith.constant 2496 : i32
        %dma_start3A_143 = arith.constant 0 : i32
        %dma_start3A_144 = tpu.memref_slice %arg3[%dma_start3A_142, %dma_start3A_143] : memref<2500x128xi32, #tpu.memory_space<hbm>> -> memref<4x128xi32, #tpu.memory_space<hbm>>
        tpu.enqueue_dma source(%dma_start3A_144 : memref<4x128xi32, #tpu.memory_space<hbm>>) target(%dma_start3A_141 : memref<4x128xi32, #tpu.memory_space<vmem>>) target_semaphore(%run_scoped3A_132 : memref<!tpu.dma_semaphore, #tpu.memory_space<semaphore_mem>>)
        %dma_wait3A_145 = arith.constant 0 : i32
        %dma_wait3A_146 = arith.constant 0 : i32
        %dma_wait3A_147 = tpu.memref_slice %arg6[%dma_wait3A_145, %dma_wait3A_146] : memref<16x128xi32, #tpu.memory_space<vmem>> -> memref<4x128xi32, #tpu.memory_space<vmem>>
        %dma_wait3A_148 = arith.constant 2496 : i32
        %dma_wait3A_149 = arith.constant 0 : i32
        %dma_wait3A_150 = tpu.memref_slice %arg3[%dma_wait3A_148, %dma_wait3A_149] : memref<2500x128xi32, #tpu.memory_space<hbm>> -> memref<4x128xi32, #tpu.memory_space<hbm>>
        %dma_wait3A_151 = arith.constant 0 : i32
        %dma_wait3A_152 = arith.constant 0 : i32
        %dma_wait3A_153 = tpu.memref_slice %arg6[%dma_wait3A_151, %dma_wait3A_152] : memref<16x128xi32, #tpu.memory_space<vmem>> -> memref<4x128xi32, #tpu.memory_space<vmem>>
        %dma_wait3A_154 = arith.constant 2496 : i32
        %dma_wait3A_155 = arith.constant 0 : i32
        %dma_wait3A_156 = tpu.memref_slice %arg3[%dma_wait3A_154, %dma_wait3A_155] : memref<2500x128xi32, #tpu.memory_space<hbm>> -> memref<4x128xi32, #tpu.memory_space<hbm>>
        tpu.wait_dma2 semaphore(%run_scoped3A_132 : memref<!tpu.dma_semaphore, #tpu.memory_space<semaphore_mem>>) src(%dma_wait3A_156 : memref<4x128xi32, #tpu.memory_space<hbm>>) dst(%dma_wait3A_153 : memref<4x128xi32, #tpu.memory_space<vmem>>)
        tpu.yield
      }) : () -> ()
      "tpu.region"() ({
        %run_scoped3A_132 = tpu.sem_alloc : memref<!tpu.dma_semaphore, #tpu.memory_space<semaphore_mem>>
        %dma_start3A_133 = arith.constant 0 : i32
        %dma_start3A_134 = arith.constant 0 : i32
        %dma_start3A_135 = tpu.memref_slice %arg7[%dma_start3A_133, %dma_start3A_134] : memref<16x128xi32, #tpu.memory_space<vmem>> -> memref<4x128xi32, #tpu.memory_space<vmem>>
        %dma_start3A_136 = arith.constant 2496 : i32
        %dma_start3A_137 = arith.constant 0 : i32
        %dma_start3A_138 = tpu.memref_slice %arg4[%dma_start3A_136, %dma_start3A_137] : memref<2500x128xi32, #tpu.memory_space<hbm>> -> memref<4x128xi32, #tpu.memory_space<hbm>>
        %dma_start3A_139 = arith.constant 0 : i32
        %dma_start3A_140 = arith.constant 0 : i32
        %dma_start3A_141 = tpu.memref_slice %arg7[%dma_start3A_139, %dma_start3A_140] : memref<16x128xi32, #tpu.memory_space<vmem>> -> memref<4x128xi32, #tpu.memory_space<vmem>>
        %dma_start3A_142 = arith.constant 2496 : i32
        %dma_start3A_143 = arith.constant 0 : i32
        %dma_start3A_144 = tpu.memref_slice %arg4[%dma_start3A_142, %dma_start3A_143] : memref<2500x128xi32, #tpu.memory_space<hbm>> -> memref<4x128xi32, #tpu.memory_space<hbm>>
        tpu.enqueue_dma source(%dma_start3A_144 : memref<4x128xi32, #tpu.memory_space<hbm>>) target(%dma_start3A_141 : memref<4x128xi32, #tpu.memory_space<vmem>>) target_semaphore(%run_scoped3A_132 : memref<!tpu.dma_semaphore, #tpu.memory_space<semaphore_mem>>)
        %dma_wait3A_145 = arith.constant 0 : i32
        %dma_wait3A_146 = arith.constant 0 : i32
        %dma_wait3A_147 = tpu.memref_slice %arg7[%dma_wait3A_145, %dma_wait3A_146] : memref<16x128xi32, #tpu.memory_space<vmem>> -> memref<4x128xi32, #tpu.memory_space<vmem>>
        %dma_wait3A_148 = arith.constant 2496 : i32
        %dma_wait3A_149 = arith.constant 0 : i32
        %dma_wait3A_150 = tpu.memref_slice %arg4[%dma_wait3A_148, %dma_wait3A_149] : memref<2500x128xi32, #tpu.memory_space<hbm>> -> memref<4x128xi32, #tpu.memory_space<hbm>>
        %dma_wait3A_151 = arith.constant 0 : i32
        %dma_wait3A_152 = arith.constant 0 : i32
        %dma_wait3A_153 = tpu.memref_slice %arg7[%dma_wait3A_151, %dma_wait3A_152] : memref<16x128xi32, #tpu.memory_space<vmem>> -> memref<4x128xi32, #tpu.memory_space<vmem>>
        %dma_wait3A_154 = arith.constant 2496 : i32
        %dma_wait3A_155 = arith.constant 0 : i32
        %dma_wait3A_156 = tpu.memref_slice %arg4[%dma_wait3A_154, %dma_wait3A_155] : memref<2500x128xi32, #tpu.memory_space<hbm>> -> memref<4x128xi32, #tpu.memory_space<hbm>>
        tpu.wait_dma2 semaphore(%run_scoped3A_132 : memref<!tpu.dma_semaphore, #tpu.memory_space<semaphore_mem>>) src(%dma_wait3A_156 : memref<4x128xi32, #tpu.memory_space<hbm>>) dst(%dma_wait3A_153 : memref<4x128xi32, #tpu.memory_space<vmem>>)
        tpu.yield
      }) : () -> ()
      %dma_start3A = arith.constant 0 : i32
      %dma_start3A_75 = arith.constant 0 : i32
      %dma_start3A_76 = tpu.memref_slice %arg6[%dma_start3A, %dma_start3A_75] : memref<16x128xi32, #tpu.memory_space<vmem>> -> memref<1x128xi32, #tpu.memory_space<vmem>>
      %dma_start3A_77 = tpu.memref_squeeze %dma_start3A_76 : memref<1x128xi32, #tpu.memory_space<vmem>> -> memref<128xi32, #tpu.memory_space<vmem>>
      %dma_start3A_78 = arith.constant 0 : i32
      %dma_start3A_79 = arith.constant 0 : i32
      %dma_start3A_80 = tpu.memref_slice %arg2[%dma_start3A_78, %dma_start3A_79] : memref<10000x128xf32, #tpu.memory_space<hbm>> -> memref<10000x128xf32, #tpu.memory_space<hbm>>
      tpu.enqueue_indirect_dma source(%dma_start3A_80 : memref<10000x128xf32, #tpu.memory_space<hbm>>) target(%arg8 : memref<128x128xf32, #tpu.memory_space<vmem>>) offsets(%dma_start3A_77 : memref<128xi32, #tpu.memory_space<vmem>>) semaphore(%arg11 : memref<!tpu.dma_semaphore, #tpu.memory_space<semaphore_mem>>)
      %dma_wait3A = arith.constant 0 : i32
      %dma_wait3A_81 = arith.constant 0 : i32
      %dma_wait3A_82 = tpu.memref_slice %arg6[%dma_wait3A, %dma_wait3A_81] : memref<16x128xi32, #tpu.memory_space<vmem>> -> memref<1x128xi32, #tpu.memory_space<vmem>>
      %dma_wait3A_83 = tpu.memref_squeeze %dma_wait3A_82 : memref<1x128xi32, #tpu.memory_space<vmem>> -> memref<128xi32, #tpu.memory_space<vmem>>
      %dma_wait3A_84 = arith.constant 0 : i32
      %dma_wait3A_85 = arith.constant 0 : i32
      %dma_wait3A_86 = tpu.memref_slice %arg2[%dma_wait3A_84, %dma_wait3A_85] : memref<10000x128xf32, #tpu.memory_space<hbm>> -> memref<10000x128xf32, #tpu.memory_space<hbm>>
      tpu.wait_indirect_dma semaphore(%arg11 : memref<!tpu.dma_semaphore, #tpu.memory_space<semaphore_mem>>) src(%dma_wait3A_86 : memref<10000x128xf32, #tpu.memory_space<hbm>>) dst(%arg8 : memref<128x128xf32, #tpu.memory_space<vmem>>)
      %run_scoped3A = arith.constant 0 : i32
      "tpu.region"() ({
        %run_scoped3A_132 = tpu.sem_alloc : memref<!tpu.dma_semaphore, #tpu.memory_space<semaphore_mem>>
        %dma_start3A_133 = arith.constant 0 : i32
        %dma_start3A_134 = tpu.memref_slice %arg7[%run_scoped3A, %dma_start3A_133] : memref<16x128xi32, #tpu.memory_space<vmem>> -> memref<1x128xi32, #tpu.memory_space<vmem>>
        %dma_start3A_135 = tpu.memref_squeeze %dma_start3A_134 : memref<1x128xi32, #tpu.memory_space<vmem>> -> memref<128xi32, #tpu.memory_space<vmem>>
        %dma_start3A_136 = arith.constant 0 : i32
        %dma_start3A_137 = arith.constant 0 : i32
        %dma_start3A_138 = tpu.memref_slice %arg10[%dma_start3A_136, %dma_start3A_137] : memref<10240x128xf32, #tpu.memory_space<vmem_shared>> -> memref<10240x128xf32, #tpu.memory_space<vmem_shared>>
        tpu.enqueue_indirect_dma source(%arg8 : memref<128x128xf32, #tpu.memory_space<vmem>>) target(%dma_start3A_138 : memref<10240x128xf32, #tpu.memory_space<vmem_shared>>) offsets(%dma_start3A_135 : memref<128xi32, #tpu.memory_space<vmem>>) semaphore(%run_scoped3A_132 : memref<!tpu.dma_semaphore, #tpu.memory_space<semaphore_mem>>) {add = true}
        %dma_wait3A_139 = arith.constant 0 : i32
        %dma_wait3A_140 = tpu.memref_slice %arg7[%run_scoped3A, %dma_wait3A_139] : memref<16x128xi32, #tpu.memory_space<vmem>> -> memref<1x128xi32, #tpu.memory_space<vmem>>
        %dma_wait3A_141 = tpu.memref_squeeze %dma_wait3A_140 : memref<1x128xi32, #tpu.memory_space<vmem>> -> memref<128xi32, #tpu.memory_space<vmem>>
        %dma_wait3A_142 = arith.constant 0 : i32
        %dma_wait3A_143 = arith.constant 0 : i32
        %dma_wait3A_144 = tpu.memref_slice %arg10[%dma_wait3A_142, %dma_wait3A_143] : memref<10240x128xf32, #tpu.memory_space<vmem_shared>> -> memref<10240x128xf32, #tpu.memory_space<vmem_shared>>
        tpu.wait_indirect_dma semaphore(%run_scoped3A_132 : memref<!tpu.dma_semaphore, #tpu.memory_space<semaphore_mem>>) src(%arg8 : memref<128x128xf32, #tpu.memory_space<vmem>>) dst(%dma_wait3A_144 : memref<10240x128xf32, #tpu.memory_space<vmem_shared>>)
        tpu.yield
      }) : () -> ()
      %dma_start3A_87 = arith.constant 1 : i32
      %dma_start3A_88 = arith.constant 0 : i32
      %dma_start3A_89 = tpu.memref_slice %arg6[%dma_start3A_87, %dma_start3A_88] : memref<16x128xi32, #tpu.memory_space<vmem>> -> memref<1x128xi32, #tpu.memory_space<vmem>>
      %dma_start3A_90 = tpu.memref_squeeze %dma_start3A_89 : memref<1x128xi32, #tpu.memory_space<vmem>> -> memref<128xi32, #tpu.memory_space<vmem>>
      %dma_start3A_91 = arith.constant 0 : i32
      %dma_start3A_92 = arith.constant 0 : i32
      %dma_start3A_93 = tpu.memref_slice %arg2[%dma_start3A_91, %dma_start3A_92] : memref<10000x128xf32, #tpu.memory_space<hbm>> -> memref<10000x128xf32, #tpu.memory_space<hbm>>
      tpu.enqueue_indirect_dma source(%dma_start3A_93 : memref<10000x128xf32, #tpu.memory_space<hbm>>) target(%arg8 : memref<128x128xf32, #tpu.memory_space<vmem>>) offsets(%dma_start3A_90 : memref<128xi32, #tpu.memory_space<vmem>>) semaphore(%arg11 : memref<!tpu.dma_semaphore, #tpu.memory_space<semaphore_mem>>)
      %dma_wait3A_94 = arith.constant 1 : i32
      %dma_wait3A_95 = arith.constant 0 : i32
      %dma_wait3A_96 = tpu.memref_slice %arg6[%dma_wait3A_94, %dma_wait3A_95] : memref<16x128xi32, #tpu.memory_space<vmem>> -> memref<1x128xi32, #tpu.memory_space<vmem>>
      %dma_wait3A_97 = tpu.memref_squeeze %dma_wait3A_96 : memref<1x128xi32, #tpu.memory_space<vmem>> -> memref<128xi32, #tpu.memory_space<vmem>>
      %dma_wait3A_98 = arith.constant 0 : i32
      %dma_wait3A_99 = arith.constant 0 : i32
      %dma_wait3A_100 = tpu.memref_slice %arg2[%dma_wait3A_98, %dma_wait3A_99] : memref<10000x128xf32, #tpu.memory_space<hbm>> -> memref<10000x128xf32, #tpu.memory_space<hbm>>
      tpu.wait_indirect_dma semaphore(%arg11 : memref<!tpu.dma_semaphore, #tpu.memory_space<semaphore_mem>>) src(%dma_wait3A_100 : memref<10000x128xf32, #tpu.memory_space<hbm>>) dst(%arg8 : memref<128x128xf32, #tpu.memory_space<vmem>>)
      %run_scoped3A_101 = arith.constant 1 : i32
      "tpu.region"() ({
        %run_scoped3A_132 = tpu.sem_alloc : memref<!tpu.dma_semaphore, #tpu.memory_space<semaphore_mem>>
        %dma_start3A_133 = arith.constant 0 : i32
        %dma_start3A_134 = tpu.memref_slice %arg7[%run_scoped3A_101, %dma_start3A_133] : memref<16x128xi32, #tpu.memory_space<vmem>> -> memref<1x128xi32, #tpu.memory_space<vmem>>
        %dma_start3A_135 = tpu.memref_squeeze %dma_start3A_134 : memref<1x128xi32, #tpu.memory_space<vmem>> -> memref<128xi32, #tpu.memory_space<vmem>>
        %dma_start3A_136 = arith.constant 0 : i32
        %dma_start3A_137 = arith.constant 0 : i32
        %dma_start3A_138 = tpu.memref_slice %arg10[%dma_start3A_136, %dma_start3A_137] : memref<10240x128xf32, #tpu.memory_space<vmem_shared>> -> memref<10240x128xf32, #tpu.memory_space<vmem_shared>>
        tpu.enqueue_indirect_dma source(%arg8 : memref<128x128xf32, #tpu.memory_space<vmem>>) target(%dma_start3A_138 : memref<10240x128xf32, #tpu.memory_space<vmem_shared>>) offsets(%dma_start3A_135 : memref<128xi32, #tpu.memory_space<vmem>>) semaphore(%run_scoped3A_132 : memref<!tpu.dma_semaphore, #tpu.memory_space<semaphore_mem>>) {add = true}
        %dma_wait3A_139 = arith.constant 0 : i32
        %dma_wait3A_140 = tpu.memref_slice %arg7[%run_scoped3A_101, %dma_wait3A_139] : memref<16x128xi32, #tpu.memory_space<vmem>> -> memref<1x128xi32, #tpu.memory_space<vmem>>
        %dma_wait3A_141 = tpu.memref_squeeze %dma_wait3A_140 : memref<1x128xi32, #tpu.memory_space<vmem>> -> memref<128xi32, #tpu.memory_space<vmem>>
        %dma_wait3A_142 = arith.constant 0 : i32
        %dma_wait3A_143 = arith.constant 0 : i32
        %dma_wait3A_144 = tpu.memref_slice %arg10[%dma_wait3A_142, %dma_wait3A_143] : memref<10240x128xf32, #tpu.memory_space<vmem_shared>> -> memref<10240x128xf32, #tpu.memory_space<vmem_shared>>
        tpu.wait_indirect_dma semaphore(%run_scoped3A_132 : memref<!tpu.dma_semaphore, #tpu.memory_space<semaphore_mem>>) src(%arg8 : memref<128x128xf32, #tpu.memory_space<vmem>>) dst(%dma_wait3A_144 : memref<10240x128xf32, #tpu.memory_space<vmem_shared>>)
        tpu.yield
      }) : () -> ()
      %dma_start3A_102 = arith.constant 2 : i32
      %dma_start3A_103 = arith.constant 0 : i32
      %dma_start3A_104 = tpu.memref_slice %arg6[%dma_start3A_102, %dma_start3A_103] : memref<16x128xi32, #tpu.memory_space<vmem>> -> memref<1x128xi32, #tpu.memory_space<vmem>>
      %dma_start3A_105 = tpu.memref_squeeze %dma_start3A_104 : memref<1x128xi32, #tpu.memory_space<vmem>> -> memref<128xi32, #tpu.memory_space<vmem>>
      %dma_start3A_106 = arith.constant 0 : i32
      %dma_start3A_107 = arith.constant 0 : i32
      %dma_start3A_108 = tpu.memref_slice %arg2[%dma_start3A_106, %dma_start3A_107] : memref<10000x128xf32, #tpu.memory_space<hbm>> -> memref<10000x128xf32, #tpu.memory_space<hbm>>
      tpu.enqueue_indirect_dma source(%dma_start3A_108 : memref<10000x128xf32, #tpu.memory_space<hbm>>) target(%arg8 : memref<128x128xf32, #tpu.memory_space<vmem>>) offsets(%dma_start3A_105 : memref<128xi32, #tpu.memory_space<vmem>>) semaphore(%arg11 : memref<!tpu.dma_semaphore, #tpu.memory_space<semaphore_mem>>)
      %dma_wait3A_109 = arith.constant 2 : i32
      %dma_wait3A_110 = arith.constant 0 : i32
      %dma_wait3A_111 = tpu.memref_slice %arg6[%dma_wait3A_109, %dma_wait3A_110] : memref<16x128xi32, #tpu.memory_space<vmem>> -> memref<1x128xi32, #tpu.memory_space<vmem>>
      %dma_wait3A_112 = tpu.memref_squeeze %dma_wait3A_111 : memref<1x128xi32, #tpu.memory_space<vmem>> -> memref<128xi32, #tpu.memory_space<vmem>>
      %dma_wait3A_113 = arith.constant 0 : i32
      %dma_wait3A_114 = arith.constant 0 : i32
      %dma_wait3A_115 = tpu.memref_slice %arg2[%dma_wait3A_113, %dma_wait3A_114] : memref<10000x128xf32, #tpu.memory_space<hbm>> -> memref<10000x128xf32, #tpu.memory_space<hbm>>
      tpu.wait_indirect_dma semaphore(%arg11 : memref<!tpu.dma_semaphore, #tpu.memory_space<semaphore_mem>>) src(%dma_wait3A_115 : memref<10000x128xf32, #tpu.memory_space<hbm>>) dst(%arg8 : memref<128x128xf32, #tpu.memory_space<vmem>>)
      %run_scoped3A_116 = arith.constant 2 : i32
      "tpu.region"() ({
        %run_scoped3A_132 = tpu.sem_alloc : memref<!tpu.dma_semaphore, #tpu.memory_space<semaphore_mem>>
        %dma_start3A_133 = arith.constant 0 : i32
        %dma_start3A_134 = tpu.memref_slice %arg7[%run_scoped3A_116, %dma_start3A_133] : memref<16x128xi32, #tpu.memory_space<vmem>> -> memref<1x128xi32, #tpu.memory_space<vmem>>
        %dma_start3A_135 = tpu.memref_squeeze %dma_start3A_134 : memref<1x128xi32, #tpu.memory_space<vmem>> -> memref<128xi32, #tpu.memory_space<vmem>>
        %dma_start3A_136 = arith.constant 0 : i32
        %dma_start3A_137 = arith.constant 0 : i32
        %dma_start3A_138 = tpu.memref_slice %arg10[%dma_start3A_136, %dma_start3A_137] : memref<10240x128xf32, #tpu.memory_space<vmem_shared>> -> memref<10240x128xf32, #tpu.memory_space<vmem_shared>>
        tpu.enqueue_indirect_dma source(%arg8 : memref<128x128xf32, #tpu.memory_space<vmem>>) target(%dma_start3A_138 : memref<10240x128xf32, #tpu.memory_space<vmem_shared>>) offsets(%dma_start3A_135 : memref<128xi32, #tpu.memory_space<vmem>>) semaphore(%run_scoped3A_132 : memref<!tpu.dma_semaphore, #tpu.memory_space<semaphore_mem>>) {add = true}
        %dma_wait3A_139 = arith.constant 0 : i32
        %dma_wait3A_140 = tpu.memref_slice %arg7[%run_scoped3A_116, %dma_wait3A_139] : memref<16x128xi32, #tpu.memory_space<vmem>> -> memref<1x128xi32, #tpu.memory_space<vmem>>
        %dma_wait3A_141 = tpu.memref_squeeze %dma_wait3A_140 : memref<1x128xi32, #tpu.memory_space<vmem>> -> memref<128xi32, #tpu.memory_space<vmem>>
        %dma_wait3A_142 = arith.constant 0 : i32
        %dma_wait3A_143 = arith.constant 0 : i32
        %dma_wait3A_144 = tpu.memref_slice %arg10[%dma_wait3A_142, %dma_wait3A_143] : memref<10240x128xf32, #tpu.memory_space<vmem_shared>> -> memref<10240x128xf32, #tpu.memory_space<vmem_shared>>
        tpu.wait_indirect_dma semaphore(%run_scoped3A_132 : memref<!tpu.dma_semaphore, #tpu.memory_space<semaphore_mem>>) src(%arg8 : memref<128x128xf32, #tpu.memory_space<vmem>>) dst(%dma_wait3A_144 : memref<10240x128xf32, #tpu.memory_space<vmem_shared>>)
        tpu.yield
      }) : () -> ()
      %dma_start3A_117 = arith.constant 3 : i32
      %dma_start3A_118 = arith.constant 0 : i32
      %dma_start3A_119 = tpu.memref_slice %arg6[%dma_start3A_117, %dma_start3A_118] : memref<16x128xi32, #tpu.memory_space<vmem>> -> memref<1x128xi32, #tpu.memory_space<vmem>>
      %dma_start3A_120 = tpu.memref_squeeze %dma_start3A_119 : memref<1x128xi32, #tpu.memory_space<vmem>> -> memref<128xi32, #tpu.memory_space<vmem>>
      %dma_start3A_121 = arith.constant 0 : i32
      %dma_start3A_122 = arith.constant 0 : i32
      %dma_start3A_123 = tpu.memref_slice %arg2[%dma_start3A_121, %dma_start3A_122] : memref<10000x128xf32, #tpu.memory_space<hbm>> -> memref<10000x128xf32, #tpu.memory_space<hbm>>
      tpu.enqueue_indirect_dma source(%dma_start3A_123 : memref<10000x128xf32, #tpu.memory_space<hbm>>) target(%arg8 : memref<128x128xf32, #tpu.memory_space<vmem>>) offsets(%dma_start3A_120 : memref<128xi32, #tpu.memory_space<vmem>>) semaphore(%arg11 : memref<!tpu.dma_semaphore, #tpu.memory_space<semaphore_mem>>)
      %dma_wait3A_124 = arith.constant 3 : i32
      %dma_wait3A_125 = arith.constant 0 : i32
      %dma_wait3A_126 = tpu.memref_slice %arg6[%dma_wait3A_124, %dma_wait3A_125] : memref<16x128xi32, #tpu.memory_space<vmem>> -> memref<1x128xi32, #tpu.memory_space<vmem>>
      %dma_wait3A_127 = tpu.memref_squeeze %dma_wait3A_126 : memref<1x128xi32, #tpu.memory_space<vmem>> -> memref<128xi32, #tpu.memory_space<vmem>>
      %dma_wait3A_128 = arith.constant 0 : i32
      %dma_wait3A_129 = arith.constant 0 : i32
      %dma_wait3A_130 = tpu.memref_slice %arg2[%dma_wait3A_128, %dma_wait3A_129] : memref<10000x128xf32, #tpu.memory_space<hbm>> -> memref<10000x128xf32, #tpu.memory_space<hbm>>
      tpu.wait_indirect_dma semaphore(%arg11 : memref<!tpu.dma_semaphore, #tpu.memory_space<semaphore_mem>>) src(%dma_wait3A_130 : memref<10000x128xf32, #tpu.memory_space<hbm>>) dst(%arg8 : memref<128x128xf32, #tpu.memory_space<vmem>>)
      %run_scoped3A_131 = arith.constant 3 : i32
      "tpu.region"() ({
        %run_scoped3A_132 = tpu.sem_alloc : memref<!tpu.dma_semaphore, #tpu.memory_space<semaphore_mem>>
        %dma_start3A_133 = arith.constant 0 : i32
        %dma_start3A_134 = tpu.memref_slice %arg7[%run_scoped3A_131, %dma_start3A_133] : memref<16x128xi32, #tpu.memory_space<vmem>> -> memref<1x128xi32, #tpu.memory_space<vmem>>
        %dma_start3A_135 = tpu.memref_squeeze %dma_start3A_134 : memref<1x128xi32, #tpu.memory_space<vmem>> -> memref<128xi32, #tpu.memory_space<vmem>>
        %dma_start3A_136 = arith.constant 0 : i32
        %dma_start3A_137 = arith.constant 0 : i32
        %dma_start3A_138 = tpu.memref_slice %arg10[%dma_start3A_136, %dma_start3A_137] : memref<10240x128xf32, #tpu.memory_space<vmem_shared>> -> memref<10240x128xf32, #tpu.memory_space<vmem_shared>>
        tpu.enqueue_indirect_dma source(%arg8 : memref<128x128xf32, #tpu.memory_space<vmem>>) target(%dma_start3A_138 : memref<10240x128xf32, #tpu.memory_space<vmem_shared>>) offsets(%dma_start3A_135 : memref<128xi32, #tpu.memory_space<vmem>>) semaphore(%run_scoped3A_132 : memref<!tpu.dma_semaphore, #tpu.memory_space<semaphore_mem>>) {add = true}
        %dma_wait3A_139 = arith.constant 0 : i32
        %dma_wait3A_140 = tpu.memref_slice %arg7[%run_scoped3A_131, %dma_wait3A_139] : memref<16x128xi32, #tpu.memory_space<vmem>> -> memref<1x128xi32, #tpu.memory_space<vmem>>
        %dma_wait3A_141 = tpu.memref_squeeze %dma_wait3A_140 : memref<1x128xi32, #tpu.memory_space<vmem>> -> memref<128xi32, #tpu.memory_space<vmem>>
        %dma_wait3A_142 = arith.constant 0 : i32
        %dma_wait3A_143 = arith.constant 0 : i32
        %dma_wait3A_144 = tpu.memref_slice %arg10[%dma_wait3A_142, %dma_wait3A_143] : memref<10240x128xf32, #tpu.memory_space<vmem_shared>> -> memref<10240x128xf32, #tpu.memory_space<vmem_shared>>
        tpu.wait_indirect_dma semaphore(%run_scoped3A_132 : memref<!tpu.dma_semaphore, #tpu.memory_space<semaphore_mem>>) src(%arg8 : memref<128x128xf32, #tpu.memory_space<vmem>>) dst(%dma_wait3A_144 : memref<10240x128xf32, #tpu.memory_space<vmem_shared>>)
        tpu.yield
      }) : () -> ()
    } else {
    }
    %barrier3A_54 = arith.constant 0 : index
    tpu.barrier barrier_id(%barrier3A_54)
    %mul3A_55 = arith.constant 640 : i32
    %mul3A_56 = arith.muli %arg1, %mul3A_55 : i32
    %add3A_57 = arith.constant 0 : i32
    %add3A_58 = arith.addi %mul3A_56, %add3A_57 : i32
    "tpu.region"() ({
      %run_scoped3A = tpu.sem_alloc : memref<!tpu.dma_semaphore, #tpu.memory_space<semaphore_mem>>
      %dma_start3A = arith.constant 0 : i32
      %dma_start3A_75 = tpu.memref_slice %arg5[%arg0, %add3A_58, %dma_start3A] : memref<2x10240x128xf32, #tpu.memory_space<hbm>> -> memref<1x128x128xf32, #tpu.memory_space<hbm>>
      %dma_start3A_76 = tpu.memref_squeeze %dma_start3A_75 : memref<1x128x128xf32, #tpu.memory_space<hbm>> -> memref<128x128xf32, #tpu.memory_space<hbm>>
      %dma_start3A_77 = arith.constant 0 : i32
      %dma_start3A_78 = tpu.memref_slice %arg10[%add3A_58, %dma_start3A_77] : memref<10240x128xf32, #tpu.memory_space<vmem_shared>> -> memref<128x128xf32, #tpu.memory_space<vmem_shared>>
      tpu.enqueue_dma source(%dma_start3A_78 : memref<128x128xf32, #tpu.memory_space<vmem_shared>>) target(%dma_start3A_76 : memref<128x128xf32, #tpu.memory_space<hbm>>) target_semaphore(%run_scoped3A : memref<!tpu.dma_semaphore, #tpu.memory_space<semaphore_mem>>)
      %dma_wait3A = arith.constant 0 : i32
      %dma_wait3A_79 = tpu.memref_slice %arg5[%arg0, %add3A_58, %dma_wait3A] : memref<2x10240x128xf32, #tpu.memory_space<hbm>> -> memref<1x128x128xf32, #tpu.memory_space<hbm>>
      %dma_wait3A_80 = tpu.memref_squeeze %dma_wait3A_79 : memref<1x128x128xf32, #tpu.memory_space<hbm>> -> memref<128x128xf32, #tpu.memory_space<hbm>>
      %dma_wait3A_81 = arith.constant 0 : i32
      %dma_wait3A_82 = tpu.memref_slice %arg10[%add3A_58, %dma_wait3A_81] : memref<10240x128xf32, #tpu.memory_space<vmem_shared>> -> memref<128x128xf32, #tpu.memory_space<vmem_shared>>
      tpu.wait_dma2 semaphore(%run_scoped3A : memref<!tpu.dma_semaphore, #tpu.memory_space<semaphore_mem>>) src(%dma_wait3A_82 : memref<128x128xf32, #tpu.memory_space<vmem_shared>>) dst(%dma_wait3A_80 : memref<128x128xf32, #tpu.memory_space<hbm>>)
      tpu.yield
    }) : () -> ()
    %mul3A_59 = arith.constant 640 : i32
    %mul3A_60 = arith.muli %arg1, %mul3A_59 : i32
    %add3A_61 = arith.constant 128 : i32
    %add3A_62 = arith.addi %mul3A_60, %add3A_61 : i32
    "tpu.region"() ({
      %run_scoped3A = tpu.sem_alloc : memref<!tpu.dma_semaphore, #tpu.memory_space<semaphore_mem>>
      %dma_start3A = arith.constant 0 : i32
      %dma_start3A_75 = tpu.memref_slice %arg5[%arg0, %add3A_62, %dma_start3A] : memref<2x10240x128xf32, #tpu.memory_space<hbm>> -> memref<1x128x128xf32, #tpu.memory_space<hbm>>
      %dma_start3A_76 = tpu.memref_squeeze %dma_start3A_75 : memref<1x128x128xf32, #tpu.memory_space<hbm>> -> memref<128x128xf32, #tpu.memory_space<hbm>>
      %dma_start3A_77 = arith.constant 0 : i32
      %dma_start3A_78 = tpu.memref_slice %arg10[%add3A_62, %dma_start3A_77] : memref<10240x128xf32, #tpu.memory_space<vmem_shared>> -> memref<128x128xf32, #tpu.memory_space<vmem_shared>>
      tpu.enqueue_dma source(%dma_start3A_78 : memref<128x128xf32, #tpu.memory_space<vmem_shared>>) target(%dma_start3A_76 : memref<128x128xf32, #tpu.memory_space<hbm>>) target_semaphore(%run_scoped3A : memref<!tpu.dma_semaphore, #tpu.memory_space<semaphore_mem>>)
      %dma_wait3A = arith.constant 0 : i32
      %dma_wait3A_79 = tpu.memref_slice %arg5[%arg0, %add3A_62, %dma_wait3A] : memref<2x10240x128xf32, #tpu.memory_space<hbm>> -> memref<1x128x128xf32, #tpu.memory_space<hbm>>
      %dma_wait3A_80 = tpu.memref_squeeze %dma_wait3A_79 : memref<1x128x128xf32, #tpu.memory_space<hbm>> -> memref<128x128xf32, #tpu.memory_space<hbm>>
      %dma_wait3A_81 = arith.constant 0 : i32
      %dma_wait3A_82 = tpu.memref_slice %arg10[%add3A_62, %dma_wait3A_81] : memref<10240x128xf32, #tpu.memory_space<vmem_shared>> -> memref<128x128xf32, #tpu.memory_space<vmem_shared>>
      tpu.wait_dma2 semaphore(%run_scoped3A : memref<!tpu.dma_semaphore, #tpu.memory_space<semaphore_mem>>) src(%dma_wait3A_82 : memref<128x128xf32, #tpu.memory_space<vmem_shared>>) dst(%dma_wait3A_80 : memref<128x128xf32, #tpu.memory_space<hbm>>)
      tpu.yield
    }) : () -> ()
    %mul3A_63 = arith.constant 640 : i32
    %mul3A_64 = arith.muli %arg1, %mul3A_63 : i32
    %add3A_65 = arith.constant 256 : i32
    %add3A_66 = arith.addi %mul3A_64, %add3A_65 : i32
    "tpu.region"() ({
      %run_scoped3A = tpu.sem_alloc : memref<!tpu.dma_semaphore, #tpu.memory_space<semaphore_mem>>
      %dma_start3A = arith.constant 0 : i32
      %dma_start3A_75 = tpu.memref_slice %arg5[%arg0, %add3A_66, %dma_start3A] : memref<2x10240x128xf32, #tpu.memory_space<hbm>> -> memref<1x128x128xf32, #tpu.memory_space<hbm>>
      %dma_start3A_76 = tpu.memref_squeeze %dma_start3A_75 : memref<1x128x128xf32, #tpu.memory_space<hbm>> -> memref<128x128xf32, #tpu.memory_space<hbm>>
      %dma_start3A_77 = arith.constant 0 : i32
      %dma_start3A_78 = tpu.memref_slice %arg10[%add3A_66, %dma_start3A_77] : memref<10240x128xf32, #tpu.memory_space<vmem_shared>> -> memref<128x128xf32, #tpu.memory_space<vmem_shared>>
      tpu.enqueue_dma source(%dma_start3A_78 : memref<128x128xf32, #tpu.memory_space<vmem_shared>>) target(%dma_start3A_76 : memref<128x128xf32, #tpu.memory_space<hbm>>) target_semaphore(%run_scoped3A : memref<!tpu.dma_semaphore, #tpu.memory_space<semaphore_mem>>)
      %dma_wait3A = arith.constant 0 : i32
      %dma_wait3A_79 = tpu.memref_slice %arg5[%arg0, %add3A_66, %dma_wait3A] : memref<2x10240x128xf32, #tpu.memory_space<hbm>> -> memref<1x128x128xf32, #tpu.memory_space<hbm>>
      %dma_wait3A_80 = tpu.memref_squeeze %dma_wait3A_79 : memref<1x128x128xf32, #tpu.memory_space<hbm>> -> memref<128x128xf32, #tpu.memory_space<hbm>>
      %dma_wait3A_81 = arith.constant 0 : i32
      %dma_wait3A_82 = tpu.memref_slice %arg10[%add3A_66, %dma_wait3A_81] : memref<10240x128xf32, #tpu.memory_space<vmem_shared>> -> memref<128x128xf32, #tpu.memory_space<vmem_shared>>
      tpu.wait_dma2 semaphore(%run_scoped3A : memref<!tpu.dma_semaphore, #tpu.memory_space<semaphore_mem>>) src(%dma_wait3A_82 : memref<128x128xf32, #tpu.memory_space<vmem_shared>>) dst(%dma_wait3A_80 : memref<128x128xf32, #tpu.memory_space<hbm>>)
      tpu.yield
    }) : () -> ()
    %mul3A_67 = arith.constant 640 : i32
    %mul3A_68 = arith.muli %arg1, %mul3A_67 : i32
    %add3A_69 = arith.constant 384 : i32
    %add3A_70 = arith.addi %mul3A_68, %add3A_69 : i32
    "tpu.region"() ({
      %run_scoped3A = tpu.sem_alloc : memref<!tpu.dma_semaphore, #tpu.memory_space<semaphore_mem>>
      %dma_start3A = arith.constant 0 : i32
      %dma_start3A_75 = tpu.memref_slice %arg5[%arg0, %add3A_70, %dma_start3A] : memref<2x10240x128xf32, #tpu.memory_space<hbm>> -> memref<1x128x128xf32, #tpu.memory_space<hbm>>
      %dma_start3A_76 = tpu.memref_squeeze %dma_start3A_75 : memref<1x128x128xf32, #tpu.memory_space<hbm>> -> memref<128x128xf32, #tpu.memory_space<hbm>>
      %dma_start3A_77 = arith.constant 0 : i32
      %dma_start3A_78 = tpu.memref_slice %arg10[%add3A_70, %dma_start3A_77] : memref<10240x128xf32, #tpu.memory_space<vmem_shared>> -> memref<128x128xf32, #tpu.memory_space<vmem_shared>>
      tpu.enqueue_dma source(%dma_start3A_78 : memref<128x128xf32, #tpu.memory_space<vmem_shared>>) target(%dma_start3A_76 : memref<128x128xf32, #tpu.memory_space<hbm>>) target_semaphore(%run_scoped3A : memref<!tpu.dma_semaphore, #tpu.memory_space<semaphore_mem>>)
      %dma_wait3A = arith.constant 0 : i32
      %dma_wait3A_79 = tpu.memref_slice %arg5[%arg0, %add3A_70, %dma_wait3A] : memref<2x10240x128xf32, #tpu.memory_space<hbm>> -> memref<1x128x128xf32, #tpu.memory_space<hbm>>
      %dma_wait3A_80 = tpu.memref_squeeze %dma_wait3A_79 : memref<1x128x128xf32, #tpu.memory_space<hbm>> -> memref<128x128xf32, #tpu.memory_space<hbm>>
      %dma_wait3A_81 = arith.constant 0 : i32
      %dma_wait3A_82 = tpu.memref_slice %arg10[%add3A_70, %dma_wait3A_81] : memref<10240x128xf32, #tpu.memory_space<vmem_shared>> -> memref<128x128xf32, #tpu.memory_space<vmem_shared>>
      tpu.wait_dma2 semaphore(%run_scoped3A : memref<!tpu.dma_semaphore, #tpu.memory_space<semaphore_mem>>) src(%dma_wait3A_82 : memref<128x128xf32, #tpu.memory_space<vmem_shared>>) dst(%dma_wait3A_80 : memref<128x128xf32, #tpu.memory_space<hbm>>)
      tpu.yield
    }) : () -> ()
    %mul3A_71 = arith.constant 640 : i32
    %mul3A_72 = arith.muli %arg1, %mul3A_71 : i32
    %add3A_73 = arith.constant 512 : i32
    %add3A_74 = arith.addi %mul3A_72, %add3A_73 : i32
    "tpu.region"() ({
      %run_scoped3A = tpu.sem_alloc : memref<!tpu.dma_semaphore, #tpu.memory_space<semaphore_mem>>
      %dma_start3A = arith.constant 0 : i32
      %dma_start3A_75 = tpu.memref_slice %arg5[%arg0, %add3A_74, %dma_start3A] : memref<2x10240x128xf32, #tpu.memory_space<hbm>> -> memref<1x128x128xf32, #tpu.memory_space<hbm>>
      %dma_start3A_76 = tpu.memref_squeeze %dma_start3A_75 : memref<1x128x128xf32, #tpu.memory_space<hbm>> -> memref<128x128xf32, #tpu.memory_space<hbm>>
      %dma_start3A_77 = arith.constant 0 : i32
      %dma_start3A_78 = tpu.memref_slice %arg10[%add3A_74, %dma_start3A_77] : memref<10240x128xf32, #tpu.memory_space<vmem_shared>> -> memref<128x128xf32, #tpu.memory_space<vmem_shared>>
      tpu.enqueue_dma source(%dma_start3A_78 : memref<128x128xf32, #tpu.memory_space<vmem_shared>>) target(%dma_start3A_76 : memref<128x128xf32, #tpu.memory_space<hbm>>) target_semaphore(%run_scoped3A : memref<!tpu.dma_semaphore, #tpu.memory_space<semaphore_mem>>)
      %dma_wait3A = arith.constant 0 : i32
      %dma_wait3A_79 = tpu.memref_slice %arg5[%arg0, %add3A_74, %dma_wait3A] : memref<2x10240x128xf32, #tpu.memory_space<hbm>> -> memref<1x128x128xf32, #tpu.memory_space<hbm>>
      %dma_wait3A_80 = tpu.memref_squeeze %dma_wait3A_79 : memref<1x128x128xf32, #tpu.memory_space<hbm>> -> memref<128x128xf32, #tpu.memory_space<hbm>>
      %dma_wait3A_81 = arith.constant 0 : i32
      %dma_wait3A_82 = tpu.memref_slice %arg10[%add3A_74, %dma_wait3A_81] : memref<10240x128xf32, #tpu.memory_space<vmem_shared>> -> memref<128x128xf32, #tpu.memory_space<vmem_shared>>
      tpu.wait_dma2 semaphore(%run_scoped3A : memref<!tpu.dma_semaphore, #tpu.memory_space<semaphore_mem>>) src(%dma_wait3A_82 : memref<128x128xf32, #tpu.memory_space<vmem_shared>>) dst(%dma_wait3A_80 : memref<128x128xf32, #tpu.memory_space<hbm>>)
      tpu.yield
    }) : () -> ()
    return
  }
}

#map = affine_map<(d0, d1) -> (0, 0)>
#map1 = affine_map<(d0, d1) -> (0, 0, 0)>
module attributes {stable_mosaic.version = 14 : i64} {
  func.func @_sc_aggregate(%arg0: i32, %arg1: i32, %arg2: memref<10000x128xf32, #tpu.memory_space<hbm>>, %arg3: memref<2500x128xi32, #tpu.memory_space<hbm>>, %arg4: memref<2500x128xi32, #tpu.memory_space<hbm>>, %arg5: memref<2x10240x128xf32, #tpu.memory_space<hbm>>, %arg6: memref<16x128xi32, #tpu.memory_space<vmem>>, %arg7: memref<16x128xi32, #tpu.memory_space<vmem>>, %arg8: memref<128x128xf32, #tpu.memory_space<vmem>>, %arg9: memref<128x128xf32, #tpu.memory_space<vmem>>, %arg10: memref<10240x128xf32, #tpu.memory_space<vmem_shared>>, %arg11: memref<!tpu.dma_semaphore, #tpu.memory_space<semaphore_mem>>, %arg12: memref<!tpu.dma_semaphore, #tpu.memory_space<semaphore_mem>>, %arg13: memref<!tpu.dma_semaphore, #tpu.memory_space<semaphore_mem>>, %arg14: memref<!tpu.dma_semaphore, #tpu.memory_space<semaphore_mem>>) attributes {dimension_semantics = [#tpu.dimension_semantics<core_parallel>, #tpu.dimension_semantics<subcore_parallel>], iteration_bounds = array<i64: 2, 16>, scalar_prefetch = 0 : i64, scratch_operands = 9 : i64, tpu.core_type = #tpu.core_type<sc_vector_subcore>, window_params = [{transform_indices = #map}, {transform_indices = #map}, {transform_indices = #map}, {transform_indices = #map1}]} {
    %mul3A = arith.constant 2 : i32
    %mul3A_0 = arith.muli %arg1, %mul3A : i32
    %add3A = arith.addi %mul3A_0, %arg0 : i32
    %scan3A = arith.constant 0 : i32
    %scan3A_1 = arith.constant 0 : i32
    %scan3A_2 = arith.constant 128 : i32
    %scan3A_3 = arith.addi %scan3A_1, %scan3A_2 : i32
    %scan3A_4 = arith.constant 1 : i32
    %scan3A_5 = scf.for %scan3A_75 = %scan3A_1 to %scan3A_3 step %scan3A_4 iter_args(%scan3A_76 = %scan3A) -> (i32)  : i32 {
      %broadcast_in_dim3A = arith.constant 0.000000e+00 : f32
      %broadcast_in_dim3A_77 = vector.broadcast %broadcast_in_dim3A : f32 to vector<16xf32>
      %swap3A = arith.index_cast %scan3A_75 : i32 to index
      %swap3A_78 = arith.constant 0 : index
      %swap3A_79 = tpu.vector_load %arg8[%swap3A, %swap3A_78] {strides = array<i32>} : memref<128x128xf32, #tpu.memory_space<vmem>>, vector<1x16xf32>,
      %swap3A_80 = vector.shape_cast %swap3A_79 : vector<1x16xf32> to vector<16xf32>
      %swap3A_81 = vector.shape_cast %broadcast_in_dim3A_77 : vector<16xf32> to vector<1x16xf32>
      tpu.vector_store %arg8[%swap3A, %swap3A_78], %swap3A_81 {strides = array<i32>} : memref<128x128xf32, #tpu.memory_space<vmem>>, vector<1x16xf32>,
      %broadcast_in_dim3A_82 = arith.constant 0.000000e+00 : f32
      %broadcast_in_dim3A_83 = vector.broadcast %broadcast_in_dim3A_82 : f32 to vector<16xf32>
      %swap3A_84 = arith.index_cast %scan3A_75 : i32 to index
      %swap3A_85 = arith.constant 16 : index
      %swap3A_86 = tpu.vector_load %arg8[%swap3A_84, %swap3A_85] {strides = array<i32>} : memref<128x128xf32, #tpu.memory_space<vmem>>, vector<1x16xf32>,
      %swap3A_87 = vector.shape_cast %swap3A_86 : vector<1x16xf32> to vector<16xf32>
      %swap3A_88 = vector.shape_cast %broadcast_in_dim3A_83 : vector<16xf32> to vector<1x16xf32>
      tpu.vector_store %arg8[%swap3A_84, %swap3A_85], %swap3A_88 {strides = array<i32>} : memref<128x128xf32, #tpu.memory_space<vmem>>, vector<1x16xf32>,
      %broadcast_in_dim3A_89 = arith.constant 0.000000e+00 : f32
      %broadcast_in_dim3A_90 = vector.broadcast %broadcast_in_dim3A_89 : f32 to vector<16xf32>
      %swap3A_91 = arith.index_cast %scan3A_75 : i32 to index
      %swap3A_92 = arith.constant 32 : index
      %swap3A_93 = tpu.vector_load %arg8[%swap3A_91, %swap3A_92] {strides = array<i32>} : memref<128x128xf32, #tpu.memory_space<vmem>>, vector<1x16xf32>,
      %swap3A_94 = vector.shape_cast %swap3A_93 : vector<1x16xf32> to vector<16xf32>
      %swap3A_95 = vector.shape_cast %broadcast_in_dim3A_90 : vector<16xf32> to vector<1x16xf32>
      tpu.vector_store %arg8[%swap3A_91, %swap3A_92], %swap3A_95 {strides = array<i32>} : memref<128x128xf32, #tpu.memory_space<vmem>>, vector<1x16xf32>,
      %broadcast_in_dim3A_96 = arith.constant 0.000000e+00 : f32
      %broadcast_in_dim3A_97 = vector.broadcast %broadcast_in_dim3A_96 : f32 to vector<16xf32>
      %swap3A_98 = arith.index_cast %scan3A_75 : i32 to index
      %swap3A_99 = arith.constant 48 : index
      %swap3A_100 = tpu.vector_load %arg8[%swap3A_98, %swap3A_99] {strides = array<i32>} : memref<128x128xf32, #tpu.memory_space<vmem>>, vector<1x16xf32>,
      %swap3A_101 = vector.shape_cast %swap3A_100 : vector<1x16xf32> to vector<16xf32>
      %swap3A_102 = vector.shape_cast %broadcast_in_dim3A_97 : vector<16xf32> to vector<1x16xf32>
      tpu.vector_store %arg8[%swap3A_98, %swap3A_99], %swap3A_102 {strides = array<i32>} : memref<128x128xf32, #tpu.memory_space<vmem>>, vector<1x16xf32>,
      %broadcast_in_dim3A_103 = arith.constant 0.000000e+00 : f32
      %broadcast_in_dim3A_104 = vector.broadcast %broadcast_in_dim3A_103 : f32 to vector<16xf32>
      %swap3A_105 = arith.index_cast %scan3A_75 : i32 to index
      %swap3A_106 = arith.constant 64 : index
      %swap3A_107 = tpu.vector_load %arg8[%swap3A_105, %swap3A_106] {strides = array<i32>} : memref<128x128xf32, #tpu.memory_space<vmem>>, vector<1x16xf32>,
      %swap3A_108 = vector.shape_cast %swap3A_107 : vector<1x16xf32> to vector<16xf32>
      %swap3A_109 = vector.shape_cast %broadcast_in_dim3A_104 : vector<16xf32> to vector<1x16xf32>
      tpu.vector_store %arg8[%swap3A_105, %swap3A_106], %swap3A_109 {strides = array<i32>} : memref<128x128xf32, #tpu.memory_space<vmem>>, vector<1x16xf32>,
      %broadcast_in_dim3A_110 = arith.constant 0.000000e+00 : f32
      %broadcast_in_dim3A_111 = vector.broadcast %broadcast_in_dim3A_110 : f32 to vector<16xf32>
      %swap3A_112 = arith.index_cast %scan3A_75 : i32 to index
      %swap3A_113 = arith.constant 80 : index
      %swap3A_114 = tpu.vector_load %arg8[%swap3A_112, %swap3A_113] {strides = array<i32>} : memref<128x128xf32, #tpu.memory_space<vmem>>, vector<1x16xf32>,
      %swap3A_115 = vector.shape_cast %swap3A_114 : vector<1x16xf32> to vector<16xf32>
      %swap3A_116 = vector.shape_cast %broadcast_in_dim3A_111 : vector<16xf32> to vector<1x16xf32>
      tpu.vector_store %arg8[%swap3A_112, %swap3A_113], %swap3A_116 {strides = array<i32>} : memref<128x128xf32, #tpu.memory_space<vmem>>, vector<1x16xf32>,
      %broadcast_in_dim3A_117 = arith.constant 0.000000e+00 : f32
      %broadcast_in_dim3A_118 = vector.broadcast %broadcast_in_dim3A_117 : f32 to vector<16xf32>
      %swap3A_119 = arith.index_cast %scan3A_75 : i32 to index
      %swap3A_120 = arith.constant 96 : index
      %swap3A_121 = tpu.vector_load %arg8[%swap3A_119, %swap3A_120] {strides = array<i32>} : memref<128x128xf32, #tpu.memory_space<vmem>>, vector<1x16xf32>,
      %swap3A_122 = vector.shape_cast %swap3A_121 : vector<1x16xf32> to vector<16xf32>
      %swap3A_123 = vector.shape_cast %broadcast_in_dim3A_118 : vector<16xf32> to vector<1x16xf32>
      tpu.vector_store %arg8[%swap3A_119, %swap3A_120], %swap3A_123 {strides = array<i32>} : memref<128x128xf32, #tpu.memory_space<vmem>>, vector<1x16xf32>,
      %broadcast_in_dim3A_124 = arith.constant 0.000000e+00 : f32
      %broadcast_in_dim3A_125 = vector.broadcast %broadcast_in_dim3A_124 : f32 to vector<16xf32>
      %swap3A_126 = arith.index_cast %scan3A_75 : i32 to index
      %swap3A_127 = arith.constant 112 : index
      %swap3A_128 = tpu.vector_load %arg8[%swap3A_126, %swap3A_127] {strides = array<i32>} : memref<128x128xf32, #tpu.memory_space<vmem>>, vector<1x16xf32>,
      %swap3A_129 = vector.shape_cast %swap3A_128 : vector<1x16xf32> to vector<16xf32>
      %swap3A_130 = vector.shape_cast %broadcast_in_dim3A_125 : vector<16xf32> to vector<1x16xf32>
      tpu.vector_store %arg8[%swap3A_126, %swap3A_127], %swap3A_130 {strides = array<i32>} : memref<128x128xf32, #tpu.memory_space<vmem>>, vector<1x16xf32>,
      %scan3A_131 = arith.constant 0 : i32
      scf.yield %scan3A_131 : i32
    }
    %scan3A_6 = arith.constant 128 : i32
    %mul3A_7 = arith.constant 640 : i32
    %mul3A_8 = arith.muli %arg1, %mul3A_7 : i32
    %add3A_9 = arith.constant 0 : i32
    %add3A_10 = arith.addi %mul3A_8, %add3A_9 : i32
    "tpu.region"() ({
      %run_scoped3A = tpu.sem_alloc : memref<!tpu.dma_semaphore, #tpu.memory_space<semaphore_mem>>
      %dma_start3A = arith.constant 0 : i32
      %dma_start3A_75 = tpu.memref_slice %arg10[%add3A_10, %dma_start3A] : memref<10240x128xf32, #tpu.memory_space<vmem_shared>> -> memref<128x128xf32, #tpu.memory_space<vmem_shared>>
      %dma_start3A_76 = arith.constant 0 : i32
      %dma_start3A_77 = tpu.memref_slice %arg10[%add3A_10, %dma_start3A_76] : memref<10240x128xf32, #tpu.memory_space<vmem_shared>> -> memref<128x128xf32, #tpu.memory_space<vmem_shared>>
      tpu.enqueue_dma source(%arg8 : memref<128x128xf32, #tpu.memory_space<vmem>>) target(%dma_start3A_77 : memref<128x128xf32, #tpu.memory_space<vmem_shared>>) target_semaphore(%run_scoped3A : memref<!tpu.dma_semaphore, #tpu.memory_space<semaphore_mem>>)
      %dma_wait3A = arith.constant 0 : i32
      %dma_wait3A_78 = tpu.memref_slice %arg10[%add3A_10, %dma_wait3A] : memref<10240x128xf32, #tpu.memory_space<vmem_shared>> -> memref<128x128xf32, #tpu.memory_space<vmem_shared>>
      %dma_wait3A_79 = arith.constant 0 : i32
      %dma_wait3A_80 = tpu.memref_slice %arg10[%add3A_10, %dma_wait3A_79] : memref<10240x128xf32, #tpu.memory_space<vmem_shared>> -> memref<128x128xf32, #tpu.memory_space<vmem_shared>>
      tpu.wait_dma2 semaphore(%run_scoped3A : memref<!tpu.dma_semaphore, #tpu.memory_space<semaphore_mem>>) src(%arg8 : memref<128x128xf32, #tpu.memory_space<vmem>>) dst(%dma_wait3A_80 : memref<128x128xf32, #tpu.memory_space<vmem_shared>>)
      tpu.yield
    }) : () -> ()
    %mul3A_11 = arith.constant 640 : i32
    %mul3A_12 = arith.muli %arg1, %mul3A_11 : i32
    %add3A_13 = arith.constant 128 : i32
    %add3A_14 = arith.addi %mul3A_12, %add3A_13 : i32
    "tpu.region"() ({
      %run_scoped3A = tpu.sem_alloc : memref<!tpu.dma_semaphore, #tpu.memory_space<semaphore_mem>>
      %dma_start3A = arith.constant 0 : i32
      %dma_start3A_75 = tpu.memref_slice %arg10[%add3A_14, %dma_start3A] : memref<10240x128xf32, #tpu.memory_space<vmem_shared>> -> memref<128x128xf32, #tpu.memory_space<vmem_shared>>
      %dma_start3A_76 = arith.constant 0 : i32
      %dma_start3A_77 = tpu.memref_slice %arg10[%add3A_14, %dma_start3A_76] : memref<10240x128xf32, #tpu.memory_space<vmem_shared>> -> memref<128x128xf32, #tpu.memory_space<vmem_shared>>
      tpu.enqueue_dma source(%arg8 : memref<128x128xf32, #tpu.memory_space<vmem>>) target(%dma_start3A_77 : memref<128x128xf32, #tpu.memory_space<vmem_shared>>) target_semaphore(%run_scoped3A : memref<!tpu.dma_semaphore, #tpu.memory_space<semaphore_mem>>)
      %dma_wait3A = arith.constant 0 : i32
      %dma_wait3A_78 = tpu.memref_slice %arg10[%add3A_14, %dma_wait3A] : memref<10240x128xf32, #tpu.memory_space<vmem_shared>> -> memref<128x128xf32, #tpu.memory_space<vmem_shared>>
      %dma_wait3A_79 = arith.constant 0 : i32
      %dma_wait3A_80 = tpu.memref_slice %arg10[%add3A_14, %dma_wait3A_79] : memref<10240x128xf32, #tpu.memory_space<vmem_shared>> -> memref<128x128xf32, #tpu.memory_space<vmem_shared>>
      tpu.wait_dma2 semaphore(%run_scoped3A : memref<!tpu.dma_semaphore, #tpu.memory_space<semaphore_mem>>) src(%arg8 : memref<128x128xf32, #tpu.memory_space<vmem>>) dst(%dma_wait3A_80 : memref<128x128xf32, #tpu.memory_space<vmem_shared>>)
      tpu.yield
    }) : () -> ()
    %mul3A_15 = arith.constant 640 : i32
    %mul3A_16 = arith.muli %arg1, %mul3A_15 : i32
    %add3A_17 = arith.constant 256 : i32
    %add3A_18 = arith.addi %mul3A_16, %add3A_17 : i32
    "tpu.region"() ({
      %run_scoped3A = tpu.sem_alloc : memref<!tpu.dma_semaphore, #tpu.memory_space<semaphore_mem>>
      %dma_start3A = arith.constant 0 : i32
      %dma_start3A_75 = tpu.memref_slice %arg10[%add3A_18, %dma_start3A] : memref<10240x128xf32, #tpu.memory_space<vmem_shared>> -> memref<128x128xf32, #tpu.memory_space<vmem_shared>>
      %dma_start3A_76 = arith.constant 0 : i32
      %dma_start3A_77 = tpu.memref_slice %arg10[%add3A_18, %dma_start3A_76] : memref<10240x128xf32, #tpu.memory_space<vmem_shared>> -> memref<128x128xf32, #tpu.memory_space<vmem_shared>>
      tpu.enqueue_dma source(%arg8 : memref<128x128xf32, #tpu.memory_space<vmem>>) target(%dma_start3A_77 : memref<128x128xf32, #tpu.memory_space<vmem_shared>>) target_semaphore(%run_scoped3A : memref<!tpu.dma_semaphore, #tpu.memory_space<semaphore_mem>>)
      %dma_wait3A = arith.constant 0 : i32
      %dma_wait3A_78 = tpu.memref_slice %arg10[%add3A_18, %dma_wait3A] : memref<10240x128xf32, #tpu.memory_space<vmem_shared>> -> memref<128x128xf32, #tpu.memory_space<vmem_shared>>
      %dma_wait3A_79 = arith.constant 0 : i32
      %dma_wait3A_80 = tpu.memref_slice %arg10[%add3A_18, %dma_wait3A_79] : memref<10240x128xf32, #tpu.memory_space<vmem_shared>> -> memref<128x128xf32, #tpu.memory_space<vmem_shared>>
      tpu.wait_dma2 semaphore(%run_scoped3A : memref<!tpu.dma_semaphore, #tpu.memory_space<semaphore_mem>>) src(%arg8 : memref<128x128xf32, #tpu.memory_space<vmem>>) dst(%dma_wait3A_80 : memref<128x128xf32, #tpu.memory_space<vmem_shared>>)
      tpu.yield
    }) : () -> ()
    %mul3A_19 = arith.constant 640 : i32
    %mul3A_20 = arith.muli %arg1, %mul3A_19 : i32
    %add3A_21 = arith.constant 384 : i32
    %add3A_22 = arith.addi %mul3A_20, %add3A_21 : i32
    "tpu.region"() ({
      %run_scoped3A = tpu.sem_alloc : memref<!tpu.dma_semaphore, #tpu.memory_space<semaphore_mem>>
      %dma_start3A = arith.constant 0 : i32
      %dma_start3A_75 = tpu.memref_slice %arg10[%add3A_22, %dma_start3A] : memref<10240x128xf32, #tpu.memory_space<vmem_shared>> -> memref<128x128xf32, #tpu.memory_space<vmem_shared>>
      %dma_start3A_76 = arith.constant 0 : i32
      %dma_start3A_77 = tpu.memref_slice %arg10[%add3A_22, %dma_start3A_76] : memref<10240x128xf32, #tpu.memory_space<vmem_shared>> -> memref<128x128xf32, #tpu.memory_space<vmem_shared>>
      tpu.enqueue_dma source(%arg8 : memref<128x128xf32, #tpu.memory_space<vmem>>) target(%dma_start3A_77 : memref<128x128xf32, #tpu.memory_space<vmem_shared>>) target_semaphore(%run_scoped3A : memref<!tpu.dma_semaphore, #tpu.memory_space<semaphore_mem>>)
      %dma_wait3A = arith.constant 0 : i32
      %dma_wait3A_78 = tpu.memref_slice %arg10[%add3A_22, %dma_wait3A] : memref<10240x128xf32, #tpu.memory_space<vmem_shared>> -> memref<128x128xf32, #tpu.memory_space<vmem_shared>>
      %dma_wait3A_79 = arith.constant 0 : i32
      %dma_wait3A_80 = tpu.memref_slice %arg10[%add3A_22, %dma_wait3A_79] : memref<10240x128xf32, #tpu.memory_space<vmem_shared>> -> memref<128x128xf32, #tpu.memory_space<vmem_shared>>
      tpu.wait_dma2 semaphore(%run_scoped3A : memref<!tpu.dma_semaphore, #tpu.memory_space<semaphore_mem>>) src(%arg8 : memref<128x128xf32, #tpu.memory_space<vmem>>) dst(%dma_wait3A_80 : memref<128x128xf32, #tpu.memory_space<vmem_shared>>)
      tpu.yield
    }) : () -> ()
    %mul3A_23 = arith.constant 640 : i32
    %mul3A_24 = arith.muli %arg1, %mul3A_23 : i32
    %add3A_25 = arith.constant 512 : i32
    %add3A_26 = arith.addi %mul3A_24, %add3A_25 : i32
    "tpu.region"() ({
      %run_scoped3A = tpu.sem_alloc : memref<!tpu.dma_semaphore, #tpu.memory_space<semaphore_mem>>
      %dma_start3A = arith.constant 0 : i32
      %dma_start3A_75 = tpu.memref_slice %arg10[%add3A_26, %dma_start3A] : memref<10240x128xf32, #tpu.memory_space<vmem_shared>> -> memref<128x128xf32, #tpu.memory_space<vmem_shared>>
      %dma_start3A_76 = arith.constant 0 : i32
      %dma_start3A_77 = tpu.memref_slice %arg10[%add3A_26, %dma_start3A_76] : memref<10240x128xf32, #tpu.memory_space<vmem_shared>> -> memref<128x128xf32, #tpu.memory_space<vmem_shared>>
      tpu.enqueue_dma source(%arg8 : memref<128x128xf32, #tpu.memory_space<vmem>>) target(%dma_start3A_77 : memref<128x128xf32, #tpu.memory_space<vmem_shared>>) target_semaphore(%run_scoped3A : memref<!tpu.dma_semaphore, #tpu.memory_space<semaphore_mem>>)
      %dma_wait3A = arith.constant 0 : i32
      %dma_wait3A_78 = tpu.memref_slice %arg10[%add3A_26, %dma_wait3A] : memref<10240x128xf32, #tpu.memory_space<vmem_shared>> -> memref<128x128xf32, #tpu.memory_space<vmem_shared>>
      %dma_wait3A_79 = arith.constant 0 : i32
      %dma_wait3A_80 = tpu.memref_slice %arg10[%add3A_26, %dma_wait3A_79] : memref<10240x128xf32, #tpu.memory_space<vmem_shared>> -> memref<128x128xf32, #tpu.memory_space<vmem_shared>>
      tpu.wait_dma2 semaphore(%run_scoped3A : memref<!tpu.dma_semaphore, #tpu.memory_space<semaphore_mem>>) src(%arg8 : memref<128x128xf32, #tpu.memory_space<vmem>>) dst(%dma_wait3A_80 : memref<128x128xf32, #tpu.memory_space<vmem_shared>>)
      tpu.yield
    }) : () -> ()
    %barrier3A = arith.constant 0 : index
    tpu.barrier barrier_id(%barrier3A)
    %sub3A = arith.constant 187 : i32
    %sub3A_27 = arith.subi %sub3A, %add3A : i32
    %jit3A = arith.constant 32 : i32
    %div3A = arith.divsi %sub3A_27, %jit3A : i32
    %sign3A = arith.constant 0 : i32
    %sign3A_28 = arith.cmpi sgt, %sub3A_27, %sign3A : i32
    %sign3A_29 = arith.extui %sign3A_28 : i1 to i32
    %sign3A_30 = arith.constant 0 : i32
    %sign3A_31 = arith.cmpi slt, %sub3A_27, %sign3A_30 : i32
    %sign3A_32 = arith.extui %sign3A_31 : i1 to i32
    %sign3A_33 = arith.subi %sign3A_29, %sign3A_32 : i32
    %sign3A_34 = arith.constant 0 : i32
    %sign3A_35 = arith.cmpi sgt, %jit3A, %sign3A_34 : i32
    %sign3A_36 = arith.extui %sign3A_35 : i1 to i32
    %sign3A_37 = arith.constant 0 : i32
    %sign3A_38 = arith.cmpi slt, %jit3A, %sign3A_37 : i32
    %sign3A_39 = arith.extui %sign3A_38 : i1 to i32
    %sign3A_40 = arith.subi %sign3A_36, %sign3A_39 : i32
    %ne3A = arith.cmpi ne, %sign3A_33, %sign3A_40 : i32
    %rem3A = arith.remsi %sub3A_27, %jit3A : i32
    %ne3A_41 = arith.constant 0 : i32
    %ne3A_42 = arith.cmpi ne, %rem3A, %ne3A_41 : i32
    %and3A = arith.andi %ne3A, %ne3A_42 : i1
    %sub3A_43 = arith.constant 1 : i32
    %sub3A_44 = arith.subi %div3A, %sub3A_43 : i32
    %select_n3A = arith.select %and3A, %sub3A_44, %div3A : i32
    %scan3A_45 = arith.constant 0 : i32
    %scan3A_46 = arith.constant 0 : i32
    %scan3A_47 = arith.constant 5 : i32
    %scan3A_48 = arith.addi %scan3A_46, %scan3A_47 : i32
    %scan3A_49 = arith.constant 1 : i32
    %scan3A_50 = scf.for %scan3A_75 = %scan3A_46 to %scan3A_48 step %scan3A_49 iter_args(%scan3A_76 = %scan3A_45) -> (i32)  : i32 {
      %lt3A = arith.cmpi slt, %scan3A_75, %select_n3A : i32
      %convert_element_type3A_77 = arith.extui %lt3A : i1 to i32
      %cond3A_78 = arith.constant 0 : i32
      %cond3A_79 = arith.cmpi ne, %convert_element_type3A_77, %cond3A_78 : i32
      scf.if %cond3A_79 {
        %mul3A_81 = arith.constant 32 : i32
        %mul3A_82 = arith.muli %mul3A_81, %scan3A_75 : i32
        %add3A_83 = arith.addi %add3A, %mul3A_82 : i32
        %mul3A_84 = arith.constant 16 : i32
        %mul3A_85 = arith.muli %add3A_83, %mul3A_84 : i32
        "tpu.region"() ({
          %run_scoped3A = tpu.sem_alloc : memref<!tpu.dma_semaphore, #tpu.memory_space<semaphore_mem>>
          %dma_start3A_532 = arith.constant 0 : i32
          %dma_start3A_533 = tpu.memref_slice %arg3[%mul3A_85, %dma_start3A_532] : memref<2500x128xi32, #tpu.memory_space<hbm>> -> memref<16x128xi32, #tpu.memory_space<hbm>>
          %dma_start3A_534 = arith.constant 0 : i32
          %dma_start3A_535 = tpu.memref_slice %arg3[%mul3A_85, %dma_start3A_534] : memref<2500x128xi32, #tpu.memory_space<hbm>> -> memref<16x128xi32, #tpu.memory_space<hbm>>
          tpu.enqueue_dma source(%dma_start3A_535 : memref<16x128xi32, #tpu.memory_space<hbm>>) target(%arg6 : memref<16x128xi32, #tpu.memory_space<vmem>>) target_semaphore(%run_scoped3A : memref<!tpu.dma_semaphore, #tpu.memory_space<semaphore_mem>>)
          %dma_wait3A_536 = arith.constant 0 : i32
          %dma_wait3A_537 = tpu.memref_slice %arg3[%mul3A_85, %dma_wait3A_536] : memref<2500x128xi32, #tpu.memory_space<hbm>> -> memref<16x128xi32, #tpu.memory_space<hbm>>
          %dma_wait3A_538 = arith.constant 0 : i32
          %dma_wait3A_539 = tpu.memref_slice %arg3[%mul3A_85, %dma_wait3A_538] : memref<2500x128xi32, #tpu.memory_space<hbm>> -> memref<16x128xi32, #tpu.memory_space<hbm>>
          tpu.wait_dma2 semaphore(%run_scoped3A : memref<!tpu.dma_semaphore, #tpu.memory_space<semaphore_mem>>) src(%dma_wait3A_539 : memref<16x128xi32, #tpu.memory_space<hbm>>) dst(%arg6 : memref<16x128xi32, #tpu.memory_space<vmem>>)
          tpu.yield
        }) : () -> ()
        "tpu.region"() ({
          %run_scoped3A = tpu.sem_alloc : memref<!tpu.dma_semaphore, #tpu.memory_space<semaphore_mem>>
          %dma_start3A_532 = arith.constant 0 : i32
          %dma_start3A_533 = tpu.memref_slice %arg4[%mul3A_85, %dma_start3A_532] : memref<2500x128xi32, #tpu.memory_space<hbm>> -> memref<16x128xi32, #tpu.memory_space<hbm>>
          %dma_start3A_534 = arith.constant 0 : i32
          %dma_start3A_535 = tpu.memref_slice %arg4[%mul3A_85, %dma_start3A_534] : memref<2500x128xi32, #tpu.memory_space<hbm>> -> memref<16x128xi32, #tpu.memory_space<hbm>>
          tpu.enqueue_dma source(%dma_start3A_535 : memref<16x128xi32, #tpu.memory_space<hbm>>) target(%arg7 : memref<16x128xi32, #tpu.memory_space<vmem>>) target_semaphore(%run_scoped3A : memref<!tpu.dma_semaphore, #tpu.memory_space<semaphore_mem>>)
          %dma_wait3A_536 = arith.constant 0 : i32
          %dma_wait3A_537 = tpu.memref_slice %arg4[%mul3A_85, %dma_wait3A_536] : memref<2500x128xi32, #tpu.memory_space<hbm>> -> memref<16x128xi32, #tpu.memory_space<hbm>>
          %dma_wait3A_538 = arith.constant 0 : i32
          %dma_wait3A_539 = tpu.memref_slice %arg4[%mul3A_85, %dma_wait3A_538] : memref<2500x128xi32, #tpu.memory_space<hbm>> -> memref<16x128xi32, #tpu.memory_space<hbm>>
          tpu.wait_dma2 semaphore(%run_scoped3A : memref<!tpu.dma_semaphore, #tpu.memory_space<semaphore_mem>>) src(%dma_wait3A_539 : memref<16x128xi32, #tpu.memory_space<hbm>>) dst(%arg7 : memref<16x128xi32, #tpu.memory_space<vmem>>)
          tpu.yield
        }) : () -> ()
        %dma_start3A = arith.constant 0 : i32
        %dma_start3A_86 = arith.constant 0 : i32
        %dma_start3A_87 = tpu.memref_slice %arg6[%dma_start3A, %dma_start3A_86] : memref<16x128xi32, #tpu.memory_space<vmem>> -> memref<1x128xi32, #tpu.memory_space<vmem>>
        %dma_start3A_88 = tpu.memref_squeeze %dma_start3A_87 : memref<1x128xi32, #tpu.memory_space<vmem>> -> memref<128xi32, #tpu.memory_space<vmem>>
        %dma_start3A_89 = arith.constant 0 : i32
        %dma_start3A_90 = arith.constant 0 : i32
        %dma_start3A_91 = tpu.memref_slice %arg2[%dma_start3A_89, %dma_start3A_90] : memref<10000x128xf32, #tpu.memory_space<hbm>> -> memref<10000x128xf32, #tpu.memory_space<hbm>>
        tpu.enqueue_indirect_dma source(%dma_start3A_91 : memref<10000x128xf32, #tpu.memory_space<hbm>>) target(%arg8 : memref<128x128xf32, #tpu.memory_space<vmem>>) offsets(%dma_start3A_88 : memref<128xi32, #tpu.memory_space<vmem>>) semaphore(%arg11 : memref<!tpu.dma_semaphore, #tpu.memory_space<semaphore_mem>>)
        %dma_wait3A = arith.constant 0 : i32
        %dma_wait3A_92 = arith.constant 0 : i32
        %dma_wait3A_93 = tpu.memref_slice %arg6[%dma_wait3A, %dma_wait3A_92] : memref<16x128xi32, #tpu.memory_space<vmem>> -> memref<1x128xi32, #tpu.memory_space<vmem>>
        %dma_wait3A_94 = tpu.memref_squeeze %dma_wait3A_93 : memref<1x128xi32, #tpu.memory_space<vmem>> -> memref<128xi32, #tpu.memory_space<vmem>>
        %dma_wait3A_95 = arith.constant 0 : i32
        %dma_wait3A_96 = arith.constant 0 : i32
        %dma_wait3A_97 = tpu.memref_slice %arg2[%dma_wait3A_95, %dma_wait3A_96] : memref<10000x128xf32, #tpu.memory_space<hbm>> -> memref<10000x128xf32, #tpu.memory_space<hbm>>
        tpu.wait_indirect_dma semaphore(%arg11 : memref<!tpu.dma_semaphore, #tpu.memory_space<semaphore_mem>>) src(%dma_wait3A_97 : memref<10000x128xf32, #tpu.memory_space<hbm>>) dst(%arg8 : memref<128x128xf32, #tpu.memory_space<vmem>>)
        %dma_start3A_98 = arith.constant 0 : i32
        %dma_start3A_99 = arith.constant 0 : i32
        %dma_start3A_100 = tpu.memref_slice %arg7[%dma_start3A_98, %dma_start3A_99] : memref<16x128xi32, #tpu.memory_space<vmem>> -> memref<1x128xi32, #tpu.memory_space<vmem>>
        %dma_start3A_101 = tpu.memref_squeeze %dma_start3A_100 : memref<1x128xi32, #tpu.memory_space<vmem>> -> memref<128xi32, #tpu.memory_space<vmem>>
        %dma_start3A_102 = arith.constant 0 : i32
        %dma_start3A_103 = arith.constant 0 : i32
        %dma_start3A_104 = tpu.memref_slice %arg10[%dma_start3A_102, %dma_start3A_103] : memref<10240x128xf32, #tpu.memory_space<vmem_shared>> -> memref<10240x128xf32, #tpu.memory_space<vmem_shared>>
        tpu.enqueue_indirect_dma source(%arg8 : memref<128x128xf32, #tpu.memory_space<vmem>>) target(%dma_start3A_104 : memref<10240x128xf32, #tpu.memory_space<vmem_shared>>) offsets(%dma_start3A_101 : memref<128xi32, #tpu.memory_space<vmem>>) semaphore(%arg13 : memref<!tpu.dma_semaphore, #tpu.memory_space<semaphore_mem>>) {add = true}
        %dma_start3A_105 = arith.constant 1 : i32
        %dma_start3A_106 = arith.constant 0 : i32
        %dma_start3A_107 = tpu.memref_slice %arg6[%dma_start3A_105, %dma_start3A_106] : memref<16x128xi32, #tpu.memory_space<vmem>> -> memref<1x128xi32, #tpu.memory_space<vmem>>
        %dma_start3A_108 = tpu.memref_squeeze %dma_start3A_107 : memref<1x128xi32, #tpu.memory_space<vmem>> -> memref<128xi32, #tpu.memory_space<vmem>>
        %dma_start3A_109 = arith.constant 0 : i32
        %dma_start3A_110 = arith.constant 0 : i32
        %dma_start3A_111 = tpu.memref_slice %arg2[%dma_start3A_109, %dma_start3A_110] : memref<10000x128xf32, #tpu.memory_space<hbm>> -> memref<10000x128xf32, #tpu.memory_space<hbm>>
        tpu.enqueue_indirect_dma source(%dma_start3A_111 : memref<10000x128xf32, #tpu.memory_space<hbm>>) target(%arg9 : memref<128x128xf32, #tpu.memory_space<vmem>>) offsets(%dma_start3A_108 : memref<128xi32, #tpu.memory_space<vmem>>) semaphore(%arg12 : memref<!tpu.dma_semaphore, #tpu.memory_space<semaphore_mem>>)
        %dma_wait3A_112 = arith.constant 1 : i32
        %dma_wait3A_113 = arith.constant 0 : i32
        %dma_wait3A_114 = tpu.memref_slice %arg6[%dma_wait3A_112, %dma_wait3A_113] : memref<16x128xi32, #tpu.memory_space<vmem>> -> memref<1x128xi32, #tpu.memory_space<vmem>>
        %dma_wait3A_115 = tpu.memref_squeeze %dma_wait3A_114 : memref<1x128xi32, #tpu.memory_space<vmem>> -> memref<128xi32, #tpu.memory_space<vmem>>
        %dma_wait3A_116 = arith.constant 0 : i32
        %dma_wait3A_117 = arith.constant 0 : i32
        %dma_wait3A_118 = tpu.memref_slice %arg2[%dma_wait3A_116, %dma_wait3A_117] : memref<10000x128xf32, #tpu.memory_space<hbm>> -> memref<10000x128xf32, #tpu.memory_space<hbm>>
        tpu.wait_indirect_dma semaphore(%arg12 : memref<!tpu.dma_semaphore, #tpu.memory_space<semaphore_mem>>) src(%dma_wait3A_118 : memref<10000x128xf32, #tpu.memory_space<hbm>>) dst(%arg9 : memref<128x128xf32, #tpu.memory_space<vmem>>)
        %dma_start3A_119 = arith.constant 1 : i32
        %dma_start3A_120 = arith.constant 0 : i32
        %dma_start3A_121 = tpu.memref_slice %arg7[%dma_start3A_119, %dma_start3A_120] : memref<16x128xi32, #tpu.memory_space<vmem>> -> memref<1x128xi32, #tpu.memory_space<vmem>>
        %dma_start3A_122 = tpu.memref_squeeze %dma_start3A_121 : memref<1x128xi32, #tpu.memory_space<vmem>> -> memref<128xi32, #tpu.memory_space<vmem>>
        %dma_start3A_123 = arith.constant 0 : i32
        %dma_start3A_124 = arith.constant 0 : i32
        %dma_start3A_125 = tpu.memref_slice %arg10[%dma_start3A_123, %dma_start3A_124] : memref<10240x128xf32, #tpu.memory_space<vmem_shared>> -> memref<10240x128xf32, #tpu.memory_space<vmem_shared>>
        tpu.enqueue_indirect_dma source(%arg9 : memref<128x128xf32, #tpu.memory_space<vmem>>) target(%dma_start3A_125 : memref<10240x128xf32, #tpu.memory_space<vmem_shared>>) offsets(%dma_start3A_122 : memref<128xi32, #tpu.memory_space<vmem>>) semaphore(%arg14 : memref<!tpu.dma_semaphore, #tpu.memory_space<semaphore_mem>>) {add = true}
        %dma_wait3A_126 = arith.constant 0 : i32
        %dma_wait3A_127 = arith.constant 0 : i32
        %dma_wait3A_128 = tpu.memref_slice %arg7[%dma_wait3A_126, %dma_wait3A_127] : memref<16x128xi32, #tpu.memory_space<vmem>> -> memref<1x128xi32, #tpu.memory_space<vmem>>
        %dma_wait3A_129 = tpu.memref_squeeze %dma_wait3A_128 : memref<1x128xi32, #tpu.memory_space<vmem>> -> memref<128xi32, #tpu.memory_space<vmem>>
        %dma_wait3A_130 = arith.constant 0 : i32
        %dma_wait3A_131 = arith.constant 0 : i32
        %dma_wait3A_132 = tpu.memref_slice %arg10[%dma_wait3A_130, %dma_wait3A_131] : memref<10240x128xf32, #tpu.memory_space<vmem_shared>> -> memref<10240x128xf32, #tpu.memory_space<vmem_shared>>
        tpu.wait_indirect_dma semaphore(%arg13 : memref<!tpu.dma_semaphore, #tpu.memory_space<semaphore_mem>>) src(%arg8 : memref<128x128xf32, #tpu.memory_space<vmem>>) dst(%dma_wait3A_132 : memref<10240x128xf32, #tpu.memory_space<vmem_shared>>)
        %dma_start3A_133 = arith.constant 2 : i32
        %dma_start3A_134 = arith.constant 0 : i32
        %dma_start3A_135 = tpu.memref_slice %arg6[%dma_start3A_133, %dma_start3A_134] : memref<16x128xi32, #tpu.memory_space<vmem>> -> memref<1x128xi32, #tpu.memory_space<vmem>>
        %dma_start3A_136 = tpu.memref_squeeze %dma_start3A_135 : memref<1x128xi32, #tpu.memory_space<vmem>> -> memref<128xi32, #tpu.memory_space<vmem>>
        %dma_start3A_137 = arith.constant 0 : i32
        %dma_start3A_138 = arith.constant 0 : i32
        %dma_start3A_139 = tpu.memref_slice %arg2[%dma_start3A_137, %dma_start3A_138] : memref<10000x128xf32, #tpu.memory_space<hbm>> -> memref<10000x128xf32, #tpu.memory_space<hbm>>
        tpu.enqueue_indirect_dma source(%dma_start3A_139 : memref<10000x128xf32, #tpu.memory_space<hbm>>) target(%arg8 : memref<128x128xf32, #tpu.memory_space<vmem>>) offsets(%dma_start3A_136 : memref<128xi32, #tpu.memory_space<vmem>>) semaphore(%arg11 : memref<!tpu.dma_semaphore, #tpu.memory_space<semaphore_mem>>)
        %dma_wait3A_140 = arith.constant 2 : i32
        %dma_wait3A_141 = arith.constant 0 : i32
        %dma_wait3A_142 = tpu.memref_slice %arg6[%dma_wait3A_140, %dma_wait3A_141] : memref<16x128xi32, #tpu.memory_space<vmem>> -> memref<1x128xi32, #tpu.memory_space<vmem>>
        %dma_wait3A_143 = tpu.memref_squeeze %dma_wait3A_142 : memref<1x128xi32, #tpu.memory_space<vmem>> -> memref<128xi32, #tpu.memory_space<vmem>>
        %dma_wait3A_144 = arith.constant 0 : i32
        %dma_wait3A_145 = arith.constant 0 : i32
        %dma_wait3A_146 = tpu.memref_slice %arg2[%dma_wait3A_144, %dma_wait3A_145] : memref<10000x128xf32, #tpu.memory_space<hbm>> -> memref<10000x128xf32, #tpu.memory_space<hbm>>
        tpu.wait_indirect_dma semaphore(%arg11 : memref<!tpu.dma_semaphore, #tpu.memory_space<semaphore_mem>>) src(%dma_wait3A_146 : memref<10000x128xf32, #tpu.memory_space<hbm>>) dst(%arg8 : memref<128x128xf32, #tpu.memory_space<vmem>>)
        %dma_start3A_147 = arith.constant 2 : i32
        %dma_start3A_148 = arith.constant 0 : i32
        %dma_start3A_149 = tpu.memref_slice %arg7[%dma_start3A_147, %dma_start3A_148] : memref<16x128xi32, #tpu.memory_space<vmem>> -> memref<1x128xi32, #tpu.memory_space<vmem>>
        %dma_start3A_150 = tpu.memref_squeeze %dma_start3A_149 : memref<1x128xi32, #tpu.memory_space<vmem>> -> memref<128xi32, #tpu.memory_space<vmem>>
        %dma_start3A_151 = arith.constant 0 : i32
        %dma_start3A_152 = arith.constant 0 : i32
        %dma_start3A_153 = tpu.memref_slice %arg10[%dma_start3A_151, %dma_start3A_152] : memref<10240x128xf32, #tpu.memory_space<vmem_shared>> -> memref<10240x128xf32, #tpu.memory_space<vmem_shared>>
        tpu.enqueue_indirect_dma source(%arg8 : memref<128x128xf32, #tpu.memory_space<vmem>>) target(%dma_start3A_153 : memref<10240x128xf32, #tpu.memory_space<vmem_shared>>) offsets(%dma_start3A_150 : memref<128xi32, #tpu.memory_space<vmem>>) semaphore(%arg13 : memref<!tpu.dma_semaphore, #tpu.memory_space<semaphore_mem>>) {add = true}
        %dma_wait3A_154 = arith.constant 1 : i32
        %dma_wait3A_155 = arith.constant 0 : i32
        %dma_wait3A_156 = tpu.memref_slice %arg7[%dma_wait3A_154, %dma_wait3A_155] : memref<16x128xi32, #tpu.memory_space<vmem>> -> memref<1x128xi32, #tpu.memory_space<vmem>>
        %dma_wait3A_157 = tpu.memref_squeeze %dma_wait3A_156 : memref<1x128xi32, #tpu.memory_space<vmem>> -> memref<128xi32, #tpu.memory_space<vmem>>
        %dma_wait3A_158 = arith.constant 0 : i32
        %dma_wait3A_159 = arith.constant 0 : i32
        %dma_wait3A_160 = tpu.memref_slice %arg10[%dma_wait3A_158, %dma_wait3A_159] : memref<10240x128xf32, #tpu.memory_space<vmem_shared>> -> memref<10240x128xf32, #tpu.memory_space<vmem_shared>>
        tpu.wait_indirect_dma semaphore(%arg14 : memref<!tpu.dma_semaphore, #tpu.memory_space<semaphore_mem>>) src(%arg9 : memref<128x128xf32, #tpu.memory_space<vmem>>) dst(%dma_wait3A_160 : memref<10240x128xf32, #tpu.memory_space<vmem_shared>>)
        %dma_start3A_161 = arith.constant 3 : i32
        %dma_start3A_162 = arith.constant 0 : i32
        %dma_start3A_163 = tpu.memref_slice %arg6[%dma_start3A_161, %dma_start3A_162] : memref<16x128xi32, #tpu.memory_space<vmem>> -> memref<1x128xi32, #tpu.memory_space<vmem>>
        %dma_start3A_164 = tpu.memref_squeeze %dma_start3A_163 : memref<1x128xi32, #tpu.memory_space<vmem>> -> memref<128xi32, #tpu.memory_space<vmem>>
        %dma_start3A_165 = arith.constant 0 : i32
        %dma_start3A_166 = arith.constant 0 : i32
        %dma_start3A_167 = tpu.memref_slice %arg2[%dma_start3A_165, %dma_start3A_166] : memref<10000x128xf32, #tpu.memory_space<hbm>> -> memref<10000x128xf32, #tpu.memory_space<hbm>>
        tpu.enqueue_indirect_dma source(%dma_start3A_167 : memref<10000x128xf32, #tpu.memory_space<hbm>>) target(%arg9 : memref<128x128xf32, #tpu.memory_space<vmem>>) offsets(%dma_start3A_164 : memref<128xi32, #tpu.memory_space<vmem>>) semaphore(%arg12 : memref<!tpu.dma_semaphore, #tpu.memory_space<semaphore_mem>>)
        %dma_wait3A_168 = arith.constant 3 : i32
        %dma_wait3A_169 = arith.constant 0 : i32
        %dma_wait3A_170 = tpu.memref_slice %arg6[%dma_wait3A_168, %dma_wait3A_169] : memref<16x128xi32, #tpu.memory_space<vmem>> -> memref<1x128xi32, #tpu.memory_space<vmem>>
        %dma_wait3A_171 = tpu.memref_squeeze %dma_wait3A_170 : memref<1x128xi32, #tpu.memory_space<vmem>> -> memref<128xi32, #tpu.memory_space<vmem>>
        %dma_wait3A_172 = arith.constant 0 : i32
        %dma_wait3A_173 = arith.constant 0 : i32
        %dma_wait3A_174 = tpu.memref_slice %arg2[%dma_wait3A_172, %dma_wait3A_173] : memref<10000x128xf32, #tpu.memory_space<hbm>> -> memref<10000x128xf32, #tpu.memory_space<hbm>>
        tpu.wait_indirect_dma semaphore(%arg12 : memref<!tpu.dma_semaphore, #tpu.memory_space<semaphore_mem>>) src(%dma_wait3A_174 : memref<10000x128xf32, #tpu.memory_space<hbm>>) dst(%arg9 : memref<128x128xf32, #tpu.memory_space<vmem>>)
        %dma_start3A_175 = arith.constant 3 : i32
        %dma_start3A_176 = arith.constant 0 : i32
        %dma_start3A_177 = tpu.memref_slice %arg7[%dma_start3A_175, %dma_start3A_176] : memref<16x128xi32, #tpu.memory_space<vmem>> -> memref<1x128xi32, #tpu.memory_space<vmem>>
        %dma_start3A_178 = tpu.memref_squeeze %dma_start3A_177 : memref<1x128xi32, #tpu.memory_space<vmem>> -> memref<128xi32, #tpu.memory_space<vmem>>
        %dma_start3A_179 = arith.constant 0 : i32
        %dma_start3A_180 = arith.constant 0 : i32
        %dma_start3A_181 = tpu.memref_slice %arg10[%dma_start3A_179, %dma_start3A_180] : memref<10240x128xf32, #tpu.memory_space<vmem_shared>> -> memref<10240x128xf32, #tpu.memory_space<vmem_shared>>
        tpu.enqueue_indirect_dma source(%arg9 : memref<128x128xf32, #tpu.memory_space<vmem>>) target(%dma_start3A_181 : memref<10240x128xf32, #tpu.memory_space<vmem_shared>>) offsets(%dma_start3A_178 : memref<128xi32, #tpu.memory_space<vmem>>) semaphore(%arg14 : memref<!tpu.dma_semaphore, #tpu.memory_space<semaphore_mem>>) {add = true}
        %dma_wait3A_182 = arith.constant 2 : i32
        %dma_wait3A_183 = arith.constant 0 : i32
        %dma_wait3A_184 = tpu.memref_slice %arg7[%dma_wait3A_182, %dma_wait3A_183] : memref<16x128xi32, #tpu.memory_space<vmem>> -> memref<1x128xi32, #tpu.memory_space<vmem>>
        %dma_wait3A_185 = tpu.memref_squeeze %dma_wait3A_184 : memref<1x128xi32, #tpu.memory_space<vmem>> -> memref<128xi32, #tpu.memory_space<vmem>>
        %dma_wait3A_186 = arith.constant 0 : i32
        %dma_wait3A_187 = arith.constant 0 : i32
        %dma_wait3A_188 = tpu.memref_slice %arg10[%dma_wait3A_186, %dma_wait3A_187] : memref<10240x128xf32, #tpu.memory_space<vmem_shared>> -> memref<10240x128xf32, #tpu.memory_space<vmem_shared>>
        tpu.wait_indirect_dma semaphore(%arg13 : memref<!tpu.dma_semaphore, #tpu.memory_space<semaphore_mem>>) src(%arg8 : memref<128x128xf32, #tpu.memory_space<vmem>>) dst(%dma_wait3A_188 : memref<10240x128xf32, #tpu.memory_space<vmem_shared>>)
        %dma_start3A_189 = arith.constant 4 : i32
        %dma_start3A_190 = arith.constant 0 : i32
        %dma_start3A_191 = tpu.memref_slice %arg6[%dma_start3A_189, %dma_start3A_190] : memref<16x128xi32, #tpu.memory_space<vmem>> -> memref<1x128xi32, #tpu.memory_space<vmem>>
        %dma_start3A_192 = tpu.memref_squeeze %dma_start3A_191 : memref<1x128xi32, #tpu.memory_space<vmem>> -> memref<128xi32, #tpu.memory_space<vmem>>
        %dma_start3A_193 = arith.constant 0 : i32
        %dma_start3A_194 = arith.constant 0 : i32
        %dma_start3A_195 = tpu.memref_slice %arg2[%dma_start3A_193, %dma_start3A_194] : memref<10000x128xf32, #tpu.memory_space<hbm>> -> memref<10000x128xf32, #tpu.memory_space<hbm>>
        tpu.enqueue_indirect_dma source(%dma_start3A_195 : memref<10000x128xf32, #tpu.memory_space<hbm>>) target(%arg8 : memref<128x128xf32, #tpu.memory_space<vmem>>) offsets(%dma_start3A_192 : memref<128xi32, #tpu.memory_space<vmem>>) semaphore(%arg11 : memref<!tpu.dma_semaphore, #tpu.memory_space<semaphore_mem>>)
        %dma_wait3A_196 = arith.constant 4 : i32
        %dma_wait3A_197 = arith.constant 0 : i32
        %dma_wait3A_198 = tpu.memref_slice %arg6[%dma_wait3A_196, %dma_wait3A_197] : memref<16x128xi32, #tpu.memory_space<vmem>> -> memref<1x128xi32, #tpu.memory_space<vmem>>
        %dma_wait3A_199 = tpu.memref_squeeze %dma_wait3A_198 : memref<1x128xi32, #tpu.memory_space<vmem>> -> memref<128xi32, #tpu.memory_space<vmem>>
        %dma_wait3A_200 = arith.constant 0 : i32
        %dma_wait3A_201 = arith.constant 0 : i32
        %dma_wait3A_202 = tpu.memref_slice %arg2[%dma_wait3A_200, %dma_wait3A_201] : memref<10000x128xf32, #tpu.memory_space<hbm>> -> memref<10000x128xf32, #tpu.memory_space<hbm>>
        tpu.wait_indirect_dma semaphore(%arg11 : memref<!tpu.dma_semaphore, #tpu.memory_space<semaphore_mem>>) src(%dma_wait3A_202 : memref<10000x128xf32, #tpu.memory_space<hbm>>) dst(%arg8 : memref<128x128xf32, #tpu.memory_space<vmem>>)
        %dma_start3A_203 = arith.constant 4 : i32
        %dma_start3A_204 = arith.constant 0 : i32
        %dma_start3A_205 = tpu.memref_slice %arg7[%dma_start3A_203, %dma_start3A_204] : memref<16x128xi32, #tpu.memory_space<vmem>> -> memref<1x128xi32, #tpu.memory_space<vmem>>
        %dma_start3A_206 = tpu.memref_squeeze %dma_start3A_205 : memref<1x128xi32, #tpu.memory_space<vmem>> -> memref<128xi32, #tpu.memory_space<vmem>>
        %dma_start3A_207 = arith.constant 0 : i32
        %dma_start3A_208 = arith.constant 0 : i32
        %dma_start3A_209 = tpu.memref_slice %arg10[%dma_start3A_207, %dma_start3A_208] : memref<10240x128xf32, #tpu.memory_space<vmem_shared>> -> memref<10240x128xf32, #tpu.memory_space<vmem_shared>>
        tpu.enqueue_indirect_dma source(%arg8 : memref<128x128xf32, #tpu.memory_space<vmem>>) target(%dma_start3A_209 : memref<10240x128xf32, #tpu.memory_space<vmem_shared>>) offsets(%dma_start3A_206 : memref<128xi32, #tpu.memory_space<vmem>>) semaphore(%arg13 : memref<!tpu.dma_semaphore, #tpu.memory_space<semaphore_mem>>) {add = true}
        %dma_wait3A_210 = arith.constant 3 : i32
        %dma_wait3A_211 = arith.constant 0 : i32
        %dma_wait3A_212 = tpu.memref_slice %arg7[%dma_wait3A_210, %dma_wait3A_211] : memref<16x128xi32, #tpu.memory_space<vmem>> -> memref<1x128xi32, #tpu.memory_space<vmem>>
        %dma_wait3A_213 = tpu.memref_squeeze %dma_wait3A_212 : memref<1x128xi32, #tpu.memory_space<vmem>> -> memref<128xi32, #tpu.memory_space<vmem>>
        %dma_wait3A_214 = arith.constant 0 : i32
        %dma_wait3A_215 = arith.constant 0 : i32
        %dma_wait3A_216 = tpu.memref_slice %arg10[%dma_wait3A_214, %dma_wait3A_215] : memref<10240x128xf32, #tpu.memory_space<vmem_shared>> -> memref<10240x128xf32, #tpu.memory_space<vmem_shared>>
        tpu.wait_indirect_dma semaphore(%arg14 : memref<!tpu.dma_semaphore, #tpu.memory_space<semaphore_mem>>) src(%arg9 : memref<128x128xf32, #tpu.memory_space<vmem>>) dst(%dma_wait3A_216 : memref<10240x128xf32, #tpu.memory_space<vmem_shared>>)
        %dma_start3A_217 = arith.constant 5 : i32
        %dma_start3A_218 = arith.constant 0 : i32
        %dma_start3A_219 = tpu.memref_slice %arg6[%dma_start3A_217, %dma_start3A_218] : memref<16x128xi32, #tpu.memory_space<vmem>> -> memref<1x128xi32, #tpu.memory_space<vmem>>
        %dma_start3A_220 = tpu.memref_squeeze %dma_start3A_219 : memref<1x128xi32, #tpu.memory_space<vmem>> -> memref<128xi32, #tpu.memory_space<vmem>>
        %dma_start3A_221 = arith.constant 0 : i32
        %dma_start3A_222 = arith.constant 0 : i32
        %dma_start3A_223 = tpu.memref_slice %arg2[%dma_start3A_221, %dma_start3A_222] : memref<10000x128xf32, #tpu.memory_space<hbm>> -> memref<10000x128xf32, #tpu.memory_space<hbm>>
        tpu.enqueue_indirect_dma source(%dma_start3A_223 : memref<10000x128xf32, #tpu.memory_space<hbm>>) target(%arg9 : memref<128x128xf32, #tpu.memory_space<vmem>>) offsets(%dma_start3A_220 : memref<128xi32, #tpu.memory_space<vmem>>) semaphore(%arg12 : memref<!tpu.dma_semaphore, #tpu.memory_space<semaphore_mem>>)
        %dma_wait3A_224 = arith.constant 5 : i32
        %dma_wait3A_225 = arith.constant 0 : i32
        %dma_wait3A_226 = tpu.memref_slice %arg6[%dma_wait3A_224, %dma_wait3A_225] : memref<16x128xi32, #tpu.memory_space<vmem>> -> memref<1x128xi32, #tpu.memory_space<vmem>>
        %dma_wait3A_227 = tpu.memref_squeeze %dma_wait3A_226 : memref<1x128xi32, #tpu.memory_space<vmem>> -> memref<128xi32, #tpu.memory_space<vmem>>
        %dma_wait3A_228 = arith.constant 0 : i32
        %dma_wait3A_229 = arith.constant 0 : i32
        %dma_wait3A_230 = tpu.memref_slice %arg2[%dma_wait3A_228, %dma_wait3A_229] : memref<10000x128xf32, #tpu.memory_space<hbm>> -> memref<10000x128xf32, #tpu.memory_space<hbm>>
        tpu.wait_indirect_dma semaphore(%arg12 : memref<!tpu.dma_semaphore, #tpu.memory_space<semaphore_mem>>) src(%dma_wait3A_230 : memref<10000x128xf32, #tpu.memory_space<hbm>>) dst(%arg9 : memref<128x128xf32, #tpu.memory_space<vmem>>)
        %dma_start3A_231 = arith.constant 5 : i32
        %dma_start3A_232 = arith.constant 0 : i32
        %dma_start3A_233 = tpu.memref_slice %arg7[%dma_start3A_231, %dma_start3A_232] : memref<16x128xi32, #tpu.memory_space<vmem>> -> memref<1x128xi32, #tpu.memory_space<vmem>>
        %dma_start3A_234 = tpu.memref_squeeze %dma_start3A_233 : memref<1x128xi32, #tpu.memory_space<vmem>> -> memref<128xi32, #tpu.memory_space<vmem>>
        %dma_start3A_235 = arith.constant 0 : i32
        %dma_start3A_236 = arith.constant 0 : i32
        %dma_start3A_237 = tpu.memref_slice %arg10[%dma_start3A_235, %dma_start3A_236] : memref<10240x128xf32, #tpu.memory_space<vmem_shared>> -> memref<10240x128xf32, #tpu.memory_space<vmem_shared>>
        tpu.enqueue_indirect_dma source(%arg9 : memref<128x128xf32, #tpu.memory_space<vmem>>) target(%dma_start3A_237 : memref<10240x128xf32, #tpu.memory_space<vmem_shared>>) offsets(%dma_start3A_234 : memref<128xi32, #tpu.memory_space<vmem>>) semaphore(%arg14 : memref<!tpu.dma_semaphore, #tpu.memory_space<semaphore_mem>>) {add = true}
        %dma_wait3A_238 = arith.constant 4 : i32
        %dma_wait3A_239 = arith.constant 0 : i32
        %dma_wait3A_240 = tpu.memref_slice %arg7[%dma_wait3A_238, %dma_wait3A_239] : memref<16x128xi32, #tpu.memory_space<vmem>> -> memref<1x128xi32, #tpu.memory_space<vmem>>
        %dma_wait3A_241 = tpu.memref_squeeze %dma_wait3A_240 : memref<1x128xi32, #tpu.memory_space<vmem>> -> memref<128xi32, #tpu.memory_space<vmem>>
        %dma_wait3A_242 = arith.constant 0 : i32
        %dma_wait3A_243 = arith.constant 0 : i32
        %dma_wait3A_244 = tpu.memref_slice %arg10[%dma_wait3A_242, %dma_wait3A_243] : memref<10240x128xf32, #tpu.memory_space<vmem_shared>> -> memref<10240x128xf32, #tpu.memory_space<vmem_shared>>
        tpu.wait_indirect_dma semaphore(%arg13 : memref<!tpu.dma_semaphore, #tpu.memory_space<semaphore_mem>>) src(%arg8 : memref<128x128xf32, #tpu.memory_space<vmem>>) dst(%dma_wait3A_244 : memref<10240x128xf32, #tpu.memory_space<vmem_shared>>)
        %dma_start3A_245 = arith.constant 6 : i32
        %dma_start3A_246 = arith.constant 0 : i32
        %dma_start3A_247 = tpu.memref_slice %arg6[%dma_start3A_245, %dma_start3A_246] : memref<16x128xi32, #tpu.memory_space<vmem>> -> memref<1x128xi32, #tpu.memory_space<vmem>>
        %dma_start3A_248 = tpu.memref_squeeze %dma_start3A_247 : memref<1x128xi32, #tpu.memory_space<vmem>> -> memref<128xi32, #tpu.memory_space<vmem>>
        %dma_start3A_249 = arith.constant 0 : i32
        %dma_start3A_250 = arith.constant 0 : i32
        %dma_start3A_251 = tpu.memref_slice %arg2[%dma_start3A_249, %dma_start3A_250] : memref<10000x128xf32, #tpu.memory_space<hbm>> -> memref<10000x128xf32, #tpu.memory_space<hbm>>
        tpu.enqueue_indirect_dma source(%dma_start3A_251 : memref<10000x128xf32, #tpu.memory_space<hbm>>) target(%arg8 : memref<128x128xf32, #tpu.memory_space<vmem>>) offsets(%dma_start3A_248 : memref<128xi32, #tpu.memory_space<vmem>>) semaphore(%arg11 : memref<!tpu.dma_semaphore, #tpu.memory_space<semaphore_mem>>)
        %dma_wait3A_252 = arith.constant 6 : i32
        %dma_wait3A_253 = arith.constant 0 : i32
        %dma_wait3A_254 = tpu.memref_slice %arg6[%dma_wait3A_252, %dma_wait3A_253] : memref<16x128xi32, #tpu.memory_space<vmem>> -> memref<1x128xi32, #tpu.memory_space<vmem>>
        %dma_wait3A_255 = tpu.memref_squeeze %dma_wait3A_254 : memref<1x128xi32, #tpu.memory_space<vmem>> -> memref<128xi32, #tpu.memory_space<vmem>>
        %dma_wait3A_256 = arith.constant 0 : i32
        %dma_wait3A_257 = arith.constant 0 : i32
        %dma_wait3A_258 = tpu.memref_slice %arg2[%dma_wait3A_256, %dma_wait3A_257] : memref<10000x128xf32, #tpu.memory_space<hbm>> -> memref<10000x128xf32, #tpu.memory_space<hbm>>
        tpu.wait_indirect_dma semaphore(%arg11 : memref<!tpu.dma_semaphore, #tpu.memory_space<semaphore_mem>>) src(%dma_wait3A_258 : memref<10000x128xf32, #tpu.memory_space<hbm>>) dst(%arg8 : memref<128x128xf32, #tpu.memory_space<vmem>>)
        %dma_start3A_259 = arith.constant 6 : i32
        %dma_start3A_260 = arith.constant 0 : i32
        %dma_start3A_261 = tpu.memref_slice %arg7[%dma_start3A_259, %dma_start3A_260] : memref<16x128xi32, #tpu.memory_space<vmem>> -> memref<1x128xi32, #tpu.memory_space<vmem>>
        %dma_start3A_262 = tpu.memref_squeeze %dma_start3A_261 : memref<1x128xi32, #tpu.memory_space<vmem>> -> memref<128xi32, #tpu.memory_space<vmem>>
        %dma_start3A_263 = arith.constant 0 : i32
        %dma_start3A_264 = arith.constant 0 : i32
        %dma_start3A_265 = tpu.memref_slice %arg10[%dma_start3A_263, %dma_start3A_264] : memref<10240x128xf32, #tpu.memory_space<vmem_shared>> -> memref<10240x128xf32, #tpu.memory_space<vmem_shared>>
        tpu.enqueue_indirect_dma source(%arg8 : memref<128x128xf32, #tpu.memory_space<vmem>>) target(%dma_start3A_265 : memref<10240x128xf32, #tpu.memory_space<vmem_shared>>) offsets(%dma_start3A_262 : memref<128xi32, #tpu.memory_space<vmem>>) semaphore(%arg13 : memref<!tpu.dma_semaphore, #tpu.memory_space<semaphore_mem>>) {add = true}
        %dma_wait3A_266 = arith.constant 5 : i32
        %dma_wait3A_267 = arith.constant 0 : i32
        %dma_wait3A_268 = tpu.memref_slice %arg7[%dma_wait3A_266, %dma_wait3A_267] : memref<16x128xi32, #tpu.memory_space<vmem>> -> memref<1x128xi32, #tpu.memory_space<vmem>>
        %dma_wait3A_269 = tpu.memref_squeeze %dma_wait3A_268 : memref<1x128xi32, #tpu.memory_space<vmem>> -> memref<128xi32, #tpu.memory_space<vmem>>
        %dma_wait3A_270 = arith.constant 0 : i32
        %dma_wait3A_271 = arith.constant 0 : i32
        %dma_wait3A_272 = tpu.memref_slice %arg10[%dma_wait3A_270, %dma_wait3A_271] : memref<10240x128xf32, #tpu.memory_space<vmem_shared>> -> memref<10240x128xf32, #tpu.memory_space<vmem_shared>>
        tpu.wait_indirect_dma semaphore(%arg14 : memref<!tpu.dma_semaphore, #tpu.memory_space<semaphore_mem>>) src(%arg9 : memref<128x128xf32, #tpu.memory_space<vmem>>) dst(%dma_wait3A_272 : memref<10240x128xf32, #tpu.memory_space<vmem_shared>>)
        %dma_start3A_273 = arith.constant 7 : i32
        %dma_start3A_274 = arith.constant 0 : i32
        %dma_start3A_275 = tpu.memref_slice %arg6[%dma_start3A_273, %dma_start3A_274] : memref<16x128xi32, #tpu.memory_space<vmem>> -> memref<1x128xi32, #tpu.memory_space<vmem>>
        %dma_start3A_276 = tpu.memref_squeeze %dma_start3A_275 : memref<1x128xi32, #tpu.memory_space<vmem>> -> memref<128xi32, #tpu.memory_space<vmem>>
        %dma_start3A_277 = arith.constant 0 : i32
        %dma_start3A_278 = arith.constant 0 : i32
        %dma_start3A_279 = tpu.memref_slice %arg2[%dma_start3A_277, %dma_start3A_278] : memref<10000x128xf32, #tpu.memory_space<hbm>> -> memref<10000x128xf32, #tpu.memory_space<hbm>>
        tpu.enqueue_indirect_dma source(%dma_start3A_279 : memref<10000x128xf32, #tpu.memory_space<hbm>>) target(%arg9 : memref<128x128xf32, #tpu.memory_space<vmem>>) offsets(%dma_start3A_276 : memref<128xi32, #tpu.memory_space<vmem>>) semaphore(%arg12 : memref<!tpu.dma_semaphore, #tpu.memory_space<semaphore_mem>>)
        %dma_wait3A_280 = arith.constant 7 : i32
        %dma_wait3A_281 = arith.constant 0 : i32
        %dma_wait3A_282 = tpu.memref_slice %arg6[%dma_wait3A_280, %dma_wait3A_281] : memref<16x128xi32, #tpu.memory_space<vmem>> -> memref<1x128xi32, #tpu.memory_space<vmem>>
        %dma_wait3A_283 = tpu.memref_squeeze %dma_wait3A_282 : memref<1x128xi32, #tpu.memory_space<vmem>> -> memref<128xi32, #tpu.memory_space<vmem>>
        %dma_wait3A_284 = arith.constant 0 : i32
        %dma_wait3A_285 = arith.constant 0 : i32
        %dma_wait3A_286 = tpu.memref_slice %arg2[%dma_wait3A_284, %dma_wait3A_285] : memref<10000x128xf32, #tpu.memory_space<hbm>> -> memref<10000x128xf32, #tpu.memory_space<hbm>>
        tpu.wait_indirect_dma semaphore(%arg12 : memref<!tpu.dma_semaphore, #tpu.memory_space<semaphore_mem>>) src(%dma_wait3A_286 : memref<10000x128xf32, #tpu.memory_space<hbm>>) dst(%arg9 : memref<128x128xf32, #tpu.memory_space<vmem>>)
        %dma_start3A_287 = arith.constant 7 : i32
        %dma_start3A_288 = arith.constant 0 : i32
        %dma_start3A_289 = tpu.memref_slice %arg7[%dma_start3A_287, %dma_start3A_288] : memref<16x128xi32, #tpu.memory_space<vmem>> -> memref<1x128xi32, #tpu.memory_space<vmem>>
        %dma_start3A_290 = tpu.memref_squeeze %dma_start3A_289 : memref<1x128xi32, #tpu.memory_space<vmem>> -> memref<128xi32, #tpu.memory_space<vmem>>
        %dma_start3A_291 = arith.constant 0 : i32
        %dma_start3A_292 = arith.constant 0 : i32
        %dma_start3A_293 = tpu.memref_slice %arg10[%dma_start3A_291, %dma_start3A_292] : memref<10240x128xf32, #tpu.memory_space<vmem_shared>> -> memref<10240x128xf32, #tpu.memory_space<vmem_shared>>
        tpu.enqueue_indirect_dma source(%arg9 : memref<128x128xf32, #tpu.memory_space<vmem>>) target(%dma_start3A_293 : memref<10240x128xf32, #tpu.memory_space<vmem_shared>>) offsets(%dma_start3A_290 : memref<128xi32, #tpu.memory_space<vmem>>) semaphore(%arg14 : memref<!tpu.dma_semaphore, #tpu.memory_space<semaphore_mem>>) {add = true}
        %dma_wait3A_294 = arith.constant 6 : i32
        %dma_wait3A_295 = arith.constant 0 : i32
        %dma_wait3A_296 = tpu.memref_slice %arg7[%dma_wait3A_294, %dma_wait3A_295] : memref<16x128xi32, #tpu.memory_space<vmem>> -> memref<1x128xi32, #tpu.memory_space<vmem>>
        %dma_wait3A_297 = tpu.memref_squeeze %dma_wait3A_296 : memref<1x128xi32, #tpu.memory_space<vmem>> -> memref<128xi32, #tpu.memory_space<vmem>>
        %dma_wait3A_298 = arith.constant 0 : i32
        %dma_wait3A_299 = arith.constant 0 : i32
        %dma_wait3A_300 = tpu.memref_slice %arg10[%dma_wait3A_298, %dma_wait3A_299] : memref<10240x128xf32, #tpu.memory_space<vmem_shared>> -> memref<10240x128xf32, #tpu.memory_space<vmem_shared>>
        tpu.wait_indirect_dma semaphore(%arg13 : memref<!tpu.dma_semaphore, #tpu.memory_space<semaphore_mem>>) src(%arg8 : memref<128x128xf32, #tpu.memory_space<vmem>>) dst(%dma_wait3A_300 : memref<10240x128xf32, #tpu.memory_space<vmem_shared>>)
        %dma_start3A_301 = arith.constant 8 : i32
        %dma_start3A_302 = arith.constant 0 : i32
        %dma_start3A_303 = tpu.memref_slice %arg6[%dma_start3A_301, %dma_start3A_302] : memref<16x128xi32, #tpu.memory_space<vmem>> -> memref<1x128xi32, #tpu.memory_space<vmem>>
        %dma_start3A_304 = tpu.memref_squeeze %dma_start3A_303 : memref<1x128xi32, #tpu.memory_space<vmem>> -> memref<128xi32, #tpu.memory_space<vmem>>
        %dma_start3A_305 = arith.constant 0 : i32
        %dma_start3A_306 = arith.constant 0 : i32
        %dma_start3A_307 = tpu.memref_slice %arg2[%dma_start3A_305, %dma_start3A_306] : memref<10000x128xf32, #tpu.memory_space<hbm>> -> memref<10000x128xf32, #tpu.memory_space<hbm>>
        tpu.enqueue_indirect_dma source(%dma_start3A_307 : memref<10000x128xf32, #tpu.memory_space<hbm>>) target(%arg8 : memref<128x128xf32, #tpu.memory_space<vmem>>) offsets(%dma_start3A_304 : memref<128xi32, #tpu.memory_space<vmem>>) semaphore(%arg11 : memref<!tpu.dma_semaphore, #tpu.memory_space<semaphore_mem>>)
        %dma_wait3A_308 = arith.constant 8 : i32
        %dma_wait3A_309 = arith.constant 0 : i32
        %dma_wait3A_310 = tpu.memref_slice %arg6[%dma_wait3A_308, %dma_wait3A_309] : memref<16x128xi32, #tpu.memory_space<vmem>> -> memref<1x128xi32, #tpu.memory_space<vmem>>
        %dma_wait3A_311 = tpu.memref_squeeze %dma_wait3A_310 : memref<1x128xi32, #tpu.memory_space<vmem>> -> memref<128xi32, #tpu.memory_space<vmem>>
        %dma_wait3A_312 = arith.constant 0 : i32
        %dma_wait3A_313 = arith.constant 0 : i32
        %dma_wait3A_314 = tpu.memref_slice %arg2[%dma_wait3A_312, %dma_wait3A_313] : memref<10000x128xf32, #tpu.memory_space<hbm>> -> memref<10000x128xf32, #tpu.memory_space<hbm>>
        tpu.wait_indirect_dma semaphore(%arg11 : memref<!tpu.dma_semaphore, #tpu.memory_space<semaphore_mem>>) src(%dma_wait3A_314 : memref<10000x128xf32, #tpu.memory_space<hbm>>) dst(%arg8 : memref<128x128xf32, #tpu.memory_space<vmem>>)
        %dma_start3A_315 = arith.constant 8 : i32
        %dma_start3A_316 = arith.constant 0 : i32
        %dma_start3A_317 = tpu.memref_slice %arg7[%dma_start3A_315, %dma_start3A_316] : memref<16x128xi32, #tpu.memory_space<vmem>> -> memref<1x128xi32, #tpu.memory_space<vmem>>
        %dma_start3A_318 = tpu.memref_squeeze %dma_start3A_317 : memref<1x128xi32, #tpu.memory_space<vmem>> -> memref<128xi32, #tpu.memory_space<vmem>>
        %dma_start3A_319 = arith.constant 0 : i32
        %dma_start3A_320 = arith.constant 0 : i32
        %dma_start3A_321 = tpu.memref_slice %arg10[%dma_start3A_319, %dma_start3A_320] : memref<10240x128xf32, #tpu.memory_space<vmem_shared>> -> memref<10240x128xf32, #tpu.memory_space<vmem_shared>>
        tpu.enqueue_indirect_dma source(%arg8 : memref<128x128xf32, #tpu.memory_space<vmem>>) target(%dma_start3A_321 : memref<10240x128xf32, #tpu.memory_space<vmem_shared>>) offsets(%dma_start3A_318 : memref<128xi32, #tpu.memory_space<vmem>>) semaphore(%arg13 : memref<!tpu.dma_semaphore, #tpu.memory_space<semaphore_mem>>) {add = true}
        %dma_wait3A_322 = arith.constant 7 : i32
        %dma_wait3A_323 = arith.constant 0 : i32
        %dma_wait3A_324 = tpu.memref_slice %arg7[%dma_wait3A_322, %dma_wait3A_323] : memref<16x128xi32, #tpu.memory_space<vmem>> -> memref<1x128xi32, #tpu.memory_space<vmem>>
        %dma_wait3A_325 = tpu.memref_squeeze %dma_wait3A_324 : memref<1x128xi32, #tpu.memory_space<vmem>> -> memref<128xi32, #tpu.memory_space<vmem>>
        %dma_wait3A_326 = arith.constant 0 : i32
        %dma_wait3A_327 = arith.constant 0 : i32
        %dma_wait3A_328 = tpu.memref_slice %arg10[%dma_wait3A_326, %dma_wait3A_327] : memref<10240x128xf32, #tpu.memory_space<vmem_shared>> -> memref<10240x128xf32, #tpu.memory_space<vmem_shared>>
        tpu.wait_indirect_dma semaphore(%arg14 : memref<!tpu.dma_semaphore, #tpu.memory_space<semaphore_mem>>) src(%arg9 : memref<128x128xf32, #tpu.memory_space<vmem>>) dst(%dma_wait3A_328 : memref<10240x128xf32, #tpu.memory_space<vmem_shared>>)
        %dma_start3A_329 = arith.constant 9 : i32
        %dma_start3A_330 = arith.constant 0 : i32
        %dma_start3A_331 = tpu.memref_slice %arg6[%dma_start3A_329, %dma_start3A_330] : memref<16x128xi32, #tpu.memory_space<vmem>> -> memref<1x128xi32, #tpu.memory_space<vmem>>
        %dma_start3A_332 = tpu.memref_squeeze %dma_start3A_331 : memref<1x128xi32, #tpu.memory_space<vmem>> -> memref<128xi32, #tpu.memory_space<vmem>>
        %dma_start3A_333 = arith.constant 0 : i32
        %dma_start3A_334 = arith.constant 0 : i32
        %dma_start3A_335 = tpu.memref_slice %arg2[%dma_start3A_333, %dma_start3A_334] : memref<10000x128xf32, #tpu.memory_space<hbm>> -> memref<10000x128xf32, #tpu.memory_space<hbm>>
        tpu.enqueue_indirect_dma source(%dma_start3A_335 : memref<10000x128xf32, #tpu.memory_space<hbm>>) target(%arg9 : memref<128x128xf32, #tpu.memory_space<vmem>>) offsets(%dma_start3A_332 : memref<128xi32, #tpu.memory_space<vmem>>) semaphore(%arg12 : memref<!tpu.dma_semaphore, #tpu.memory_space<semaphore_mem>>)
        %dma_wait3A_336 = arith.constant 9 : i32
        %dma_wait3A_337 = arith.constant 0 : i32
        %dma_wait3A_338 = tpu.memref_slice %arg6[%dma_wait3A_336, %dma_wait3A_337] : memref<16x128xi32, #tpu.memory_space<vmem>> -> memref<1x128xi32, #tpu.memory_space<vmem>>
        %dma_wait3A_339 = tpu.memref_squeeze %dma_wait3A_338 : memref<1x128xi32, #tpu.memory_space<vmem>> -> memref<128xi32, #tpu.memory_space<vmem>>
        %dma_wait3A_340 = arith.constant 0 : i32
        %dma_wait3A_341 = arith.constant 0 : i32
        %dma_wait3A_342 = tpu.memref_slice %arg2[%dma_wait3A_340, %dma_wait3A_341] : memref<10000x128xf32, #tpu.memory_space<hbm>> -> memref<10000x128xf32, #tpu.memory_space<hbm>>
        tpu.wait_indirect_dma semaphore(%arg12 : memref<!tpu.dma_semaphore, #tpu.memory_space<semaphore_mem>>) src(%dma_wait3A_342 : memref<10000x128xf32, #tpu.memory_space<hbm>>) dst(%arg9 : memref<128x128xf32, #tpu.memory_space<vmem>>)
        %dma_start3A_343 = arith.constant 9 : i32
        %dma_start3A_344 = arith.constant 0 : i32
        %dma_start3A_345 = tpu.memref_slice %arg7[%dma_start3A_343, %dma_start3A_344] : memref<16x128xi32, #tpu.memory_space<vmem>> -> memref<1x128xi32, #tpu.memory_space<vmem>>
        %dma_start3A_346 = tpu.memref_squeeze %dma_start3A_345 : memref<1x128xi32, #tpu.memory_space<vmem>> -> memref<128xi32, #tpu.memory_space<vmem>>
        %dma_start3A_347 = arith.constant 0 : i32
        %dma_start3A_348 = arith.constant 0 : i32
        %dma_start3A_349 = tpu.memref_slice %arg10[%dma_start3A_347, %dma_start3A_348] : memref<10240x128xf32, #tpu.memory_space<vmem_shared>> -> memref<10240x128xf32, #tpu.memory_space<vmem_shared>>
        tpu.enqueue_indirect_dma source(%arg9 : memref<128x128xf32, #tpu.memory_space<vmem>>) target(%dma_start3A_349 : memref<10240x128xf32, #tpu.memory_space<vmem_shared>>) offsets(%dma_start3A_346 : memref<128xi32, #tpu.memory_space<vmem>>) semaphore(%arg14 : memref<!tpu.dma_semaphore, #tpu.memory_space<semaphore_mem>>) {add = true}
        %dma_wait3A_350 = arith.constant 8 : i32
        %dma_wait3A_351 = arith.constant 0 : i32
        %dma_wait3A_352 = tpu.memref_slice %arg7[%dma_wait3A_350, %dma_wait3A_351] : memref<16x128xi32, #tpu.memory_space<vmem>> -> memref<1x128xi32, #tpu.memory_space<vmem>>
        %dma_wait3A_353 = tpu.memref_squeeze %dma_wait3A_352 : memref<1x128xi32, #tpu.memory_space<vmem>> -> memref<128xi32, #tpu.memory_space<vmem>>
        %dma_wait3A_354 = arith.constant 0 : i32
        %dma_wait3A_355 = arith.constant 0 : i32
        %dma_wait3A_356 = tpu.memref_slice %arg10[%dma_wait3A_354, %dma_wait3A_355] : memref<10240x128xf32, #tpu.memory_space<vmem_shared>> -> memref<10240x128xf32, #tpu.memory_space<vmem_shared>>
        tpu.wait_indirect_dma semaphore(%arg13 : memref<!tpu.dma_semaphore, #tpu.memory_space<semaphore_mem>>) src(%arg8 : memref<128x128xf32, #tpu.memory_space<vmem>>) dst(%dma_wait3A_356 : memref<10240x128xf32, #tpu.memory_space<vmem_shared>>)
        %dma_start3A_357 = arith.constant 10 : i32
        %dma_start3A_358 = arith.constant 0 : i32
        %dma_start3A_359 = tpu.memref_slice %arg6[%dma_start3A_357, %dma_start3A_358] : memref<16x128xi32, #tpu.memory_space<vmem>> -> memref<1x128xi32, #tpu.memory_space<vmem>>
        %dma_start3A_360 = tpu.memref_squeeze %dma_start3A_359 : memref<1x128xi32, #tpu.memory_space<vmem>> -> memref<128xi32, #tpu.memory_space<vmem>>
        %dma_start3A_361 = arith.constant 0 : i32
        %dma_start3A_362 = arith.constant 0 : i32
        %dma_start3A_363 = tpu.memref_slice %arg2[%dma_start3A_361, %dma_start3A_362] : memref<10000x128xf32, #tpu.memory_space<hbm>> -> memref<10000x128xf32, #tpu.memory_space<hbm>>
        tpu.enqueue_indirect_dma source(%dma_start3A_363 : memref<10000x128xf32, #tpu.memory_space<hbm>>) target(%arg8 : memref<128x128xf32, #tpu.memory_space<vmem>>) offsets(%dma_start3A_360 : memref<128xi32, #tpu.memory_space<vmem>>) semaphore(%arg11 : memref<!tpu.dma_semaphore, #tpu.memory_space<semaphore_mem>>)
        %dma_wait3A_364 = arith.constant 10 : i32
        %dma_wait3A_365 = arith.constant 0 : i32
        %dma_wait3A_366 = tpu.memref_slice %arg6[%dma_wait3A_364, %dma_wait3A_365] : memref<16x128xi32, #tpu.memory_space<vmem>> -> memref<1x128xi32, #tpu.memory_space<vmem>>
        %dma_wait3A_367 = tpu.memref_squeeze %dma_wait3A_366 : memref<1x128xi32, #tpu.memory_space<vmem>> -> memref<128xi32, #tpu.memory_space<vmem>>
        %dma_wait3A_368 = arith.constant 0 : i32
        %dma_wait3A_369 = arith.constant 0 : i32
        %dma_wait3A_370 = tpu.memref_slice %arg2[%dma_wait3A_368, %dma_wait3A_369] : memref<10000x128xf32, #tpu.memory_space<hbm>> -> memref<10000x128xf32, #tpu.memory_space<hbm>>
        tpu.wait_indirect_dma semaphore(%arg11 : memref<!tpu.dma_semaphore, #tpu.memory_space<semaphore_mem>>) src(%dma_wait3A_370 : memref<10000x128xf32, #tpu.memory_space<hbm>>) dst(%arg8 : memref<128x128xf32, #tpu.memory_space<vmem>>)
        %dma_start3A_371 = arith.constant 10 : i32
        %dma_start3A_372 = arith.constant 0 : i32
        %dma_start3A_373 = tpu.memref_slice %arg7[%dma_start3A_371, %dma_start3A_372] : memref<16x128xi32, #tpu.memory_space<vmem>> -> memref<1x128xi32, #tpu.memory_space<vmem>>
        %dma_start3A_374 = tpu.memref_squeeze %dma_start3A_373 : memref<1x128xi32, #tpu.memory_space<vmem>> -> memref<128xi32, #tpu.memory_space<vmem>>
        %dma_start3A_375 = arith.constant 0 : i32
        %dma_start3A_376 = arith.constant 0 : i32
        %dma_start3A_377 = tpu.memref_slice %arg10[%dma_start3A_375, %dma_start3A_376] : memref<10240x128xf32, #tpu.memory_space<vmem_shared>> -> memref<10240x128xf32, #tpu.memory_space<vmem_shared>>
        tpu.enqueue_indirect_dma source(%arg8 : memref<128x128xf32, #tpu.memory_space<vmem>>) target(%dma_start3A_377 : memref<10240x128xf32, #tpu.memory_space<vmem_shared>>) offsets(%dma_start3A_374 : memref<128xi32, #tpu.memory_space<vmem>>) semaphore(%arg13 : memref<!tpu.dma_semaphore, #tpu.memory_space<semaphore_mem>>) {add = true}
        %dma_wait3A_378 = arith.constant 9 : i32
        %dma_wait3A_379 = arith.constant 0 : i32
        %dma_wait3A_380 = tpu.memref_slice %arg7[%dma_wait3A_378, %dma_wait3A_379] : memref<16x128xi32, #tpu.memory_space<vmem>> -> memref<1x128xi32, #tpu.memory_space<vmem>>
        %dma_wait3A_381 = tpu.memref_squeeze %dma_wait3A_380 : memref<1x128xi32, #tpu.memory_space<vmem>> -> memref<128xi32, #tpu.memory_space<vmem>>
        %dma_wait3A_382 = arith.constant 0 : i32
        %dma_wait3A_383 = arith.constant 0 : i32
        %dma_wait3A_384 = tpu.memref_slice %arg10[%dma_wait3A_382, %dma_wait3A_383] : memref<10240x128xf32, #tpu.memory_space<vmem_shared>> -> memref<10240x128xf32, #tpu.memory_space<vmem_shared>>
        tpu.wait_indirect_dma semaphore(%arg14 : memref<!tpu.dma_semaphore, #tpu.memory_space<semaphore_mem>>) src(%arg9 : memref<128x128xf32, #tpu.memory_space<vmem>>) dst(%dma_wait3A_384 : memref<10240x128xf32, #tpu.memory_space<vmem_shared>>)
        %dma_start3A_385 = arith.constant 11 : i32
        %dma_start3A_386 = arith.constant 0 : i32
        %dma_start3A_387 = tpu.memref_slice %arg6[%dma_start3A_385, %dma_start3A_386] : memref<16x128xi32, #tpu.memory_space<vmem>> -> memref<1x128xi32, #tpu.memory_space<vmem>>
        %dma_start3A_388 = tpu.memref_squeeze %dma_start3A_387 : memref<1x128xi32, #tpu.memory_space<vmem>> -> memref<128xi32, #tpu.memory_space<vmem>>
        %dma_start3A_389 = arith.constant 0 : i32
        %dma_start3A_390 = arith.constant 0 : i32
        %dma_start3A_391 = tpu.memref_slice %arg2[%dma_start3A_389, %dma_start3A_390] : memref<10000x128xf32, #tpu.memory_space<hbm>> -> memref<10000x128xf32, #tpu.memory_space<hbm>>
        tpu.enqueue_indirect_dma source(%dma_start3A_391 : memref<10000x128xf32, #tpu.memory_space<hbm>>) target(%arg9 : memref<128x128xf32, #tpu.memory_space<vmem>>) offsets(%dma_start3A_388 : memref<128xi32, #tpu.memory_space<vmem>>) semaphore(%arg12 : memref<!tpu.dma_semaphore, #tpu.memory_space<semaphore_mem>>)
        %dma_wait3A_392 = arith.constant 11 : i32
        %dma_wait3A_393 = arith.constant 0 : i32
        %dma_wait3A_394 = tpu.memref_slice %arg6[%dma_wait3A_392, %dma_wait3A_393] : memref<16x128xi32, #tpu.memory_space<vmem>> -> memref<1x128xi32, #tpu.memory_space<vmem>>
        %dma_wait3A_395 = tpu.memref_squeeze %dma_wait3A_394 : memref<1x128xi32, #tpu.memory_space<vmem>> -> memref<128xi32, #tpu.memory_space<vmem>>
        %dma_wait3A_396 = arith.constant 0 : i32
        %dma_wait3A_397 = arith.constant 0 : i32
        %dma_wait3A_398 = tpu.memref_slice %arg2[%dma_wait3A_396, %dma_wait3A_397] : memref<10000x128xf32, #tpu.memory_space<hbm>> -> memref<10000x128xf32, #tpu.memory_space<hbm>>
        tpu.wait_indirect_dma semaphore(%arg12 : memref<!tpu.dma_semaphore, #tpu.memory_space<semaphore_mem>>) src(%dma_wait3A_398 : memref<10000x128xf32, #tpu.memory_space<hbm>>) dst(%arg9 : memref<128x128xf32, #tpu.memory_space<vmem>>)
        %dma_start3A_399 = arith.constant 11 : i32
        %dma_start3A_400 = arith.constant 0 : i32
        %dma_start3A_401 = tpu.memref_slice %arg7[%dma_start3A_399, %dma_start3A_400] : memref<16x128xi32, #tpu.memory_space<vmem>> -> memref<1x128xi32, #tpu.memory_space<vmem>>
        %dma_start3A_402 = tpu.memref_squeeze %dma_start3A_401 : memref<1x128xi32, #tpu.memory_space<vmem>> -> memref<128xi32, #tpu.memory_space<vmem>>
        %dma_start3A_403 = arith.constant 0 : i32
        %dma_start3A_404 = arith.constant 0 : i32
        %dma_start3A_405 = tpu.memref_slice %arg10[%dma_start3A_403, %dma_start3A_404] : memref<10240x128xf32, #tpu.memory_space<vmem_shared>> -> memref<10240x128xf32, #tpu.memory_space<vmem_shared>>
        tpu.enqueue_indirect_dma source(%arg9 : memref<128x128xf32, #tpu.memory_space<vmem>>) target(%dma_start3A_405 : memref<10240x128xf32, #tpu.memory_space<vmem_shared>>) offsets(%dma_start3A_402 : memref<128xi32, #tpu.memory_space<vmem>>) semaphore(%arg14 : memref<!tpu.dma_semaphore, #tpu.memory_space<semaphore_mem>>) {add = true}
        %dma_wait3A_406 = arith.constant 10 : i32
        %dma_wait3A_407 = arith.constant 0 : i32
        %dma_wait3A_408 = tpu.memref_slice %arg7[%dma_wait3A_406, %dma_wait3A_407] : memref<16x128xi32, #tpu.memory_space<vmem>> -> memref<1x128xi32, #tpu.memory_space<vmem>>
        %dma_wait3A_409 = tpu.memref_squeeze %dma_wait3A_408 : memref<1x128xi32, #tpu.memory_space<vmem>> -> memref<128xi32, #tpu.memory_space<vmem>>
        %dma_wait3A_410 = arith.constant 0 : i32
        %dma_wait3A_411 = arith.constant 0 : i32
        %dma_wait3A_412 = tpu.memref_slice %arg10[%dma_wait3A_410, %dma_wait3A_411] : memref<10240x128xf32, #tpu.memory_space<vmem_shared>> -> memref<10240x128xf32, #tpu.memory_space<vmem_shared>>
        tpu.wait_indirect_dma semaphore(%arg13 : memref<!tpu.dma_semaphore, #tpu.memory_space<semaphore_mem>>) src(%arg8 : memref<128x128xf32, #tpu.memory_space<vmem>>) dst(%dma_wait3A_412 : memref<10240x128xf32, #tpu.memory_space<vmem_shared>>)
        %dma_start3A_413 = arith.constant 12 : i32
        %dma_start3A_414 = arith.constant 0 : i32
        %dma_start3A_415 = tpu.memref_slice %arg6[%dma_start3A_413, %dma_start3A_414] : memref<16x128xi32, #tpu.memory_space<vmem>> -> memref<1x128xi32, #tpu.memory_space<vmem>>
        %dma_start3A_416 = tpu.memref_squeeze %dma_start3A_415 : memref<1x128xi32, #tpu.memory_space<vmem>> -> memref<128xi32, #tpu.memory_space<vmem>>
        %dma_start3A_417 = arith.constant 0 : i32
        %dma_start3A_418 = arith.constant 0 : i32
        %dma_start3A_419 = tpu.memref_slice %arg2[%dma_start3A_417, %dma_start3A_418] : memref<10000x128xf32, #tpu.memory_space<hbm>> -> memref<10000x128xf32, #tpu.memory_space<hbm>>
        tpu.enqueue_indirect_dma source(%dma_start3A_419 : memref<10000x128xf32, #tpu.memory_space<hbm>>) target(%arg8 : memref<128x128xf32, #tpu.memory_space<vmem>>) offsets(%dma_start3A_416 : memref<128xi32, #tpu.memory_space<vmem>>) semaphore(%arg11 : memref<!tpu.dma_semaphore, #tpu.memory_space<semaphore_mem>>)
        %dma_wait3A_420 = arith.constant 12 : i32
        %dma_wait3A_421 = arith.constant 0 : i32
        %dma_wait3A_422 = tpu.memref_slice %arg6[%dma_wait3A_420, %dma_wait3A_421] : memref<16x128xi32, #tpu.memory_space<vmem>> -> memref<1x128xi32, #tpu.memory_space<vmem>>
        %dma_wait3A_423 = tpu.memref_squeeze %dma_wait3A_422 : memref<1x128xi32, #tpu.memory_space<vmem>> -> memref<128xi32, #tpu.memory_space<vmem>>
        %dma_wait3A_424 = arith.constant 0 : i32
        %dma_wait3A_425 = arith.constant 0 : i32
        %dma_wait3A_426 = tpu.memref_slice %arg2[%dma_wait3A_424, %dma_wait3A_425] : memref<10000x128xf32, #tpu.memory_space<hbm>> -> memref<10000x128xf32, #tpu.memory_space<hbm>>
        tpu.wait_indirect_dma semaphore(%arg11 : memref<!tpu.dma_semaphore, #tpu.memory_space<semaphore_mem>>) src(%dma_wait3A_426 : memref<10000x128xf32, #tpu.memory_space<hbm>>) dst(%arg8 : memref<128x128xf32, #tpu.memory_space<vmem>>)
        %dma_start3A_427 = arith.constant 12 : i32
        %dma_start3A_428 = arith.constant 0 : i32
        %dma_start3A_429 = tpu.memref_slice %arg7[%dma_start3A_427, %dma_start3A_428] : memref<16x128xi32, #tpu.memory_space<vmem>> -> memref<1x128xi32, #tpu.memory_space<vmem>>
        %dma_start3A_430 = tpu.memref_squeeze %dma_start3A_429 : memref<1x128xi32, #tpu.memory_space<vmem>> -> memref<128xi32, #tpu.memory_space<vmem>>
        %dma_start3A_431 = arith.constant 0 : i32
        %dma_start3A_432 = arith.constant 0 : i32
        %dma_start3A_433 = tpu.memref_slice %arg10[%dma_start3A_431, %dma_start3A_432] : memref<10240x128xf32, #tpu.memory_space<vmem_shared>> -> memref<10240x128xf32, #tpu.memory_space<vmem_shared>>
        tpu.enqueue_indirect_dma source(%arg8 : memref<128x128xf32, #tpu.memory_space<vmem>>) target(%dma_start3A_433 : memref<10240x128xf32, #tpu.memory_space<vmem_shared>>) offsets(%dma_start3A_430 : memref<128xi32, #tpu.memory_space<vmem>>) semaphore(%arg13 : memref<!tpu.dma_semaphore, #tpu.memory_space<semaphore_mem>>) {add = true}
        %dma_wait3A_434 = arith.constant 11 : i32
        %dma_wait3A_435 = arith.constant 0 : i32
        %dma_wait3A_436 = tpu.memref_slice %arg7[%dma_wait3A_434, %dma_wait3A_435] : memref<16x128xi32, #tpu.memory_space<vmem>> -> memref<1x128xi32, #tpu.memory_space<vmem>>
        %dma_wait3A_437 = tpu.memref_squeeze %dma_wait3A_436 : memref<1x128xi32, #tpu.memory_space<vmem>> -> memref<128xi32, #tpu.memory_space<vmem>>
        %dma_wait3A_438 = arith.constant 0 : i32
        %dma_wait3A_439 = arith.constant 0 : i32
        %dma_wait3A_440 = tpu.memref_slice %arg10[%dma_wait3A_438, %dma_wait3A_439] : memref<10240x128xf32, #tpu.memory_space<vmem_shared>> -> memref<10240x128xf32, #tpu.memory_space<vmem_shared>>
        tpu.wait_indirect_dma semaphore(%arg14 : memref<!tpu.dma_semaphore, #tpu.memory_space<semaphore_mem>>) src(%arg9 : memref<128x128xf32, #tpu.memory_space<vmem>>) dst(%dma_wait3A_440 : memref<10240x128xf32, #tpu.memory_space<vmem_shared>>)
        %dma_start3A_441 = arith.constant 13 : i32
        %dma_start3A_442 = arith.constant 0 : i32
        %dma_start3A_443 = tpu.memref_slice %arg6[%dma_start3A_441, %dma_start3A_442] : memref<16x128xi32, #tpu.memory_space<vmem>> -> memref<1x128xi32, #tpu.memory_space<vmem>>
        %dma_start3A_444 = tpu.memref_squeeze %dma_start3A_443 : memref<1x128xi32, #tpu.memory_space<vmem>> -> memref<128xi32, #tpu.memory_space<vmem>>
        %dma_start3A_445 = arith.constant 0 : i32
        %dma_start3A_446 = arith.constant 0 : i32
        %dma_start3A_447 = tpu.memref_slice %arg2[%dma_start3A_445, %dma_start3A_446] : memref<10000x128xf32, #tpu.memory_space<hbm>> -> memref<10000x128xf32, #tpu.memory_space<hbm>>
        tpu.enqueue_indirect_dma source(%dma_start3A_447 : memref<10000x128xf32, #tpu.memory_space<hbm>>) target(%arg9 : memref<128x128xf32, #tpu.memory_space<vmem>>) offsets(%dma_start3A_444 : memref<128xi32, #tpu.memory_space<vmem>>) semaphore(%arg12 : memref<!tpu.dma_semaphore, #tpu.memory_space<semaphore_mem>>)
        %dma_wait3A_448 = arith.constant 13 : i32
        %dma_wait3A_449 = arith.constant 0 : i32
        %dma_wait3A_450 = tpu.memref_slice %arg6[%dma_wait3A_448, %dma_wait3A_449] : memref<16x128xi32, #tpu.memory_space<vmem>> -> memref<1x128xi32, #tpu.memory_space<vmem>>
        %dma_wait3A_451 = tpu.memref_squeeze %dma_wait3A_450 : memref<1x128xi32, #tpu.memory_space<vmem>> -> memref<128xi32, #tpu.memory_space<vmem>>
        %dma_wait3A_452 = arith.constant 0 : i32
        %dma_wait3A_453 = arith.constant 0 : i32
        %dma_wait3A_454 = tpu.memref_slice %arg2[%dma_wait3A_452, %dma_wait3A_453] : memref<10000x128xf32, #tpu.memory_space<hbm>> -> memref<10000x128xf32, #tpu.memory_space<hbm>>
        tpu.wait_indirect_dma semaphore(%arg12 : memref<!tpu.dma_semaphore, #tpu.memory_space<semaphore_mem>>) src(%dma_wait3A_454 : memref<10000x128xf32, #tpu.memory_space<hbm>>) dst(%arg9 : memref<128x128xf32, #tpu.memory_space<vmem>>)
        %dma_start3A_455 = arith.constant 13 : i32
        %dma_start3A_456 = arith.constant 0 : i32
        %dma_start3A_457 = tpu.memref_slice %arg7[%dma_start3A_455, %dma_start3A_456] : memref<16x128xi32, #tpu.memory_space<vmem>> -> memref<1x128xi32, #tpu.memory_space<vmem>>
        %dma_start3A_458 = tpu.memref_squeeze %dma_start3A_457 : memref<1x128xi32, #tpu.memory_space<vmem>> -> memref<128xi32, #tpu.memory_space<vmem>>
        %dma_start3A_459 = arith.constant 0 : i32
        %dma_start3A_460 = arith.constant 0 : i32
        %dma_start3A_461 = tpu.memref_slice %arg10[%dma_start3A_459, %dma_start3A_460] : memref<10240x128xf32, #tpu.memory_space<vmem_shared>> -> memref<10240x128xf32, #tpu.memory_space<vmem_shared>>
        tpu.enqueue_indirect_dma source(%arg9 : memref<128x128xf32, #tpu.memory_space<vmem>>) target(%dma_start3A_461 : memref<10240x128xf32, #tpu.memory_space<vmem_shared>>) offsets(%dma_start3A_458 : memref<128xi32, #tpu.memory_space<vmem>>) semaphore(%arg14 : memref<!tpu.dma_semaphore, #tpu.memory_space<semaphore_mem>>) {add = true}
        %dma_wait3A_462 = arith.constant 12 : i32
        %dma_wait3A_463 = arith.constant 0 : i32
        %dma_wait3A_464 = tpu.memref_slice %arg7[%dma_wait3A_462, %dma_wait3A_463] : memref<16x128xi32, #tpu.memory_space<vmem>> -> memref<1x128xi32, #tpu.memory_space<vmem>>
        %dma_wait3A_465 = tpu.memref_squeeze %dma_wait3A_464 : memref<1x128xi32, #tpu.memory_space<vmem>> -> memref<128xi32, #tpu.memory_space<vmem>>
        %dma_wait3A_466 = arith.constant 0 : i32
        %dma_wait3A_467 = arith.constant 0 : i32
        %dma_wait3A_468 = tpu.memref_slice %arg10[%dma_wait3A_466, %dma_wait3A_467] : memref<10240x128xf32, #tpu.memory_space<vmem_shared>> -> memref<10240x128xf32, #tpu.memory_space<vmem_shared>>
        tpu.wait_indirect_dma semaphore(%arg13 : memref<!tpu.dma_semaphore, #tpu.memory_space<semaphore_mem>>) src(%arg8 : memref<128x128xf32, #tpu.memory_space<vmem>>) dst(%dma_wait3A_468 : memref<10240x128xf32, #tpu.memory_space<vmem_shared>>)
        %dma_start3A_469 = arith.constant 14 : i32
        %dma_start3A_470 = arith.constant 0 : i32
        %dma_start3A_471 = tpu.memref_slice %arg6[%dma_start3A_469, %dma_start3A_470] : memref<16x128xi32, #tpu.memory_space<vmem>> -> memref<1x128xi32, #tpu.memory_space<vmem>>
        %dma_start3A_472 = tpu.memref_squeeze %dma_start3A_471 : memref<1x128xi32, #tpu.memory_space<vmem>> -> memref<128xi32, #tpu.memory_space<vmem>>
        %dma_start3A_473 = arith.constant 0 : i32
        %dma_start3A_474 = arith.constant 0 : i32
        %dma_start3A_475 = tpu.memref_slice %arg2[%dma_start3A_473, %dma_start3A_474] : memref<10000x128xf32, #tpu.memory_space<hbm>> -> memref<10000x128xf32, #tpu.memory_space<hbm>>
        tpu.enqueue_indirect_dma source(%dma_start3A_475 : memref<10000x128xf32, #tpu.memory_space<hbm>>) target(%arg8 : memref<128x128xf32, #tpu.memory_space<vmem>>) offsets(%dma_start3A_472 : memref<128xi32, #tpu.memory_space<vmem>>) semaphore(%arg11 : memref<!tpu.dma_semaphore, #tpu.memory_space<semaphore_mem>>)
        %dma_wait3A_476 = arith.constant 14 : i32
        %dma_wait3A_477 = arith.constant 0 : i32
        %dma_wait3A_478 = tpu.memref_slice %arg6[%dma_wait3A_476, %dma_wait3A_477] : memref<16x128xi32, #tpu.memory_space<vmem>> -> memref<1x128xi32, #tpu.memory_space<vmem>>
        %dma_wait3A_479 = tpu.memref_squeeze %dma_wait3A_478 : memref<1x128xi32, #tpu.memory_space<vmem>> -> memref<128xi32, #tpu.memory_space<vmem>>
        %dma_wait3A_480 = arith.constant 0 : i32
        %dma_wait3A_481 = arith.constant 0 : i32
        %dma_wait3A_482 = tpu.memref_slice %arg2[%dma_wait3A_480, %dma_wait3A_481] : memref<10000x128xf32, #tpu.memory_space<hbm>> -> memref<10000x128xf32, #tpu.memory_space<hbm>>
        tpu.wait_indirect_dma semaphore(%arg11 : memref<!tpu.dma_semaphore, #tpu.memory_space<semaphore_mem>>) src(%dma_wait3A_482 : memref<10000x128xf32, #tpu.memory_space<hbm>>) dst(%arg8 : memref<128x128xf32, #tpu.memory_space<vmem>>)
        %dma_start3A_483 = arith.constant 14 : i32
        %dma_start3A_484 = arith.constant 0 : i32
        %dma_start3A_485 = tpu.memref_slice %arg7[%dma_start3A_483, %dma_start3A_484] : memref<16x128xi32, #tpu.memory_space<vmem>> -> memref<1x128xi32, #tpu.memory_space<vmem>>
        %dma_start3A_486 = tpu.memref_squeeze %dma_start3A_485 : memref<1x128xi32, #tpu.memory_space<vmem>> -> memref<128xi32, #tpu.memory_space<vmem>>
        %dma_start3A_487 = arith.constant 0 : i32
        %dma_start3A_488 = arith.constant 0 : i32
        %dma_start3A_489 = tpu.memref_slice %arg10[%dma_start3A_487, %dma_start3A_488] : memref<10240x128xf32, #tpu.memory_space<vmem_shared>> -> memref<10240x128xf32, #tpu.memory_space<vmem_shared>>
        tpu.enqueue_indirect_dma source(%arg8 : memref<128x128xf32, #tpu.memory_space<vmem>>) target(%dma_start3A_489 : memref<10240x128xf32, #tpu.memory_space<vmem_shared>>) offsets(%dma_start3A_486 : memref<128xi32, #tpu.memory_space<vmem>>) semaphore(%arg13 : memref<!tpu.dma_semaphore, #tpu.memory_space<semaphore_mem>>) {add = true}
        %dma_wait3A_490 = arith.constant 13 : i32
        %dma_wait3A_491 = arith.constant 0 : i32
        %dma_wait3A_492 = tpu.memref_slice %arg7[%dma_wait3A_490, %dma_wait3A_491] : memref<16x128xi32, #tpu.memory_space<vmem>> -> memref<1x128xi32, #tpu.memory_space<vmem>>
        %dma_wait3A_493 = tpu.memref_squeeze %dma_wait3A_492 : memref<1x128xi32, #tpu.memory_space<vmem>> -> memref<128xi32, #tpu.memory_space<vmem>>
        %dma_wait3A_494 = arith.constant 0 : i32
        %dma_wait3A_495 = arith.constant 0 : i32
        %dma_wait3A_496 = tpu.memref_slice %arg10[%dma_wait3A_494, %dma_wait3A_495] : memref<10240x128xf32, #tpu.memory_space<vmem_shared>> -> memref<10240x128xf32, #tpu.memory_space<vmem_shared>>
        tpu.wait_indirect_dma semaphore(%arg14 : memref<!tpu.dma_semaphore, #tpu.memory_space<semaphore_mem>>) src(%arg9 : memref<128x128xf32, #tpu.memory_space<vmem>>) dst(%dma_wait3A_496 : memref<10240x128xf32, #tpu.memory_space<vmem_shared>>)
        %dma_start3A_497 = arith.constant 15 : i32
        %dma_start3A_498 = arith.constant 0 : i32
        %dma_start3A_499 = tpu.memref_slice %arg6[%dma_start3A_497, %dma_start3A_498] : memref<16x128xi32, #tpu.memory_space<vmem>> -> memref<1x128xi32, #tpu.memory_space<vmem>>
        %dma_start3A_500 = tpu.memref_squeeze %dma_start3A_499 : memref<1x128xi32, #tpu.memory_space<vmem>> -> memref<128xi32, #tpu.memory_space<vmem>>
        %dma_start3A_501 = arith.constant 0 : i32
        %dma_start3A_502 = arith.constant 0 : i32
        %dma_start3A_503 = tpu.memref_slice %arg2[%dma_start3A_501, %dma_start3A_502] : memref<10000x128xf32, #tpu.memory_space<hbm>> -> memref<10000x128xf32, #tpu.memory_space<hbm>>
        tpu.enqueue_indirect_dma source(%dma_start3A_503 : memref<10000x128xf32, #tpu.memory_space<hbm>>) target(%arg9 : memref<128x128xf32, #tpu.memory_space<vmem>>) offsets(%dma_start3A_500 : memref<128xi32, #tpu.memory_space<vmem>>) semaphore(%arg12 : memref<!tpu.dma_semaphore, #tpu.memory_space<semaphore_mem>>)
        %dma_wait3A_504 = arith.constant 15 : i32
        %dma_wait3A_505 = arith.constant 0 : i32
        %dma_wait3A_506 = tpu.memref_slice %arg6[%dma_wait3A_504, %dma_wait3A_505] : memref<16x128xi32, #tpu.memory_space<vmem>> -> memref<1x128xi32, #tpu.memory_space<vmem>>
        %dma_wait3A_507 = tpu.memref_squeeze %dma_wait3A_506 : memref<1x128xi32, #tpu.memory_space<vmem>> -> memref<128xi32, #tpu.memory_space<vmem>>
        %dma_wait3A_508 = arith.constant 0 : i32
        %dma_wait3A_509 = arith.constant 0 : i32
        %dma_wait3A_510 = tpu.memref_slice %arg2[%dma_wait3A_508, %dma_wait3A_509] : memref<10000x128xf32, #tpu.memory_space<hbm>> -> memref<10000x128xf32, #tpu.memory_space<hbm>>
        tpu.wait_indirect_dma semaphore(%arg12 : memref<!tpu.dma_semaphore, #tpu.memory_space<semaphore_mem>>) src(%dma_wait3A_510 : memref<10000x128xf32, #tpu.memory_space<hbm>>) dst(%arg9 : memref<128x128xf32, #tpu.memory_space<vmem>>)
        %dma_start3A_511 = arith.constant 15 : i32
        %dma_start3A_512 = arith.constant 0 : i32
        %dma_start3A_513 = tpu.memref_slice %arg7[%dma_start3A_511, %dma_start3A_512] : memref<16x128xi32, #tpu.memory_space<vmem>> -> memref<1x128xi32, #tpu.memory_space<vmem>>
        %dma_start3A_514 = tpu.memref_squeeze %dma_start3A_513 : memref<1x128xi32, #tpu.memory_space<vmem>> -> memref<128xi32, #tpu.memory_space<vmem>>
        %dma_start3A_515 = arith.constant 0 : i32
        %dma_start3A_516 = arith.constant 0 : i32
        %dma_start3A_517 = tpu.memref_slice %arg10[%dma_start3A_515, %dma_start3A_516] : memref<10240x128xf32, #tpu.memory_space<vmem_shared>> -> memref<10240x128xf32, #tpu.memory_space<vmem_shared>>
        tpu.enqueue_indirect_dma source(%arg9 : memref<128x128xf32, #tpu.memory_space<vmem>>) target(%dma_start3A_517 : memref<10240x128xf32, #tpu.memory_space<vmem_shared>>) offsets(%dma_start3A_514 : memref<128xi32, #tpu.memory_space<vmem>>) semaphore(%arg14 : memref<!tpu.dma_semaphore, #tpu.memory_space<semaphore_mem>>) {add = true}
        %dma_wait3A_518 = arith.constant 14 : i32
        %dma_wait3A_519 = arith.constant 0 : i32
        %dma_wait3A_520 = tpu.memref_slice %arg7[%dma_wait3A_518, %dma_wait3A_519] : memref<16x128xi32, #tpu.memory_space<vmem>> -> memref<1x128xi32, #tpu.memory_space<vmem>>
        %dma_wait3A_521 = tpu.memref_squeeze %dma_wait3A_520 : memref<1x128xi32, #tpu.memory_space<vmem>> -> memref<128xi32, #tpu.memory_space<vmem>>
        %dma_wait3A_522 = arith.constant 0 : i32
        %dma_wait3A_523 = arith.constant 0 : i32
        %dma_wait3A_524 = tpu.memref_slice %arg10[%dma_wait3A_522, %dma_wait3A_523] : memref<10240x128xf32, #tpu.memory_space<vmem_shared>> -> memref<10240x128xf32, #tpu.memory_space<vmem_shared>>
        tpu.wait_indirect_dma semaphore(%arg13 : memref<!tpu.dma_semaphore, #tpu.memory_space<semaphore_mem>>) src(%arg8 : memref<128x128xf32, #tpu.memory_space<vmem>>) dst(%dma_wait3A_524 : memref<10240x128xf32, #tpu.memory_space<vmem_shared>>)
        %dma_wait3A_525 = arith.constant 15 : i32
        %dma_wait3A_526 = arith.constant 0 : i32
        %dma_wait3A_527 = tpu.memref_slice %arg7[%dma_wait3A_525, %dma_wait3A_526] : memref<16x128xi32, #tpu.memory_space<vmem>> -> memref<1x128xi32, #tpu.memory_space<vmem>>
        %dma_wait3A_528 = tpu.memref_squeeze %dma_wait3A_527 : memref<1x128xi32, #tpu.memory_space<vmem>> -> memref<128xi32, #tpu.memory_space<vmem>>
        %dma_wait3A_529 = arith.constant 0 : i32
        %dma_wait3A_530 = arith.constant 0 : i32
        %dma_wait3A_531 = tpu.memref_slice %arg10[%dma_wait3A_529, %dma_wait3A_530] : memref<10240x128xf32, #tpu.memory_space<vmem_shared>> -> memref<10240x128xf32, #tpu.memory_space<vmem_shared>>
        tpu.wait_indirect_dma semaphore(%arg14 : memref<!tpu.dma_semaphore, #tpu.memory_space<semaphore_mem>>) src(%arg9 : memref<128x128xf32, #tpu.memory_space<vmem>>) dst(%dma_wait3A_531 : memref<10240x128xf32, #tpu.memory_space<vmem_shared>>)
      } else {
      }
      %scan3A_80 = arith.constant 0 : i32
      scf.yield %scan3A_80 : i32
    }
    %scan3A_51 = arith.constant 5 : i32
    %eq3A = arith.constant 31 : i32
    %eq3A_52 = arith.cmpi eq, %add3A, %eq3A : i32
    %convert_element_type3A = arith.extui %eq3A_52 : i1 to i32
    %cond3A = arith.constant 0 : i32
    %cond3A_53 = arith.cmpi ne, %convert_element_type3A, %cond3A : i32
    scf.if %cond3A_53 {
      "tpu.region"() ({
        %run_scoped3A_132 = tpu.sem_alloc : memref<!tpu.dma_semaphore, #tpu.memory_space<semaphore_mem>>
        %dma_start3A_133 = arith.constant 0 : i32
        %dma_start3A_134 = arith.constant 0 : i32
        %dma_start3A_135 = tpu.memref_slice %arg6[%dma_start3A_133, %dma_start3A_134] : memref<16x128xi32, #tpu.memory_space<vmem>> -> memref<4x128xi32, #tpu.memory_space<vmem>>
        %dma_start3A_136 = arith.constant 2496 : i32
        %dma_start3A_137 = arith.constant 0 : i32
        %dma_start3A_138 = tpu.memref_slice %arg3[%dma_start3A_136, %dma_start3A_137] : memref<2500x128xi32, #tpu.memory_space<hbm>> -> memref<4x128xi32, #tpu.memory_space<hbm>>
        %dma_start3A_139 = arith.constant 0 : i32
        %dma_start3A_140 = arith.constant 0 : i32
        %dma_start3A_141 = tpu.memref_slice %arg6[%dma_start3A_139, %dma_start3A_140] : memref<16x128xi32, #tpu.memory_space<vmem>> -> memref<4x128xi32, #tpu.memory_space<vmem>>
        %dma_start3A_142 = arith.constant 2496 : i32
        %dma_start3A_143 = arith.constant 0 : i32
        %dma_start3A_144 = tpu.memref_slice %arg3[%dma_start3A_142, %dma_start3A_143] : memref<2500x128xi32, #tpu.memory_space<hbm>> -> memref<4x128xi32, #tpu.memory_space<hbm>>
        tpu.enqueue_dma source(%dma_start3A_144 : memref<4x128xi32, #tpu.memory_space<hbm>>) target(%dma_start3A_141 : memref<4x128xi32, #tpu.memory_space<vmem>>) target_semaphore(%run_scoped3A_132 : memref<!tpu.dma_semaphore, #tpu.memory_space<semaphore_mem>>)
        %dma_wait3A_145 = arith.constant 0 : i32
        %dma_wait3A_146 = arith.constant 0 : i32
        %dma_wait3A_147 = tpu.memref_slice %arg6[%dma_wait3A_145, %dma_wait3A_146] : memref<16x128xi32, #tpu.memory_space<vmem>> -> memref<4x128xi32, #tpu.memory_space<vmem>>
        %dma_wait3A_148 = arith.constant 2496 : i32
        %dma_wait3A_149 = arith.constant 0 : i32
        %dma_wait3A_150 = tpu.memref_slice %arg3[%dma_wait3A_148, %dma_wait3A_149] : memref<2500x128xi32, #tpu.memory_space<hbm>> -> memref<4x128xi32, #tpu.memory_space<hbm>>
        %dma_wait3A_151 = arith.constant 0 : i32
        %dma_wait3A_152 = arith.constant 0 : i32
        %dma_wait3A_153 = tpu.memref_slice %arg6[%dma_wait3A_151, %dma_wait3A_152] : memref<16x128xi32, #tpu.memory_space<vmem>> -> memref<4x128xi32, #tpu.memory_space<vmem>>
        %dma_wait3A_154 = arith.constant 2496 : i32
        %dma_wait3A_155 = arith.constant 0 : i32
        %dma_wait3A_156 = tpu.memref_slice %arg3[%dma_wait3A_154, %dma_wait3A_155] : memref<2500x128xi32, #tpu.memory_space<hbm>> -> memref<4x128xi32, #tpu.memory_space<hbm>>
        tpu.wait_dma2 semaphore(%run_scoped3A_132 : memref<!tpu.dma_semaphore, #tpu.memory_space<semaphore_mem>>) src(%dma_wait3A_156 : memref<4x128xi32, #tpu.memory_space<hbm>>) dst(%dma_wait3A_153 : memref<4x128xi32, #tpu.memory_space<vmem>>)
        tpu.yield
      }) : () -> ()
      "tpu.region"() ({
        %run_scoped3A_132 = tpu.sem_alloc : memref<!tpu.dma_semaphore, #tpu.memory_space<semaphore_mem>>
        %dma_start3A_133 = arith.constant 0 : i32
        %dma_start3A_134 = arith.constant 0 : i32
        %dma_start3A_135 = tpu.memref_slice %arg7[%dma_start3A_133, %dma_start3A_134] : memref<16x128xi32, #tpu.memory_space<vmem>> -> memref<4x128xi32, #tpu.memory_space<vmem>>
        %dma_start3A_136 = arith.constant 2496 : i32
        %dma_start3A_137 = arith.constant 0 : i32
        %dma_start3A_138 = tpu.memref_slice %arg4[%dma_start3A_136, %dma_start3A_137] : memref<2500x128xi32, #tpu.memory_space<hbm>> -> memref<4x128xi32, #tpu.memory_space<hbm>>
        %dma_start3A_139 = arith.constant 0 : i32
        %dma_start3A_140 = arith.constant 0 : i32
        %dma_start3A_141 = tpu.memref_slice %arg7[%dma_start3A_139, %dma_start3A_140] : memref<16x128xi32, #tpu.memory_space<vmem>> -> memref<4x128xi32, #tpu.memory_space<vmem>>
        %dma_start3A_142 = arith.constant 2496 : i32
        %dma_start3A_143 = arith.constant 0 : i32
        %dma_start3A_144 = tpu.memref_slice %arg4[%dma_start3A_142, %dma_start3A_143] : memref<2500x128xi32, #tpu.memory_space<hbm>> -> memref<4x128xi32, #tpu.memory_space<hbm>>
        tpu.enqueue_dma source(%dma_start3A_144 : memref<4x128xi32, #tpu.memory_space<hbm>>) target(%dma_start3A_141 : memref<4x128xi32, #tpu.memory_space<vmem>>) target_semaphore(%run_scoped3A_132 : memref<!tpu.dma_semaphore, #tpu.memory_space<semaphore_mem>>)
        %dma_wait3A_145 = arith.constant 0 : i32
        %dma_wait3A_146 = arith.constant 0 : i32
        %dma_wait3A_147 = tpu.memref_slice %arg7[%dma_wait3A_145, %dma_wait3A_146] : memref<16x128xi32, #tpu.memory_space<vmem>> -> memref<4x128xi32, #tpu.memory_space<vmem>>
        %dma_wait3A_148 = arith.constant 2496 : i32
        %dma_wait3A_149 = arith.constant 0 : i32
        %dma_wait3A_150 = tpu.memref_slice %arg4[%dma_wait3A_148, %dma_wait3A_149] : memref<2500x128xi32, #tpu.memory_space<hbm>> -> memref<4x128xi32, #tpu.memory_space<hbm>>
        %dma_wait3A_151 = arith.constant 0 : i32
        %dma_wait3A_152 = arith.constant 0 : i32
        %dma_wait3A_153 = tpu.memref_slice %arg7[%dma_wait3A_151, %dma_wait3A_152] : memref<16x128xi32, #tpu.memory_space<vmem>> -> memref<4x128xi32, #tpu.memory_space<vmem>>
        %dma_wait3A_154 = arith.constant 2496 : i32
        %dma_wait3A_155 = arith.constant 0 : i32
        %dma_wait3A_156 = tpu.memref_slice %arg4[%dma_wait3A_154, %dma_wait3A_155] : memref<2500x128xi32, #tpu.memory_space<hbm>> -> memref<4x128xi32, #tpu.memory_space<hbm>>
        tpu.wait_dma2 semaphore(%run_scoped3A_132 : memref<!tpu.dma_semaphore, #tpu.memory_space<semaphore_mem>>) src(%dma_wait3A_156 : memref<4x128xi32, #tpu.memory_space<hbm>>) dst(%dma_wait3A_153 : memref<4x128xi32, #tpu.memory_space<vmem>>)
        tpu.yield
      }) : () -> ()
      %dma_start3A = arith.constant 0 : i32
      %dma_start3A_75 = arith.constant 0 : i32
      %dma_start3A_76 = tpu.memref_slice %arg6[%dma_start3A, %dma_start3A_75] : memref<16x128xi32, #tpu.memory_space<vmem>> -> memref<1x128xi32, #tpu.memory_space<vmem>>
      %dma_start3A_77 = tpu.memref_squeeze %dma_start3A_76 : memref<1x128xi32, #tpu.memory_space<vmem>> -> memref<128xi32, #tpu.memory_space<vmem>>
      %dma_start3A_78 = arith.constant 0 : i32
      %dma_start3A_79 = arith.constant 0 : i32
      %dma_start3A_80 = tpu.memref_slice %arg2[%dma_start3A_78, %dma_start3A_79] : memref<10000x128xf32, #tpu.memory_space<hbm>> -> memref<10000x128xf32, #tpu.memory_space<hbm>>
      tpu.enqueue_indirect_dma source(%dma_start3A_80 : memref<10000x128xf32, #tpu.memory_space<hbm>>) target(%arg8 : memref<128x128xf32, #tpu.memory_space<vmem>>) offsets(%dma_start3A_77 : memref<128xi32, #tpu.memory_space<vmem>>) semaphore(%arg11 : memref<!tpu.dma_semaphore, #tpu.memory_space<semaphore_mem>>)
      %dma_wait3A = arith.constant 0 : i32
      %dma_wait3A_81 = arith.constant 0 : i32
      %dma_wait3A_82 = tpu.memref_slice %arg6[%dma_wait3A, %dma_wait3A_81] : memref<16x128xi32, #tpu.memory_space<vmem>> -> memref<1x128xi32, #tpu.memory_space<vmem>>
      %dma_wait3A_83 = tpu.memref_squeeze %dma_wait3A_82 : memref<1x128xi32, #tpu.memory_space<vmem>> -> memref<128xi32, #tpu.memory_space<vmem>>
      %dma_wait3A_84 = arith.constant 0 : i32
      %dma_wait3A_85 = arith.constant 0 : i32
      %dma_wait3A_86 = tpu.memref_slice %arg2[%dma_wait3A_84, %dma_wait3A_85] : memref<10000x128xf32, #tpu.memory_space<hbm>> -> memref<10000x128xf32, #tpu.memory_space<hbm>>
      tpu.wait_indirect_dma semaphore(%arg11 : memref<!tpu.dma_semaphore, #tpu.memory_space<semaphore_mem>>) src(%dma_wait3A_86 : memref<10000x128xf32, #tpu.memory_space<hbm>>) dst(%arg8 : memref<128x128xf32, #tpu.memory_space<vmem>>)
      %run_scoped3A = arith.constant 0 : i32
      "tpu.region"() ({
        %run_scoped3A_132 = tpu.sem_alloc : memref<!tpu.dma_semaphore, #tpu.memory_space<semaphore_mem>>
        %dma_start3A_133 = arith.constant 0 : i32
        %dma_start3A_134 = tpu.memref_slice %arg7[%run_scoped3A, %dma_start3A_133] : memref<16x128xi32, #tpu.memory_space<vmem>> -> memref<1x128xi32, #tpu.memory_space<vmem>>
        %dma_start3A_135 = tpu.memref_squeeze %dma_start3A_134 : memref<1x128xi32, #tpu.memory_space<vmem>> -> memref<128xi32, #tpu.memory_space<vmem>>
        %dma_start3A_136 = arith.constant 0 : i32
        %dma_start3A_137 = arith.constant 0 : i32
        %dma_start3A_138 = tpu.memref_slice %arg10[%dma_start3A_136, %dma_start3A_137] : memref<10240x128xf32, #tpu.memory_space<vmem_shared>> -> memref<10240x128xf32, #tpu.memory_space<vmem_shared>>
        tpu.enqueue_indirect_dma source(%arg8 : memref<128x128xf32, #tpu.memory_space<vmem>>) target(%dma_start3A_138 : memref<10240x128xf32, #tpu.memory_space<vmem_shared>>) offsets(%dma_start3A_135 : memref<128xi32, #tpu.memory_space<vmem>>) semaphore(%run_scoped3A_132 : memref<!tpu.dma_semaphore, #tpu.memory_space<semaphore_mem>>) {add = true}
        %dma_wait3A_139 = arith.constant 0 : i32
        %dma_wait3A_140 = tpu.memref_slice %arg7[%run_scoped3A, %dma_wait3A_139] : memref<16x128xi32, #tpu.memory_space<vmem>> -> memref<1x128xi32, #tpu.memory_space<vmem>>
        %dma_wait3A_141 = tpu.memref_squeeze %dma_wait3A_140 : memref<1x128xi32, #tpu.memory_space<vmem>> -> memref<128xi32, #tpu.memory_space<vmem>>
        %dma_wait3A_142 = arith.constant 0 : i32
        %dma_wait3A_143 = arith.constant 0 : i32
        %dma_wait3A_144 = tpu.memref_slice %arg10[%dma_wait3A_142, %dma_wait3A_143] : memref<10240x128xf32, #tpu.memory_space<vmem_shared>> -> memref<10240x128xf32, #tpu.memory_space<vmem_shared>>
        tpu.wait_indirect_dma semaphore(%run_scoped3A_132 : memref<!tpu.dma_semaphore, #tpu.memory_space<semaphore_mem>>) src(%arg8 : memref<128x128xf32, #tpu.memory_space<vmem>>) dst(%dma_wait3A_144 : memref<10240x128xf32, #tpu.memory_space<vmem_shared>>)
        tpu.yield
      }) : () -> ()
      %dma_start3A_87 = arith.constant 1 : i32
      %dma_start3A_88 = arith.constant 0 : i32
      %dma_start3A_89 = tpu.memref_slice %arg6[%dma_start3A_87, %dma_start3A_88] : memref<16x128xi32, #tpu.memory_space<vmem>> -> memref<1x128xi32, #tpu.memory_space<vmem>>
      %dma_start3A_90 = tpu.memref_squeeze %dma_start3A_89 : memref<1x128xi32, #tpu.memory_space<vmem>> -> memref<128xi32, #tpu.memory_space<vmem>>
      %dma_start3A_91 = arith.constant 0 : i32
      %dma_start3A_92 = arith.constant 0 : i32
      %dma_start3A_93 = tpu.memref_slice %arg2[%dma_start3A_91, %dma_start3A_92] : memref<10000x128xf32, #tpu.memory_space<hbm>> -> memref<10000x128xf32, #tpu.memory_space<hbm>>
      tpu.enqueue_indirect_dma source(%dma_start3A_93 : memref<10000x128xf32, #tpu.memory_space<hbm>>) target(%arg8 : memref<128x128xf32, #tpu.memory_space<vmem>>) offsets(%dma_start3A_90 : memref<128xi32, #tpu.memory_space<vmem>>) semaphore(%arg11 : memref<!tpu.dma_semaphore, #tpu.memory_space<semaphore_mem>>)
      %dma_wait3A_94 = arith.constant 1 : i32
      %dma_wait3A_95 = arith.constant 0 : i32
      %dma_wait3A_96 = tpu.memref_slice %arg6[%dma_wait3A_94, %dma_wait3A_95] : memref<16x128xi32, #tpu.memory_space<vmem>> -> memref<1x128xi32, #tpu.memory_space<vmem>>
      %dma_wait3A_97 = tpu.memref_squeeze %dma_wait3A_96 : memref<1x128xi32, #tpu.memory_space<vmem>> -> memref<128xi32, #tpu.memory_space<vmem>>
      %dma_wait3A_98 = arith.constant 0 : i32
      %dma_wait3A_99 = arith.constant 0 : i32
      %dma_wait3A_100 = tpu.memref_slice %arg2[%dma_wait3A_98, %dma_wait3A_99] : memref<10000x128xf32, #tpu.memory_space<hbm>> -> memref<10000x128xf32, #tpu.memory_space<hbm>>
      tpu.wait_indirect_dma semaphore(%arg11 : memref<!tpu.dma_semaphore, #tpu.memory_space<semaphore_mem>>) src(%dma_wait3A_100 : memref<10000x128xf32, #tpu.memory_space<hbm>>) dst(%arg8 : memref<128x128xf32, #tpu.memory_space<vmem>>)
      %run_scoped3A_101 = arith.constant 1 : i32
      "tpu.region"() ({
        %run_scoped3A_132 = tpu.sem_alloc : memref<!tpu.dma_semaphore, #tpu.memory_space<semaphore_mem>>
        %dma_start3A_133 = arith.constant 0 : i32
        %dma_start3A_134 = tpu.memref_slice %arg7[%run_scoped3A_101, %dma_start3A_133] : memref<16x128xi32, #tpu.memory_space<vmem>> -> memref<1x128xi32, #tpu.memory_space<vmem>>
        %dma_start3A_135 = tpu.memref_squeeze %dma_start3A_134 : memref<1x128xi32, #tpu.memory_space<vmem>> -> memref<128xi32, #tpu.memory_space<vmem>>
        %dma_start3A_136 = arith.constant 0 : i32
        %dma_start3A_137 = arith.constant 0 : i32
        %dma_start3A_138 = tpu.memref_slice %arg10[%dma_start3A_136, %dma_start3A_137] : memref<10240x128xf32, #tpu.memory_space<vmem_shared>> -> memref<10240x128xf32, #tpu.memory_space<vmem_shared>>
        tpu.enqueue_indirect_dma source(%arg8 : memref<128x128xf32, #tpu.memory_space<vmem>>) target(%dma_start3A_138 : memref<10240x128xf32, #tpu.memory_space<vmem_shared>>) offsets(%dma_start3A_135 : memref<128xi32, #tpu.memory_space<vmem>>) semaphore(%run_scoped3A_132 : memref<!tpu.dma_semaphore, #tpu.memory_space<semaphore_mem>>) {add = true}
        %dma_wait3A_139 = arith.constant 0 : i32
        %dma_wait3A_140 = tpu.memref_slice %arg7[%run_scoped3A_101, %dma_wait3A_139] : memref<16x128xi32, #tpu.memory_space<vmem>> -> memref<1x128xi32, #tpu.memory_space<vmem>>
        %dma_wait3A_141 = tpu.memref_squeeze %dma_wait3A_140 : memref<1x128xi32, #tpu.memory_space<vmem>> -> memref<128xi32, #tpu.memory_space<vmem>>
        %dma_wait3A_142 = arith.constant 0 : i32
        %dma_wait3A_143 = arith.constant 0 : i32
        %dma_wait3A_144 = tpu.memref_slice %arg10[%dma_wait3A_142, %dma_wait3A_143] : memref<10240x128xf32, #tpu.memory_space<vmem_shared>> -> memref<10240x128xf32, #tpu.memory_space<vmem_shared>>
        tpu.wait_indirect_dma semaphore(%run_scoped3A_132 : memref<!tpu.dma_semaphore, #tpu.memory_space<semaphore_mem>>) src(%arg8 : memref<128x128xf32, #tpu.memory_space<vmem>>) dst(%dma_wait3A_144 : memref<10240x128xf32, #tpu.memory_space<vmem_shared>>)
        tpu.yield
      }) : () -> ()
      %dma_start3A_102 = arith.constant 2 : i32
      %dma_start3A_103 = arith.constant 0 : i32
      %dma_start3A_104 = tpu.memref_slice %arg6[%dma_start3A_102, %dma_start3A_103] : memref<16x128xi32, #tpu.memory_space<vmem>> -> memref<1x128xi32, #tpu.memory_space<vmem>>
      %dma_start3A_105 = tpu.memref_squeeze %dma_start3A_104 : memref<1x128xi32, #tpu.memory_space<vmem>> -> memref<128xi32, #tpu.memory_space<vmem>>
      %dma_start3A_106 = arith.constant 0 : i32
      %dma_start3A_107 = arith.constant 0 : i32
      %dma_start3A_108 = tpu.memref_slice %arg2[%dma_start3A_106, %dma_start3A_107] : memref<10000x128xf32, #tpu.memory_space<hbm>> -> memref<10000x128xf32, #tpu.memory_space<hbm>>
      tpu.enqueue_indirect_dma source(%dma_start3A_108 : memref<10000x128xf32, #tpu.memory_space<hbm>>) target(%arg8 : memref<128x128xf32, #tpu.memory_space<vmem>>) offsets(%dma_start3A_105 : memref<128xi32, #tpu.memory_space<vmem>>) semaphore(%arg11 : memref<!tpu.dma_semaphore, #tpu.memory_space<semaphore_mem>>)
      %dma_wait3A_109 = arith.constant 2 : i32
      %dma_wait3A_110 = arith.constant 0 : i32
      %dma_wait3A_111 = tpu.memref_slice %arg6[%dma_wait3A_109, %dma_wait3A_110] : memref<16x128xi32, #tpu.memory_space<vmem>> -> memref<1x128xi32, #tpu.memory_space<vmem>>
      %dma_wait3A_112 = tpu.memref_squeeze %dma_wait3A_111 : memref<1x128xi32, #tpu.memory_space<vmem>> -> memref<128xi32, #tpu.memory_space<vmem>>
      %dma_wait3A_113 = arith.constant 0 : i32
      %dma_wait3A_114 = arith.constant 0 : i32
      %dma_wait3A_115 = tpu.memref_slice %arg2[%dma_wait3A_113, %dma_wait3A_114] : memref<10000x128xf32, #tpu.memory_space<hbm>> -> memref<10000x128xf32, #tpu.memory_space<hbm>>
      tpu.wait_indirect_dma semaphore(%arg11 : memref<!tpu.dma_semaphore, #tpu.memory_space<semaphore_mem>>) src(%dma_wait3A_115 : memref<10000x128xf32, #tpu.memory_space<hbm>>) dst(%arg8 : memref<128x128xf32, #tpu.memory_space<vmem>>)
      %run_scoped3A_116 = arith.constant 2 : i32
      "tpu.region"() ({
        %run_scoped3A_132 = tpu.sem_alloc : memref<!tpu.dma_semaphore, #tpu.memory_space<semaphore_mem>>
        %dma_start3A_133 = arith.constant 0 : i32
        %dma_start3A_134 = tpu.memref_slice %arg7[%run_scoped3A_116, %dma_start3A_133] : memref<16x128xi32, #tpu.memory_space<vmem>> -> memref<1x128xi32, #tpu.memory_space<vmem>>
        %dma_start3A_135 = tpu.memref_squeeze %dma_start3A_134 : memref<1x128xi32, #tpu.memory_space<vmem>> -> memref<128xi32, #tpu.memory_space<vmem>>
        %dma_start3A_136 = arith.constant 0 : i32
        %dma_start3A_137 = arith.constant 0 : i32
        %dma_start3A_138 = tpu.memref_slice %arg10[%dma_start3A_136, %dma_start3A_137] : memref<10240x128xf32, #tpu.memory_space<vmem_shared>> -> memref<10240x128xf32, #tpu.memory_space<vmem_shared>>
        tpu.enqueue_indirect_dma source(%arg8 : memref<128x128xf32, #tpu.memory_space<vmem>>) target(%dma_start3A_138 : memref<10240x128xf32, #tpu.memory_space<vmem_shared>>) offsets(%dma_start3A_135 : memref<128xi32, #tpu.memory_space<vmem>>) semaphore(%run_scoped3A_132 : memref<!tpu.dma_semaphore, #tpu.memory_space<semaphore_mem>>) {add = true}
        %dma_wait3A_139 = arith.constant 0 : i32
        %dma_wait3A_140 = tpu.memref_slice %arg7[%run_scoped3A_116, %dma_wait3A_139] : memref<16x128xi32, #tpu.memory_space<vmem>> -> memref<1x128xi32, #tpu.memory_space<vmem>>
        %dma_wait3A_141 = tpu.memref_squeeze %dma_wait3A_140 : memref<1x128xi32, #tpu.memory_space<vmem>> -> memref<128xi32, #tpu.memory_space<vmem>>
        %dma_wait3A_142 = arith.constant 0 : i32
        %dma_wait3A_143 = arith.constant 0 : i32
        %dma_wait3A_144 = tpu.memref_slice %arg10[%dma_wait3A_142, %dma_wait3A_143] : memref<10240x128xf32, #tpu.memory_space<vmem_shared>> -> memref<10240x128xf32, #tpu.memory_space<vmem_shared>>
        tpu.wait_indirect_dma semaphore(%run_scoped3A_132 : memref<!tpu.dma_semaphore, #tpu.memory_space<semaphore_mem>>) src(%arg8 : memref<128x128xf32, #tpu.memory_space<vmem>>) dst(%dma_wait3A_144 : memref<10240x128xf32, #tpu.memory_space<vmem_shared>>)
        tpu.yield
      }) : () -> ()
      %dma_start3A_117 = arith.constant 3 : i32
      %dma_start3A_118 = arith.constant 0 : i32
      %dma_start3A_119 = tpu.memref_slice %arg6[%dma_start3A_117, %dma_start3A_118] : memref<16x128xi32, #tpu.memory_space<vmem>> -> memref<1x128xi32, #tpu.memory_space<vmem>>
      %dma_start3A_120 = tpu.memref_squeeze %dma_start3A_119 : memref<1x128xi32, #tpu.memory_space<vmem>> -> memref<128xi32, #tpu.memory_space<vmem>>
      %dma_start3A_121 = arith.constant 0 : i32
      %dma_start3A_122 = arith.constant 0 : i32
      %dma_start3A_123 = tpu.memref_slice %arg2[%dma_start3A_121, %dma_start3A_122] : memref<10000x128xf32, #tpu.memory_space<hbm>> -> memref<10000x128xf32, #tpu.memory_space<hbm>>
      tpu.enqueue_indirect_dma source(%dma_start3A_123 : memref<10000x128xf32, #tpu.memory_space<hbm>>) target(%arg8 : memref<128x128xf32, #tpu.memory_space<vmem>>) offsets(%dma_start3A_120 : memref<128xi32, #tpu.memory_space<vmem>>) semaphore(%arg11 : memref<!tpu.dma_semaphore, #tpu.memory_space<semaphore_mem>>)
      %dma_wait3A_124 = arith.constant 3 : i32
      %dma_wait3A_125 = arith.constant 0 : i32
      %dma_wait3A_126 = tpu.memref_slice %arg6[%dma_wait3A_124, %dma_wait3A_125] : memref<16x128xi32, #tpu.memory_space<vmem>> -> memref<1x128xi32, #tpu.memory_space<vmem>>
      %dma_wait3A_127 = tpu.memref_squeeze %dma_wait3A_126 : memref<1x128xi32, #tpu.memory_space<vmem>> -> memref<128xi32, #tpu.memory_space<vmem>>
      %dma_wait3A_128 = arith.constant 0 : i32
      %dma_wait3A_129 = arith.constant 0 : i32
      %dma_wait3A_130 = tpu.memref_slice %arg2[%dma_wait3A_128, %dma_wait3A_129] : memref<10000x128xf32, #tpu.memory_space<hbm>> -> memref<10000x128xf32, #tpu.memory_space<hbm>>
      tpu.wait_indirect_dma semaphore(%arg11 : memref<!tpu.dma_semaphore, #tpu.memory_space<semaphore_mem>>) src(%dma_wait3A_130 : memref<10000x128xf32, #tpu.memory_space<hbm>>) dst(%arg8 : memref<128x128xf32, #tpu.memory_space<vmem>>)
      %run_scoped3A_131 = arith.constant 3 : i32
      "tpu.region"() ({
        %run_scoped3A_132 = tpu.sem_alloc : memref<!tpu.dma_semaphore, #tpu.memory_space<semaphore_mem>>
        %dma_start3A_133 = arith.constant 0 : i32
        %dma_start3A_134 = tpu.memref_slice %arg7[%run_scoped3A_131, %dma_start3A_133] : memref<16x128xi32, #tpu.memory_space<vmem>> -> memref<1x128xi32, #tpu.memory_space<vmem>>
        %dma_start3A_135 = tpu.memref_squeeze %dma_start3A_134 : memref<1x128xi32, #tpu.memory_space<vmem>> -> memref<128xi32, #tpu.memory_space<vmem>>
        %dma_start3A_136 = arith.constant 0 : i32
        %dma_start3A_137 = arith.constant 0 : i32
        %dma_start3A_138 = tpu.memref_slice %arg10[%dma_start3A_136, %dma_start3A_137] : memref<10240x128xf32, #tpu.memory_space<vmem_shared>> -> memref<10240x128xf32, #tpu.memory_space<vmem_shared>>
        tpu.enqueue_indirect_dma source(%arg8 : memref<128x128xf32, #tpu.memory_space<vmem>>) target(%dma_start3A_138 : memref<10240x128xf32, #tpu.memory_space<vmem_shared>>) offsets(%dma_start3A_135 : memref<128xi32, #tpu.memory_space<vmem>>) semaphore(%run_scoped3A_132 : memref<!tpu.dma_semaphore, #tpu.memory_space<semaphore_mem>>) {add = true}
        %dma_wait3A_139 = arith.constant 0 : i32
        %dma_wait3A_140 = tpu.memref_slice %arg7[%run_scoped3A_131, %dma_wait3A_139] : memref<16x128xi32, #tpu.memory_space<vmem>> -> memref<1x128xi32, #tpu.memory_space<vmem>>
        %dma_wait3A_141 = tpu.memref_squeeze %dma_wait3A_140 : memref<1x128xi32, #tpu.memory_space<vmem>> -> memref<128xi32, #tpu.memory_space<vmem>>
        %dma_wait3A_142 = arith.constant 0 : i32
        %dma_wait3A_143 = arith.constant 0 : i32
        %dma_wait3A_144 = tpu.memref_slice %arg10[%dma_wait3A_142, %dma_wait3A_143] : memref<10240x128xf32, #tpu.memory_space<vmem_shared>> -> memref<10240x128xf32, #tpu.memory_space<vmem_shared>>
        tpu.wait_indirect_dma semaphore(%run_scoped3A_132 : memref<!tpu.dma_semaphore, #tpu.memory_space<semaphore_mem>>) src(%arg8 : memref<128x128xf32, #tpu.memory_space<vmem>>) dst(%dma_wait3A_144 : memref<10240x128xf32, #tpu.memory_space<vmem_shared>>)
        tpu.yield
      }) : () -> ()
    } else {
    }
    %barrier3A_54 = arith.constant 0 : index
    tpu.barrier barrier_id(%barrier3A_54)
    %mul3A_55 = arith.constant 640 : i32
    %mul3A_56 = arith.muli %arg1, %mul3A_55 : i32
    %add3A_57 = arith.constant 0 : i32
    %add3A_58 = arith.addi %mul3A_56, %add3A_57 : i32
    "tpu.region"() ({
      %run_scoped3A = tpu.sem_alloc : memref<!tpu.dma_semaphore, #tpu.memory_space<semaphore_mem>>
      %dma_start3A = arith.constant 0 : i32
      %dma_start3A_75 = tpu.memref_slice %arg5[%arg0, %add3A_58, %dma_start3A] : memref<2x10240x128xf32, #tpu.memory_space<hbm>> -> memref<1x128x128xf32, #tpu.memory_space<hbm>>
      %dma_start3A_76 = tpu.memref_squeeze %dma_start3A_75 : memref<1x128x128xf32, #tpu.memory_space<hbm>> -> memref<128x128xf32, #tpu.memory_space<hbm>>
      %dma_start3A_77 = arith.constant 0 : i32
      %dma_start3A_78 = tpu.memref_slice %arg10[%add3A_58, %dma_start3A_77] : memref<10240x128xf32, #tpu.memory_space<vmem_shared>> -> memref<128x128xf32, #tpu.memory_space<vmem_shared>>
      tpu.enqueue_dma source(%dma_start3A_78 : memref<128x128xf32, #tpu.memory_space<vmem_shared>>) target(%dma_start3A_76 : memref<128x128xf32, #tpu.memory_space<hbm>>) target_semaphore(%run_scoped3A : memref<!tpu.dma_semaphore, #tpu.memory_space<semaphore_mem>>)
      %dma_wait3A = arith.constant 0 : i32
      %dma_wait3A_79 = tpu.memref_slice %arg5[%arg0, %add3A_58, %dma_wait3A] : memref<2x10240x128xf32, #tpu.memory_space<hbm>> -> memref<1x128x128xf32, #tpu.memory_space<hbm>>
      %dma_wait3A_80 = tpu.memref_squeeze %dma_wait3A_79 : memref<1x128x128xf32, #tpu.memory_space<hbm>> -> memref<128x128xf32, #tpu.memory_space<hbm>>
      %dma_wait3A_81 = arith.constant 0 : i32
      %dma_wait3A_82 = tpu.memref_slice %arg10[%add3A_58, %dma_wait3A_81] : memref<10240x128xf32, #tpu.memory_space<vmem_shared>> -> memref<128x128xf32, #tpu.memory_space<vmem_shared>>
      tpu.wait_dma2 semaphore(%run_scoped3A : memref<!tpu.dma_semaphore, #tpu.memory_space<semaphore_mem>>) src(%dma_wait3A_82 : memref<128x128xf32, #tpu.memory_space<vmem_shared>>) dst(%dma_wait3A_80 : memref<128x128xf32, #tpu.memory_space<hbm>>)
      tpu.yield
    }) : () -> ()
    %mul3A_59 = arith.constant 640 : i32
    %mul3A_60 = arith.muli %arg1, %mul3A_59 : i32
    %add3A_61 = arith.constant 128 : i32
    %add3A_62 = arith.addi %mul3A_60, %add3A_61 : i32
    "tpu.region"() ({
      %run_scoped3A = tpu.sem_alloc : memref<!tpu.dma_semaphore, #tpu.memory_space<semaphore_mem>>
      %dma_start3A = arith.constant 0 : i32
      %dma_start3A_75 = tpu.memref_slice %arg5[%arg0, %add3A_62, %dma_start3A] : memref<2x10240x128xf32, #tpu.memory_space<hbm>> -> memref<1x128x128xf32, #tpu.memory_space<hbm>>
      %dma_start3A_76 = tpu.memref_squeeze %dma_start3A_75 : memref<1x128x128xf32, #tpu.memory_space<hbm>> -> memref<128x128xf32, #tpu.memory_space<hbm>>
      %dma_start3A_77 = arith.constant 0 : i32
      %dma_start3A_78 = tpu.memref_slice %arg10[%add3A_62, %dma_start3A_77] : memref<10240x128xf32, #tpu.memory_space<vmem_shared>> -> memref<128x128xf32, #tpu.memory_space<vmem_shared>>
      tpu.enqueue_dma source(%dma_start3A_78 : memref<128x128xf32, #tpu.memory_space<vmem_shared>>) target(%dma_start3A_76 : memref<128x128xf32, #tpu.memory_space<hbm>>) target_semaphore(%run_scoped3A : memref<!tpu.dma_semaphore, #tpu.memory_space<semaphore_mem>>)
      %dma_wait3A = arith.constant 0 : i32
      %dma_wait3A_79 = tpu.memref_slice %arg5[%arg0, %add3A_62, %dma_wait3A] : memref<2x10240x128xf32, #tpu.memory_space<hbm>> -> memref<1x128x128xf32, #tpu.memory_space<hbm>>
      %dma_wait3A_80 = tpu.memref_squeeze %dma_wait3A_79 : memref<1x128x128xf32, #tpu.memory_space<hbm>> -> memref<128x128xf32, #tpu.memory_space<hbm>>
      %dma_wait3A_81 = arith.constant 0 : i32
      %dma_wait3A_82 = tpu.memref_slice %arg10[%add3A_62, %dma_wait3A_81] : memref<10240x128xf32, #tpu.memory_space<vmem_shared>> -> memref<128x128xf32, #tpu.memory_space<vmem_shared>>
      tpu.wait_dma2 semaphore(%run_scoped3A : memref<!tpu.dma_semaphore, #tpu.memory_space<semaphore_mem>>) src(%dma_wait3A_82 : memref<128x128xf32, #tpu.memory_space<vmem_shared>>) dst(%dma_wait3A_80 : memref<128x128xf32, #tpu.memory_space<hbm>>)
      tpu.yield
    }) : () -> ()
    %mul3A_63 = arith.constant 640 : i32
    %mul3A_64 = arith.muli %arg1, %mul3A_63 : i32
    %add3A_65 = arith.constant 256 : i32
    %add3A_66 = arith.addi %mul3A_64, %add3A_65 : i32
    "tpu.region"() ({
      %run_scoped3A = tpu.sem_alloc : memref<!tpu.dma_semaphore, #tpu.memory_space<semaphore_mem>>
      %dma_start3A = arith.constant 0 : i32
      %dma_start3A_75 = tpu.memref_slice %arg5[%arg0, %add3A_66, %dma_start3A] : memref<2x10240x128xf32, #tpu.memory_space<hbm>> -> memref<1x128x128xf32, #tpu.memory_space<hbm>>
      %dma_start3A_76 = tpu.memref_squeeze %dma_start3A_75 : memref<1x128x128xf32, #tpu.memory_space<hbm>> -> memref<128x128xf32, #tpu.memory_space<hbm>>
      %dma_start3A_77 = arith.constant 0 : i32
      %dma_start3A_78 = tpu.memref_slice %arg10[%add3A_66, %dma_start3A_77] : memref<10240x128xf32, #tpu.memory_space<vmem_shared>> -> memref<128x128xf32, #tpu.memory_space<vmem_shared>>
      tpu.enqueue_dma source(%dma_start3A_78 : memref<128x128xf32, #tpu.memory_space<vmem_shared>>) target(%dma_start3A_76 : memref<128x128xf32, #tpu.memory_space<hbm>>) target_semaphore(%run_scoped3A : memref<!tpu.dma_semaphore, #tpu.memory_space<semaphore_mem>>)
      %dma_wait3A = arith.constant 0 : i32
      %dma_wait3A_79 = tpu.memref_slice %arg5[%arg0, %add3A_66, %dma_wait3A] : memref<2x10240x128xf32, #tpu.memory_space<hbm>> -> memref<1x128x128xf32, #tpu.memory_space<hbm>>
      %dma_wait3A_80 = tpu.memref_squeeze %dma_wait3A_79 : memref<1x128x128xf32, #tpu.memory_space<hbm>> -> memref<128x128xf32, #tpu.memory_space<hbm>>
      %dma_wait3A_81 = arith.constant 0 : i32
      %dma_wait3A_82 = tpu.memref_slice %arg10[%add3A_66, %dma_wait3A_81] : memref<10240x128xf32, #tpu.memory_space<vmem_shared>> -> memref<128x128xf32, #tpu.memory_space<vmem_shared>>
      tpu.wait_dma2 semaphore(%run_scoped3A : memref<!tpu.dma_semaphore, #tpu.memory_space<semaphore_mem>>) src(%dma_wait3A_82 : memref<128x128xf32, #tpu.memory_space<vmem_shared>>) dst(%dma_wait3A_80 : memref<128x128xf32, #tpu.memory_space<hbm>>)
      tpu.yield
    }) : () -> ()
    %mul3A_67 = arith.constant 640 : i32
    %mul3A_68 = arith.muli %arg1, %mul3A_67 : i32
    %add3A_69 = arith.constant 384 : i32
    %add3A_70 = arith.addi %mul3A_68, %add3A_69 : i32
    "tpu.region"() ({
      %run_scoped3A = tpu.sem_alloc : memref<!tpu.dma_semaphore, #tpu.memory_space<semaphore_mem>>
      %dma_start3A = arith.constant 0 : i32
      %dma_start3A_75 = tpu.memref_slice %arg5[%arg0, %add3A_70, %dma_start3A] : memref<2x10240x128xf32, #tpu.memory_space<hbm>> -> memref<1x128x128xf32, #tpu.memory_space<hbm>>
      %dma_start3A_76 = tpu.memref_squeeze %dma_start3A_75 : memref<1x128x128xf32, #tpu.memory_space<hbm>> -> memref<128x128xf32, #tpu.memory_space<hbm>>
      %dma_start3A_77 = arith.constant 0 : i32
      %dma_start3A_78 = tpu.memref_slice %arg10[%add3A_70, %dma_start3A_77] : memref<10240x128xf32, #tpu.memory_space<vmem_shared>> -> memref<128x128xf32, #tpu.memory_space<vmem_shared>>
      tpu.enqueue_dma source(%dma_start3A_78 : memref<128x128xf32, #tpu.memory_space<vmem_shared>>) target(%dma_start3A_76 : memref<128x128xf32, #tpu.memory_space<hbm>>) target_semaphore(%run_scoped3A : memref<!tpu.dma_semaphore, #tpu.memory_space<semaphore_mem>>)
      %dma_wait3A = arith.constant 0 : i32
      %dma_wait3A_79 = tpu.memref_slice %arg5[%arg0, %add3A_70, %dma_wait3A] : memref<2x10240x128xf32, #tpu.memory_space<hbm>> -> memref<1x128x128xf32, #tpu.memory_space<hbm>>
      %dma_wait3A_80 = tpu.memref_squeeze %dma_wait3A_79 : memref<1x128x128xf32, #tpu.memory_space<hbm>> -> memref<128x128xf32, #tpu.memory_space<hbm>>
      %dma_wait3A_81 = arith.constant 0 : i32
      %dma_wait3A_82 = tpu.memref_slice %arg10[%add3A_70, %dma_wait3A_81] : memref<10240x128xf32, #tpu.memory_space<vmem_shared>> -> memref<128x128xf32, #tpu.memory_space<vmem_shared>>
      tpu.wait_dma2 semaphore(%run_scoped3A : memref<!tpu.dma_semaphore, #tpu.memory_space<semaphore_mem>>) src(%dma_wait3A_82 : memref<128x128xf32, #tpu.memory_space<vmem_shared>>) dst(%dma_wait3A_80 : memref<128x128xf32, #tpu.memory_space<hbm>>)
      tpu.yield
    }) : () -> ()
    %mul3A_71 = arith.constant 640 : i32
    %mul3A_72 = arith.muli %arg1, %mul3A_71 : i32
    %add3A_73 = arith.constant 512 : i32
    %add3A_74 = arith.addi %mul3A_72, %add3A_73 : i32
    "tpu.region"() ({
      %run_scoped3A = tpu.sem_alloc : memref<!tpu.dma_semaphore, #tpu.memory_space<semaphore_mem>>
      %dma_start3A = arith.constant 0 : i32
      %dma_start3A_75 = tpu.memref_slice %arg5[%arg0, %add3A_74, %dma_start3A] : memref<2x10240x128xf32, #tpu.memory_space<hbm>> -> memref<1x128x128xf32, #tpu.memory_space<hbm>>
      %dma_start3A_76 = tpu.memref_squeeze %dma_start3A_75 : memref<1x128x128xf32, #tpu.memory_space<hbm>> -> memref<128x128xf32, #tpu.memory_space<hbm>>
      %dma_start3A_77 = arith.constant 0 : i32
      %dma_start3A_78 = tpu.memref_slice %arg10[%add3A_74, %dma_start3A_77] : memref<10240x128xf32, #tpu.memory_space<vmem_shared>> -> memref<128x128xf32, #tpu.memory_space<vmem_shared>>
      tpu.enqueue_dma source(%dma_start3A_78 : memref<128x128xf32, #tpu.memory_space<vmem_shared>>) target(%dma_start3A_76 : memref<128x128xf32, #tpu.memory_space<hbm>>) target_semaphore(%run_scoped3A : memref<!tpu.dma_semaphore, #tpu.memory_space<semaphore_mem>>)
      %dma_wait3A = arith.constant 0 : i32
      %dma_wait3A_79 = tpu.memref_slice %arg5[%arg0, %add3A_74, %dma_wait3A] : memref<2x10240x128xf32, #tpu.memory_space<hbm>> -> memref<1x128x128xf32, #tpu.memory_space<hbm>>
      %dma_wait3A_80 = tpu.memref_squeeze %dma_wait3A_79 : memref<1x128x128xf32, #tpu.memory_space<hbm>> -> memref<128x128xf32, #tpu.memory_space<hbm>>
      %dma_wait3A_81 = arith.constant 0 : i32
      %dma_wait3A_82 = tpu.memref_slice %arg10[%add3A_74, %dma_wait3A_81] : memref<10240x128xf32, #tpu.memory_space<vmem_shared>> -> memref<128x128xf32, #tpu.memory_space<vmem_shared>>
      tpu.wait_dma2 semaphore(%run_scoped3A : memref<!tpu.dma_semaphore, #tpu.memory_space<semaphore_mem>>) src(%dma_wait3A_82 : memref<128x128xf32, #tpu.memory_space<vmem_shared>>) dst(%dma_wait3A_80 : memref<128x128xf32, #tpu.memory_space<hbm>>)
      tpu.yield
    }) : () -> ()
    return
  }
}

module attributes {stable_mosaic.version = 14 : i64} {
  func.func @_tc_scale_body(%arg0: i32, %arg1: memref<10000x128xf32, #tpu.memory_space<vmem>>, %arg2: memref<1x10000x128xf32, #tpu.memory_space<vmem>>, %arg3: memref<10000x128xf32, #tpu.memory_space<vmem>>) attributes {dimension_semantics = [#tpu.dimension_semantics<arbitrary>], iteration_bounds = array<i64: 1>, scalar_prefetch = 0 : i64, scratch_operands = 0 : i64, tpu.core_type = #tpu.core_type<tc>, window_params = [{transform_indices = @transform_0, window_bounds = array<i64: 10000, 128>}, {transform_indices = @transform_1, window_bounds = array<i64: 1, 10000, 128>}, {transform_indices = @transform_2, window_bounds = array<i64: 10000, 128>}]} {
    %get3A = arith.constant 0 : index
    %get3A_0 = arith.constant 0 : index
    %get3A_1 = vector.load %arg1[%get3A, %get3A_0] : memref<10000x128xf32, #tpu.memory_space<vmem>>, vector<10000x128xf32>
    %get3A_2 = arith.constant 0 : index
    %get3A_3 = arith.constant 0 : index
    %get3A_4 = arith.constant 0 : index
    %get3A_5 = vector.load %arg2[%get3A_2, %get3A_3, %get3A_4] : memref<1x10000x128xf32, #tpu.memory_space<vmem>>, vector<1x10000x1xf32>
    %get3A_6 = vector.shape_cast %get3A_5 : vector<1x10000x1xf32> to vector<10000x1xf32>
    %max3A = arith.constant 1.000000e+00 : f32
    %max3A_7 = vector.broadcast %max3A : f32 to vector<10000x1xf32>
    %max3A_8 = arith.maximumf %get3A_6, %max3A_7 : vector<10000x1xf32>
    %rsqrt3A = math.rsqrt %max3A_8 : vector<10000x1xf32>
    %mul3A = vector.broadcast %rsqrt3A : vector<10000x1xf32> to vector<10000x128xf32>
    %mul3A_9 = arith.mulf %get3A_1, %mul3A : vector<10000x128xf32>
    %swap3A = arith.constant 0 : index
    %swap3A_10 = arith.constant 0 : index
    %swap3A_11 = vector.load %arg3[%swap3A, %swap3A_10] : memref<10000x128xf32, #tpu.memory_space<vmem>>, vector<10000x128xf32>
    tpu.vector_store %arg3[%swap3A, %swap3A_10], %mul3A_9 {strides = array<i32>} : memref<10000x128xf32, #tpu.memory_space<vmem>>, vector<10000x128xf32>,
    return
  }
  func.func @transform_0(%arg0: i32) -> (i32, i32) {
    %c0_i32 = arith.constant 0 : i32
    %c0_i32_0 = arith.constant 0 : i32
    return %arg0, %c0_i32 : i32, i32
  }
  func.func @transform_1(%arg0: i32) -> (i32, i32, i32) {
    %c0_i32 = arith.constant 0 : i32
    %c0_i32_0 = arith.constant 0 : i32
    %c0_i32_1 = arith.constant 0 : i32
    return %c0_i32, %arg0, %c0_i32_0 : i32, i32, i32
  }
  func.func @transform_2(%arg0: i32) -> (i32, i32) {
    %c0_i32 = arith.constant 0 : i32
    %c0_i32_0 = arith.constant 0 : i32
    return %arg0, %c0_i32 : i32, i32
  }
}

module attributes {stable_mosaic.version = 14 : i64} {
  func.func @_tc_layer1_body(%arg0: i32, %arg1: memref<2x10000x128xf32, #tpu.memory_space<vmem>>, %arg2: memref<1x10000x128xf32, #tpu.memory_space<vmem>>, %arg3: memref<1x10000x128xf32, #tpu.memory_space<vmem>>, %arg4: memref<128x256xf32, #tpu.memory_space<vmem>>, %arg5: memref<1x256xf32, #tpu.memory_space<vmem>>, %arg6: memref<256x128xf32, #tpu.memory_space<vmem>>, %arg7: memref<10000x128xf32, #tpu.memory_space<vmem>>) attributes {dimension_semantics = [#tpu.dimension_semantics<arbitrary>], iteration_bounds = array<i64: 1>, scalar_prefetch = 0 : i64, scratch_operands = 0 : i64, tpu.core_type = #tpu.core_type<tc>, window_params = [{transform_indices = @transform_0, window_bounds = array<i64: 2, 10000, 128>}, {transform_indices = @transform_1, window_bounds = array<i64: 1, 10000, 128>}, {transform_indices = @transform_2, window_bounds = array<i64: 1, 10000, 128>}, {pipeline_mode = #tpu.pipeline_mode<synchronous>, transform_indices = @transform_3, window_bounds = array<i64: 128, 256>}, {pipeline_mode = #tpu.pipeline_mode<synchronous>, transform_indices = @transform_4, window_bounds = array<i64: 1, 256>}, {pipeline_mode = #tpu.pipeline_mode<synchronous>, transform_indices = @transform_5, window_bounds = array<i64: 256, 128>}, {transform_indices = @transform_6, window_bounds = array<i64: 10000, 128>}]} {
    %get3A = arith.constant 0 : index
    %get3A_0 = arith.constant 0 : index
    %get3A_1 = arith.constant 0 : index
    %get3A_2 = vector.load %arg1[%get3A, %get3A_0, %get3A_1] : memref<2x10000x128xf32, #tpu.memory_space<vmem>>, vector<1x10000x128xf32>
    %get3A_3 = vector.shape_cast %get3A_2 : vector<1x10000x128xf32> to vector<10000x128xf32>
    %get3A_4 = arith.constant 1 : index
    %get3A_5 = arith.constant 0 : index
    %get3A_6 = arith.constant 0 : index
    %get3A_7 = vector.load %arg1[%get3A_4, %get3A_5, %get3A_6] : memref<2x10000x128xf32, #tpu.memory_space<vmem>>, vector<1x10000x128xf32>
    %get3A_8 = vector.shape_cast %get3A_7 : vector<1x10000x128xf32> to vector<10000x128xf32>
    %add3A = arith.addf %get3A_3, %get3A_8 : vector<10000x128xf32>
    %get3A_9 = arith.constant 0 : index
    %get3A_10 = arith.constant 0 : index
    %get3A_11 = arith.constant 0 : index
    %get3A_12 = vector.load %arg2[%get3A_9, %get3A_10, %get3A_11] : memref<1x10000x128xf32, #tpu.memory_space<vmem>>, vector<1x10000x1xf32>
    %get3A_13 = vector.shape_cast %get3A_12 : vector<1x10000x1xf32> to vector<10000x1xf32>
    %max3A = arith.constant 1.000000e+00 : f32
    %max3A_14 = vector.broadcast %max3A : f32 to vector<10000x1xf32>
    %max3A_15 = arith.maximumf %get3A_13, %max3A_14 : vector<10000x1xf32>
    %rsqrt3A = math.rsqrt %max3A_15 : vector<10000x1xf32>
    %mul3A = vector.broadcast %rsqrt3A : vector<10000x1xf32> to vector<10000x128xf32>
    %mul3A_16 = arith.mulf %add3A, %mul3A : vector<10000x128xf32>
    %get3A_17 = arith.constant 0 : index
    %get3A_18 = arith.constant 0 : index
    %get3A_19 = vector.load %arg4[%get3A_17, %get3A_18] : memref<128x256xf32, #tpu.memory_space<vmem>>, vector<128x256xf32>
    %dot_general3A = arith.constant dense<0.000000e+00> : vector<10000x256xf32>
    %dot_general3A_20 = tpu.matmul %mul3A_16, %get3A_19, %dot_general3A {dimension_numbers = #tpu.dot_dimension_numbers<[1], [0], [0], [1], [0, 0, 1, 1], [], []>, transpose_lhs_hint = false} : vector<10000x128xf32>, vector<128x256xf32>, vector<10000x256xf32> -> vector<10000x256xf32>
    %get3A_21 = arith.constant 0 : index
    %get3A_22 = arith.constant 0 : index
    %get3A_23 = vector.load %arg5[%get3A_21, %get3A_22] : memref<1x256xf32, #tpu.memory_space<vmem>>, vector<1x256xf32>
    %add3A_24 = vector.broadcast %get3A_23 : vector<1x256xf32> to vector<10000x256xf32>
    %add3A_25 = arith.addf %dot_general3A_20, %add3A_24 : vector<10000x256xf32>
    %max3A_26 = arith.constant 0.000000e+00 : f32
    %max3A_27 = vector.broadcast %max3A_26 : f32 to vector<10000x256xf32>
    %max3A_28 = arith.maximumf %add3A_25, %max3A_27 : vector<10000x256xf32>
    %get3A_29 = arith.constant 0 : index
    %get3A_30 = arith.constant 0 : index
    %get3A_31 = arith.constant 0 : index
    %get3A_32 = vector.load %arg3[%get3A_29, %get3A_30, %get3A_31] : memref<1x10000x128xf32, #tpu.memory_space<vmem>>, vector<1x10000x1xf32>
    %get3A_33 = vector.shape_cast %get3A_32 : vector<1x10000x1xf32> to vector<10000x1xf32>
    %max3A_34 = arith.constant 1.000000e+00 : f32
    %max3A_35 = vector.broadcast %max3A_34 : f32 to vector<10000x1xf32>
    %max3A_36 = arith.maximumf %get3A_33, %max3A_35 : vector<10000x1xf32>
    %rsqrt3A_37 = math.rsqrt %max3A_36 : vector<10000x1xf32>
    %mul3A_38 = vector.broadcast %rsqrt3A_37 : vector<10000x1xf32> to vector<10000x256xf32>
    %mul3A_39 = arith.mulf %max3A_28, %mul3A_38 : vector<10000x256xf32>
    %get3A_40 = arith.constant 0 : index
    %get3A_41 = arith.constant 0 : index
    %get3A_42 = vector.load %arg6[%get3A_40, %get3A_41] : memref<256x128xf32, #tpu.memory_space<vmem>>, vector<256x128xf32>
    %dot_general3A_43 = arith.constant dense<0.000000e+00> : vector<10000x128xf32>
    %dot_general3A_44 = tpu.matmul %mul3A_39, %get3A_42, %dot_general3A_43 {dimension_numbers = #tpu.dot_dimension_numbers<[1], [0], [0], [1], [0, 0, 1, 1], [], []>, transpose_lhs_hint = false} : vector<10000x256xf32>, vector<256x128xf32>, vector<10000x128xf32> -> vector<10000x128xf32>
    %swap3A = arith.constant 0 : index
    %swap3A_45 = arith.constant 0 : index
    %swap3A_46 = vector.load %arg7[%swap3A, %swap3A_45] : memref<10000x128xf32, #tpu.memory_space<vmem>>, vector<10000x128xf32>
    tpu.vector_store %arg7[%swap3A, %swap3A_45], %dot_general3A_44 {strides = array<i32>} : memref<10000x128xf32, #tpu.memory_space<vmem>>, vector<10000x128xf32>,
    return
  }
  func.func @transform_0(%arg0: i32) -> (i32, i32, i32) {
    %c0_i32 = arith.constant 0 : i32
    %c0_i32_0 = arith.constant 0 : i32
    %c0_i32_1 = arith.constant 0 : i32
    return %c0_i32, %arg0, %c0_i32_0 : i32, i32, i32
  }
  func.func @transform_1(%arg0: i32) -> (i32, i32, i32) {
    %c1_i32 = arith.constant 1 : i32
    %c0_i32 = arith.constant 0 : i32
    %c0_i32_0 = arith.constant 0 : i32
    return %c1_i32, %arg0, %c0_i32 : i32, i32, i32
  }
  func.func @transform_2(%arg0: i32) -> (i32, i32, i32) {
    %c0_i32 = arith.constant 0 : i32
    %c0_i32_0 = arith.constant 0 : i32
    %c0_i32_1 = arith.constant 0 : i32
    return %c0_i32, %arg0, %c0_i32_0 : i32, i32, i32
  }
  func.func @transform_3(%arg0: i32) -> (i32, i32) {
    %c0_i32 = arith.constant 0 : i32
    %c0_i32_0 = arith.constant 0 : i32
    %c0_i32_1 = arith.constant 0 : i32
    return %c0_i32, %c0_i32_0 : i32, i32
  }
  func.func @transform_4(%arg0: i32) -> (i32, i32) {
    %c0_i32 = arith.constant 0 : i32
    %c0_i32_0 = arith.constant 0 : i32
    %c0_i32_1 = arith.constant 0 : i32
    return %c0_i32, %c0_i32_0 : i32, i32
  }
  func.func @transform_5(%arg0: i32) -> (i32, i32) {
    %c0_i32 = arith.constant 0 : i32
    %c0_i32_0 = arith.constant 0 : i32
    %c0_i32_1 = arith.constant 0 : i32
    return %c0_i32, %c0_i32_0 : i32, i32
  }
  func.func @transform_6(%arg0: i32) -> (i32, i32) {
    %c0_i32 = arith.constant 0 : i32
    %c0_i32_0 = arith.constant 0 : i32
    return %arg0, %c0_i32 : i32, i32
  }
}

module attributes {stable_mosaic.version = 14 : i64} {
  func.func @_tc_out_body(%arg0: i32, %arg1: memref<2x10000x128xf32, #tpu.memory_space<vmem>>, %arg2: memref<1x10000x128xf32, #tpu.memory_space<vmem>>, %arg3: memref<1x128xf32, #tpu.memory_space<vmem>>, %arg4: memref<128x40xf32, #tpu.memory_space<vmem>>, %arg5: memref<1x40xf32, #tpu.memory_space<vmem>>, %arg6: memref<10000x40xf32, #tpu.memory_space<vmem>>) attributes {dimension_semantics = [#tpu.dimension_semantics<arbitrary>], iteration_bounds = array<i64: 1>, scalar_prefetch = 0 : i64, scratch_operands = 0 : i64, tpu.core_type = #tpu.core_type<tc>, window_params = [{transform_indices = @transform_0, window_bounds = array<i64: 2, 10000, 128>}, {transform_indices = @transform_1, window_bounds = array<i64: 1, 10000, 128>}, {pipeline_mode = #tpu.pipeline_mode<synchronous>, transform_indices = @transform_2, window_bounds = array<i64: 1, 128>}, {pipeline_mode = #tpu.pipeline_mode<synchronous>, transform_indices = @transform_3, window_bounds = array<i64: 128, 40>}, {pipeline_mode = #tpu.pipeline_mode<synchronous>, transform_indices = @transform_4, window_bounds = array<i64: 1, 40>}, {transform_indices = @transform_5, window_bounds = array<i64: 10000, 40>}]} {
    %get3A = arith.constant 0 : index
    %get3A_0 = arith.constant 0 : index
    %get3A_1 = arith.constant 0 : index
    %get3A_2 = vector.load %arg1[%get3A, %get3A_0, %get3A_1] : memref<2x10000x128xf32, #tpu.memory_space<vmem>>, vector<1x10000x128xf32>
    %get3A_3 = vector.shape_cast %get3A_2 : vector<1x10000x128xf32> to vector<10000x128xf32>
    %get3A_4 = arith.constant 1 : index
    %get3A_5 = arith.constant 0 : index
    %get3A_6 = arith.constant 0 : index
    %get3A_7 = vector.load %arg1[%get3A_4, %get3A_5, %get3A_6] : memref<2x10000x128xf32, #tpu.memory_space<vmem>>, vector<1x10000x128xf32>
    %get3A_8 = vector.shape_cast %get3A_7 : vector<1x10000x128xf32> to vector<10000x128xf32>
    %add3A = arith.addf %get3A_3, %get3A_8 : vector<10000x128xf32>
    %get3A_9 = arith.constant 0 : index
    %get3A_10 = arith.constant 0 : index
    %get3A_11 = arith.constant 0 : index
    %get3A_12 = vector.load %arg2[%get3A_9, %get3A_10, %get3A_11] : memref<1x10000x128xf32, #tpu.memory_space<vmem>>, vector<1x10000x1xf32>
    %get3A_13 = vector.shape_cast %get3A_12 : vector<1x10000x1xf32> to vector<10000x1xf32>
    %max3A = arith.constant 1.000000e+00 : f32
    %max3A_14 = vector.broadcast %max3A : f32 to vector<10000x1xf32>
    %max3A_15 = arith.maximumf %get3A_13, %max3A_14 : vector<10000x1xf32>
    %rsqrt3A = math.rsqrt %max3A_15 : vector<10000x1xf32>
    %mul3A = vector.broadcast %rsqrt3A : vector<10000x1xf32> to vector<10000x128xf32>
    %mul3A_16 = arith.mulf %add3A, %mul3A : vector<10000x128xf32>
    %get3A_17 = arith.constant 0 : index
    %get3A_18 = arith.constant 0 : index
    %get3A_19 = vector.load %arg3[%get3A_17, %get3A_18] : memref<1x128xf32, #tpu.memory_space<vmem>>, vector<1x128xf32>
    %add3A_20 = vector.broadcast %get3A_19 : vector<1x128xf32> to vector<10000x128xf32>
    %add3A_21 = arith.addf %mul3A_16, %add3A_20 : vector<10000x128xf32>
    %max3A_22 = arith.constant 0.000000e+00 : f32
    %max3A_23 = vector.broadcast %max3A_22 : f32 to vector<10000x128xf32>
    %max3A_24 = arith.maximumf %add3A_21, %max3A_23 : vector<10000x128xf32>
    %get3A_25 = arith.constant 0 : index
    %get3A_26 = arith.constant 0 : index
    %get3A_27 = vector.load %arg4[%get3A_25, %get3A_26] : memref<128x40xf32, #tpu.memory_space<vmem>>, vector<128x40xf32>
    %dot_general3A = arith.constant dense<0.000000e+00> : vector<10000x40xf32>
    %dot_general3A_28 = tpu.matmul %max3A_24, %get3A_27, %dot_general3A {dimension_numbers = #tpu.dot_dimension_numbers<[1], [0], [0], [1], [0, 0, 1, 1], [], []>, transpose_lhs_hint = false} : vector<10000x128xf32>, vector<128x40xf32>, vector<10000x40xf32> -> vector<10000x40xf32>
    %get3A_29 = arith.constant 0 : index
    %get3A_30 = arith.constant 0 : index
    %get3A_31 = vector.load %arg5[%get3A_29, %get3A_30] : memref<1x40xf32, #tpu.memory_space<vmem>>, vector<1x40xf32>
    %add3A_32 = vector.broadcast %get3A_31 : vector<1x40xf32> to vector<10000x40xf32>
    %add3A_33 = arith.addf %dot_general3A_28, %add3A_32 : vector<10000x40xf32>
    %reduce_max3A = arith.constant dense<0xFF800000> : vector<10000xf32>
    %reduce_max3A_34 = vector.multi_reduction <maximumf>, %add3A_33, %reduce_max3A [1] : vector<10000x40xf32> to vector<10000xf32>
    %broadcast_in_dim3A = vector.shape_cast %reduce_max3A_34 : vector<10000xf32> to vector<10000x1xf32>
    %sub3A = vector.broadcast %broadcast_in_dim3A : vector<10000x1xf32> to vector<10000x40xf32>
    %sub3A_35 = arith.subf %add3A_33, %sub3A : vector<10000x40xf32>
    %exp3A = math.exp %sub3A_35 : vector<10000x40xf32>
    %reduce_sum3A = arith.constant dense<0.000000e+00> : vector<10000xf32>
    %reduce_sum3A_36 = vector.multi_reduction <add>, %exp3A, %reduce_sum3A [1] : vector<10000x40xf32> to vector<10000xf32>
    %broadcast_in_dim3A_37 = vector.shape_cast %reduce_sum3A_36 : vector<10000xf32> to vector<10000x1xf32>
    %div3A = vector.broadcast %broadcast_in_dim3A_37 : vector<10000x1xf32> to vector<10000x40xf32>
    %div3A_38 = arith.divf %exp3A, %div3A : vector<10000x40xf32>
    %swap3A = arith.constant 0 : index
    %swap3A_39 = arith.constant 0 : index
    %swap3A_40 = vector.load %arg6[%swap3A, %swap3A_39] : memref<10000x40xf32, #tpu.memory_space<vmem>>, vector<10000x40xf32>
    tpu.vector_store %arg6[%swap3A, %swap3A_39], %div3A_38 {strides = array<i32>} : memref<10000x40xf32, #tpu.memory_space<vmem>>, vector<10000x40xf32>,
    return
  }
  func.func @transform_0(%arg0: i32) -> (i32, i32, i32) {
    %c0_i32 = arith.constant 0 : i32
    %c0_i32_0 = arith.constant 0 : i32
    %c0_i32_1 = arith.constant 0 : i32
    return %c0_i32, %arg0, %c0_i32_0 : i32, i32, i32
  }
  func.func @transform_1(%arg0: i32) -> (i32, i32, i32) {
    %c1_i32 = arith.constant 1 : i32
    %c0_i32 = arith.constant 0 : i32
    %c0_i32_0 = arith.constant 0 : i32
    return %c1_i32, %arg0, %c0_i32 : i32, i32, i32
  }
  func.func @transform_2(%arg0: i32) -> (i32, i32) {
    %c0_i32 = arith.constant 0 : i32
    %c0_i32_0 = arith.constant 0 : i32
    %c0_i32_1 = arith.constant 0 : i32
    return %c0_i32, %c0_i32_0 : i32, i32
  }
  func.func @transform_3(%arg0: i32) -> (i32, i32) {
    %c0_i32 = arith.constant 0 : i32
    %c0_i32_0 = arith.constant 0 : i32
    %c0_i32_1 = arith.constant 0 : i32
    return %c0_i32, %c0_i32_0 : i32, i32
  }
  func.func @transform_4(%arg0: i32) -> (i32, i32) {
    %c0_i32 = arith.constant 0 : i32
    %c0_i32_0 = arith.constant 0 : i32
    %c0_i32_1 = arith.constant 0 : i32
    return %c0_i32, %c0_i32_0 : i32, i32
  }
  func.func @transform_5(%arg0: i32) -> (i32, i32) {
    %c0_i32 = arith.constant 0 : i32
    %c0_i32_0 = arith.constant 0 : i32
    return %arg0, %c0_i32 : i32, i32
  }
}

</mosaic_0001>

<sc_bundles>
// kernel: kernel.11.cloned.1.call-start
scs
__scs_entry_jumppad:
0x0: {  	(pc) =	sbr.rel $0x88, $3  }
0x1: {  	(tag) =	ssettag $0x0;
	lr =	simm.s32 $0x1  }
0x2: {  	[smem:$0x3F99] =	sst lr;
	_ =	strace $0xD0000000  }
0x3: {  	_ = 	snop  }
0x4: {  	_ = 	snop  }
0x5: {  	_ = 	snop  }
0x6: {  	_ = 	snop  }
0x7: {  	_ = 	snop  }
__scs_overlays_trampoline_lowered:
0x8: {  	[smem:$0x3FA8] =	sst s0  }
0x9: {  	[smem:$0x3FA9] =	sst s1  }
0xa: {  	[smem:$0x3FAA] =	sst s2  }
0xb: {  	[smem:$0x3FAB] =	sst s3  }
0xc: {  	[smem:$0x3FAC] =	sst s4  }
0xd: {  	[smem:$0x3FAD] =	sst s5  }
0xe: {  	[smem:$0x3FAE] =	sst s6  }
0xf: {  	[smem:$0x3FAF] =	sst s7  }
0x10: {  	[smem:$0x3FB0] =	sst s8  }
0x11: {  	[smem:$0x3FB1] =	sst s9;
	s0 =	simm.s32 @!p0 $0x0  }
0x12: {  	s1 =	sld [smem:$0x3F97];
	s0 =	simm.s32 @p0 $0x1  }
0x13: {  	[smem:$0x3FB2] =	sst s0;
	s0 =	simm.s32 @!p1 $0x0  }
0x14: {  	s2 =	sld [smem:$0x3F96];
	s0 =	simm.s32 @p1 $0x1  }
0x15: {  	[smem:$0x3FB3] =	sst s0;
	s0 =	simm.s32 @!p2 $0x0  }
0x16: {  	s3 =	sld [smem:$0x3FDB];
	s0 =	simm.s32 @p2 $0x1  }
0x17: {  	s4 =	simm.s32 $0x1BF5;
	[smem:$0x3FB5] =	sst s0  }
0x18: {  	s0 =	sld [smem:$0x3F98];
	_ =	swait.ge [sflag:s4], $0x0  }
0x19: {  	s7 =	sld [smem:$0x3F99]  }
0x1a: {  	s8 =	sadd.s32 $0xFFFFE003, lr  }
0x1b: {  	s9 =	sadd.s32 $0xFFFFFEF7, lr;
	s5 =	simm.s32 $0xFFFFFFFF;
	p2 =	slt.u32 s8, $0xFFFFF086  }
0x1c: {  	p1 =	slt.u32 s9, $0xF7A;
	s5 =	simm.s32 @!p2 $0x0  }
0x1d: {  	s5 =	simm.s32 @p1 $0x1;
	p0 =	seq.s32 s7, s2  }
0x1e: {  	s7 =	smul.u32 @!p0 $0xF7A, s2;
	p2 =	seq.s32 @!p0 s5, $0x0  }
0x1f: {  	s9 =	smul.u32 $0xF7A, s1;
	s8 =	simm.s32 @!p0 $0x1BF5;
	p2 =	por !p2, p0  }
0x20: {  	[sflag:s8] =	ssyncset.s32 @!p0 $0xFFFFF086;
	s6 =	sadd.s32 @!p0 s3, s7;
	s7 =	simm.s32 @!p0 $0x108  }
0x21: {  	s3 =	sadd.s32 s3, s9;
	s6 =	sadd.s32 @!p0 $0x88, s6;
	s7 =	simm.s32 @p2 $0x1082  }
0x22: {  	[simem:s7], [sflag:s8] =	dma.local @!p0 [hbm:s6], $0xF7A  }
0x23: {  	s9 =	sor.u32 $0xD0000000, s2;
	s6 =	simm.s32 $0x108;
	_ =	swait.ge @!p0 [sflag:s8], $0x0  }
0x24: {  	s3 =	sadd.s32 $0x88, s3;
	s6 =	simm.s32 @!p1 $0x1082;
	[sflag:s4] =	ssyncset.s32 $0xFFFFF086  }
0x25: {  	[simem:s6], [sflag:s4] =	dma.local [hbm:s3], $0xF7A  }
0x26: {  	[smem:$0x3F99] =	sst s1;
	(tag) =	ssettag s2;
	_ =	strace s9  }
0x27: {  	s1 =	sld [smem:$0x3FA9]  }
0x28: {  	s2 =	sld [smem:$0x3FAA]  }
0x29: {  	s4 =	sld [smem:$0x3FAC]  }
0x2a: {  	p0 =	seq.s32 s5, $0x0;
	s5 =	sld [smem:$0x3FAD]  }
0x2b: {  	s6 =	sld [smem:$0x3FAE]  }
0x2c: {  	s7 =	sld [smem:$0x3FAF]  }
0x2d: {  	s3 =	simm.s32 $0x108;
	s8 =	sld [smem:$0x3FB0]  }
0x2e: {  	s3 =	simm.s32 @!p0 $0x1082;
	s9 =	sld [smem:$0x3FB1]  }
0x2f: {  	lr =	sadd.s32 s0, s3;
	s0 =	sld [smem:$0x3FA8]  }
0x30: {  	s3 =	sld [smem:$0x3FAB]  }
0x31: {  	[smem:$0x3FB4] =	sst s10  }
0x32: {  	s10 =	sld [smem:$0x3FB2];
	_ =	sdelay $0x3  }
0x33: {  	p0 =	seq.s32 s10, $0x1;
	s10 =	sld [smem:$0x3FB4];
	_ =	sdelay $0x3  }
0x34: {  	[smem:$0x3FB4] =	sst s10  }
0x35: {  	s10 =	sld [smem:$0x3FB3];
	_ =	sdelay $0x3  }
0x36: {  	p1 =	seq.s32 s10, $0x1;
	s10 =	sld [smem:$0x3FB4];
	_ =	sdelay $0x3  }
0x37: {  	[smem:$0x3FB4] =	sst s10  }
0x38: {  	s10 =	sld [smem:$0x3FB5]  }
0x39: {  	_ = 	snop;
	(pc) =	sbr.ind lr, $3  }
0x3a: {  	_ = 	snop  }
0x3b: {  	_ = 	snop  }
0x3c: {  	p2 =	seq.s32 s10, $0x1;
	s10 =	sld [smem:$0x3FB4]  }
0x3d: {  	_ =	shalt  }
0x3e: {  	_ =	shalt  }
0x3f: {  	_ =	shalt  }
0x40: {  	_ =	shalt  }
0x41: {  	_ =	shalt  }
0x42: {  	_ =	shalt  }
0x43: {  	_ =	shalt  }
0x44: {  	_ =	shalt  }
0x45: {  	_ =	shalt  }
0x46: {  	_ =	shalt  }
0x47: {  	_ =	shalt  }
0x48: {  	_ =	shalt  }
0x49: {  	_ =	shalt  }
0x4a: {  	_ =	shalt  }
0x4b: {  	_ =	shalt  }
0x4c: {  	_ =	shalt  }
0x4d: {  	_ =	shalt  }
0x4e: {  	_ =	shalt  }
0x4f: {  	_ =	shalt  }
0x50: {  	_ =	shalt  }
0x51: {  	_ =	shalt  }
0x52: {  	_ =	shalt  }
0x53: {  	_ =	shalt  }
0x54: {  	_ =	shalt  }
0x55: {  	_ =	shalt  }
0x56: {  	_ =	shalt  }
0x57: {  	_ =	shalt  }
0x58: {  	_ =	shalt  }
0x59: {  	_ =	shalt  }
0x5a: {  	_ =	shalt  }
0x5b: {  	_ =	shalt  }
0x5c: {  	_ =	shalt  }
0x5d: {  	_ =	shalt  }
0x5e: {  	_ =	shalt  }
0x5f: {  	_ =	shalt  }
0x60: {  	_ =	shalt  }
0x61: {  	_ =	shalt  }
0x62: {  	_ =	shalt  }
0x63: {  	_ =	shalt  }
0x64: {  	_ =	shalt  }
0x65: {  	_ =	shalt  }
0x66: {  	_ =	shalt  }
0x67: {  	_ =	shalt  }
0x68: {  	_ =	shalt  }
0x69: {  	_ =	shalt  }
0x6a: {  	_ =	shalt  }
0x6b: {  	_ =	shalt  }
0x6c: {  	_ =	shalt  }
0x6d: {  	_ =	shalt  }
0x6e: {  	_ =	shalt  }
0x6f: {  	_ =	shalt  }
0x70: {  	_ =	shalt  }
0x71: {  	_ =	shalt  }
0x72: {  	_ =	shalt  }
0x73: {  	_ =	shalt  }
0x74: {  	_ =	shalt  }
0x75: {  	_ =	shalt  }
0x76: {  	_ =	shalt  }
0x77: {  	_ =	shalt  }
0x78: {  	_ =	shalt  }
0x79: {  	_ =	shalt  }
0x7a: {  	_ =	shalt  }
0x7b: {  	_ =	shalt  }
0x7c: {  	_ =	shalt  }
0x7d: {  	_ =	shalt  }
0x7e: {  	_ =	shalt  }
0x7f: {  	_ =	shalt  }
0x80: {  	_ =	shalt  }
0x81: {  	_ =	shalt  }
0x82: {  	_ =	shalt  }
0x83: {  	_ =	shalt  }
0x84: {  	_ =	shalt  }
0x85: {  	_ =	shalt  }
0x86: {  	_ =	shalt  }
0x87: {  	_ =	shalt  }
.Lfunc_end0:
.L_simem_size_0:
called_computation.1_lowered:
.L_overlay_start_0:
0x88: {  	s2 =	sld [smem:$0x3FD9]  }
0x89: {  	s3 =	sld [smem:$0x3FFE];
	_ =	sdelay $0x1  }
0x8a: {  	s1 =	srdreg.scid  }
0x8b: {  	s0 =	sand.u32 $0x1, s1  }
0x8c: {  	s17 =	sshll.u32 s0, $0xA;
	s2 =	sadd.s32 s3, s2  }
0x8d: {  	s2 =	sadd.s32 s2, s17  }
0x8e: {  	[smem:$0x3FC0] =	sst s2  }
0x8f: {  	_ = 	snop  }
0x90: {  	s2 =	sld [smem:$0x3FD0];
	(tm) =	ssettm $0x1  }
0x91: {  	s18 =	sld [smem:$0x3FFB];
	_ =	sdelay $0x3  }
0x92: {  	_ =	strace s18  }
0x93: {  	s3 =	sld [smem:$0x3FFC];
	_ =	sdelay $0x3  }
0x94: {  	_ =	strace s3  }
0x95: {  	s3 =	sld [smem:$0x3FFD];
	_ =	sdelay $0x3  }
0x96: {  	_ =	strace s3  }
0x97: {  	_ =	strace $0x8FFFFFFF  }
0x98: {  	s19 =	sld [smem:$0x3FDB];
	_ =	sdelay $0x1  }
0x99: {  	s4 =	simm.s32 $_scs_section_size  }
0x9a: {  	s5 =	simm.s32 $_size__tile_overlayer_lowered;
	s6 =	simm.s32 $_tile_overlayer_lowered  }
0x9b: {  	s22 =	simm.s32 $0x1BFF;
	s21 =	sshll.u32 s6, $0x1;
	s3 =	sadd.s32 s4, s19  }
0x9c: {  	s7 =	simm.s32 $0x0;
	s20 =	sshll.u32 s5, $0x1;
	s5 =	sadd.s32 s21, s3  }
0x9d: {  	[timem:s7], [sflag:s22] =	dma.local [hbm:s5], s20  }
0x9e: {  	_ =	swait.ge [sflag:s22], s20  }
0x9f: {  	s4 =	ssub.s32 $0x0, s20;
	[sflag:s22] =	ssyncset.done $0x0  }
0xa0: {  	[sflag:s22] =	ssyncadd.s32 s4;
	_ =	sdelay $0x1  }
0xa1: {  	s23 =	simm.s32 $0x1B8B  }
0xa2: {  	_ =	swait.ge [sflag:s23], $0x1  }
0xa3: {  	[sflag:s23] =	ssyncset.done $0x0  }
0xa4: {  	s25 =	simm.s32 $0x1B8E;
	s24 =	sld [smem:$0x3FFE];
	[sflag:s23] =	ssyncadd.s32 $0xFFFFFFFF  }
0xa5: {  	s26 =	simm.s32 $execute0_lowered;
	[smem:$0x3FD2] =	sst s25  }
0xa6: {  	s5 =	sshll.u32 s26, $0x1;
	_ =	strace $0x80000049;
	[dreg:$0x1] =	wrdreg $0xFFFFFFFF  }
0xa7: {  	s28 =	simm.s32 $_size_execute0_lowered;
	s3 =	sadd.s32 s3, s5;
	[dreg:$0x0] =	wrdreg $0x0  }
0xa8: {  	s5 =	sshll.u32 s28, $0x1;
	[dreg:$0x2] =	wrdreg s3  }
0xa9: {  	[dreg:$0x3] =	wrdreg s5  }
0xaa: {  	[dreg:$0x4] =	wrdreg $0xC0  }
0xab: {  	_ =	task [dreg:s7], $0x5FFFF  }
0xac: {  	[dreg:$0x1] =	wrdreg $0xFFFFFFFF  }
0xad: {  	[dreg:$0x0] =	wrdreg $0x60  }
0xae: {  	[dreg:$0x2] =	wrdreg s24  }
0xaf: {  	[dreg:$0x3] =	wrdreg s2  }
0xb0: {  	[dreg:$0x4] =	wrdreg $0x90000  }
0xb1: {  	[dreg:$0x5] =	wrdreg $0x9  }
0xb2: {  	_ =	task.clear_ibuf [dreg:s7], $0x6FFFF;
	_ =	strace $0x90000049  }
0xb3: {  	s29 =	simm.s32 $0x9;
	_ =	strace $0x8000004B  }
0xb4: {  	_ =	swait.ge [sflag:s29], $0x1  }
0xb5: {  	[sflag:s29] =	ssyncadd.s32 $0xFFFFFFFF  }
0xb6: {  	_ =	strace $0x9000004B  }
0xb7: {  	_ =	sfence  }
0xb8: {  	s30 =	sld [smem:$0x0];
	_ =	sdelay $0x2  }
0xb9: {  	s31 =	sshll.u32 s1, $0xD;
	s1 =	sshrl.u32 s1, $0x2  }
0xba: {  	s3 =	sand.u32 $0x4000, s31;
	s1 =	sadd.s32 s1, s30  }
0xbb: {  	s0 =	sor.u32 s3, s0;
	s1 =	sshll.u32 s1, $0x11  }
0xbc: {  	s0 =	sor.u32 s1, s0  }
0xbd: {  	s0 =	sadd.s32 $0x8F2B, s0  }
0xbe: {  	[sflag:s0] =	ssyncadd.remote.s32 $0x1  }
0xbf: {  	_ =	sfence.sel $0xFFFF  }
0xc0: {  	[dreg:$0x0] =	wrdreg $0xFFFFFFFF;
	(pc) =	sbr.abs _section_cstart, $3  }
0xc1: {  	[dreg:$0x1] =	wrdreg $0xFFFFFFFF  }
0xc2: {  	_ =	task.clear_ibuf [dreg:s7], $0x2FFFF;
	_ =	strace $0x9FFFFFFF  }
0xc3: {  	(tm) =	ssettm $0x7FFFFFFF  }
tec
execute0_lowered:
.L_overlay_start_1:
0x0: {  	(tag) =	ssettag $0x1  }
0x1: {  	s0 =	rddreg [dreg:$0x0]  }
0x2: {  	s1 =	rddreg [dreg:$0x1]  }
0x3: {  	s2 =	rddreg [dreg:$0x2];
	s3 =	simm.s32 $0x0  }
0x4: {  	s13 =	stileid.u32;
	s6 =	srdreg.scid;
	s28 =	simm.s32 $0x2  }
0x5: {  	s30 =	simm.s32 $0x3;
	s29 =	simm.s32 $0xD00;
	s31 =	simm.s32 $0x580  }
0x6: {  	[smem:$0x7FF] =	sst s3;
	s5 =	sshll.u32 s13, $0x9;
	s4 =	sadd.s32 $0x5C000, s0  }
0x7: {  	s6 =	sand.u32 $0x1, s6;
	s8 =	sadd.s32 $0x83200, s0;
	s10 =	smul.u32 $0x50000, s13  }
0x8: {  	s12 =	sshll.u32 s13, $0x1;
	s13 =	smul.u32 $0x14000, s13;
	s26 =	sadd.s32 $0x9C00, s1  }
0x9: {  	_ =	strace $0x8000004A;
	s7 =	sadd.s32 s5, s0;
	s9 =	ssub.s32 $0x2, s6  }
0xa: {  	s17 =	smul.u32 $0x140000, s6;
	s0 =	sadd.s32 $0xBE00, s0;
	[dreg:$0xa] =	wrdreg s26  }
0xb: {  	s1 =	sadd.s32 s5, s1;
	s11 =	sshrl.u32 s9, $0x1;
	s10 =	sshrl.u32 s10, $0x2  }
0xc: {  	s19 =	sadd.s32 $0x4000, s13;
	s14 =	sadd.s32 $0x8000, s13;
	s15 =	sadd.s32 $0xC000, s13  }
0xd: {  	s16 =	sadd.s32 $0x10000, s13;
	[dreg:$0x9] =	wrdreg s0;
	s9 =	ssub.s32 s9, s11  }
0xe: {  	s11 =	sor.u32 s6, s12;
	s20 =	sadd.s32 s10, s2;
	s21 =	sadd.s32 s19, s2  }
0xf: {  	s22 =	sadd.s32 s14, s2;
	s18 =	sadd.s32 s15, s2;
	[dreg:$0x5] =	wrdreg s21  }
0x10: {  	s24 =	sadd.s32 s16, s2;
	s25 =	sadd.s32 s13, s17;
	[dreg:$0x6] =	wrdreg s22  }
0x11: {  	s12 =	sadd.s32 s17, s19;
	s14 =	sadd.s32 s17, s14;
	[dreg:$0x7] =	wrdreg s18  }
0x12: {  	s15 =	sadd.s32 s17, s15;
	s23 =	ssub.s32 $0xBB, s11;
	[dreg:$0x8] =	wrdreg s24  }
0x13: {  	s0 =	sshrl.u32 s25, $0x3;
	s12 =	sshrl.u32 s12, $0x3;
	s18 =	sadd.s32 s17, s16  }
0x14: {  	s19 =	sshrl.u32 s15, $0x3;
	s24 =	smax.u32 s9, $0x1;
	p0 =	sne.s32 s11, $0x1F  }
0x15: {  	s9 =	simm.s32 $0x500;
	s11 =	simm.s32 $0x600;
	s15 =	simm.s32 $0x700  }
0x16: {  	s16 =	simm.s32 $0xF00;
	s17 =	simm.s32 $0x780;
	[dreg:$0x4] =	wrdreg s20  }
0x17: {  	s10 =	sshrl.u32 s23, $0x5;
	s0 =	sadd.s32 s8, s0;
	s13 =	sadd.s32 s8, s12  }
0x18: {  	s21 =	sshrl.u32 s18, $0x3;
	s23 =	sshll.u32 s6, $0x8;
	[dreg:$0x10] =	wrdreg s24  }
0x19: {  	s24 =	simm.s32 $0x80;
	s6 =	simm.s32 $0x880;
	[dreg:$0xb] =	wrdreg s0  }
0x1a: {  	s12 =	simm.s32 $0xE00;
	s18 =	simm.s32 $0xF80;
	[dreg:$0xc] =	wrdreg s13  }
0x1b: {  	s0 =	sshrl.u32 s14, $0x3;
	s22 =	sadd.s32 s8, s21;
	s25 =	sadd.s32 s23, s7  }
0x1c: {  	s21 =	simm.s32 $0x1000;
	s7 =	simm.s32 $0x100;
	s13 =	simm.s32 $0x680  }
0x1d: {  	s14 =	simm.s32 $0xE80;
	s0 =	sadd.s32 s8, s0;
	[dreg:$0xf] =	wrdreg s22  }
.Ltmp0:
0x1e: {  	s26 =	sadd.s32 $0x2200, s25;
	s22 =	simm.s32 $0x5;
	(pc) =	sbr.rel .LBB2_1-.Ltmp0, $4  }
0x1f: {  	s25 =	simm.s32 $0x1;
	[dreg:$0xd] =	wrdreg s0;
	s0 =	sadd.s32 s8, s19  }
0x20: {  	[dreg:$0x11] =	wrdreg s26;
	s26 =	simm.s32 $0x5000;
	s8 =	simm.s32 $0x0  }
0x21: {  	[dreg:$0xe] =	wrdreg s0;
	s0 =	sadd.s32 s23, s1;
	s23 =	simm.s32 $0x800  }
0x22: {  	v0 =	vimm.f32 $0.0e+00;
	s1 =	simm.s32 $0x4;
	[dreg:$0x12] =	wrdreg s0;
	s0 =	simm.s32 $0xD80  }
.LBB2_7:
0x23: {  	s5 =	simm.s32 @!p0 $0x0;
	s6 =	rddreg [dreg:$0x9];
	s19 =	simm.s32 @!p0 $0x5  }
0x24: {  	[tilespmem:s5], [sflag:$0x5] =	stream.linear.gather @!p0 [hbm4b:s6+s5], $0x200, $0x38;
	[tilespmem:$0x1D000] =	vst v63  }
0x25: {  	_ =	swait.ge @!p0 [sflag:s19], $0x200  }
0x26: {  	[sflag:s19] =	ssyncset.done @!p0 $0x0  }
0x27: {  	s20 =	simm.s32 @!p0 $0x800;
	s6 =	rddreg [dreg:$0xa];
	[sflag:s19] =	ssyncadd.s32 @!p0 $0xFFFFFE00  }
0x28: {  	[tilespmem:s20], [sflag:$0x5] =	stream.linear.gather @!p0 [hbm4b:s6+s5], $0x200, $0x38;
	[tilespmem:$0x1D000] =	vst v63  }
0x29: {  	_ =	swait.ge @!p0 [sflag:s19], $0x200  }
0x2a: {  	[sflag:s19] =	ssyncset.done @!p0 $0x0  }
0x2b: {  	s7 =	simm.s32 @!p0 $0x1000;
	s6 =	simm.s32 @!p0 $0x80;
	[sflag:s19] =	ssyncadd.s32 @!p0 $0xFFFFFE00  }
0x2c: {  	[tilespmem:s7], [sflag:$0x1] =	stream.indirect.gather @!p0 [hbm4b:s4+s6], $0x80, s5, s6, $0xb8;
	[tilespmem:$0x1D000] =	vst v63  }
0x2d: {  	s5 =	simm.s32 @!p0 $0x1  }
0x2e: {  	_ =	swait.ge @!p0 [sflag:s5], $0x4000  }
0x2f: {  	[sflag:s5] =	ssyncset.done @!p0 $0x0  }
0x30: {  	[sflag:s5] =	ssyncadd.s32 @!p0 $0xFFFFC000  }
0x31: {  	[spmem:s2] =	stream.indirect.scatter.add.f32 @!p0 [tilespmem:s7], [sflag:$0x5], $0x80, s20, s6, $0xb8;
	[tilespmem:$0x1D000] =	vst v63  }
0x32: {  	_ =	swait.ge @!p0 [sflag:s19], $0x4000  }
0x33: {  	[sflag:s19] =	ssyncset.done @!p0 $0x0  }
0x34: {  	[sflag:s19] =	ssyncadd.s32 @!p0 $0xFFFFC000  }
0x35: {  	[tilespmem:s7], [sflag:$0x1] =	stream.indirect.gather @!p0 [hbm4b:s4+s6], $0x80, s6, s6, $0xb8;
	[tilespmem:$0x1D000] =	vst v63  }
0x36: {  	_ =	swait.ge @!p0 [sflag:s5], $0x4000  }
0x37: {  	[sflag:s5] =	ssyncset.done @!p0 $0x0  }
0x38: {  	s20 =	simm.s32 @!p0 $0x880;
	[sflag:s5] =	ssyncadd.s32 @!p0 $0xFFFFC000  }
0x39: {  	[spmem:s2] =	stream.indirect.scatter.add.f32 @!p0 [tilespmem:s7], [sflag:$0x5], $0x80, s20, s6, $0xb8;
	[tilespmem:$0x1D000] =	vst v63  }
0x3a: {  	_ =	swait.ge @!p0 [sflag:s19], $0x4000  }
0x3b: {  	[sflag:s19] =	ssyncset.done @!p0 $0x0  }
0x3c: {  	s20 =	simm.s32 @!p0 $0x100;
	[sflag:s19] =	ssyncadd.s32 @!p0 $0xFFFFC000  }
0x3d: {  	[tilespmem:s7], [sflag:$0x1] =	stream.indirect.gather @!p0 [hbm4b:s4+s6], $0x80, s20, s6, $0xb8;
	[tilespmem:$0x1D000] =	vst v63  }
0x3e: {  	_ =	swait.ge @!p0 [sflag:s5], $0x4000  }
0x3f: {  	[sflag:s5] =	ssyncset.done @!p0 $0x0  }
0x40: {  	s20 =	simm.s32 @!p0 $0x900;
	[sflag:s5] =	ssyncadd.s32 @!p0 $0xFFFFC000  }
0x41: {  	[spmem:s2] =	stream.indirect.scatter.add.f32 @!p0 [tilespmem:s7], [sflag:$0x5], $0x80, s20, s6, $0xb8;
	[tilespmem:$0x1D000] =	vst v63  }
0x42: {  	_ =	swait.ge @!p0 [sflag:s19], $0x4000  }
0x43: {  	[sflag:s19] =	ssyncset.done @!p0 $0x0  }
0x44: {  	s20 =	simm.s32 @!p0 $0x180;
	[sflag:s19] =	ssyncadd.s32 @!p0 $0xFFFFC000  }
0x45: {  	[tilespmem:s7], [sflag:$0x1] =	stream.indirect.gather @!p0 [hbm4b:s4+s6], $0x80, s20, s6, $0xb8;
	[tilespmem:$0x1D000] =	vst v63  }
0x46: {  	_ =	swait.ge @!p0 [sflag:s5], $0x4000  }
0x47: {  	[sflag:s5] =	ssyncset.done @!p0 $0x0  }
0x48: {  	[sflag:s5] =	ssyncadd.s32 @!p0 $0xFFFFC000;
	s5 =	simm.s32 @!p0 $0x980  }
0x49: {  	[spmem:s2] =	stream.indirect.scatter.add.f32 @!p0 [tilespmem:s7], [sflag:$0x5], $0x80, s5, s6, $0xb8;
	[tilespmem:$0x1D000] =	vst v63  }
0x4a: {  	_ =	swait.ge @!p0 [sflag:s19], $0x4000  }
0x4b: {  	[sflag:s19] =	ssyncset.done @!p0 $0x0  }
0x4c: {  	[sflag:s19] =	ssyncadd.s32 @!p0 $0xFFFFC000  }
0x4d: {  	s7 =	stileid.u32;
	[bflag:$0x0] =	sbarrier.arrive $0xFFFF  }
0x4e: {  	s5 =	sshll.u32 s7, $0x6;
	s20 =	rddreg [dreg:$0x4]  }
0x4f: {  	s5 =	sor.u32 $0x1C05, s5;
	s19 =	rddreg [dreg:$0xb];
	s8 =	sshrl.u32 s20, $0x3  }
0x50: {  	[hbm:s19], [sflag:s5] =	dma.local [spmem:s8], $0x800  }
0x51: {  	_ =	swait.ge [sflag:s22], $0x800  }
0x52: {  	[sflag:s22] =	ssyncset.done $0x0;
	s8 =	rddreg [dreg:$0x5]  }
0x53: {  	s19 =	rddreg [dreg:$0xc];
	[sflag:s22] =	ssyncadd.s32 $0xFFFFF800;
	s6 =	sshrl.u32 s8, $0x3  }
0x54: {  	[hbm:s19], [sflag:s5] =	dma.local [spmem:s6], $0x800  }
0x55: {  	_ =	swait.ge [sflag:s22], $0x800  }
0x56: {  	[sflag:s22] =	ssyncset.done $0x0;
	s8 =	rddreg [dreg:$0x6]  }
0x57: {  	s19 =	rddreg [dreg:$0xd];
	[sflag:s22] =	ssyncadd.s32 $0xFFFFF800;
	s6 =	sshrl.u32 s8, $0x3  }
0x58: {  	[hbm:s19], [sflag:s5] =	dma.local [spmem:s6], $0x800  }
0x59: {  	_ =	swait.ge [sflag:s22], $0x800  }
0x5a: {  	[sflag:s22] =	ssyncset.done $0x0;
	s8 =	rddreg [dreg:$0x7]  }
0x5b: {  	s19 =	rddreg [dreg:$0xe];
	[sflag:s22] =	ssyncadd.s32 $0xFFFFF800;
	s6 =	sshrl.u32 s8, $0x3  }
0x5c: {  	[hbm:s19], [sflag:s5] =	dma.local [spmem:s6], $0x800  }
0x5d: {  	_ =	swait.ge [sflag:s22], $0x800  }
0x5e: {  	[sflag:s22] =	ssyncset.done $0x0;
	s7 =	rddreg [dreg:$0x8]  }
0x5f: {  	s8 =	rddreg [dreg:$0xf];
	[sflag:s22] =	ssyncadd.s32 $0xFFFFF800;
	s6 =	sshrl.u32 s7, $0x3  }
0x60: {  	[hbm:s8], [sflag:s5] =	dma.local [spmem:s6], $0x800  }
0x61: {  	_ =	swait.ge [sflag:s22], $0x800  }
0x62: {  	s8 =	rddreg [dreg:$0x13]  }
0x63: {  	s19 =	rddreg [dreg:$0x10];
	s8 =	sadd.s32 $0x1, s8  }
0x64: {  	p1 =	sne.s32 s8, s19  }
.Ltmp1:
0x65: {  	_ = 	snop;
	(pc) =	sbr.rel @!p1 .LBB2_8-.Ltmp1, $3  }
0x66: {  	_ =	sdelay $0x1  }
0x67: {  	[sflag:s22] =	ssyncset.done $0x0  }
0x68: {  	s7 =	simm.s32 $0x100;
	s6 =	simm.s32 $0x880;
	[sflag:s22] =	ssyncadd.s32 $0xFFFFF800  }
.LBB2_1:
0x69: {  	[dreg:$0x13] =	wrdreg s8;
	s5 =	simm.s32 $0x0;
	s19 =	simm.s32 $0x200  }
.LBB2_2:
0x6a: {  	p1 =	sne.s32 s19, $0xFE00;
	[tilespmem:s5+$0x1070] =	vst v0  }
0x6b: {  	[tilespmem:s5+$0x1000] =	vst v0  }
0x6c: {  	[tilespmem:s5+$0x1010] =	vst v0  }
.Ltmp2:
0x6d: {  	[tilespmem:s5+$0x1020] =	vst v0;
	(pc) =	sbr.rel @p1 .LBB2_2-.Ltmp2, $4  }
0x6e: {  	[tilespmem:s5+$0x1030] =	vst v0  }
0x6f: {  	[tilespmem:s5+$0x1040] =	vst v0  }
0x70: {  	[tilespmem:s5+$0x1050] =	vst v0  }
0x71: {  	[tilespmem:s5+$0x1060] =	vst v0;
	s5 =	sshra.s32 s19, $0x2;
	s19 =	sadd.s32 $0x200, s19  }
0x72: {  	[tilespmem:s5+$0x1070] =	vst v0  }
0x73: {  	[tilespmem:s5+$0x1000] =	vst v0  }
0x74: {  	[tilespmem:s5+$0x1010] =	vst v0  }
0x75: {  	[tilespmem:s5+$0x1020] =	vst v0  }
0x76: {  	[tilespmem:s5+$0x1030] =	vst v0  }
0x77: {  	[tilespmem:s5+$0x1040] =	vst v0  }
0x78: {  	[tilespmem:s5+$0x1050] =	vst v0  }
0x79: {  	[tilespmem:s5+$0x1060] =	vst v0  }
0x7a: {  	[spmem:s20] =	stream.linear.scatter [tilespmem:s21], [sflag:$0x5], $0x4000, $0x38;
	[tilespmem:$0x1D000] =	vst v63  }
0x7b: {  	_ =	swait.ge [sflag:s22], $0x4000  }
0x7c: {  	[sflag:s22] =	ssyncset.done $0x0  }
0x7d: {  	s20 =	rddreg [dreg:$0x5];
	[sflag:s22] =	ssyncadd.s32 $0xFFFFC000  }
0x7e: {  	[spmem:s20] =	stream.linear.scatter [tilespmem:s21], [sflag:$0x5], $0x4000, $0x38;
	[tilespmem:$0x1D000] =	vst v63  }
0x7f: {  	_ =	swait.ge [sflag:s22], $0x4000  }
0x80: {  	[sflag:s22] =	ssyncset.done $0x0  }
0x81: {  	s8 =	rddreg [dreg:$0x6];
	[sflag:s22] =	ssyncadd.s32 $0xFFFFC000  }
0x82: {  	[spmem:s8] =	stream.linear.scatter [tilespmem:s21], [sflag:$0x5], $0x4000, $0x38;
	[tilespmem:$0x1D000] =	vst v63  }
0x83: {  	_ =	swait.ge [sflag:s22], $0x4000  }
0x84: {  	[sflag:s22] =	ssyncset.done $0x0  }
0x85: {  	s19 =	rddreg [dreg:$0x7];
	[sflag:s22] =	ssyncadd.s32 $0xFFFFC000  }
0x86: {  	[spmem:s19] =	stream.linear.scatter [tilespmem:s21], [sflag:$0x5], $0x4000, $0x38;
	[tilespmem:$0x1D000] =	vst v63  }
0x87: {  	_ =	swait.ge [sflag:s22], $0x4000  }
0x88: {  	[sflag:s22] =	ssyncset.done $0x0  }
0x89: {  	s20 =	rddreg [dreg:$0x8];
	[sflag:s22] =	ssyncadd.s32 $0xFFFFC000  }
0x8a: {  	[spmem:s20] =	stream.linear.scatter [tilespmem:s21], [sflag:$0x5], $0x4000, $0x38;
	[tilespmem:$0x1D000] =	vst v63  }
0x8b: {  	_ =	swait.ge [sflag:s22], $0x4000  }
.Ltmp3:
0x8c: {  	[sflag:s22] =	ssyncset.done $0x0;
	(pc) =	sbr.rel .LBB2_4-.Ltmp3, $4  }
0x8d: {  	[sflag:s22] =	ssyncadd.s32 $0xFFFFC000  }
0x8e: {  	[bflag:$0x0] =	sbarrier.arrive $0xFFFF  }
0x8f: {  	s20 =	rddreg [dreg:$0x12]  }
0x90: {  	s19 =	simm.s32 $0x0;
	s5 =	rddreg [dreg:$0x11]  }
.LBB2_6:
0x91: {  	s19 =	sadd.s32 $0x1, s19  }
0x92: {  	p1 =	sne.s32 s19, $0x5  }
.Ltmp4:
0x93: {  	_ = 	snop;
	(pc) =	sbr.rel @!p1 .LBB2_7-.Ltmp4, $2  }
0x94: {  	_ =	sdelay $0x2  }
0x95: {  	s5 =	sadd.s32 $0x2000, s5;
	s20 =	sadd.s32 $0x2000, s20  }
.LBB2_4:
0x96: {  	p1 =	sge.u32 s19, s10  }
.Ltmp5:
0x97: {  	_ = 	snop;
	(pc) =	sbr.rel @p1 .LBB2_6-.Ltmp5, $1  }
0x98: {  	_ =	sdelay $0x3  }
0x99: {  	[tilespmem:s3], [sflag:$0x5] =	stream.linear.gather [hbm4b:s5+s3], $0x800, $0x38;
	[tilespmem:$0x1D000] =	vst v63  }
0x9a: {  	_ =	swait.ge [sflag:s22], $0x800  }
0x9b: {  	[sflag:s22] =	ssyncset.done $0x0  }
0x9c: {  	[sflag:s22] =	ssyncadd.s32 $0xFFFFF800  }
0x9d: {  	[tilespmem:s23], [sflag:$0x5] =	stream.linear.gather [hbm4b:s20+s3], $0x800, $0x38;
	[tilespmem:$0x1D000] =	vst v63  }
0x9e: {  	_ =	swait.ge [sflag:s22], $0x800  }
0x9f: {  	[sflag:s22] =	ssyncset.done $0x0  }
0xa0: {  	[sflag:s22] =	ssyncadd.s32 $0xFFFFF800  }
0xa1: {  	[tilespmem:s21], [sflag:$0x1] =	stream.indirect.gather [hbm4b:s4+s24], $0x80, s3, s24, $0xb8;
	[tilespmem:$0x1D000] =	vst v63  }
0xa2: {  	_ =	swait.ge [sflag:s25], $0x4000  }
0xa3: {  	[sflag:s25] =	ssyncset.done $0x0  }
0xa4: {  	[sflag:s25] =	ssyncadd.s32 $0xFFFFC000  }
0xa5: {  	[spmem:s2] =	stream.indirect.scatter.add.f32 [tilespmem:s21], [sflag:$0x3], $0x80, s23, s24, $0xb8;
	[tilespmem:$0x1D000] =	vst v63  }
0xa6: {  	_ = 	snop  }
0xa7: {  	[tilespmem:s26], [sflag:$0x2] =	stream.indirect.gather [hbm4b:s4+s24], $0x80, s24, s24, $0xb8;
	[tilespmem:$0x1D000] =	vst v63  }
0xa8: {  	_ =	swait.ge [sflag:s28], $0x4000  }
0xa9: {  	[sflag:s28] =	ssyncset.done $0x0  }
0xaa: {  	[sflag:s28] =	ssyncadd.s32 $0xFFFFC000  }
0xab: {  	[spmem:s2] =	stream.indirect.scatter.add.f32 [tilespmem:s26], [sflag:$0x4], $0x80, s6, s24, $0xb8;
	[tilespmem:$0x1D000] =	vst v63  }
0xac: {  	_ =	swait.ge [sflag:s30], $0x4000  }
0xad: {  	[sflag:s30] =	ssyncset.done $0x0  }
0xae: {  	[sflag:s30] =	ssyncadd.s32 $0xFFFFC000  }
0xaf: {  	[tilespmem:s21], [sflag:$0x1] =	stream.indirect.gather [hbm4b:s4+s24], $0x80, s7, s24, $0xb8;
	[tilespmem:$0x1D000] =	vst v63  }
0xb0: {  	_ =	swait.ge [sflag:s25], $0x4000  }
0xb1: {  	[sflag:s25] =	ssyncset.done $0x0  }
0xb2: {  	s8 =	simm.s32 $0x900;
	[sflag:s25] =	ssyncadd.s32 $0xFFFFC000  }
0xb3: {  	[spmem:s2] =	stream.indirect.scatter.add.f32 [tilespmem:s21], [sflag:$0x3], $0x80, s8, s24, $0xb8;
	[tilespmem:$0x1D000] =	vst v63  }
0xb4: {  	_ =	swait.ge [sflag:s1], $0x4000  }
0xb5: {  	[sflag:s1] =	ssyncset.done $0x0  }
0xb6: {  	s8 =	simm.s32 $0x180;
	[sflag:s1] =	ssyncadd.s32 $0xFFFFC000  }
0xb7: {  	[tilespmem:s26], [sflag:$0x2] =	stream.indirect.gather [hbm4b:s4+s24], $0x80, s8, s24, $0xb8;
	[tilespmem:$0x1D000] =	vst v63  }
0xb8: {  	_ =	swait.ge [sflag:s28], $0x4000  }
0xb9: {  	[sflag:s28] =	ssyncset.done $0x0  }
0xba: {  	s8 =	simm.s32 $0x980;
	[sflag:s28] =	ssyncadd.s32 $0xFFFFC000  }
0xbb: {  	[spmem:s2] =	stream.indirect.scatter.add.f32 [tilespmem:s26], [sflag:$0x4], $0x80, s8, s24, $0xb8;
	[tilespmem:$0x1D000] =	vst v63  }
0xbc: {  	_ =	swait.ge [sflag:s30], $0x4000  }
0xbd: {  	[sflag:s30] =	ssyncset.done $0x0  }
0xbe: {  	s8 =	simm.s32 $0x200;
	[sflag:s30] =	ssyncadd.s32 $0xFFFFC000  }
0xbf: {  	[tilespmem:s21], [sflag:$0x1] =	stream.indirect.gather [hbm4b:s4+s24], $0x80, s8, s24, $0xb8;
	[tilespmem:$0x1D000] =	vst v63  }
0xc0: {  	_ =	swait.ge [sflag:s25], $0x4000  }
0xc1: {  	[sflag:s25] =	ssyncset.done $0x0  }
0xc2: {  	s8 =	simm.s32 $0xA00;
	[sflag:s25] =	ssyncadd.s32 $0xFFFFC000  }
0xc3: {  	[spmem:s2] =	stream.indirect.scatter.add.f32 [tilespmem:s21], [sflag:$0x3], $0x80, s8, s24, $0xb8;
	[tilespmem:$0x1D000] =	vst v63  }
0xc4: {  	_ =	swait.ge [sflag:s1], $0x4000  }
0xc5: {  	[sflag:s1] =	ssyncset.done $0x0  }
0xc6: {  	s8 =	simm.s32 $0x280;
	[sflag:s1] =	ssyncadd.s32 $0xFFFFC000  }
0xc7: {  	[tilespmem:s26], [sflag:$0x2] =	stream.indirect.gather [hbm4b:s4+s24], $0x80, s8, s24, $0xb8;
	[tilespmem:$0x1D000] =	vst v63  }
0xc8: {  	_ =	swait.ge [sflag:s28], $0x4000  }
0xc9: {  	[sflag:s28] =	ssyncset.done $0x0  }
0xca: {  	s8 =	simm.s32 $0xA80;
	[sflag:s28] =	ssyncadd.s32 $0xFFFFC000  }
0xcb: {  	[spmem:s2] =	stream.indirect.scatter.add.f32 [tilespmem:s26], [sflag:$0x4], $0x80, s8, s24, $0xb8;
	[tilespmem:$0x1D000] =	vst v63  }
0xcc: {  	_ =	swait.ge [sflag:s30], $0x4000  }
0xcd: {  	[sflag:s30] =	ssyncset.done $0x0  }
0xce: {  	s8 =	simm.s32 $0x300;
	[sflag:s30] =	ssyncadd.s32 $0xFFFFC000  }
0xcf: {  	[tilespmem:s21], [sflag:$0x1] =	stream.indirect.gather [hbm4b:s4+s24], $0x80, s8, s24, $0xb8;
	[tilespmem:$0x1D000] =	vst v63  }
0xd0: {  	_ =	swait.ge [sflag:s25], $0x4000  }
0xd1: {  	[sflag:s25] =	ssyncset.done $0x0  }
0xd2: {  	s8 =	simm.s32 $0xB00;
	[sflag:s25] =	ssyncadd.s32 $0xFFFFC000  }
0xd3: {  	[spmem:s2] =	stream.indirect.scatter.add.f32 [tilespmem:s21], [sflag:$0x3], $0x80, s8, s24, $0xb8;
	[tilespmem:$0x1D000] =	vst v63  }
0xd4: {  	_ =	swait.ge [sflag:s1], $0x4000  }
0xd5: {  	[sflag:s1] =	ssyncset.done $0x0  }
0xd6: {  	s8 =	simm.s32 $0x380;
	[sflag:s1] =	ssyncadd.s32 $0xFFFFC000  }
0xd7: {  	[tilespmem:s26], [sflag:$0x2] =	stream.indirect.gather [hbm4b:s4+s24], $0x80, s8, s24, $0xb8;
	[tilespmem:$0x1D000] =	vst v63  }
0xd8: {  	_ =	swait.ge [sflag:s28], $0x4000  }
0xd9: {  	[sflag:s28] =	ssyncset.done $0x0  }
0xda: {  	s8 =	simm.s32 $0xB80;
	[sflag:s28] =	ssyncadd.s32 $0xFFFFC000  }
0xdb: {  	[spmem:s2] =	stream.indirect.scatter.add.f32 [tilespmem:s26], [sflag:$0x4], $0x80, s8, s24, $0xb8;
	[tilespmem:$0x1D000] =	vst v63  }
0xdc: {  	_ =	swait.ge [sflag:s30], $0x4000  }
0xdd: {  	[sflag:s30] =	ssyncset.done $0x0  }
0xde: {  	s8 =	simm.s32 $0x400;
	[sflag:s30] =	ssyncadd.s32 $0xFFFFC000  }
0xdf: {  	[tilespmem:s21], [sflag:$0x1] =	stream.indirect.gather [hbm4b:s4+s24], $0x80, s8, s24, $0xb8;
	[tilespmem:$0x1D000] =	vst v63  }
0xe0: {  	_ =	swait.ge [sflag:s25], $0x4000  }
0xe1: {  	[sflag:s25] =	ssyncset.done $0x0  }
0xe2: {  	s8 =	simm.s32 $0xC00;
	[sflag:s25] =	ssyncadd.s32 $0xFFFFC000  }
0xe3: {  	[spmem:s2] =	stream.indirect.scatter.add.f32 [tilespmem:s21], [sflag:$0x3], $0x80, s8, s24, $0xb8;
	[tilespmem:$0x1D000] =	vst v63  }
0xe4: {  	_ =	swait.ge [sflag:s1], $0x4000  }
0xe5: {  	[sflag:s1] =	ssyncset.done $0x0  }
0xe6: {  	s8 =	simm.s32 $0x480;
	[sflag:s1] =	ssyncadd.s32 $0xFFFFC000  }
0xe7: {  	[tilespmem:s26], [sflag:$0x2] =	stream.indirect.gather [hbm4b:s4+s24], $0x80, s8, s24, $0xb8;
	[tilespmem:$0x1D000] =	vst v63  }
0xe8: {  	_ =	swait.ge [sflag:s28], $0x4000  }
0xe9: {  	[sflag:s28] =	ssyncset.done $0x0  }
0xea: {  	s8 =	simm.s32 $0xC80;
	[sflag:s28] =	ssyncadd.s32 $0xFFFFC000  }
0xeb: {  	[spmem:s2] =	stream.indirect.scatter.add.f32 [tilespmem:s26], [sflag:$0x4], $0x80, s8, s24, $0xb8;
	[tilespmem:$0x1D000] =	vst v63  }
0xec: {  	_ =	swait.ge [sflag:s30], $0x4000  }
0xed: {  	[sflag:s30] =	ssyncset.done $0x0  }
0xee: {  	[sflag:s30] =	ssyncadd.s32 $0xFFFFC000  }
0xef: {  	[tilespmem:s21], [sflag:$0x1] =	stream.indirect.gather [hbm4b:s4+s24], $0x80, s9, s24, $0xb8;
	[tilespmem:$0x1D000] =	vst v63  }
0xf0: {  	_ =	swait.ge [sflag:s25], $0x4000  }
0xf1: {  	[sflag:s25] =	ssyncset.done $0x0  }
0xf2: {  	[sflag:s25] =	ssyncadd.s32 $0xFFFFC000  }
0xf3: {  	[spmem:s2] =	stream.indirect.scatter.add.f32 [tilespmem:s21], [sflag:$0x3], $0x80, s29, s24, $0xb8;
	[tilespmem:$0x1D000] =	vst v63  }
0xf4: {  	_ =	swait.ge [sflag:s1], $0x4000  }
0xf5: {  	[sflag:s1] =	ssyncset.done $0x0  }
0xf6: {  	[sflag:s1] =	ssyncadd.s32 $0xFFFFC000  }
0xf7: {  	[tilespmem:s26], [sflag:$0x2] =	stream.indirect.gather [hbm4b:s4+s24], $0x80, s31, s24, $0xb8;
	[tilespmem:$0x1D000] =	vst v63  }
0xf8: {  	_ =	swait.ge [sflag:s28], $0x4000  }
0xf9: {  	[sflag:s28] =	ssyncset.done $0x0  }
0xfa: {  	[sflag:s28] =	ssyncadd.s32 $0xFFFFC000  }
0xfb: {  	[spmem:s2] =	stream.indirect.scatter.add.f32 [tilespmem:s26], [sflag:$0x4], $0x80, s0, s24, $0xb8;
	[tilespmem:$0x1D000] =	vst v63  }
0xfc: {  	_ =	swait.ge [sflag:s30], $0x4000  }
0xfd: {  	[sflag:s30] =	ssyncset.done $0x0  }
0xfe: {  	[sflag:s30] =	ssyncadd.s32 $0xFFFFC000  }
0xff: {  	[tilespmem:s21], [sflag:$0x1] =	stream.indirect.gather [hbm4b:s4+s24], $0x80, s11, s24, $0xb8;
	[tilespmem:$0x1D000] =	vst v63  }
0x100: {  	_ =	swait.ge [sflag:s25], $0x4000  }
0x101: {  	[sflag:s25] =	ssyncset.done $0x0  }
0x102: {  	[sflag:s25] =	ssyncadd.s32 $0xFFFFC000  }
0x103: {  	[spmem:s2] =	stream.indirect.scatter.add.f32 [tilespmem:s21], [sflag:$0x3], $0x80, s12, s24, $0xb8;
	[tilespmem:$0x1D000] =	vst v63  }
0x104: {  	_ =	swait.ge [sflag:s1], $0x4000  }
0x105: {  	[sflag:s1] =	ssyncset.done $0x0  }
0x106: {  	[sflag:s1] =	ssyncadd.s32 $0xFFFFC000  }
0x107: {  	[tilespmem:s26], [sflag:$0x2] =	stream.indirect.gather [hbm4b:s4+s24], $0x80, s13, s24, $0xb8;
	[tilespmem:$0x1D000] =	vst v63  }
0x108: {  	_ =	swait.ge [sflag:s28], $0x4000  }
0x109: {  	[sflag:s28] =	ssyncset.done $0x0  }
0x10a: {  	[sflag:s28] =	ssyncadd.s32 $0xFFFFC000  }
0x10b: {  	[spmem:s2] =	stream.indirect.scatter.add.f32 [tilespmem:s26], [sflag:$0x4], $0x80, s14, s24, $0xb8;
	[tilespmem:$0x1D000] =	vst v63  }
0x10c: {  	_ =	swait.ge [sflag:s30], $0x4000  }
0x10d: {  	[sflag:s30] =	ssyncset.done $0x0  }
0x10e: {  	[sflag:s30] =	ssyncadd.s32 $0xFFFFC000  }
0x10f: {  	[tilespmem:s21], [sflag:$0x1] =	stream.indirect.gather [hbm4b:s4+s24], $0x80, s15, s24, $0xb8;
	[tilespmem:$0x1D000] =	vst v63  }
0x110: {  	_ =	swait.ge [sflag:s25], $0x4000  }
0x111: {  	[sflag:s25] =	ssyncset.done $0x0  }
0x112: {  	[sflag:s25] =	ssyncadd.s32 $0xFFFFC000  }
0x113: {  	[spmem:s2] =	stream.indirect.scatter.add.f32 [tilespmem:s21], [sflag:$0x3], $0x80, s16, s24, $0xb8;
	[tilespmem:$0x1D000] =	vst v63  }
0x114: {  	_ =	swait.ge [sflag:s1], $0x4000  }
0x115: {  	[sflag:s1] =	ssyncset.done $0x0  }
0x116: {  	[sflag:s1] =	ssyncadd.s32 $0xFFFFC000  }
0x117: {  	[tilespmem:s26], [sflag:$0x2] =	stream.indirect.gather [hbm4b:s4+s24], $0x80, s17, s24, $0xb8;
	[tilespmem:$0x1D000] =	vst v63  }
0x118: {  	_ =	swait.ge [sflag:s28], $0x4000  }
0x119: {  	[sflag:s28] =	ssyncset.done $0x0  }
0x11a: {  	[sflag:s28] =	ssyncadd.s32 $0xFFFFC000  }
0x11b: {  	[spmem:s2] =	stream.indirect.scatter.add.f32 [tilespmem:s26], [sflag:$0x4], $0x80, s18, s24, $0xb8;
	[tilespmem:$0x1D000] =	vst v63  }
0x11c: {  	_ =	swait.ge [sflag:s30], $0x4000  }
.Ltmp6:
0x11d: {  	[sflag:s30] =	ssyncset.done $0x0;
	(pc) =	sbr.rel .LBB2_6-.Ltmp6, $4  }
0x11e: {  	[sflag:s30] =	ssyncadd.s32 $0xFFFFC000  }
0x11f: {  	_ =	swait.ge [sflag:s1], $0x4000  }
0x120: {  	[sflag:s1] =	ssyncset.done $0x0  }
0x121: {  	[sflag:s1] =	ssyncadd.s32 $0xFFFFC000  }
.LBB2_8:
0x122: {  	_ =	sfence.sel $0x180000  }
0x123: {  	[bflag:$0x0] =	sbarrier.arrive $0xFFFF  }
0x124: {  	_ =	strace $0x9000004A  }
0x125: {  	s0 =	stileid.u32;
	[bflag:$0x2] =	sbarrier.arrive $0xFFFF  }
0x126: {  	p0 =	sne.s32 s0, $0x0;
	s0 =	rddreg [dreg:$0x3]  }
0x127: {  	s0 =	sadd.s32 @!p0 $0x100000, s0  }
0x128: {  	[sflag:s0] =	ssyncadd.tile.s32 @!p0 $0x1;
	_ =	shalt  }
.Lfunc_end2:
_tile_overlayer_lowered:
.L_overlay_start_2:
0x129: {  	(tag) =	ssettag $0x2  }
0x12a: {  	s0 =	rddreg [dreg:$0x0];
	s2 =	stileid.u32  }
0x12b: {  	s1 =	rddreg [dreg:$0x1];
	p0 =	sne.s32 s2, $0x0  }
0x12c: {  	s3 =	rddreg [dreg:$0x2];
	[bflag:$0x3] =	sbarrier.arrive $0xFFFF;
	s2 =	simm.s32 @!p0 $0x1C05  }
0x12d: {  	[timem:s3], [sflag:s2] =	dma.local @!p0 [hbm:s0], s1  }
0x12e: {  	s0 =	simm.s32 @!p0 $0x5  }
0x12f: {  	_ =	swait.ge @!p0 [sflag:s0], s1  }
0x130: {  	s1 =	ssub.s32 @!p0 $0x0, s1;
	[sflag:s0] =	ssyncset.done @!p0 $0x0  }
0x131: {  	[sflag:s0] =	ssyncadd.s32 @!p0 s1  }
0x132: {  	[bflag:$0x3] =	sbarrier.arrive $0xFFFF  }
0x133: {  	_ =	shalt  }

// kernel: kernel.14.cloned.1.call-start
scs
__scs_entry_jumppad:
0x0: {  	(pc) =	sbr.rel $0x88, $3  }
0x1: {  	(tag) =	ssettag $0x0;
	lr =	simm.s32 $0x1  }
0x2: {  	[smem:$0x3F99] =	sst lr;
	_ =	strace $0xD0000000  }
0x3: {  	_ = 	snop  }
0x4: {  	_ = 	snop  }
0x5: {  	_ = 	snop  }
0x6: {  	_ = 	snop  }
0x7: {  	_ = 	snop  }
__scs_overlays_trampoline_lowered:
0x8: {  	[smem:$0x3FA8] =	sst s0  }
0x9: {  	[smem:$0x3FA9] =	sst s1  }
0xa: {  	[smem:$0x3FAA] =	sst s2  }
0xb: {  	[smem:$0x3FAB] =	sst s3  }
0xc: {  	[smem:$0x3FAC] =	sst s4  }
0xd: {  	[smem:$0x3FAD] =	sst s5  }
0xe: {  	[smem:$0x3FAE] =	sst s6  }
0xf: {  	[smem:$0x3FAF] =	sst s7  }
0x10: {  	[smem:$0x3FB0] =	sst s8  }
0x11: {  	[smem:$0x3FB1] =	sst s9;
	s0 =	simm.s32 @!p0 $0x0  }
0x12: {  	s1 =	sld [smem:$0x3F97];
	s0 =	simm.s32 @p0 $0x1  }
0x13: {  	[smem:$0x3FB2] =	sst s0;
	s0 =	simm.s32 @!p1 $0x0  }
0x14: {  	s2 =	sld [smem:$0x3F96];
	s0 =	simm.s32 @p1 $0x1  }
0x15: {  	[smem:$0x3FB3] =	sst s0;
	s0 =	simm.s32 @!p2 $0x0  }
0x16: {  	s3 =	sld [smem:$0x3FDB];
	s0 =	simm.s32 @p2 $0x1  }
0x17: {  	s4 =	simm.s32 $0x1BF5;
	[smem:$0x3FB5] =	sst s0  }
0x18: {  	s0 =	sld [smem:$0x3F98];
	_ =	swait.ge [sflag:s4], $0x0  }
0x19: {  	s7 =	sld [smem:$0x3F99]  }
0x1a: {  	s8 =	sadd.s32 $0xFFFFE003, lr  }
0x1b: {  	s9 =	sadd.s32 $0xFFFFFEF7, lr;
	s5 =	simm.s32 $0xFFFFFFFF;
	p2 =	slt.u32 s8, $0xFFFFF086  }
0x1c: {  	p1 =	slt.u32 s9, $0xF7A;
	s5 =	simm.s32 @!p2 $0x0  }
0x1d: {  	s5 =	simm.s32 @p1 $0x1;
	p0 =	seq.s32 s7, s2  }
0x1e: {  	s7 =	smul.u32 @!p0 $0xF7A, s2;
	p2 =	seq.s32 @!p0 s5, $0x0  }
0x1f: {  	s9 =	smul.u32 $0xF7A, s1;
	s8 =	simm.s32 @!p0 $0x1BF5;
	p2 =	por !p2, p0  }
0x20: {  	[sflag:s8] =	ssyncset.s32 @!p0 $0xFFFFF086;
	s6 =	sadd.s32 @!p0 s3, s7;
	s7 =	simm.s32 @!p0 $0x108  }
0x21: {  	s3 =	sadd.s32 s3, s9;
	s6 =	sadd.s32 @!p0 $0x88, s6;
	s7 =	simm.s32 @p2 $0x1082  }
0x22: {  	[simem:s7], [sflag:s8] =	dma.local @!p0 [hbm:s6], $0xF7A  }
0x23: {  	s9 =	sor.u32 $0xD0000000, s2;
	s6 =	simm.s32 $0x108;
	_ =	swait.ge @!p0 [sflag:s8], $0x0  }
0x24: {  	s3 =	sadd.s32 $0x88, s3;
	s6 =	simm.s32 @!p1 $0x1082;
	[sflag:s4] =	ssyncset.s32 $0xFFFFF086  }
0x25: {  	[simem:s6], [sflag:s4] =	dma.local [hbm:s3], $0xF7A  }
0x26: {  	[smem:$0x3F99] =	sst s1;
	(tag) =	ssettag s2;
	_ =	strace s9  }
0x27: {  	s1 =	sld [smem:$0x3FA9]  }
0x28: {  	s2 =	sld [smem:$0x3FAA]  }
0x29: {  	s4 =	sld [smem:$0x3FAC]  }
0x2a: {  	p0 =	seq.s32 s5, $0x0;
	s5 =	sld [smem:$0x3FAD]  }
0x2b: {  	s6 =	sld [smem:$0x3FAE]  }
0x2c: {  	s7 =	sld [smem:$0x3FAF]  }
0x2d: {  	s3 =	simm.s32 $0x108;
	s8 =	sld [smem:$0x3FB0]  }
0x2e: {  	s3 =	simm.s32 @!p0 $0x1082;
	s9 =	sld [smem:$0x3FB1]  }
0x2f: {  	lr =	sadd.s32 s0, s3;
	s0 =	sld [smem:$0x3FA8]  }
0x30: {  	s3 =	sld [smem:$0x3FAB]  }
0x31: {  	[smem:$0x3FB4] =	sst s10  }
0x32: {  	s10 =	sld [smem:$0x3FB2];
	_ =	sdelay $0x3  }
0x33: {  	p0 =	seq.s32 s10, $0x1;
	s10 =	sld [smem:$0x3FB4];
	_ =	sdelay $0x3  }
0x34: {  	[smem:$0x3FB4] =	sst s10  }
0x35: {  	s10 =	sld [smem:$0x3FB3];
	_ =	sdelay $0x3  }
0x36: {  	p1 =	seq.s32 s10, $0x1;
	s10 =	sld [smem:$0x3FB4];
	_ =	sdelay $0x3  }
0x37: {  	[smem:$0x3FB4] =	sst s10  }
0x38: {  	s10 =	sld [smem:$0x3FB5]  }
0x39: {  	_ = 	snop;
	(pc) =	sbr.ind lr, $3  }
0x3a: {  	_ = 	snop  }
0x3b: {  	_ = 	snop  }
0x3c: {  	p2 =	seq.s32 s10, $0x1;
	s10 =	sld [smem:$0x3FB4]  }
0x3d: {  	_ =	shalt  }
0x3e: {  	_ =	shalt  }
0x3f: {  	_ =	shalt  }
0x40: {  	_ =	shalt  }
0x41: {  	_ =	shalt  }
0x42: {  	_ =	shalt  }
0x43: {  	_ =	shalt  }
0x44: {  	_ =	shalt  }
0x45: {  	_ =	shalt  }
0x46: {  	_ =	shalt  }
0x47: {  	_ =	shalt  }
0x48: {  	_ =	shalt  }
0x49: {  	_ =	shalt  }
0x4a: {  	_ =	shalt  }
0x4b: {  	_ =	shalt  }
0x4c: {  	_ =	shalt  }
0x4d: {  	_ =	shalt  }
0x4e: {  	_ =	shalt  }
0x4f: {  	_ =	shalt  }
0x50: {  	_ =	shalt  }
0x51: {  	_ =	shalt  }
0x52: {  	_ =	shalt  }
0x53: {  	_ =	shalt  }
0x54: {  	_ =	shalt  }
0x55: {  	_ =	shalt  }
0x56: {  	_ =	shalt  }
0x57: {  	_ =	shalt  }
0x58: {  	_ =	shalt  }
0x59: {  	_ =	shalt  }
0x5a: {  	_ =	shalt  }
0x5b: {  	_ =	shalt  }
0x5c: {  	_ =	shalt  }
0x5d: {  	_ =	shalt  }
0x5e: {  	_ =	shalt  }
0x5f: {  	_ =	shalt  }
0x60: {  	_ =	shalt  }
0x61: {  	_ =	shalt  }
0x62: {  	_ =	shalt  }
0x63: {  	_ =	shalt  }
0x64: {  	_ =	shalt  }
0x65: {  	_ =	shalt  }
0x66: {  	_ =	shalt  }
0x67: {  	_ =	shalt  }
0x68: {  	_ =	shalt  }
0x69: {  	_ =	shalt  }
0x6a: {  	_ =	shalt  }
0x6b: {  	_ =	shalt  }
0x6c: {  	_ =	shalt  }
0x6d: {  	_ =	shalt  }
0x6e: {  	_ =	shalt  }
0x6f: {  	_ =	shalt  }
0x70: {  	_ =	shalt  }
0x71: {  	_ =	shalt  }
0x72: {  	_ =	shalt  }
0x73: {  	_ =	shalt  }
0x74: {  	_ =	shalt  }
0x75: {  	_ =	shalt  }
0x76: {  	_ =	shalt  }
0x77: {  	_ =	shalt  }
0x78: {  	_ =	shalt  }
0x79: {  	_ =	shalt  }
0x7a: {  	_ =	shalt  }
0x7b: {  	_ =	shalt  }
0x7c: {  	_ =	shalt  }
0x7d: {  	_ =	shalt  }
0x7e: {  	_ =	shalt  }
0x7f: {  	_ =	shalt  }
0x80: {  	_ =	shalt  }
0x81: {  	_ =	shalt  }
0x82: {  	_ =	shalt  }
0x83: {  	_ =	shalt  }
0x84: {  	_ =	shalt  }
0x85: {  	_ =	shalt  }
0x86: {  	_ =	shalt  }
0x87: {  	_ =	shalt  }
.Lfunc_end0:
.L_simem_size_0:
called_computation.2_lowered:
.L_overlay_start_0:
0x88: {  	s2 =	sld [smem:$0x3FD9]  }
0x89: {  	s3 =	sld [smem:$0x3FFE];
	_ =	sdelay $0x1  }
0x8a: {  	s1 =	srdreg.scid  }
0x8b: {  	s0 =	sand.u32 $0x1, s1  }
0x8c: {  	s17 =	sshll.u32 s0, $0xA;
	s2 =	sadd.s32 s3, s2  }
0x8d: {  	s2 =	sadd.s32 s2, s17  }
0x8e: {  	[smem:$0x3FC0] =	sst s2  }
0x8f: {  	_ = 	snop  }
0x90: {  	s2 =	sld [smem:$0x3FD0];
	(tm) =	ssettm $0x1  }
0x91: {  	s18 =	sld [smem:$0x3FFB];
	_ =	sdelay $0x3  }
0x92: {  	_ =	strace s18  }
0x93: {  	s3 =	sld [smem:$0x3FFC];
	_ =	sdelay $0x3  }
0x94: {  	_ =	strace s3  }
0x95: {  	s3 =	sld [smem:$0x3FFD];
	_ =	sdelay $0x3  }
0x96: {  	_ =	strace s3  }
0x97: {  	_ =	strace $0x8FFFFFFF  }
0x98: {  	s19 =	sld [smem:$0x3FDB];
	_ =	sdelay $0x1  }
0x99: {  	s4 =	simm.s32 $_scs_section_size  }
0x9a: {  	s5 =	simm.s32 $_size__tile_overlayer_lowered;
	s6 =	simm.s32 $_tile_overlayer_lowered  }
0x9b: {  	s22 =	simm.s32 $0x1BFF;
	s21 =	sshll.u32 s6, $0x1;
	s3 =	sadd.s32 s4, s19  }
0x9c: {  	s7 =	simm.s32 $0x0;
	s20 =	sshll.u32 s5, $0x1;
	s5 =	sadd.s32 s21, s3  }
0x9d: {  	[timem:s7], [sflag:s22] =	dma.local [hbm:s5], s20  }
0x9e: {  	_ =	swait.ge [sflag:s22], s20  }
0x9f: {  	s4 =	ssub.s32 $0x0, s20;
	[sflag:s22] =	ssyncset.done $0x0  }
0xa0: {  	[sflag:s22] =	ssyncadd.s32 s4;
	_ =	sdelay $0x1  }
0xa1: {  	s23 =	simm.s32 $0x1B8B  }
0xa2: {  	_ =	swait.ge [sflag:s23], $0x1  }
0xa3: {  	[sflag:s23] =	ssyncset.done $0x0  }
0xa4: {  	s25 =	simm.s32 $0x1B8E;
	s24 =	sld [smem:$0x3FFE];
	[sflag:s23] =	ssyncadd.s32 $0xFFFFFFFF  }
0xa5: {  	s26 =	simm.s32 $execute0_lowered;
	[smem:$0x3FD2] =	sst s25  }
0xa6: {  	s5 =	sshll.u32 s26, $0x1;
	_ =	strace $0x8000004C;
	[dreg:$0x1] =	wrdreg $0xFFFFFFFF  }
0xa7: {  	s28 =	simm.s32 $_size_execute0_lowered;
	s3 =	sadd.s32 s3, s5;
	[dreg:$0x0] =	wrdreg $0x0  }
0xa8: {  	s5 =	sshll.u32 s28, $0x1;
	[dreg:$0x2] =	wrdreg s3  }
0xa9: {  	[dreg:$0x3] =	wrdreg s5  }
0xaa: {  	[dreg:$0x4] =	wrdreg $0xC0  }
0xab: {  	_ =	task [dreg:s7], $0x5FFFF  }
0xac: {  	[dreg:$0x1] =	wrdreg $0xFFFFFFFF  }
0xad: {  	[dreg:$0x0] =	wrdreg $0x60  }
0xae: {  	[dreg:$0x2] =	wrdreg s24  }
0xaf: {  	[dreg:$0x3] =	wrdreg s2  }
0xb0: {  	[dreg:$0x4] =	wrdreg $0x90000  }
0xb1: {  	[dreg:$0x5] =	wrdreg $0x9  }
0xb2: {  	_ =	task.clear_ibuf [dreg:s7], $0x6FFFF;
	_ =	strace $0x9000004C  }
0xb3: {  	s29 =	simm.s32 $0x9;
	_ =	strace $0x8000004E  }
0xb4: {  	_ =	swait.ge [sflag:s29], $0x1  }
0xb5: {  	[sflag:s29] =	ssyncadd.s32 $0xFFFFFFFF  }
0xb6: {  	_ =	strace $0x9000004E  }
0xb7: {  	_ =	sfence  }
0xb8: {  	s30 =	sld [smem:$0x0];
	_ =	sdelay $0x2  }
0xb9: {  	s31 =	sshll.u32 s1, $0xD;
	s1 =	sshrl.u32 s1, $0x2  }
0xba: {  	s3 =	sand.u32 $0x4000, s31;
	s1 =	sadd.s32 s1, s30  }
0xbb: {  	s0 =	sor.u32 s3, s0;
	s1 =	sshll.u32 s1, $0x11  }
0xbc: {  	s0 =	sor.u32 s1, s0  }
0xbd: {  	s0 =	sadd.s32 $0x8F2B, s0  }
0xbe: {  	[sflag:s0] =	ssyncadd.remote.s32 $0x1  }
0xbf: {  	_ =	sfence.sel $0xFFFF  }
0xc0: {  	[dreg:$0x0] =	wrdreg $0xFFFFFFFF;
	(pc) =	sbr.abs _section_cstart, $3  }
0xc1: {  	[dreg:$0x1] =	wrdreg $0xFFFFFFFF  }
0xc2: {  	_ =	task.clear_ibuf [dreg:s7], $0x2FFFF;
	_ =	strace $0x9FFFFFFF  }
0xc3: {  	(tm) =	ssettm $0x7FFFFFFF  }
tec
execute0_lowered:
.L_overlay_start_1:
0x0: {  	(tag) =	ssettag $0x1  }
0x1: {  	s0 =	rddreg [dreg:$0x0]  }
0x2: {  	s1 =	rddreg [dreg:$0x1]  }
0x3: {  	s2 =	rddreg [dreg:$0x2];
	s3 =	simm.s32 $0x0  }
0x4: {  	s13 =	stileid.u32;
	s6 =	srdreg.scid;
	s28 =	simm.s32 $0x2  }
0x5: {  	s30 =	simm.s32 $0x3;
	s29 =	simm.s32 $0xD00;
	s31 =	simm.s32 $0x580  }
0x6: {  	[smem:$0x7FF] =	sst s3;
	s5 =	sshll.u32 s13, $0x9;
	s4 =	sadd.s32 $0x5C000, s0  }
0x7: {  	s6 =	sand.u32 $0x1, s6;
	s8 =	sadd.s32 $0x83200, s0;
	s10 =	smul.u32 $0x50000, s13  }
0x8: {  	s12 =	sshll.u32 s13, $0x1;
	s13 =	smul.u32 $0x14000, s13;
	s26 =	sadd.s32 $0x9C00, s1  }
0x9: {  	_ =	strace $0x8000004D;
	s7 =	sadd.s32 s5, s0;
	s9 =	ssub.s32 $0x2, s6  }
0xa: {  	s17 =	smul.u32 $0x140000, s6;
	s0 =	sadd.s32 $0xBE00, s0;
	[dreg:$0xa] =	wrdreg s26  }
0xb: {  	s1 =	sadd.s32 s5, s1;
	s11 =	sshrl.u32 s9, $0x1;
	s10 =	sshrl.u32 s10, $0x2  }
0xc: {  	s19 =	sadd.s32 $0x4000, s13;
	s14 =	sadd.s32 $0x8000, s13;
	s15 =	sadd.s32 $0xC000, s13  }
0xd: {  	s16 =	sadd.s32 $0x10000, s13;
	[dreg:$0x9] =	wrdreg s0;
	s9 =	ssub.s32 s9, s11  }
0xe: {  	s11 =	sor.u32 s6, s12;
	s20 =	sadd.s32 s10, s2;
	s21 =	sadd.s32 s19, s2  }
0xf: {  	s22 =	sadd.s32 s14, s2;
	s18 =	sadd.s32 s15, s2;
	[dreg:$0x5] =	wrdreg s21  }
0x10: {  	s24 =	sadd.s32 s16, s2;
	s25 =	sadd.s32 s13, s17;
	[dreg:$0x6] =	wrdreg s22  }
0x11: {  	s12 =	sadd.s32 s17, s19;
	s14 =	sadd.s32 s17, s14;
	[dreg:$0x7] =	wrdreg s18  }
0x12: {  	s15 =	sadd.s32 s17, s15;
	s23 =	ssub.s32 $0xBB, s11;
	[dreg:$0x8] =	wrdreg s24  }
0x13: {  	s0 =	sshrl.u32 s25, $0x3;
	s12 =	sshrl.u32 s12, $0x3;
	s18 =	sadd.s32 s17, s16  }
0x14: {  	s19 =	sshrl.u32 s15, $0x3;
	s24 =	smax.u32 s9, $0x1;
	p0 =	sne.s32 s11, $0x1F  }
0x15: {  	s9 =	simm.s32 $0x500;
	s11 =	simm.s32 $0x600;
	s15 =	simm.s32 $0x700  }
0x16: {  	s16 =	simm.s32 $0xF00;
	s17 =	simm.s32 $0x780;
	[dreg:$0x4] =	wrdreg s20  }
0x17: {  	s10 =	sshrl.u32 s23, $0x5;
	s0 =	sadd.s32 s8, s0;
	s13 =	sadd.s32 s8, s12  }
0x18: {  	s21 =	sshrl.u32 s18, $0x3;
	s23 =	sshll.u32 s6, $0x8;
	[dreg:$0x10] =	wrdreg s24  }
0x19: {  	s24 =	simm.s32 $0x80;
	s6 =	simm.s32 $0x880;
	[dreg:$0xb] =	wrdreg s0  }
0x1a: {  	s12 =	simm.s32 $0xE00;
	s18 =	simm.s32 $0xF80;
	[dreg:$0xc] =	wrdreg s13  }
0x1b: {  	s0 =	sshrl.u32 s14, $0x3;
	s22 =	sadd.s32 s8, s21;
	s25 =	sadd.s32 s23, s7  }
0x1c: {  	s21 =	simm.s32 $0x1000;
	s7 =	simm.s32 $0x100;
	s13 =	simm.s32 $0x680  }
0x1d: {  	s14 =	simm.s32 $0xE80;
	s0 =	sadd.s32 s8, s0;
	[dreg:$0xf] =	wrdreg s22  }
.Ltmp0:
0x1e: {  	s26 =	sadd.s32 $0x2200, s25;
	s22 =	simm.s32 $0x5;
	(pc) =	sbr.rel .LBB2_1-.Ltmp0, $4  }
0x1f: {  	s25 =	simm.s32 $0x1;
	[dreg:$0xd] =	wrdreg s0;
	s0 =	sadd.s32 s8, s19  }
0x20: {  	[dreg:$0x11] =	wrdreg s26;
	s26 =	simm.s32 $0x5000;
	s8 =	simm.s32 $0x0  }
0x21: {  	[dreg:$0xe] =	wrdreg s0;
	s0 =	sadd.s32 s23, s1;
	s23 =	simm.s32 $0x800  }
0x22: {  	v0 =	vimm.f32 $0.0e+00;
	s1 =	simm.s32 $0x4;
	[dreg:$0x12] =	wrdreg s0;
	s0 =	simm.s32 $0xD80  }
.LBB2_7:
0x23: {  	s5 =	simm.s32 @!p0 $0x0;
	s6 =	rddreg [dreg:$0x9];
	s19 =	simm.s32 @!p0 $0x5  }
0x24: {  	[tilespmem:s5], [sflag:$0x5] =	stream.linear.gather @!p0 [hbm4b:s6+s5], $0x200, $0x38;
	[tilespmem:$0x1D000] =	vst v63  }
0x25: {  	_ =	swait.ge @!p0 [sflag:s19], $0x200  }
0x26: {  	[sflag:s19] =	ssyncset.done @!p0 $0x0  }
0x27: {  	s20 =	simm.s32 @!p0 $0x800;
	s6 =	rddreg [dreg:$0xa];
	[sflag:s19] =	ssyncadd.s32 @!p0 $0xFFFFFE00  }
0x28: {  	[tilespmem:s20], [sflag:$0x5] =	stream.linear.gather @!p0 [hbm4b:s6+s5], $0x200, $0x38;
	[tilespmem:$0x1D000] =	vst v63  }
0x29: {  	_ =	swait.ge @!p0 [sflag:s19], $0x200  }
0x2a: {  	[sflag:s19] =	ssyncset.done @!p0 $0x0  }
0x2b: {  	s7 =	simm.s32 @!p0 $0x1000;
	s6 =	simm.s32 @!p0 $0x80;
	[sflag:s19] =	ssyncadd.s32 @!p0 $0xFFFFFE00  }
0x2c: {  	[tilespmem:s7], [sflag:$0x1] =	stream.indirect.gather @!p0 [hbm4b:s4+s6], $0x80, s5, s6, $0xb8;
	[tilespmem:$0x1D000] =	vst v63  }
0x2d: {  	s5 =	simm.s32 @!p0 $0x1  }
0x2e: {  	_ =	swait.ge @!p0 [sflag:s5], $0x4000  }
0x2f: {  	[sflag:s5] =	ssyncset.done @!p0 $0x0  }
0x30: {  	[sflag:s5] =	ssyncadd.s32 @!p0 $0xFFFFC000  }
0x31: {  	[spmem:s2] =	stream.indirect.scatter.add.f32 @!p0 [tilespmem:s7], [sflag:$0x5], $0x80, s20, s6, $0xb8;
	[tilespmem:$0x1D000] =	vst v63  }
0x32: {  	_ =	swait.ge @!p0 [sflag:s19], $0x4000  }
0x33: {  	[sflag:s19] =	ssyncset.done @!p0 $0x0  }
0x34: {  	[sflag:s19] =	ssyncadd.s32 @!p0 $0xFFFFC000  }
0x35: {  	[tilespmem:s7], [sflag:$0x1] =	stream.indirect.gather @!p0 [hbm4b:s4+s6], $0x80, s6, s6, $0xb8;
	[tilespmem:$0x1D000] =	vst v63  }
0x36: {  	_ =	swait.ge @!p0 [sflag:s5], $0x4000  }
0x37: {  	[sflag:s5] =	ssyncset.done @!p0 $0x0  }
0x38: {  	s20 =	simm.s32 @!p0 $0x880;
	[sflag:s5] =	ssyncadd.s32 @!p0 $0xFFFFC000  }
0x39: {  	[spmem:s2] =	stream.indirect.scatter.add.f32 @!p0 [tilespmem:s7], [sflag:$0x5], $0x80, s20, s6, $0xb8;
	[tilespmem:$0x1D000] =	vst v63  }
0x3a: {  	_ =	swait.ge @!p0 [sflag:s19], $0x4000  }
0x3b: {  	[sflag:s19] =	ssyncset.done @!p0 $0x0  }
0x3c: {  	s20 =	simm.s32 @!p0 $0x100;
	[sflag:s19] =	ssyncadd.s32 @!p0 $0xFFFFC000  }
0x3d: {  	[tilespmem:s7], [sflag:$0x1] =	stream.indirect.gather @!p0 [hbm4b:s4+s6], $0x80, s20, s6, $0xb8;
	[tilespmem:$0x1D000] =	vst v63  }
0x3e: {  	_ =	swait.ge @!p0 [sflag:s5], $0x4000  }
0x3f: {  	[sflag:s5] =	ssyncset.done @!p0 $0x0  }
0x40: {  	s20 =	simm.s32 @!p0 $0x900;
	[sflag:s5] =	ssyncadd.s32 @!p0 $0xFFFFC000  }
0x41: {  	[spmem:s2] =	stream.indirect.scatter.add.f32 @!p0 [tilespmem:s7], [sflag:$0x5], $0x80, s20, s6, $0xb8;
	[tilespmem:$0x1D000] =	vst v63  }
0x42: {  	_ =	swait.ge @!p0 [sflag:s19], $0x4000  }
0x43: {  	[sflag:s19] =	ssyncset.done @!p0 $0x0  }
0x44: {  	s20 =	simm.s32 @!p0 $0x180;
	[sflag:s19] =	ssyncadd.s32 @!p0 $0xFFFFC000  }
0x45: {  	[tilespmem:s7], [sflag:$0x1] =	stream.indirect.gather @!p0 [hbm4b:s4+s6], $0x80, s20, s6, $0xb8;
	[tilespmem:$0x1D000] =	vst v63  }
0x46: {  	_ =	swait.ge @!p0 [sflag:s5], $0x4000  }
0x47: {  	[sflag:s5] =	ssyncset.done @!p0 $0x0  }
0x48: {  	[sflag:s5] =	ssyncadd.s32 @!p0 $0xFFFFC000;
	s5 =	simm.s32 @!p0 $0x980  }
0x49: {  	[spmem:s2] =	stream.indirect.scatter.add.f32 @!p0 [tilespmem:s7], [sflag:$0x5], $0x80, s5, s6, $0xb8;
	[tilespmem:$0x1D000] =	vst v63  }
0x4a: {  	_ =	swait.ge @!p0 [sflag:s19], $0x4000  }
0x4b: {  	[sflag:s19] =	ssyncset.done @!p0 $0x0  }
0x4c: {  	[sflag:s19] =	ssyncadd.s32 @!p0 $0xFFFFC000  }
0x4d: {  	s7 =	stileid.u32;
	[bflag:$0x0] =	sbarrier.arrive $0xFFFF  }
0x4e: {  	s5 =	sshll.u32 s7, $0x6;
	s20 =	rddreg [dreg:$0x4]  }
0x4f: {  	s5 =	sor.u32 $0x1C05, s5;
	s19 =	rddreg [dreg:$0xb];
	s8 =	sshrl.u32 s20, $0x3  }
0x50: {  	[hbm:s19], [sflag:s5] =	dma.local [spmem:s8], $0x800  }
0x51: {  	_ =	swait.ge [sflag:s22], $0x800  }
0x52: {  	[sflag:s22] =	ssyncset.done $0x0;
	s8 =	rddreg [dreg:$0x5]  }
0x53: {  	s19 =	rddreg [dreg:$0xc];
	[sflag:s22] =	ssyncadd.s32 $0xFFFFF800;
	s6 =	sshrl.u32 s8, $0x3  }
0x54: {  	[hbm:s19], [sflag:s5] =	dma.local [spmem:s6], $0x800  }
0x55: {  	_ =	swait.ge [sflag:s22], $0x800  }
0x56: {  	[sflag:s22] =	ssyncset.done $0x0;
	s8 =	rddreg [dreg:$0x6]  }
0x57: {  	s19 =	rddreg [dreg:$0xd];
	[sflag:s22] =	ssyncadd.s32 $0xFFFFF800;
	s6 =	sshrl.u32 s8, $0x3  }
0x58: {  	[hbm:s19], [sflag:s5] =	dma.local [spmem:s6], $0x800  }
0x59: {  	_ =	swait.ge [sflag:s22], $0x800  }
0x5a: {  	[sflag:s22] =	ssyncset.done $0x0;
	s8 =	rddreg [dreg:$0x7]  }
0x5b: {  	s19 =	rddreg [dreg:$0xe];
	[sflag:s22] =	ssyncadd.s32 $0xFFFFF800;
	s6 =	sshrl.u32 s8, $0x3  }
0x5c: {  	[hbm:s19], [sflag:s5] =	dma.local [spmem:s6], $0x800  }
0x5d: {  	_ =	swait.ge [sflag:s22], $0x800  }
0x5e: {  	[sflag:s22] =	ssyncset.done $0x0;
	s7 =	rddreg [dreg:$0x8]  }
0x5f: {  	s8 =	rddreg [dreg:$0xf];
	[sflag:s22] =	ssyncadd.s32 $0xFFFFF800;
	s6 =	sshrl.u32 s7, $0x3  }
0x60: {  	[hbm:s8], [sflag:s5] =	dma.local [spmem:s6], $0x800  }
0x61: {  	_ =	swait.ge [sflag:s22], $0x800  }
0x62: {  	s8 =	rddreg [dreg:$0x13]  }
0x63: {  	s19 =	rddreg [dreg:$0x10];
	s8 =	sadd.s32 $0x1, s8  }
0x64: {  	p1 =	sne.s32 s8, s19  }
.Ltmp1:
0x65: {  	_ = 	snop;
	(pc) =	sbr.rel @!p1 .LBB2_8-.Ltmp1, $3  }
0x66: {  	_ =	sdelay $0x1  }
0x67: {  	[sflag:s22] =	ssyncset.done $0x0  }
0x68: {  	s7 =	simm.s32 $0x100;
	s6 =	simm.s32 $0x880;
	[sflag:s22] =	ssyncadd.s32 $0xFFFFF800  }
.LBB2_1:
0x69: {  	[dreg:$0x13] =	wrdreg s8;
	s5 =	simm.s32 $0x0;
	s19 =	simm.s32 $0x200  }
.LBB2_2:
0x6a: {  	p1 =	sne.s32 s19, $0xFE00;
	[tilespmem:s5+$0x1070] =	vst v0  }
0x6b: {  	[tilespmem:s5+$0x1000] =	vst v0  }
0x6c: {  	[tilespmem:s5+$0x1010] =	vst v0  }
.Ltmp2:
0x6d: {  	[tilespmem:s5+$0x1020] =	vst v0;
	(pc) =	sbr.rel @p1 .LBB2_2-.Ltmp2, $4  }
0x6e: {  	[tilespmem:s5+$0x1030] =	vst v0  }
0x6f: {  	[tilespmem:s5+$0x1040] =	vst v0  }
0x70: {  	[tilespmem:s5+$0x1050] =	vst v0  }
0x71: {  	[tilespmem:s5+$0x1060] =	vst v0;
	s5 =	sshra.s32 s19, $0x2;
	s19 =	sadd.s32 $0x200, s19  }
0x72: {  	[tilespmem:s5+$0x1070] =	vst v0  }
0x73: {  	[tilespmem:s5+$0x1000] =	vst v0  }
0x74: {  	[tilespmem:s5+$0x1010] =	vst v0  }
0x75: {  	[tilespmem:s5+$0x1020] =	vst v0  }
0x76: {  	[tilespmem:s5+$0x1030] =	vst v0  }
0x77: {  	[tilespmem:s5+$0x1040] =	vst v0  }
0x78: {  	[tilespmem:s5+$0x1050] =	vst v0  }
0x79: {  	[tilespmem:s5+$0x1060] =	vst v0  }
0x7a: {  	[spmem:s20] =	stream.linear.scatter [tilespmem:s21], [sflag:$0x5], $0x4000, $0x38;
	[tilespmem:$0x1D000] =	vst v63  }
0x7b: {  	_ =	swait.ge [sflag:s22], $0x4000  }
0x7c: {  	[sflag:s22] =	ssyncset.done $0x0  }
0x7d: {  	s20 =	rddreg [dreg:$0x5];
	[sflag:s22] =	ssyncadd.s32 $0xFFFFC000  }
0x7e: {  	[spmem:s20] =	stream.linear.scatter [tilespmem:s21], [sflag:$0x5], $0x4000, $0x38;
	[tilespmem:$0x1D000] =	vst v63  }
0x7f: {  	_ =	swait.ge [sflag:s22], $0x4000  }
0x80: {  	[sflag:s22] =	ssyncset.done $0x0  }
0x81: {  	s8 =	rddreg [dreg:$0x6];
	[sflag:s22] =	ssyncadd.s32 $0xFFFFC000  }
0x82: {  	[spmem:s8] =	stream.linear.scatter [tilespmem:s21], [sflag:$0x5], $0x4000, $0x38;
	[tilespmem:$0x1D000] =	vst v63  }
0x83: {  	_ =	swait.ge [sflag:s22], $0x4000  }
0x84: {  	[sflag:s22] =	ssyncset.done $0x0  }
0x85: {  	s19 =	rddreg [dreg:$0x7];
	[sflag:s22] =	ssyncadd.s32 $0xFFFFC000  }
0x86: {  	[spmem:s19] =	stream.linear.scatter [tilespmem:s21], [sflag:$0x5], $0x4000, $0x38;
	[tilespmem:$0x1D000] =	vst v63  }
0x87: {  	_ =	swait.ge [sflag:s22], $0x4000  }
0x88: {  	[sflag:s22] =	ssyncset.done $0x0  }
0x89: {  	s20 =	rddreg [dreg:$0x8];
	[sflag:s22] =	ssyncadd.s32 $0xFFFFC000  }
0x8a: {  	[spmem:s20] =	stream.linear.scatter [tilespmem:s21], [sflag:$0x5], $0x4000, $0x38;
	[tilespmem:$0x1D000] =	vst v63  }
0x8b: {  	_ =	swait.ge [sflag:s22], $0x4000  }
.Ltmp3:
0x8c: {  	[sflag:s22] =	ssyncset.done $0x0;
	(pc) =	sbr.rel .LBB2_4-.Ltmp3, $4  }
0x8d: {  	[sflag:s22] =	ssyncadd.s32 $0xFFFFC000  }
0x8e: {  	[bflag:$0x0] =	sbarrier.arrive $0xFFFF  }
0x8f: {  	s20 =	rddreg [dreg:$0x12]  }
0x90: {  	s19 =	simm.s32 $0x0;
	s5 =	rddreg [dreg:$0x11]  }
.LBB2_6:
0x91: {  	s19 =	sadd.s32 $0x1, s19  }
0x92: {  	p1 =	sne.s32 s19, $0x5  }
.Ltmp4:
0x93: {  	_ = 	snop;
	(pc) =	sbr.rel @!p1 .LBB2_7-.Ltmp4, $2  }
0x94: {  	_ =	sdelay $0x2  }
0x95: {  	s5 =	sadd.s32 $0x2000, s5;
	s20 =	sadd.s32 $0x2000, s20  }
.LBB2_4:
0x96: {  	p1 =	sge.u32 s19, s10  }
.Ltmp5:
0x97: {  	_ = 	snop;
	(pc) =	sbr.rel @p1 .LBB2_6-.Ltmp5, $1  }
0x98: {  	_ =	sdelay $0x3  }
0x99: {  	[tilespmem:s3], [sflag:$0x5] =	stream.linear.gather [hbm4b:s5+s3], $0x800, $0x38;
	[tilespmem:$0x1D000] =	vst v63  }
0x9a: {  	_ =	swait.ge [sflag:s22], $0x800  }
0x9b: {  	[sflag:s22] =	ssyncset.done $0x0  }
0x9c: {  	[sflag:s22] =	ssyncadd.s32 $0xFFFFF800  }
0x9d: {  	[tilespmem:s23], [sflag:$0x5] =	stream.linear.gather [hbm4b:s20+s3], $0x800, $0x38;
	[tilespmem:$0x1D000] =	vst v63  }
0x9e: {  	_ =	swait.ge [sflag:s22], $0x800  }
0x9f: {  	[sflag:s22] =	ssyncset.done $0x0  }
0xa0: {  	[sflag:s22] =	ssyncadd.s32 $0xFFFFF800  }
0xa1: {  	[tilespmem:s21], [sflag:$0x1] =	stream.indirect.gather [hbm4b:s4+s24], $0x80, s3, s24, $0xb8;
	[tilespmem:$0x1D000] =	vst v63  }
0xa2: {  	_ =	swait.ge [sflag:s25], $0x4000  }
0xa3: {  	[sflag:s25] =	ssyncset.done $0x0  }
0xa4: {  	[sflag:s25] =	ssyncadd.s32 $0xFFFFC000  }
0xa5: {  	[spmem:s2] =	stream.indirect.scatter.add.f32 [tilespmem:s21], [sflag:$0x3], $0x80, s23, s24, $0xb8;
	[tilespmem:$0x1D000] =	vst v63  }
0xa6: {  	_ = 	snop  }
0xa7: {  	[tilespmem:s26], [sflag:$0x2] =	stream.indirect.gather [hbm4b:s4+s24], $0x80, s24, s24, $0xb8;
	[tilespmem:$0x1D000] =	vst v63  }
0xa8: {  	_ =	swait.ge [sflag:s28], $0x4000  }
0xa9: {  	[sflag:s28] =	ssyncset.done $0x0  }
0xaa: {  	[sflag:s28] =	ssyncadd.s32 $0xFFFFC000  }
0xab: {  	[spmem:s2] =	stream.indirect.scatter.add.f32 [tilespmem:s26], [sflag:$0x4], $0x80, s6, s24, $0xb8;
	[tilespmem:$0x1D000] =	vst v63  }
0xac: {  	_ =	swait.ge [sflag:s30], $0x4000  }
0xad: {  	[sflag:s30] =	ssyncset.done $0x0  }
0xae: {  	[sflag:s30] =	ssyncadd.s32 $0xFFFFC000  }
0xaf: {  	[tilespmem:s21], [sflag:$0x1] =	stream.indirect.gather [hbm4b:s4+s24], $0x80, s7, s24, $0xb8;
	[tilespmem:$0x1D000] =	vst v63  }
0xb0: {  	_ =	swait.ge [sflag:s25], $0x4000  }
0xb1: {  	[sflag:s25] =	ssyncset.done $0x0  }
0xb2: {  	s8 =	simm.s32 $0x900;
	[sflag:s25] =	ssyncadd.s32 $0xFFFFC000  }
0xb3: {  	[spmem:s2] =	stream.indirect.scatter.add.f32 [tilespmem:s21], [sflag:$0x3], $0x80, s8, s24, $0xb8;
	[tilespmem:$0x1D000] =	vst v63  }
0xb4: {  	_ =	swait.ge [sflag:s1], $0x4000  }
0xb5: {  	[sflag:s1] =	ssyncset.done $0x0  }
0xb6: {  	s8 =	simm.s32 $0x180;
	[sflag:s1] =	ssyncadd.s32 $0xFFFFC000  }
0xb7: {  	[tilespmem:s26], [sflag:$0x2] =	stream.indirect.gather [hbm4b:s4+s24], $0x80, s8, s24, $0xb8;
	[tilespmem:$0x1D000] =	vst v63  }
0xb8: {  	_ =	swait.ge [sflag:s28], $0x4000  }
0xb9: {  	[sflag:s28] =	ssyncset.done $0x0  }
0xba: {  	s8 =	simm.s32 $0x980;
	[sflag:s28] =	ssyncadd.s32 $0xFFFFC000  }
0xbb: {  	[spmem:s2] =	stream.indirect.scatter.add.f32 [tilespmem:s26], [sflag:$0x4], $0x80, s8, s24, $0xb8;
	[tilespmem:$0x1D000] =	vst v63  }
0xbc: {  	_ =	swait.ge [sflag:s30], $0x4000  }
0xbd: {  	[sflag:s30] =	ssyncset.done $0x0  }
0xbe: {  	s8 =	simm.s32 $0x200;
	[sflag:s30] =	ssyncadd.s32 $0xFFFFC000  }
0xbf: {  	[tilespmem:s21], [sflag:$0x1] =	stream.indirect.gather [hbm4b:s4+s24], $0x80, s8, s24, $0xb8;
	[tilespmem:$0x1D000] =	vst v63  }
0xc0: {  	_ =	swait.ge [sflag:s25], $0x4000  }
0xc1: {  	[sflag:s25] =	ssyncset.done $0x0  }
0xc2: {  	s8 =	simm.s32 $0xA00;
	[sflag:s25] =	ssyncadd.s32 $0xFFFFC000  }
0xc3: {  	[spmem:s2] =	stream.indirect.scatter.add.f32 [tilespmem:s21], [sflag:$0x3], $0x80, s8, s24, $0xb8;
	[tilespmem:$0x1D000] =	vst v63  }
0xc4: {  	_ =	swait.ge [sflag:s1], $0x4000  }
0xc5: {  	[sflag:s1] =	ssyncset.done $0x0  }
0xc6: {  	s8 =	simm.s32 $0x280;
	[sflag:s1] =	ssyncadd.s32 $0xFFFFC000  }
0xc7: {  	[tilespmem:s26], [sflag:$0x2] =	stream.indirect.gather [hbm4b:s4+s24], $0x80, s8, s24, $0xb8;
	[tilespmem:$0x1D000] =	vst v63  }
0xc8: {  	_ =	swait.ge [sflag:s28], $0x4000  }
0xc9: {  	[sflag:s28] =	ssyncset.done $0x0  }
0xca: {  	s8 =	simm.s32 $0xA80;
	[sflag:s28] =	ssyncadd.s32 $0xFFFFC000  }
0xcb: {  	[spmem:s2] =	stream.indirect.scatter.add.f32 [tilespmem:s26], [sflag:$0x4], $0x80, s8, s24, $0xb8;
	[tilespmem:$0x1D000] =	vst v63  }
0xcc: {  	_ =	swait.ge [sflag:s30], $0x4000  }
0xcd: {  	[sflag:s30] =	ssyncset.done $0x0  }
0xce: {  	s8 =	simm.s32 $0x300;
	[sflag:s30] =	ssyncadd.s32 $0xFFFFC000  }
0xcf: {  	[tilespmem:s21], [sflag:$0x1] =	stream.indirect.gather [hbm4b:s4+s24], $0x80, s8, s24, $0xb8;
	[tilespmem:$0x1D000] =	vst v63  }
0xd0: {  	_ =	swait.ge [sflag:s25], $0x4000  }
0xd1: {  	[sflag:s25] =	ssyncset.done $0x0  }
0xd2: {  	s8 =	simm.s32 $0xB00;
	[sflag:s25] =	ssyncadd.s32 $0xFFFFC000  }
0xd3: {  	[spmem:s2] =	stream.indirect.scatter.add.f32 [tilespmem:s21], [sflag:$0x3], $0x80, s8, s24, $0xb8;
	[tilespmem:$0x1D000] =	vst v63  }
0xd4: {  	_ =	swait.ge [sflag:s1], $0x4000  }
0xd5: {  	[sflag:s1] =	ssyncset.done $0x0  }
0xd6: {  	s8 =	simm.s32 $0x380;
	[sflag:s1] =	ssyncadd.s32 $0xFFFFC000  }
0xd7: {  	[tilespmem:s26], [sflag:$0x2] =	stream.indirect.gather [hbm4b:s4+s24], $0x80, s8, s24, $0xb8;
	[tilespmem:$0x1D000] =	vst v63  }
0xd8: {  	_ =	swait.ge [sflag:s28], $0x4000  }
0xd9: {  	[sflag:s28] =	ssyncset.done $0x0  }
0xda: {  	s8 =	simm.s32 $0xB80;
	[sflag:s28] =	ssyncadd.s32 $0xFFFFC000  }
0xdb: {  	[spmem:s2] =	stream.indirect.scatter.add.f32 [tilespmem:s26], [sflag:$0x4], $0x80, s8, s24, $0xb8;
	[tilespmem:$0x1D000] =	vst v63  }
0xdc: {  	_ =	swait.ge [sflag:s30], $0x4000  }
0xdd: {  	[sflag:s30] =	ssyncset.done $0x0  }
0xde: {  	s8 =	simm.s32 $0x400;
	[sflag:s30] =	ssyncadd.s32 $0xFFFFC000  }
0xdf: {  	[tilespmem:s21], [sflag:$0x1] =	stream.indirect.gather [hbm4b:s4+s24], $0x80, s8, s24, $0xb8;
	[tilespmem:$0x1D000] =	vst v63  }
0xe0: {  	_ =	swait.ge [sflag:s25], $0x4000  }
0xe1: {  	[sflag:s25] =	ssyncset.done $0x0  }
0xe2: {  	s8 =	simm.s32 $0xC00;
	[sflag:s25] =	ssyncadd.s32 $0xFFFFC000  }
0xe3: {  	[spmem:s2] =	stream.indirect.scatter.add.f32 [tilespmem:s21], [sflag:$0x3], $0x80, s8, s24, $0xb8;
	[tilespmem:$0x1D000] =	vst v63  }
0xe4: {  	_ =	swait.ge [sflag:s1], $0x4000  }
0xe5: {  	[sflag:s1] =	ssyncset.done $0x0  }
0xe6: {  	s8 =	simm.s32 $0x480;
	[sflag:s1] =	ssyncadd.s32 $0xFFFFC000  }
0xe7: {  	[tilespmem:s26], [sflag:$0x2] =	stream.indirect.gather [hbm4b:s4+s24], $0x80, s8, s24, $0xb8;
	[tilespmem:$0x1D000] =	vst v63  }
0xe8: {  	_ =	swait.ge [sflag:s28], $0x4000  }
0xe9: {  	[sflag:s28] =	ssyncset.done $0x0  }
0xea: {  	s8 =	simm.s32 $0xC80;
	[sflag:s28] =	ssyncadd.s32 $0xFFFFC000  }
0xeb: {  	[spmem:s2] =	stream.indirect.scatter.add.f32 [tilespmem:s26], [sflag:$0x4], $0x80, s8, s24, $0xb8;
	[tilespmem:$0x1D000] =	vst v63  }
0xec: {  	_ =	swait.ge [sflag:s30], $0x4000  }
0xed: {  	[sflag:s30] =	ssyncset.done $0x0  }
0xee: {  	[sflag:s30] =	ssyncadd.s32 $0xFFFFC000  }
0xef: {  	[tilespmem:s21], [sflag:$0x1] =	stream.indirect.gather [hbm4b:s4+s24], $0x80, s9, s24, $0xb8;
	[tilespmem:$0x1D000] =	vst v63  }
0xf0: {  	_ =	swait.ge [sflag:s25], $0x4000  }
0xf1: {  	[sflag:s25] =	ssyncset.done $0x0  }
0xf2: {  	[sflag:s25] =	ssyncadd.s32 $0xFFFFC000  }
0xf3: {  	[spmem:s2] =	stream.indirect.scatter.add.f32 [tilespmem:s21], [sflag:$0x3], $0x80, s29, s24, $0xb8;
	[tilespmem:$0x1D000] =	vst v63  }
0xf4: {  	_ =	swait.ge [sflag:s1], $0x4000  }
0xf5: {  	[sflag:s1] =	ssyncset.done $0x0  }
0xf6: {  	[sflag:s1] =	ssyncadd.s32 $0xFFFFC000  }
0xf7: {  	[tilespmem:s26], [sflag:$0x2] =	stream.indirect.gather [hbm4b:s4+s24], $0x80, s31, s24, $0xb8;
	[tilespmem:$0x1D000] =	vst v63  }
0xf8: {  	_ =	swait.ge [sflag:s28], $0x4000  }
0xf9: {  	[sflag:s28] =	ssyncset.done $0x0  }
0xfa: {  	[sflag:s28] =	ssyncadd.s32 $0xFFFFC000  }
0xfb: {  	[spmem:s2] =	stream.indirect.scatter.add.f32 [tilespmem:s26], [sflag:$0x4], $0x80, s0, s24, $0xb8;
	[tilespmem:$0x1D000] =	vst v63  }
0xfc: {  	_ =	swait.ge [sflag:s30], $0x4000  }
0xfd: {  	[sflag:s30] =	ssyncset.done $0x0  }
0xfe: {  	[sflag:s30] =	ssyncadd.s32 $0xFFFFC000  }
0xff: {  	[tilespmem:s21], [sflag:$0x1] =	stream.indirect.gather [hbm4b:s4+s24], $0x80, s11, s24, $0xb8;
	[tilespmem:$0x1D000] =	vst v63  }
0x100: {  	_ =	swait.ge [sflag:s25], $0x4000  }
0x101: {  	[sflag:s25] =	ssyncset.done $0x0  }
0x102: {  	[sflag:s25] =	ssyncadd.s32 $0xFFFFC000  }
0x103: {  	[spmem:s2] =	stream.indirect.scatter.add.f32 [tilespmem:s21], [sflag:$0x3], $0x80, s12, s24, $0xb8;
	[tilespmem:$0x1D000] =	vst v63  }
0x104: {  	_ =	swait.ge [sflag:s1], $0x4000  }
0x105: {  	[sflag:s1] =	ssyncset.done $0x0  }
0x106: {  	[sflag:s1] =	ssyncadd.s32 $0xFFFFC000  }
0x107: {  	[tilespmem:s26], [sflag:$0x2] =	stream.indirect.gather [hbm4b:s4+s24], $0x80, s13, s24, $0xb8;
	[tilespmem:$0x1D000] =	vst v63  }
0x108: {  	_ =	swait.ge [sflag:s28], $0x4000  }
0x109: {  	[sflag:s28] =	ssyncset.done $0x0  }
0x10a: {  	[sflag:s28] =	ssyncadd.s32 $0xFFFFC000  }
0x10b: {  	[spmem:s2] =	stream.indirect.scatter.add.f32 [tilespmem:s26], [sflag:$0x4], $0x80, s14, s24, $0xb8;
	[tilespmem:$0x1D000] =	vst v63  }
0x10c: {  	_ =	swait.ge [sflag:s30], $0x4000  }
0x10d: {  	[sflag:s30] =	ssyncset.done $0x0  }
0x10e: {  	[sflag:s30] =	ssyncadd.s32 $0xFFFFC000  }
0x10f: {  	[tilespmem:s21], [sflag:$0x1] =	stream.indirect.gather [hbm4b:s4+s24], $0x80, s15, s24, $0xb8;
	[tilespmem:$0x1D000] =	vst v63  }
0x110: {  	_ =	swait.ge [sflag:s25], $0x4000  }
0x111: {  	[sflag:s25] =	ssyncset.done $0x0  }
0x112: {  	[sflag:s25] =	ssyncadd.s32 $0xFFFFC000  }
0x113: {  	[spmem:s2] =	stream.indirect.scatter.add.f32 [tilespmem:s21], [sflag:$0x3], $0x80, s16, s24, $0xb8;
	[tilespmem:$0x1D000] =	vst v63  }
0x114: {  	_ =	swait.ge [sflag:s1], $0x4000  }
0x115: {  	[sflag:s1] =	ssyncset.done $0x0  }
0x116: {  	[sflag:s1] =	ssyncadd.s32 $0xFFFFC000  }
0x117: {  	[tilespmem:s26], [sflag:$0x2] =	stream.indirect.gather [hbm4b:s4+s24], $0x80, s17, s24, $0xb8;
	[tilespmem:$0x1D000] =	vst v63  }
0x118: {  	_ =	swait.ge [sflag:s28], $0x4000  }
0x119: {  	[sflag:s28] =	ssyncset.done $0x0  }
0x11a: {  	[sflag:s28] =	ssyncadd.s32 $0xFFFFC000  }
0x11b: {  	[spmem:s2] =	stream.indirect.scatter.add.f32 [tilespmem:s26], [sflag:$0x4], $0x80, s18, s24, $0xb8;
	[tilespmem:$0x1D000] =	vst v63  }
0x11c: {  	_ =	swait.ge [sflag:s30], $0x4000  }
.Ltmp6:
0x11d: {  	[sflag:s30] =	ssyncset.done $0x0;
	(pc) =	sbr.rel .LBB2_6-.Ltmp6, $4  }
0x11e: {  	[sflag:s30] =	ssyncadd.s32 $0xFFFFC000  }
0x11f: {  	_ =	swait.ge [sflag:s1], $0x4000  }
0x120: {  	[sflag:s1] =	ssyncset.done $0x0  }
0x121: {  	[sflag:s1] =	ssyncadd.s32 $0xFFFFC000  }
.LBB2_8:
0x122: {  	_ =	sfence.sel $0x180000  }
0x123: {  	[bflag:$0x0] =	sbarrier.arrive $0xFFFF  }
0x124: {  	_ =	strace $0x9000004D  }
0x125: {  	s0 =	stileid.u32;
	[bflag:$0x2] =	sbarrier.arrive $0xFFFF  }
0x126: {  	p0 =	sne.s32 s0, $0x0;
	s0 =	rddreg [dreg:$0x3]  }
0x127: {  	s0 =	sadd.s32 @!p0 $0x100000, s0  }
0x128: {  	[sflag:s0] =	ssyncadd.tile.s32 @!p0 $0x1;
	_ =	shalt  }
.Lfunc_end2:
_tile_overlayer_lowered:
.L_overlay_start_2:
0x129: {  	(tag) =	ssettag $0x2  }
0x12a: {  	s0 =	rddreg [dreg:$0x0];
	s2 =	stileid.u32  }
0x12b: {  	s1 =	rddreg [dreg:$0x1];
	p0 =	sne.s32 s2, $0x0  }
0x12c: {  	s3 =	rddreg [dreg:$0x2];
	[bflag:$0x3] =	sbarrier.arrive $0xFFFF;
	s2 =	simm.s32 @!p0 $0x1C05  }
0x12d: {  	[timem:s3], [sflag:s2] =	dma.local @!p0 [hbm:s0], s1  }
0x12e: {  	s0 =	simm.s32 @!p0 $0x5  }
0x12f: {  	_ =	swait.ge @!p0 [sflag:s0], s1  }
0x130: {  	s1 =	ssub.s32 @!p0 $0x0, s1;
	[sflag:s0] =	ssyncset.done @!p0 $0x0  }
0x131: {  	[sflag:s0] =	ssyncadd.s32 @!p0 s1  }
0x132: {  	[bflag:$0x3] =	sbarrier.arrive $0xFFFF  }
0x133: {  	_ =	shalt  }

// kernel: kernel.8.cloned.1.call-start
scs
__scs_entry_jumppad:
0x0: {  	(pc) =	sbr.rel $0x88, $3  }
0x1: {  	(tag) =	ssettag $0x0;
	lr =	simm.s32 $0x1  }
0x2: {  	[smem:$0x3F99] =	sst lr;
	_ =	strace $0xD0000000  }
0x3: {  	_ = 	snop  }
0x4: {  	_ = 	snop  }
0x5: {  	_ = 	snop  }
0x6: {  	_ = 	snop  }
0x7: {  	_ = 	snop  }
__scs_overlays_trampoline_lowered:
0x8: {  	[smem:$0x3FA8] =	sst s0  }
0x9: {  	[smem:$0x3FA9] =	sst s1  }
0xa: {  	[smem:$0x3FAA] =	sst s2  }
0xb: {  	[smem:$0x3FAB] =	sst s3  }
0xc: {  	[smem:$0x3FAC] =	sst s4  }
0xd: {  	[smem:$0x3FAD] =	sst s5  }
0xe: {  	[smem:$0x3FAE] =	sst s6  }
0xf: {  	[smem:$0x3FAF] =	sst s7  }
0x10: {  	[smem:$0x3FB0] =	sst s8  }
0x11: {  	[smem:$0x3FB1] =	sst s9;
	s0 =	simm.s32 @!p0 $0x0  }
0x12: {  	s1 =	sld [smem:$0x3F97];
	s0 =	simm.s32 @p0 $0x1  }
0x13: {  	[smem:$0x3FB2] =	sst s0;
	s0 =	simm.s32 @!p1 $0x0  }
0x14: {  	s2 =	sld [smem:$0x3F96];
	s0 =	simm.s32 @p1 $0x1  }
0x15: {  	[smem:$0x3FB3] =	sst s0;
	s0 =	simm.s32 @!p2 $0x0  }
0x16: {  	s3 =	sld [smem:$0x3FDB];
	s0 =	simm.s32 @p2 $0x1  }
0x17: {  	s4 =	simm.s32 $0x1BF5;
	[smem:$0x3FB5] =	sst s0  }
0x18: {  	s0 =	sld [smem:$0x3F98];
	_ =	swait.ge [sflag:s4], $0x0  }
0x19: {  	s7 =	sld [smem:$0x3F99]  }
0x1a: {  	s8 =	sadd.s32 $0xFFFFE003, lr  }
0x1b: {  	s9 =	sadd.s32 $0xFFFFFEF7, lr;
	s5 =	simm.s32 $0xFFFFFFFF;
	p2 =	slt.u32 s8, $0xFFFFF086  }
0x1c: {  	p1 =	slt.u32 s9, $0xF7A;
	s5 =	simm.s32 @!p2 $0x0  }
0x1d: {  	s5 =	simm.s32 @p1 $0x1;
	p0 =	seq.s32 s7, s2  }
0x1e: {  	s7 =	smul.u32 @!p0 $0xF7A, s2;
	p2 =	seq.s32 @!p0 s5, $0x0  }
0x1f: {  	s9 =	smul.u32 $0xF7A, s1;
	s8 =	simm.s32 @!p0 $0x1BF5;
	p2 =	por !p2, p0  }
0x20: {  	[sflag:s8] =	ssyncset.s32 @!p0 $0xFFFFF086;
	s6 =	sadd.s32 @!p0 s3, s7;
	s7 =	simm.s32 @!p0 $0x108  }
0x21: {  	s3 =	sadd.s32 s3, s9;
	s6 =	sadd.s32 @!p0 $0x88, s6;
	s7 =	simm.s32 @p2 $0x1082  }
0x22: {  	[simem:s7], [sflag:s8] =	dma.local @!p0 [hbm:s6], $0xF7A  }
0x23: {  	s9 =	sor.u32 $0xD0000000, s2;
	s6 =	simm.s32 $0x108;
	_ =	swait.ge @!p0 [sflag:s8], $0x0  }
0x24: {  	s3 =	sadd.s32 $0x88, s3;
	s6 =	simm.s32 @!p1 $0x1082;
	[sflag:s4] =	ssyncset.s32 $0xFFFFF086  }
0x25: {  	[simem:s6], [sflag:s4] =	dma.local [hbm:s3], $0xF7A  }
0x26: {  	[smem:$0x3F99] =	sst s1;
	(tag) =	ssettag s2;
	_ =	strace s9  }
0x27: {  	s1 =	sld [smem:$0x3FA9]  }
0x28: {  	s2 =	sld [smem:$0x3FAA]  }
0x29: {  	s4 =	sld [smem:$0x3FAC]  }
0x2a: {  	p0 =	seq.s32 s5, $0x0;
	s5 =	sld [smem:$0x3FAD]  }
0x2b: {  	s6 =	sld [smem:$0x3FAE]  }
0x2c: {  	s7 =	sld [smem:$0x3FAF]  }
0x2d: {  	s3 =	simm.s32 $0x108;
	s8 =	sld [smem:$0x3FB0]  }
0x2e: {  	s3 =	simm.s32 @!p0 $0x1082;
	s9 =	sld [smem:$0x3FB1]  }
0x2f: {  	lr =	sadd.s32 s0, s3;
	s0 =	sld [smem:$0x3FA8]  }
0x30: {  	s3 =	sld [smem:$0x3FAB]  }
0x31: {  	[smem:$0x3FB4] =	sst s10  }
0x32: {  	s10 =	sld [smem:$0x3FB2];
	_ =	sdelay $0x3  }
0x33: {  	p0 =	seq.s32 s10, $0x1;
	s10 =	sld [smem:$0x3FB4];
	_ =	sdelay $0x3  }
0x34: {  	[smem:$0x3FB4] =	sst s10  }
0x35: {  	s10 =	sld [smem:$0x3FB3];
	_ =	sdelay $0x3  }
0x36: {  	p1 =	seq.s32 s10, $0x1;
	s10 =	sld [smem:$0x3FB4];
	_ =	sdelay $0x3  }
0x37: {  	[smem:$0x3FB4] =	sst s10  }
0x38: {  	s10 =	sld [smem:$0x3FB5]  }
0x39: {  	_ = 	snop;
	(pc) =	sbr.ind lr, $3  }
0x3a: {  	_ = 	snop  }
0x3b: {  	_ = 	snop  }
0x3c: {  	p2 =	seq.s32 s10, $0x1;
	s10 =	sld [smem:$0x3FB4]  }
0x3d: {  	_ =	shalt  }
0x3e: {  	_ =	shalt  }
0x3f: {  	_ =	shalt  }
0x40: {  	_ =	shalt  }
0x41: {  	_ =	shalt  }
0x42: {  	_ =	shalt  }
0x43: {  	_ =	shalt  }
0x44: {  	_ =	shalt  }
0x45: {  	_ =	shalt  }
0x46: {  	_ =	shalt  }
0x47: {  	_ =	shalt  }
0x48: {  	_ =	shalt  }
0x49: {  	_ =	shalt  }
0x4a: {  	_ =	shalt  }
0x4b: {  	_ =	shalt  }
0x4c: {  	_ =	shalt  }
0x4d: {  	_ =	shalt  }
0x4e: {  	_ =	shalt  }
0x4f: {  	_ =	shalt  }
0x50: {  	_ =	shalt  }
0x51: {  	_ =	shalt  }
0x52: {  	_ =	shalt  }
0x53: {  	_ =	shalt  }
0x54: {  	_ =	shalt  }
0x55: {  	_ =	shalt  }
0x56: {  	_ =	shalt  }
0x57: {  	_ =	shalt  }
0x58: {  	_ =	shalt  }
0x59: {  	_ =	shalt  }
0x5a: {  	_ =	shalt  }
0x5b: {  	_ =	shalt  }
0x5c: {  	_ =	shalt  }
0x5d: {  	_ =	shalt  }
0x5e: {  	_ =	shalt  }
0x5f: {  	_ =	shalt  }
0x60: {  	_ =	shalt  }
0x61: {  	_ =	shalt  }
0x62: {  	_ =	shalt  }
0x63: {  	_ =	shalt  }
0x64: {  	_ =	shalt  }
0x65: {  	_ =	shalt  }
0x66: {  	_ =	shalt  }
0x67: {  	_ =	shalt  }
0x68: {  	_ =	shalt  }
0x69: {  	_ =	shalt  }
0x6a: {  	_ =	shalt  }
0x6b: {  	_ =	shalt  }
0x6c: {  	_ =	shalt  }
0x6d: {  	_ =	shalt  }
0x6e: {  	_ =	shalt  }
0x6f: {  	_ =	shalt  }
0x70: {  	_ =	shalt  }
0x71: {  	_ =	shalt  }
0x72: {  	_ =	shalt  }
0x73: {  	_ =	shalt  }
0x74: {  	_ =	shalt  }
0x75: {  	_ =	shalt  }
0x76: {  	_ =	shalt  }
0x77: {  	_ =	shalt  }
0x78: {  	_ =	shalt  }
0x79: {  	_ =	shalt  }
0x7a: {  	_ =	shalt  }
0x7b: {  	_ =	shalt  }
0x7c: {  	_ =	shalt  }
0x7d: {  	_ =	shalt  }
0x7e: {  	_ =	shalt  }
0x7f: {  	_ =	shalt  }
0x80: {  	_ =	shalt  }
0x81: {  	_ =	shalt  }
0x82: {  	_ =	shalt  }
0x83: {  	_ =	shalt  }
0x84: {  	_ =	shalt  }
0x85: {  	_ =	shalt  }
0x86: {  	_ =	shalt  }
0x87: {  	_ =	shalt  }
.Lfunc_end0:
.L_simem_size_0:
called_computation_lowered:
.L_overlay_start_0:
0x88: {  	s2 =	sld [smem:$0x3FD9]  }
0x89: {  	s3 =	sld [smem:$0x3FFE];
	_ =	sdelay $0x1  }
0x8a: {  	s1 =	srdreg.scid  }
0x8b: {  	s0 =	sand.u32 $0x1, s1  }
0x8c: {  	s17 =	sshll.u32 s0, $0xA;
	s2 =	sadd.s32 s3, s2  }
0x8d: {  	s2 =	sadd.s32 s2, s17  }
0x8e: {  	[smem:$0x3FC0] =	sst s2  }
0x8f: {  	_ = 	snop  }
0x90: {  	s2 =	sld [smem:$0x3FD0];
	(tm) =	ssettm $0x1  }
0x91: {  	s18 =	sld [smem:$0x3FFB];
	_ =	sdelay $0x3  }
0x92: {  	_ =	strace s18  }
0x93: {  	s3 =	sld [smem:$0x3FFC];
	_ =	sdelay $0x3  }
0x94: {  	_ =	strace s3  }
0x95: {  	s3 =	sld [smem:$0x3FFD];
	_ =	sdelay $0x3  }
0x96: {  	_ =	strace s3  }
0x97: {  	_ =	strace $0x8FFFFFFF  }
0x98: {  	s19 =	sld [smem:$0x3FDB];
	_ =	sdelay $0x1  }
0x99: {  	s4 =	simm.s32 $_scs_section_size  }
0x9a: {  	s5 =	simm.s32 $_size__tile_overlayer_lowered;
	s6 =	simm.s32 $_tile_overlayer_lowered  }
0x9b: {  	s22 =	simm.s32 $0x1BFF;
	s21 =	sshll.u32 s6, $0x1;
	s3 =	sadd.s32 s4, s19  }
0x9c: {  	s7 =	simm.s32 $0x0;
	s20 =	sshll.u32 s5, $0x1;
	s5 =	sadd.s32 s21, s3  }
0x9d: {  	[timem:s7], [sflag:s22] =	dma.local [hbm:s5], s20  }
0x9e: {  	_ =	swait.ge [sflag:s22], s20  }
0x9f: {  	s4 =	ssub.s32 $0x0, s20;
	[sflag:s22] =	ssyncset.done $0x0  }
0xa0: {  	[sflag:s22] =	ssyncadd.s32 s4;
	_ =	sdelay $0x1  }
0xa1: {  	s23 =	simm.s32 $0x1B8B  }
0xa2: {  	_ =	swait.ge [sflag:s23], $0x1  }
0xa3: {  	[sflag:s23] =	ssyncset.done $0x0  }
0xa4: {  	s25 =	simm.s32 $0x1B8E;
	s24 =	sld [smem:$0x3FFE];
	[sflag:s23] =	ssyncadd.s32 $0xFFFFFFFF  }
0xa5: {  	s26 =	simm.s32 $execute0_lowered;
	[smem:$0x3FD2] =	sst s25  }
0xa6: {  	s5 =	sshll.u32 s26, $0x1;
	_ =	strace $0x80000046;
	[dreg:$0x1] =	wrdreg $0xFFFFFFFF  }
0xa7: {  	s28 =	simm.s32 $_size_execute0_lowered;
	s3 =	sadd.s32 s3, s5;
	[dreg:$0x0] =	wrdreg $0x0  }
0xa8: {  	s5 =	sshll.u32 s28, $0x1;
	[dreg:$0x2] =	wrdreg s3  }
0xa9: {  	[dreg:$0x3] =	wrdreg s5  }
0xaa: {  	[dreg:$0x4] =	wrdreg $0xC0  }
0xab: {  	_ =	task [dreg:s7], $0x5FFFF  }
0xac: {  	[dreg:$0x1] =	wrdreg $0xFFFFFFFF  }
0xad: {  	[dreg:$0x0] =	wrdreg $0x60  }
0xae: {  	[dreg:$0x2] =	wrdreg s24  }
0xaf: {  	[dreg:$0x3] =	wrdreg s2  }
0xb0: {  	[dreg:$0x4] =	wrdreg $0x48000  }
0xb1: {  	[dreg:$0x5] =	wrdreg $0x9  }
0xb2: {  	_ =	task.clear_ibuf [dreg:s7], $0x6FFFF;
	_ =	strace $0x90000046  }
0xb3: {  	s29 =	simm.s32 $0x9;
	_ =	strace $0x80000048  }
0xb4: {  	_ =	swait.ge [sflag:s29], $0x1  }
0xb5: {  	[sflag:s29] =	ssyncadd.s32 $0xFFFFFFFF  }
0xb6: {  	_ =	strace $0x90000048  }
0xb7: {  	_ =	sfence  }
0xb8: {  	s30 =	sld [smem:$0x0];
	_ =	sdelay $0x2  }
0xb9: {  	s31 =	sshll.u32 s1, $0xD;
	s1 =	sshrl.u32 s1, $0x2  }
0xba: {  	s3 =	sand.u32 $0x4000, s31;
	s1 =	sadd.s32 s1, s30  }
0xbb: {  	s0 =	sor.u32 s3, s0;
	s1 =	sshll.u32 s1, $0x11  }
0xbc: {  	s0 =	sor.u32 s1, s0  }
0xbd: {  	s0 =	sadd.s32 $0x8F2B, s0  }
0xbe: {  	[sflag:s0] =	ssyncadd.remote.s32 $0x1  }
0xbf: {  	_ =	sfence.sel $0xFFFF  }
0xc0: {  	[dreg:$0x0] =	wrdreg $0xFFFFFFFF;
	(pc) =	sbr.abs _section_cstart, $3  }
0xc1: {  	[dreg:$0x1] =	wrdreg $0xFFFFFFFF  }
0xc2: {  	_ =	task.clear_ibuf [dreg:s7], $0x2FFFF;
	_ =	strace $0x9FFFFFFF  }
0xc3: {  	(tm) =	ssettm $0x7FFFFFFF  }
tec
execute0_lowered:
.L_overlay_start_1:
0x0: {  	(tag) =	ssettag $0x1  }
0x1: {  	s0 =	rddreg [dreg:$0x0]  }
0x2: {  	s17 =	rddreg [dreg:$0x1]  }
0x3: {  	s3 =	rddreg [dreg:$0x2];
	s1 =	srdreg.scid  }
0x4: {  	s4 =	simm.s32 $0x0;
	s18 =	stileid.u32;
	s28 =	simm.s32 $0x300  }
0x5: {  	s29 =	simm.s32 $0x380;
	s30 =	simm.s32 $0x400;
	s31 =	simm.s32 $0x480  }
0x6: {  	s1 =	sand.u32 $0x1, s1;
	[smem:$0x7FF] =	sst s4;
	s5 =	smul.u32 $0x50000, s18  }
0x7: {  	s12 =	smul.u32 $0x14000, s18;
	s19 =	sadd.s32 $0x2200, s0;
	s0 =	sadd.s32 $0xC000, s0  }
0x8: {  	s11 =	ssub.s32 $0xAB, s18;
	s20 =	sshll.u32 s18, $0x8;
	p1 =	sne.s32 s18, $0xF  }
0x9: {  	p2 =	seq.s32 s18, $0xF;
	s2 =	ssub.s32 $0x2, s1;
	_ =	strace $0x80000047  }
0xa: {  	s16 =	smul.u32 $0x140000, s1;
	s11 =	sshrl.u32 s11, $0x4;
	p0 =	seq.s32 s1, $0x1  }
0xb: {  	[dreg:$0x4] =	wrdreg s19;
	s17 =	sadd.s32 s20, s17;
	s6 =	sshrl.u32 s2, $0x1  }
0xc: {  	s5 =	sshrl.u32 s5, $0x2;
	s13 =	sadd.s32 $0x4000, s12;
	s14 =	sadd.s32 $0x8000, s12  }
0xd: {  	s26 =	sadd.s32 $0xC000, s12;
	s15 =	sadd.s32 $0x10000, s12;
	s2 =	ssub.s32 s2, s6  }
0xe: {  	s6 =	sadd.s32 s5, s3;
	s7 =	sadd.s32 s13, s3;
	s8 =	sadd.s32 s14, s3  }
0xf: {  	s9 =	sadd.s32 s26, s3;
	s10 =	sadd.s32 s15, s3;
	s12 =	sadd.s32 s12, s16  }
0x10: {  	s13 =	sadd.s32 s16, s13;
	s22 =	sadd.s32 s16, s14;
	s5 =	sadd.s32 s16, s26  }
0x11: {  	s23 =	sadd.s32 s16, s15;
	s26 =	sadd.s32 s20, s19;
	s20 =	simm.s32 $0x800  }
0x12: {  	s14 =	simm.s32 $0x1;
	s15 =	simm.s32 $0x0;
	s12 =	sshrl.u32 s12, $0x3  }
0x13: {  	s13 =	sshrl.u32 s13, $0x3;
	s5 =	sshrl.u32 s5, $0x3;
	s25 =	smax.u32 s2, $0x1  }
0x14: {  	[dreg:$0xb] =	wrdreg s26;
	s26 =	simm.s32 $0x280;
	s2 =	simm.s32 $0x680  }
0x15: {  	s1 =	sadd.s32 s0, s12;
	s21 =	sadd.s32 s0, s13;
	s12 =	sshrl.u32 s23, $0x3  }
0x16: {  	s24 =	sadd.s32 s0, s5;
	[dreg:$0xa] =	wrdreg s25;
	s23 =	simm.s32 $0x100  }
0x17: {  	s25 =	simm.s32 $0x200;
	s5 =	simm.s32 $0x600;
	[dreg:$0x5] =	wrdreg s1  }
.Ltmp0:
0x18: {  	s13 =	simm.s32 $0x780;
	[dreg:$0x6] =	wrdreg s21;
	(pc) =	sbr.rel .LBB2_1-.Ltmp0, $4  }
0x19: {  	s1 =	sshrl.u32 s22, $0x3;
	[dreg:$0x8] =	wrdreg s24;
	s21 =	simm.s32 $0x2  }
0x1a: {  	s22 =	simm.s32 $0x80;
	s24 =	simm.s32 $0x180;
	s1 =	sadd.s32 s0, s1  }
0x1b: {  	s0 =	sadd.s32 s0, s12;
	s12 =	simm.s32 $0x700;
	[dreg:$0x7] =	wrdreg s1  }
0x1c: {  	v0 =	vimm.f32 $0.0e+00;
	v1 =	vimm.f32 $1.000000000e+00;
	[dreg:$0x9] =	wrdreg s0;
	s0 =	simm.s32 $0x500;
	s1 =	simm.s32 $0x580  }
.LBB2_14:
0x1d: {  	s16 =	sadd.s32 $0x9C00, s16  }
0x1e: {  	[tilespmem:s4], [sflag:$0x2] =	stream.linear.gather [hbm4b:s16+s4], $0x200, $0x38;
	[tilespmem:$0x18800] =	vst v63  }
0x1f: {  	_ =	swait.ge [sflag:s21], $0x200  }
0x20: {  	[sflag:s21] =	ssyncset.done $0x0  }
0x21: {  	[sflag:s21] =	ssyncadd.s32 $0xFFFFFE00  }
0x22: {  	[spmem:s3] =	stream.indirect.scatter.add.f32 [tilespmem:s20], [sflag:$0x2], $0x80, s4, s22, $0xb8;
	[tilespmem:$0x18800] =	vst v63  }
0x23: {  	_ =	swait.ge [sflag:s21], $0x4000  }
0x24: {  	[sflag:s21] =	ssyncset.done $0x0  }
0x25: {  	[sflag:s21] =	ssyncadd.s32 $0xFFFFC000  }
0x26: {  	[spmem:s3] =	stream.indirect.scatter.add.f32 [tilespmem:s20], [sflag:$0x2], $0x80, s22, s22, $0xb8;
	[tilespmem:$0x18800] =	vst v63  }
0x27: {  	_ =	swait.ge [sflag:s21], $0x4000  }
0x28: {  	[sflag:s21] =	ssyncset.done $0x0  }
0x29: {  	[sflag:s21] =	ssyncadd.s32 $0xFFFFC000  }
0x2a: {  	[spmem:s3] =	stream.indirect.scatter.add.f32 [tilespmem:s20], [sflag:$0x2], $0x80, s23, s22, $0xb8;
	[tilespmem:$0x18800] =	vst v63  }
0x2b: {  	_ =	swait.ge [sflag:s21], $0x4000  }
0x2c: {  	[sflag:s21] =	ssyncset.done $0x0  }
0x2d: {  	[sflag:s21] =	ssyncadd.s32 $0xFFFFC000  }
0x2e: {  	[spmem:s3] =	stream.indirect.scatter.add.f32 [tilespmem:s20], [sflag:$0x2], $0x80, s24, s22, $0xb8;
	[tilespmem:$0x18800] =	vst v63  }
0x2f: {  	_ =	swait.ge [sflag:s21], $0x4000  }
0x30: {  	[sflag:s21] =	ssyncset.done $0x0  }
0x31: {  	[sflag:s21] =	ssyncadd.s32 $0xFFFFC000  }
.LBB2_15:
0x32: {  	s16 =	stileid.u32  }
0x33: {  	[bflag:$0x0] =	sbarrier.arrive $0xFFFF;
	s16 =	sshll.u32 s16, $0x6  }
0x34: {  	s18 =	sshrl.u32 s6, $0x3;
	s19 =	rddreg [dreg:$0x5];
	s16 =	sor.u32 $0x1C02, s16  }
0x35: {  	[hbm:s19], [sflag:s16] =	dma.local [spmem:s18], $0x800  }
0x36: {  	_ =	swait.ge [sflag:s21], $0x800  }
0x37: {  	[sflag:s21] =	ssyncset.done $0x0  }
0x38: {  	s18 =	sshrl.u32 s7, $0x3;
	s19 =	rddreg [dreg:$0x6];
	[sflag:s21] =	ssyncadd.s32 $0xFFFFF800  }
0x39: {  	[hbm:s19], [sflag:s16] =	dma.local [spmem:s18], $0x800  }
0x3a: {  	_ =	swait.ge [sflag:s21], $0x800  }
0x3b: {  	[sflag:s21] =	ssyncset.done $0x0  }
0x3c: {  	s18 =	sshrl.u32 s8, $0x3;
	s19 =	rddreg [dreg:$0x7];
	[sflag:s21] =	ssyncadd.s32 $0xFFFFF800  }
0x3d: {  	[hbm:s19], [sflag:s16] =	dma.local [spmem:s18], $0x800  }
0x3e: {  	_ =	swait.ge [sflag:s21], $0x800  }
0x3f: {  	[sflag:s21] =	ssyncset.done $0x0  }
0x40: {  	s18 =	sshrl.u32 s9, $0x3;
	s19 =	rddreg [dreg:$0x8];
	[sflag:s21] =	ssyncadd.s32 $0xFFFFF800  }
0x41: {  	[hbm:s19], [sflag:s16] =	dma.local [spmem:s18], $0x800  }
0x42: {  	_ =	swait.ge [sflag:s21], $0x800  }
0x43: {  	[sflag:s21] =	ssyncset.done $0x0  }
0x44: {  	s18 =	sshrl.u32 s10, $0x3;
	s19 =	rddreg [dreg:$0x9];
	[sflag:s21] =	ssyncadd.s32 $0xFFFFF800  }
0x45: {  	[hbm:s19], [sflag:s16] =	dma.local [spmem:s18], $0x800  }
0x46: {  	_ =	swait.ge [sflag:s21], $0x800  }
0x47: {  	s15 =	sadd.s32 $0x1, s15;
	s19 =	rddreg [dreg:$0xa]  }
0x48: {  	p3 =	sne.s32 s15, s19  }
.Ltmp1:
0x49: {  	_ = 	snop;
	(pc) =	sbr.rel @!p3 .LBB2_16-.Ltmp1, $3  }
0x4a: {  	_ =	sdelay $0x1  }
0x4b: {  	[sflag:s21] =	ssyncset.done $0x0  }
0x4c: {  	[sflag:s21] =	ssyncadd.s32 $0xFFFFF800  }
.LBB2_1:
0x4d: {  	s16 =	simm.s32 $0x0;
	s18 =	simm.s32 $0x200  }
.LBB2_2:
0x4e: {  	p3 =	sne.s32 s18, $0xFE00;
	[tilespmem:s16+$0x870] =	vst v0  }
0x4f: {  	[tilespmem:s16+$0x800] =	vst v0  }
0x50: {  	[tilespmem:s16+$0x810] =	vst v0  }
.Ltmp2:
0x51: {  	[tilespmem:s16+$0x820] =	vst v0;
	(pc) =	sbr.rel @p3 .LBB2_2-.Ltmp2, $4  }
0x52: {  	[tilespmem:s16+$0x830] =	vst v0  }
0x53: {  	[tilespmem:s16+$0x840] =	vst v0  }
0x54: {  	[tilespmem:s16+$0x850] =	vst v0  }
0x55: {  	[tilespmem:s16+$0x860] =	vst v0;
	s16 =	sshra.s32 s18, $0x2;
	s18 =	sadd.s32 $0x200, s18  }
0x56: {  	[tilespmem:s16+$0x870] =	vst v0  }
0x57: {  	[tilespmem:s16+$0x800] =	vst v0  }
0x58: {  	[tilespmem:s16+$0x810] =	vst v0  }
0x59: {  	[tilespmem:s16+$0x820] =	vst v0  }
0x5a: {  	[tilespmem:s16+$0x830] =	vst v0  }
0x5b: {  	[tilespmem:s16+$0x840] =	vst v0  }
0x5c: {  	[tilespmem:s16+$0x850] =	vst v0  }
0x5d: {  	[tilespmem:s16+$0x860] =	vst v0  }
0x5e: {  	[spmem:s6] =	stream.linear.scatter [tilespmem:s20], [sflag:$0x2], $0x4000, $0x38;
	[tilespmem:$0x18800] =	vst v63  }
0x5f: {  	_ =	swait.ge [sflag:s21], $0x4000  }
0x60: {  	[sflag:s21] =	ssyncset.done $0x0  }
0x61: {  	[sflag:s21] =	ssyncadd.s32 $0xFFFFC000  }
0x62: {  	[spmem:s7] =	stream.linear.scatter [tilespmem:s20], [sflag:$0x2], $0x4000, $0x38;
	[tilespmem:$0x18800] =	vst v63  }
0x63: {  	_ =	swait.ge [sflag:s21], $0x4000  }
0x64: {  	[sflag:s21] =	ssyncset.done $0x0  }
0x65: {  	[sflag:s21] =	ssyncadd.s32 $0xFFFFC000  }
0x66: {  	[spmem:s8] =	stream.linear.scatter [tilespmem:s20], [sflag:$0x2], $0x4000, $0x38;
	[tilespmem:$0x18800] =	vst v63  }
0x67: {  	_ =	swait.ge [sflag:s21], $0x4000  }
0x68: {  	[sflag:s21] =	ssyncset.done $0x0  }
0x69: {  	[sflag:s21] =	ssyncadd.s32 $0xFFFFC000  }
0x6a: {  	[spmem:s9] =	stream.linear.scatter [tilespmem:s20], [sflag:$0x2], $0x4000, $0x38;
	[tilespmem:$0x18800] =	vst v63  }
0x6b: {  	_ =	swait.ge [sflag:s21], $0x4000  }
0x6c: {  	[sflag:s21] =	ssyncset.done $0x0  }
0x6d: {  	[sflag:s21] =	ssyncadd.s32 $0xFFFFC000  }
0x6e: {  	[spmem:s10] =	stream.linear.scatter [tilespmem:s20], [sflag:$0x2], $0x4000, $0x38;
	[tilespmem:$0x18800] =	vst v63  }
0x6f: {  	_ =	swait.ge [sflag:s21], $0x4000  }
0x70: {  	[sflag:s21] =	ssyncset.done $0x0  }
0x71: {  	s16 =	simm.s32 $0x0;
	s18 =	simm.s32 $0x200;
	[sflag:s21] =	ssyncadd.s32 $0xFFFFC000  }
.LBB2_4:
0x72: {  	p3 =	sne.s32 s18, $0xFE00;
	[tilespmem:s16+$0x870] =	vst v1  }
0x73: {  	[tilespmem:s16+$0x800] =	vst v1  }
0x74: {  	[tilespmem:s16+$0x810] =	vst v1  }
.Ltmp3:
0x75: {  	[tilespmem:s16+$0x820] =	vst v1;
	(pc) =	sbr.rel @p3 .LBB2_4-.Ltmp3, $4  }
0x76: {  	[tilespmem:s16+$0x830] =	vst v1  }
0x77: {  	[tilespmem:s16+$0x840] =	vst v1  }
0x78: {  	[tilespmem:s16+$0x850] =	vst v1  }
0x79: {  	[tilespmem:s16+$0x860] =	vst v1;
	s16 =	sshra.s32 s18, $0x2;
	s18 =	sadd.s32 $0x200, s18  }
0x7a: {  	[tilespmem:s16+$0x870] =	vst v1  }
0x7b: {  	[tilespmem:s16+$0x800] =	vst v1  }
0x7c: {  	[tilespmem:s16+$0x810] =	vst v1  }
0x7d: {  	[tilespmem:s16+$0x820] =	vst v1  }
0x7e: {  	[tilespmem:s16+$0x830] =	vst v1  }
.Ltmp4:
0x7f: {  	[tilespmem:s16+$0x840] =	vst v1;
	(pc) =	sbr.rel @p0 .LBB2_10-.Ltmp4, $4  }
.Ltmp5:
0x80: {  	[tilespmem:s16+$0x850] =	vst v1;
	(pc) =	sbr.rel @!p0 .LBB2_6-.Ltmp5, $4  }
0x81: {  	[tilespmem:s16+$0x860] =	vst v1  }
0x82: {  	[bflag:$0x0] =	sbarrier.arrive $0xFFFF  }
0x83: {  	s16 =	simm.s32 $0x0;
	s19 =	smov.u32 s17;
	s18 =	rddreg [dreg:$0xb]  }
0x84: {  	_ = 	snop  }
.LBB2_12:
0x85: {  	s16 =	sadd.s32 $0x1, s16  }
0x86: {  	p3 =	sne.s32 s16, $0xA  }
.Ltmp6:
0x87: {  	_ = 	snop;
	(pc) =	sbr.rel @!p3 .LBB2_13-.Ltmp6, $2  }
0x88: {  	_ =	sdelay $0x2  }
0x89: {  	s19 =	sadd.s32 $0x1000, s19  }
.LBB2_10:
0x8a: {  	p3 =	sge.u32 s16, s11  }
.Ltmp7:
0x8b: {  	_ = 	snop;
	(pc) =	sbr.rel @p3 .LBB2_12-.Ltmp7, $1  }
0x8c: {  	_ =	sdelay $0x3  }
0x8d: {  	[tilespmem:s4], [sflag:$0x2] =	stream.linear.gather [hbm4b:s19+s4], $0x800, $0x38;
	[tilespmem:$0x18800] =	vst v63  }
0x8e: {  	_ =	swait.ge [sflag:s21], $0x800  }
0x8f: {  	[sflag:s21] =	ssyncset.done $0x0  }
0x90: {  	[sflag:s21] =	ssyncadd.s32 $0xFFFFF800  }
0x91: {  	[spmem:s3] =	stream.indirect.scatter.add.f32 [tilespmem:s20], [sflag:$0x1], $0x80, s4, s22, $0xb8;
	[tilespmem:$0x18800] =	vst v63  }
0x92: {  	_ = 	snop  }
0x93: {  	[spmem:s3] =	stream.indirect.scatter.add.f32 [tilespmem:s20], [sflag:$0x1], $0x80, s22, s22, $0xb8;
	[tilespmem:$0x18800] =	vst v63  }
0x94: {  	_ = 	snop  }
0x95: {  	[spmem:s3] =	stream.indirect.scatter.add.f32 [tilespmem:s20], [sflag:$0x1], $0x80, s23, s22, $0xb8;
	[tilespmem:$0x18800] =	vst v63  }
0x96: {  	_ = 	snop  }
0x97: {  	[spmem:s3] =	stream.indirect.scatter.add.f32 [tilespmem:s20], [sflag:$0x1], $0x80, s24, s22, $0xb8;
	[tilespmem:$0x18800] =	vst v63  }
0x98: {  	_ = 	snop  }
0x99: {  	[spmem:s3] =	stream.indirect.scatter.add.f32 [tilespmem:s20], [sflag:$0x1], $0x80, s25, s22, $0xb8;
	[tilespmem:$0x18800] =	vst v63  }
0x9a: {  	_ = 	snop  }
0x9b: {  	[spmem:s3] =	stream.indirect.scatter.add.f32 [tilespmem:s20], [sflag:$0x1], $0x80, s26, s22, $0xb8;
	[tilespmem:$0x18800] =	vst v63  }
0x9c: {  	_ = 	snop  }
0x9d: {  	[spmem:s3] =	stream.indirect.scatter.add.f32 [tilespmem:s20], [sflag:$0x1], $0x80, s28, s22, $0xb8;
	[tilespmem:$0x18800] =	vst v63  }
0x9e: {  	_ = 	snop  }
0x9f: {  	[spmem:s3] =	stream.indirect.scatter.add.f32 [tilespmem:s20], [sflag:$0x1], $0x80, s29, s22, $0xb8;
	[tilespmem:$0x18800] =	vst v63  }
0xa0: {  	_ = 	snop  }
0xa1: {  	[spmem:s3] =	stream.indirect.scatter.add.f32 [tilespmem:s20], [sflag:$0x1], $0x80, s30, s22, $0xb8;
	[tilespmem:$0x18800] =	vst v63  }
0xa2: {  	_ = 	snop  }
0xa3: {  	[spmem:s3] =	stream.indirect.scatter.add.f32 [tilespmem:s20], [sflag:$0x1], $0x80, s31, s22, $0xb8;
	[tilespmem:$0x18800] =	vst v63  }
0xa4: {  	_ = 	snop  }
0xa5: {  	[spmem:s3] =	stream.indirect.scatter.add.f32 [tilespmem:s20], [sflag:$0x1], $0x80, s0, s22, $0xb8;
	[tilespmem:$0x18800] =	vst v63  }
0xa6: {  	_ = 	snop  }
0xa7: {  	[spmem:s3] =	stream.indirect.scatter.add.f32 [tilespmem:s20], [sflag:$0x1], $0x80, s1, s22, $0xb8;
	[tilespmem:$0x18800] =	vst v63  }
0xa8: {  	_ = 	snop  }
0xa9: {  	[spmem:s3] =	stream.indirect.scatter.add.f32 [tilespmem:s20], [sflag:$0x1], $0x80, s5, s22, $0xb8;
	[tilespmem:$0x18800] =	vst v63  }
0xaa: {  	_ = 	snop  }
0xab: {  	[spmem:s3] =	stream.indirect.scatter.add.f32 [tilespmem:s20], [sflag:$0x1], $0x80, s2, s22, $0xb8;
	[tilespmem:$0x18800] =	vst v63  }
0xac: {  	_ = 	snop  }
0xad: {  	[spmem:s3] =	stream.indirect.scatter.add.f32 [tilespmem:s20], [sflag:$0x1], $0x80, s12, s22, $0xb8;
	[tilespmem:$0x18800] =	vst v63  }
0xae: {  	_ = 	snop  }
0xaf: {  	[spmem:s3] =	stream.indirect.scatter.add.f32 [tilespmem:s20], [sflag:$0x1], $0x80, s13, s22, $0xb8;
	[tilespmem:$0x18800] =	vst v63  }
0xb0: {  	_ =	swait.ge [sflag:s14], $0x4000  }
0xb1: {  	[sflag:s14] =	ssyncset.done $0x0  }
0xb2: {  	[sflag:s14] =	ssyncadd.s32 $0xFFFFC000  }
0xb3: {  	_ =	swait.ge [sflag:s14], $0x4000  }
0xb4: {  	[sflag:s14] =	ssyncset.done $0x0  }
0xb5: {  	[sflag:s14] =	ssyncadd.s32 $0xFFFFC000  }
0xb6: {  	_ =	swait.ge [sflag:s14], $0x4000  }
0xb7: {  	[sflag:s14] =	ssyncset.done $0x0  }
0xb8: {  	[sflag:s14] =	ssyncadd.s32 $0xFFFFC000  }
0xb9: {  	_ =	swait.ge [sflag:s14], $0x4000  }
0xba: {  	[sflag:s14] =	ssyncset.done $0x0  }
0xbb: {  	[sflag:s14] =	ssyncadd.s32 $0xFFFFC000  }
0xbc: {  	_ =	swait.ge [sflag:s14], $0x4000  }
0xbd: {  	[sflag:s14] =	ssyncset.done $0x0  }
0xbe: {  	[sflag:s14] =	ssyncadd.s32 $0xFFFFC000  }
0xbf: {  	_ =	swait.ge [sflag:s14], $0x4000  }
0xc0: {  	[sflag:s14] =	ssyncset.done $0x0  }
0xc1: {  	[sflag:s14] =	ssyncadd.s32 $0xFFFFC000  }
0xc2: {  	_ =	swait.ge [sflag:s14], $0x4000  }
0xc3: {  	[sflag:s14] =	ssyncset.done $0x0  }
0xc4: {  	[sflag:s14] =	ssyncadd.s32 $0xFFFFC000  }
0xc5: {  	_ =	swait.ge [sflag:s14], $0x4000  }
0xc6: {  	[sflag:s14] =	ssyncset.done $0x0  }
0xc7: {  	[sflag:s14] =	ssyncadd.s32 $0xFFFFC000  }
0xc8: {  	_ =	swait.ge [sflag:s14], $0x4000  }
0xc9: {  	[sflag:s14] =	ssyncset.done $0x0  }
0xca: {  	[sflag:s14] =	ssyncadd.s32 $0xFFFFC000  }
0xcb: {  	_ =	swait.ge [sflag:s14], $0x4000  }
0xcc: {  	[sflag:s14] =	ssyncset.done $0x0  }
0xcd: {  	[sflag:s14] =	ssyncadd.s32 $0xFFFFC000  }
0xce: {  	_ =	swait.ge [sflag:s14], $0x4000  }
0xcf: {  	[sflag:s14] =	ssyncset.done $0x0  }
0xd0: {  	[sflag:s14] =	ssyncadd.s32 $0xFFFFC000  }
0xd1: {  	_ =	swait.ge [sflag:s14], $0x4000  }
0xd2: {  	[sflag:s14] =	ssyncset.done $0x0  }
0xd3: {  	[sflag:s14] =	ssyncadd.s32 $0xFFFFC000  }
0xd4: {  	_ =	swait.ge [sflag:s14], $0x4000  }
0xd5: {  	[sflag:s14] =	ssyncset.done $0x0  }
0xd6: {  	[sflag:s14] =	ssyncadd.s32 $0xFFFFC000  }
0xd7: {  	_ =	swait.ge [sflag:s14], $0x4000  }
0xd8: {  	[sflag:s14] =	ssyncset.done $0x0  }
0xd9: {  	[sflag:s14] =	ssyncadd.s32 $0xFFFFC000  }
0xda: {  	_ =	swait.ge [sflag:s14], $0x4000  }
.Ltmp8:
0xdb: {  	[sflag:s14] =	ssyncset.done $0x0;
	(pc) =	sbr.rel .LBB2_12-.Ltmp8, $4  }
0xdc: {  	[sflag:s14] =	ssyncadd.s32 $0xFFFFC000  }
0xdd: {  	_ =	swait.ge [sflag:s14], $0x4000  }
0xde: {  	[sflag:s14] =	ssyncset.done $0x0  }
0xdf: {  	[sflag:s14] =	ssyncadd.s32 $0xFFFFC000  }
.LBB2_8:
0xe0: {  	s16 =	sadd.s32 $0x1, s16  }
0xe1: {  	p3 =	sne.s32 s16, $0xA  }
.Ltmp9:
0xe2: {  	_ = 	snop;
	(pc) =	sbr.rel @!p3 .LBB2_9-.Ltmp9, $2  }
0xe3: {  	_ =	sdelay $0x2  }
0xe4: {  	s18 =	sadd.s32 $0x1000, s18  }
.LBB2_6:
0xe5: {  	p3 =	sge.u32 s16, s11  }
.Ltmp10:
0xe6: {  	_ = 	snop;
	(pc) =	sbr.rel @p3 .LBB2_8-.Ltmp10, $1  }
0xe7: {  	_ =	sdelay $0x3  }
0xe8: {  	[tilespmem:s4], [sflag:$0x2] =	stream.linear.gather [hbm4b:s18+s4], $0x800, $0x38;
	[tilespmem:$0x18800] =	vst v63  }
0xe9: {  	_ =	swait.ge [sflag:s21], $0x800  }
0xea: {  	[sflag:s21] =	ssyncset.done $0x0  }
0xeb: {  	[sflag:s21] =	ssyncadd.s32 $0xFFFFF800  }
0xec: {  	[spmem:s3] =	stream.indirect.scatter.add.f32 [tilespmem:s20], [sflag:$0x1], $0x80, s4, s22, $0xb8;
	[tilespmem:$0x18800] =	vst v63  }
0xed: {  	_ = 	snop  }
0xee: {  	[spmem:s3] =	stream.indirect.scatter.add.f32 [tilespmem:s20], [sflag:$0x1], $0x80, s22, s22, $0xb8;
	[tilespmem:$0x18800] =	vst v63  }
0xef: {  	_ = 	snop  }
0xf0: {  	[spmem:s3] =	stream.indirect.scatter.add.f32 [tilespmem:s20], [sflag:$0x1], $0x80, s23, s22, $0xb8;
	[tilespmem:$0x18800] =	vst v63  }
0xf1: {  	_ = 	snop  }
0xf2: {  	[spmem:s3] =	stream.indirect.scatter.add.f32 [tilespmem:s20], [sflag:$0x1], $0x80, s24, s22, $0xb8;
	[tilespmem:$0x18800] =	vst v63  }
0xf3: {  	_ = 	snop  }
0xf4: {  	[spmem:s3] =	stream.indirect.scatter.add.f32 [tilespmem:s20], [sflag:$0x1], $0x80, s25, s22, $0xb8;
	[tilespmem:$0x18800] =	vst v63  }
0xf5: {  	_ = 	snop  }
0xf6: {  	[spmem:s3] =	stream.indirect.scatter.add.f32 [tilespmem:s20], [sflag:$0x1], $0x80, s26, s22, $0xb8;
	[tilespmem:$0x18800] =	vst v63  }
0xf7: {  	_ = 	snop  }
0xf8: {  	[spmem:s3] =	stream.indirect.scatter.add.f32 [tilespmem:s20], [sflag:$0x1], $0x80, s28, s22, $0xb8;
	[tilespmem:$0x18800] =	vst v63  }
0xf9: {  	_ = 	snop  }
0xfa: {  	[spmem:s3] =	stream.indirect.scatter.add.f32 [tilespmem:s20], [sflag:$0x1], $0x80, s29, s22, $0xb8;
	[tilespmem:$0x18800] =	vst v63  }
0xfb: {  	_ = 	snop  }
0xfc: {  	[spmem:s3] =	stream.indirect.scatter.add.f32 [tilespmem:s20], [sflag:$0x1], $0x80, s30, s22, $0xb8;
	[tilespmem:$0x18800] =	vst v63  }
0xfd: {  	_ = 	snop  }
0xfe: {  	[spmem:s3] =	stream.indirect.scatter.add.f32 [tilespmem:s20], [sflag:$0x1], $0x80, s31, s22, $0xb8;
	[tilespmem:$0x18800] =	vst v63  }
0xff: {  	_ = 	snop  }
0x100: {  	[spmem:s3] =	stream.indirect.scatter.add.f32 [tilespmem:s20], [sflag:$0x1], $0x80, s0, s22, $0xb8;
	[tilespmem:$0x18800] =	vst v63  }
0x101: {  	_ = 	snop  }
0x102: {  	[spmem:s3] =	stream.indirect.scatter.add.f32 [tilespmem:s20], [sflag:$0x1], $0x80, s1, s22, $0xb8;
	[tilespmem:$0x18800] =	vst v63  }
0x103: {  	_ = 	snop  }
0x104: {  	[spmem:s3] =	stream.indirect.scatter.add.f32 [tilespmem:s20], [sflag:$0x1], $0x80, s5, s22, $0xb8;
	[tilespmem:$0x18800] =	vst v63  }
0x105: {  	_ = 	snop  }
0x106: {  	[spmem:s3] =	stream.indirect.scatter.add.f32 [tilespmem:s20], [sflag:$0x1], $0x80, s2, s22, $0xb8;
	[tilespmem:$0x18800] =	vst v63  }
0x107: {  	_ = 	snop  }
0x108: {  	[spmem:s3] =	stream.indirect.scatter.add.f32 [tilespmem:s20], [sflag:$0x1], $0x80, s12, s22, $0xb8;
	[tilespmem:$0x18800] =	vst v63  }
0x109: {  	_ = 	snop  }
0x10a: {  	[spmem:s3] =	stream.indirect.scatter.add.f32 [tilespmem:s20], [sflag:$0x1], $0x80, s13, s22, $0xb8;
	[tilespmem:$0x18800] =	vst v63  }
0x10b: {  	_ =	swait.ge [sflag:s14], $0x4000  }
0x10c: {  	[sflag:s14] =	ssyncset.done $0x0  }
0x10d: {  	[sflag:s14] =	ssyncadd.s32 $0xFFFFC000  }
0x10e: {  	_ =	swait.ge [sflag:s14], $0x4000  }
0x10f: {  	[sflag:s14] =	ssyncset.done $0x0  }
0x110: {  	[sflag:s14] =	ssyncadd.s32 $0xFFFFC000  }
0x111: {  	_ =	swait.ge [sflag:s14], $0x4000  }
0x112: {  	[sflag:s14] =	ssyncset.done $0x0  }
0x113: {  	[sflag:s14] =	ssyncadd.s32 $0xFFFFC000  }
0x114: {  	_ =	swait.ge [sflag:s14], $0x4000  }
0x115: {  	[sflag:s14] =	ssyncset.done $0x0  }
0x116: {  	[sflag:s14] =	ssyncadd.s32 $0xFFFFC000  }
0x117: {  	_ =	swait.ge [sflag:s14], $0x4000  }
0x118: {  	[sflag:s14] =	ssyncset.done $0x0  }
0x119: {  	[sflag:s14] =	ssyncadd.s32 $0xFFFFC000  }
0x11a: {  	_ =	swait.ge [sflag:s14], $0x4000  }
0x11b: {  	[sflag:s14] =	ssyncset.done $0x0  }
0x11c: {  	[sflag:s14] =	ssyncadd.s32 $0xFFFFC000  }
0x11d: {  	_ =	swait.ge [sflag:s14], $0x4000  }
0x11e: {  	[sflag:s14] =	ssyncset.done $0x0  }
0x11f: {  	[sflag:s14] =	ssyncadd.s32 $0xFFFFC000  }
0x120: {  	_ =	swait.ge [sflag:s14], $0x4000  }
0x121: {  	[sflag:s14] =	ssyncset.done $0x0  }
0x122: {  	[sflag:s14] =	ssyncadd.s32 $0xFFFFC000  }
0x123: {  	_ =	swait.ge [sflag:s14], $0x4000  }
0x124: {  	[sflag:s14] =	ssyncset.done $0x0  }
0x125: {  	[sflag:s14] =	ssyncadd.s32 $0xFFFFC000  }
0x126: {  	_ =	swait.ge [sflag:s14], $0x4000  }
0x127: {  	[sflag:s14] =	ssyncset.done $0x0  }
0x128: {  	[sflag:s14] =	ssyncadd.s32 $0xFFFFC000  }
0x129: {  	_ =	swait.ge [sflag:s14], $0x4000  }
0x12a: {  	[sflag:s14] =	ssyncset.done $0x0  }
0x12b: {  	[sflag:s14] =	ssyncadd.s32 $0xFFFFC000  }
0x12c: {  	_ =	swait.ge [sflag:s14], $0x4000  }
0x12d: {  	[sflag:s14] =	ssyncset.done $0x0  }
0x12e: {  	[sflag:s14] =	ssyncadd.s32 $0xFFFFC000  }
0x12f: {  	_ =	swait.ge [sflag:s14], $0x4000  }
0x130: {  	[sflag:s14] =	ssyncset.done $0x0  }
0x131: {  	[sflag:s14] =	ssyncadd.s32 $0xFFFFC000  }
0x132: {  	_ =	swait.ge [sflag:s14], $0x4000  }
0x133: {  	[sflag:s14] =	ssyncset.done $0x0  }
0x134: {  	[sflag:s14] =	ssyncadd.s32 $0xFFFFC000  }
0x135: {  	_ =	swait.ge [sflag:s14], $0x4000  }
.Ltmp11:
0x136: {  	[sflag:s14] =	ssyncset.done $0x0;
	(pc) =	sbr.rel .LBB2_8-.Ltmp11, $4  }
0x137: {  	[sflag:s14] =	ssyncadd.s32 $0xFFFFC000  }
0x138: {  	_ =	swait.ge [sflag:s14], $0x4000  }
0x139: {  	[sflag:s14] =	ssyncset.done $0x0  }
0x13a: {  	[sflag:s14] =	ssyncadd.s32 $0xFFFFC000  }
.LBB2_13:
.Ltmp12:
0x13b: {  	(pc) =	sbr.rel @p1 .LBB2_15-.Ltmp12, $4  }
.Ltmp13:
0x13c: {  	(pc) =	sbr.rel @!p1 .LBB2_14-.Ltmp13, $4  }
0x13d: {  	_ = 	snop  }
0x13e: {  	_ = 	snop  }
0x13f: {  	s16 =	rddreg [dreg:$0x1]  }
0x140: {  	_ = 	snop  }
.LBB2_9:
.Ltmp14:
0x141: {  	(pc) =	sbr.rel @p2 .LBB2_14-.Ltmp14, $4  }
.Ltmp15:
0x142: {  	(pc) =	sbr.rel @!p2 .LBB2_15-.Ltmp15, $4  }
0x143: {  	_ = 	snop  }
0x144: {  	_ = 	snop  }
0x145: {  	s16 =	rddreg [dreg:$0x4]  }
0x146: {  	_ = 	snop  }
.LBB2_16:
0x147: {  	_ =	sfence.sel $0x180000  }
0x148: {  	[bflag:$0x0] =	sbarrier.arrive $0xFFFF  }
0x149: {  	_ =	strace $0x90000047  }
0x14a: {  	s0 =	stileid.u32;
	[bflag:$0x2] =	sbarrier.arrive $0xFFFF  }
0x14b: {  	p0 =	sne.s32 s0, $0x0;
	s0 =	rddreg [dreg:$0x3]  }
0x14c: {  	s0 =	sadd.s32 @!p0 $0x100000, s0  }
0x14d: {  	[sflag:s0] =	ssyncadd.tile.s32 @!p0 $0x1;
	_ =	shalt  }
.Lfunc_end2:
_tile_overlayer_lowered:
.L_overlay_start_2:
0x14e: {  	(tag) =	ssettag $0x2  }
0x14f: {  	s0 =	rddreg [dreg:$0x0];
	s2 =	stileid.u32  }
0x150: {  	s1 =	rddreg [dreg:$0x1];
	p0 =	sne.s32 s2, $0x0  }
0x151: {  	s3 =	rddreg [dreg:$0x2];
	[bflag:$0x3] =	sbarrier.arrive $0xFFFF;
	s2 =	simm.s32 @!p0 $0x1C02  }
0x152: {  	[timem:s3], [sflag:s2] =	dma.local @!p0 [hbm:s0], s1  }
0x153: {  	s0 =	simm.s32 @!p0 $0x2  }
0x154: {  	_ =	swait.ge @!p0 [sflag:s0], s1  }
0x155: {  	s1 =	ssub.s32 @!p0 $0x0, s1;
	[sflag:s0] =	ssyncset.done @!p0 $0x0  }
0x156: {  	[sflag:s0] =	ssyncadd.s32 @!p0 s1  }
0x157: {  	[bflag:$0x3] =	sbarrier.arrive $0xFFFF  }
0x158: {  	_ =	shalt  }

</sc_bundles>
